<compile_context>
chip_gen: v7x
topology: tpu7x:2x2x1
jax: 0.10.2.dev20260603
libtpu: 0.0.44.dev20260713+nightly
codegen_flags: <defaults>
</compile_context>

<pallas_src>
import functools

import jax
import jax.numpy as jnp
from jax import lax
from jax.experimental import pallas as pl
from jax.experimental.pallas import tpu as pltpu
from jax.experimental.pallas import tpu_sc as plsc

CH = 128
GRP = 4
LANES = 16
N_TILES = 32


def _edge_weight_body(n_dist, n_phi, params_ref, dd_ref, dp_ref, c_ref):
    dd = dd_ref[...]
    dp = dp_ref[...]
    sigma = params_ref[n_dist + n_phi]
    kappa = params_ref[n_dist + n_phi + 1]
    wd = jnp.zeros_like(dd)
    for k in range(n_dist):
        wd = wd + jnp.exp(-0.5 * ((dd - params_ref[k]) / sigma) ** 2)
    wp = jnp.zeros_like(dp)
    for j in range(n_phi):
        wp = wp + jnp.exp(kappa * jnp.cos(dp - params_ref[n_dist + j]))
    s = wd * wp
    c_ref[...] = s / (s + 1e-9)


def _sc_body(n_pad, chunks_per_tile, d,
             src_hbm, dst_hbm, c_hbm, x_hbm, feat_hbm, deg_hbm,
             src_g0, src_g1, dst_g0, dst_g1, c_g0, c_g1,
             rows0, rows1, fout0, sidx, ones_b, feat_acc, deg_acc,
             gsem0, gsem1, ssem0, psem0, psem1):
    ci = lax.axis_index("c")
    si = lax.axis_index("s")
    rows_per_tile = n_pad // 16
    n_groups = chunks_per_tile // GRP
    rows_b = (rows0, rows1)
    src_g = (src_g0, src_g1)
    dst_g = (dst_g0, dst_g1)
    c_g = (c_g0, c_g1)
    gsem = (gsem0, gsem1)
    psem = (psem0, psem1)

    zero16 = jnp.zeros((LANES,), jnp.float32)

    def zrow(r, carry):
        for k in range(d // LANES):
            fout0[r, pl.ds(k * LANES, LANES)] = zero16
        ones_b[r, pl.ds(0, LANES)] = zero16
        return carry

    lax.fori_loop(0, CH, zrow, 0)
    for j in range(rows_per_tile // CH):
        r0 = si * rows_per_tile + j * CH
        pltpu.sync_copy(fout0, feat_acc.at[pl.ds(r0, CH)])
        pltpu.sync_copy(ones_b, deg_acc.at[pl.ds(r0, CH)])

    one16 = jnp.ones((LANES,), jnp.float32)

    def orow(r, carry):
        ones_b[r, pl.ds(0, LANES)] = one16
        return carry

    lax.fori_loop(0, CH, orow, 0)

    base = (ci * 16 + si) * chunks_per_tile
    pltpu.sync_copy(src_hbm.at[pl.ds(base, GRP)], src_g[0])
    pltpu.sync_copy(dst_hbm.at[pl.ds(base, GRP)], dst_g[0])
    pltpu.sync_copy(c_hbm.at[pl.ds(base, GRP)], c_g[0])
    plsc.subcore_barrier()

    pltpu.async_copy(x_hbm.at[src_g[0].at[0]], rows_b[0], gsem[0])

    def group_pair(gg, carry):
        for gb in range(2):
            g = gg * 2 + gb
            for cb in range(GRP):
                b = cb % 2
                t = g * GRP + cb

                if cb == 0:
                    @pl.when(g + 1 < n_groups)
                    def _prefetch():
                        nb = base + (g + 1) * GRP
                        pltpu.async_copy(src_hbm.at[pl.ds(nb, GRP)],
                                         src_g[1 - gb], psem[1 - gb])
                        pltpu.async_copy(dst_hbm.at[pl.ds(nb, GRP)],
                                         dst_g[1 - gb], psem[1 - gb])
                        pltpu.async_copy(c_hbm.at[pl.ds(nb, GRP)],
                                         c_g[1 - gb], psem[1 - gb])

                if cb < GRP - 1:
                    @pl.when(t + 1 < GRP * n_groups)
                    def _gather_next():
                        pltpu.async_copy(x_hbm.at[src_g[gb].at[cb + 1]],
                                         rows_b[1 - b], gsem[1 - b])
                else:
                    @pl.when(g + 1 < n_groups)
                    def _gather_next_group():
                        nbuf = 1 - gb
                        nb = base + (g + 1) * GRP
                        pltpu.make_async_copy(src_hbm.at[pl.ds(nb, GRP)],
                                              src_g[nbuf], psem[nbuf]).wait()
                        pltpu.make_async_copy(dst_hbm.at[pl.ds(nb, GRP)],
                                              dst_g[nbuf], psem[nbuf]).wait()
                        pltpu.make_async_copy(c_hbm.at[pl.ds(nb, GRP)],
                                              c_g[nbuf], psem[nbuf]).wait()
                        pltpu.async_copy(x_hbm.at[src_g[nbuf].at[0]],
                                         rows_b[1 - b], gsem[1 - b])

                pltpu.make_async_copy(x_hbm.at[src_g[gb].at[cb]],
                                      rows_b[b], gsem[b]).wait()

                @pl.when(t >= 1)
                def _drain():
                    pltpu.make_async_copy(
                        fout0, feat_acc.at[sidx.at[1 - b]], ssem0).wait()
                    pltpu.make_async_copy(
                        ones_b, deg_acc.at[sidx.at[1 - b]], ssem0).wait()

                for k in range(CH // LANES):
                    sl = pl.ds(k * LANES, LANES)
                    sidx[b, sl] = dst_g[gb][cb, sl]

                def srow(rr, inner):
                    for u in range(2):
                        r = rr * 2 + u
                        cbv = plsc.load_gather(
                            c_g[gb],
                            [jnp.full((LANES,), cb, jnp.int32),
                             jnp.full((LANES,), r, jnp.int32)])
                        for k in range(d // (2 * LANES)):
                            m = rows_b[b][r, pl.ds(k * 2 * LANES,
                                                   2 * LANES)]
                            lo, hi = plsc.unpack(
                                m, format=plsc.PackFormat.INTERLEAVED,
                                preferred_element_type=jnp.float32)
                            fout0[r, pl.ds(k * 2 * LANES, LANES)] = \
                                lo * cbv
                            fout0[r, pl.ds(k * 2 * LANES + LANES,
                                           LANES)] = hi * cbv
                    return inner

                lax.fori_loop(0, CH // 2, srow, 0)

                pltpu.async_copy(fout0, feat_acc.at[sidx.at[b]],
                                 ssem0, add=True)
                pltpu.async_copy(ones_b, deg_acc.at[sidx.at[b]],
                                 ssem0, add=True)
        return carry

    lax.fori_loop(0, n_groups // 2, group_pair, 0)

    last_b = (chunks_per_tile - 1) % 2
    pltpu.make_async_copy(fout0, feat_acc.at[sidx.at[last_b]], ssem0).wait()
    pltpu.make_async_copy(ones_b, deg_acc.at[sidx.at[last_b]], ssem0).wait()
    plsc.subcore_barrier()

    r0 = si * rows_per_tile
    pltpu.sync_copy(feat_acc.at[pl.ds(r0, rows_per_tile)],
                    feat_hbm.at[pl.ds(ci * n_pad + r0, rows_per_tile)])
    pltpu.sync_copy(deg_acc.at[pl.ds(r0, rows_per_tile)],
                    deg_hbm.at[pl.ds(ci * n_pad + r0, rows_per_tile)])


def _combine_body(n, n_pad, d, f_ref, g_ref, o_ref):
    s = f_ref[:n, :] + f_ref[n_pad:n_pad + n, :]
    deg = g_ref[:n, :1] + g_ref[n_pad:n_pad + n, :1]
    o_ref[...] = s / (4.0 * (deg + 1e-9))


def kernel(x, edge_index, d_dists, d_phi, dists, sigma, phi, kappa):
    n, d = x.shape
    e = edge_index.shape[1]
    n_dist = dists.shape[0]
    n_phi = phi.shape[0]
    e_pad = -(-e // (N_TILES * CH)) * (N_TILES * CH)
    n_pad = -(-(n + 8) // (16 * CH)) * (16 * CH)
    chunks_per_tile = e_pad // (N_TILES * CH)

    params = jnp.concatenate(
        [dists, phi, sigma[None], kappa[None]]).astype(jnp.float32)
    rows_a = e // CH
    c2d = pl.pallas_call(
        functools.partial(_edge_weight_body, n_dist, n_phi),
        out_shape=jax.ShapeDtypeStruct((rows_a, CH), jnp.float32),
        in_specs=[
            pl.BlockSpec(memory_space=pltpu.SMEM),
            pl.BlockSpec(memory_space=pltpu.VMEM),
            pl.BlockSpec(memory_space=pltpu.VMEM),
        ],
        out_specs=pl.BlockSpec(memory_space=pltpu.VMEM),
    )(params, d_dists.reshape(rows_a, CH), d_phi.reshape(rows_a, CH))
    c = c2d.reshape(e)

    pad = e_pad - e
    n_chunks = e_pad // CH
    src_p = jnp.concatenate(
        [edge_index[0], jnp.zeros((pad,), jnp.int32)]).reshape(n_chunks, CH)
    dst_p = jnp.concatenate(
        [edge_index[1],
         jnp.full((pad,), n_pad - 8, jnp.int32)]).reshape(n_chunks, CH)
    c_p = jnp.concatenate(
        [c, jnp.zeros((pad,), jnp.float32)]).reshape(n_chunks, CH)

    mesh = plsc.VectorSubcoreMesh(core_axis_name="c", subcore_axis_name="s")
    sc_fn = pl.kernel(
        functools.partial(_sc_body, n_pad, chunks_per_tile, d),
        mesh=mesh,
        compiler_params=pltpu.CompilerParams(use_tc_tiling_on_sc=False,
                                             needs_layout_passes=False),
        out_type=[
            jax.ShapeDtypeStruct((2 * n_pad, d), jnp.float32),
            jax.ShapeDtypeStruct((2 * n_pad, LANES), jnp.float32),
        ],
        scratch_types=[
            pltpu.VMEM((GRP, CH), jnp.int32),
            pltpu.VMEM((GRP, CH), jnp.int32),
            pltpu.VMEM((GRP, CH), jnp.int32),
            pltpu.VMEM((GRP, CH), jnp.int32),
            pltpu.VMEM((GRP, CH), jnp.float32),
            pltpu.VMEM((GRP, CH), jnp.float32),
            pltpu.VMEM((CH, d), jnp.bfloat16),
            pltpu.VMEM((CH, d), jnp.bfloat16),
            pltpu.VMEM((CH, d), jnp.float32),
            pltpu.VMEM((2, CH), jnp.int32),
            pltpu.VMEM((CH, LANES), jnp.float32),
            pltpu.VMEM_SHARED((n_pad, d), jnp.float32),
            pltpu.VMEM_SHARED((n_pad, LANES), jnp.float32),
            pltpu.SemaphoreType.DMA,
            pltpu.SemaphoreType.DMA,
            pltpu.SemaphoreType.DMA,
            pltpu.SemaphoreType.DMA,
            pltpu.SemaphoreType.DMA,
        ],
    )
    perm = jnp.arange(d).reshape(d // 32, 2, 16).transpose(0, 2, 1).reshape(d)
    xb = x.astype(jnp.bfloat16)[:, perm]
    feat_p, deg_p = sc_fn(src_p, dst_p, c_p, xb)

    return pl.pallas_call(
        functools.partial(_combine_body, n, n_pad, d),
        out_shape=jax.ShapeDtypeStruct((n, d), jnp.float32),
        in_specs=[pl.BlockSpec(memory_space=pltpu.VMEM),
                  pl.BlockSpec(memory_space=pltpu.VMEM)],
        out_specs=pl.BlockSpec(memory_space=pltpu.VMEM),
    )(feat_p, deg_p)

# --- scband reference (transcript-rebuilt; emitter-appended) ---
"""Pipeline reference for scband-no-layer-90005334655023 (READ-ONLY COPY).

The authoritative reference and input builder live on the scoring server;
editing this copy changes nothing except your own understanding.
"""

import jax, jax.numpy as jnp
import numpy as np

N = 10000
E = 160000
D = 128
N_DIST = 2
N_PHI = 2


def setup_inputs(seed: int = 0) -> dict:
    key = jax.random.key(seed)
    k1, k2, k3, k4 = jax.random.split(key, 4)
    x = jax.random.normal(k1, (N, D), dtype=jnp.float32)
    edge_index = jax.random.randint(k2, (2, E), 0, N, dtype=jnp.int32)
    # relative polar coordinates between src (fine grid, level_in) and dst (coarse grid, level_out) nodes
    d_dists = jax.random.uniform(k3, (E,), minval=0.0, maxval=1.0, dtype=jnp.float32)
    d_phi = jax.random.uniform(k4, (E,), minval=-np.pi, maxval=np.pi, dtype=jnp.float32)
    # kernel parameters sized per kernel_settings (dist_max = min_dist of output grid layer, taken as 1.0)
    dist_max = 1.0
    dists = jnp.linspace(0.0, dist_max, N_DIST).astype(jnp.float32)          # self.dists
    sigma = jnp.asarray(dist_max / 2.0, dtype=jnp.float32)                   # self.sigma (n_sigma==1 -> scalar)
    phi = jnp.linspace(-np.pi, np.pi, N_PHI + 1)[:-1].astype(jnp.float32)    # self.phi (von Mises -> phi_min=-pi)
    kappa = jnp.asarray(5.0, dtype=jnp.float32)                              # self.kappa (kappa_init)
    return {"x": x, "edge_index": edge_index, "d_dists": d_dists, "d_phi": d_phi,
            "dists": dists, "sigma": sigma, "phi": phi, "kappa": kappa}


def normal_dist(d, sigma):
    return jnp.exp(-0.5 * (d / sigma) ** 2)


def von_mises(d_phi, kappa):
    return jnp.exp(kappa * jnp.cos(d_phi))


def reference(x, edge_index, d_dists, d_phi, dists, sigma, phi, kappa):
    src = edge_index[0]
    dst = edge_index[1]
    # distance kernel weights: [E, n_dist]
    w_d = normal_dist(d_dists[:, None] - dists[None, :], sigma)
    # angular (von Mises) kernel weights: [E, n_phi]
    w_p = von_mises(d_phi[:, None] - phi[None, :], kappa)
    # combined kernel: [E, n_dist, n_phi], normalized per edge
    w = w_d[:, :, None] * w_p[:, None, :]
    w = w / (jnp.sum(w, axis=(1, 2), keepdims=True) + 1e-9)
    # gather source features (memory-bound)
    feats = jnp.take(x, src, axis=0)                       # [E, D]
    # kernel-enhanced messages: model_dim_enhanced = D * n_dist * n_phi
    msg = (w[..., None] * feats[:, None, None, :]).reshape(E, N_DIST * N_PHI * D)
    # scatter-add to output (coarse) grid nodes + degree normalization
    agg = jax.ops.segment_sum(msg, dst, num_segments=N)    # [N, K*D]
    deg = jax.ops.segment_sum(jnp.ones((E,), dtype=x.dtype), dst, num_segments=N)
    agg = agg / (deg[:, None] + 1e-9)
    # no channel attention (dist_att/sigma_att/phi_att all False) -> mean over kernel partitions
    out = agg.reshape(N, N_DIST * N_PHI, D).mean(axis=1)   # [N, model_dim_out]
    return out

if __name__ == "__main__":
    import jax
    _d = setup_inputs()
    print(jax.jit(kernel)(*tuple(_d.values())))

</pallas_src>

<mosaic_0001>
#map = affine_map<(d0, d1) -> (0, 0)>
module attributes {stable_mosaic.version = 14 : i64} {
  func.func @_sc_body(%arg0: i32, %arg1: i32, %arg2: memref<1280x128xi32, #tpu.memory_space<hbm>>, %arg3: memref<1280x128xi32, #tpu.memory_space<hbm>>, %arg4: memref<1280x128xf32, #tpu.memory_space<hbm>>, %arg5: memref<10000x128xbf16, #tpu.memory_space<hbm>>, %arg6: memref<20480x128xf32, #tpu.memory_space<hbm>>, %arg7: memref<20480x16xf32, #tpu.memory_space<hbm>>, %arg8: memref<4x128xi32, #tpu.memory_space<vmem>>, %arg9: memref<4x128xi32, #tpu.memory_space<vmem>>, %arg10: memref<4x128xi32, #tpu.memory_space<vmem>>, %arg11: memref<4x128xi32, #tpu.memory_space<vmem>>, %arg12: memref<4x128xf32, #tpu.memory_space<vmem>>, %arg13: memref<4x128xf32, #tpu.memory_space<vmem>>, %arg14: memref<128x128xbf16, #tpu.memory_space<vmem>>, %arg15: memref<128x128xbf16, #tpu.memory_space<vmem>>, %arg16: memref<128x128xf32, #tpu.memory_space<vmem>>, %arg17: memref<2x128xi32, #tpu.memory_space<vmem>>, %arg18: memref<128x16xf32, #tpu.memory_space<vmem>>, %arg19: memref<10240x128xf32, #tpu.memory_space<vmem_shared>>, %arg20: memref<10240x16xf32, #tpu.memory_space<vmem_shared>>, %arg21: memref<!tpu.dma_semaphore, #tpu.memory_space<semaphore_mem>>, %arg22: memref<!tpu.dma_semaphore, #tpu.memory_space<semaphore_mem>>, %arg23: memref<!tpu.dma_semaphore, #tpu.memory_space<semaphore_mem>>, %arg24: memref<!tpu.dma_semaphore, #tpu.memory_space<semaphore_mem>>, %arg25: memref<!tpu.dma_semaphore, #tpu.memory_space<semaphore_mem>>) attributes {dimension_semantics = [#tpu.dimension_semantics<core_parallel>, #tpu.dimension_semantics<subcore_parallel>], iteration_bounds = array<i64: 2, 16>, scalar_prefetch = 0 : i64, scratch_operands = 18 : i64, tpu.core_type = #tpu.core_type<sc_vector_subcore>, window_params = [{transform_indices = #map}, {transform_indices = #map}, {transform_indices = #map}, {transform_indices = #map}, {transform_indices = #map}, {transform_indices = #map}]} {
    %broadcast_in_dim3A = arith.constant 0.000000e+00 : f32
    %broadcast_in_dim3A_0 = vector.broadcast %broadcast_in_dim3A : f32 to vector<16xf32>
    %scan3A = arith.constant 0 : i32
    %scan3A_1 = arith.constant 0 : i32
    %scan3A_2 = arith.constant 128 : i32
    %scan3A_3 = arith.addi %scan3A_1, %scan3A_2 : i32
    %scan3A_4 = arith.constant 1 : i32
    scf.for %scan3A_71 = %scan3A_1 to %scan3A_3 step %scan3A_4  : i32 {
      %swap3A = arith.index_cast %scan3A_71 : i32 to index
      %swap3A_72 = arith.constant 0 : index
      %swap3A_73 = tpu.vector_load %arg16[%swap3A, %swap3A_72] {strides = array<i32>} : memref<128x128xf32, #tpu.memory_space<vmem>>, vector<16xf32>,
      tpu.vector_store %arg16[%swap3A, %swap3A_72], %broadcast_in_dim3A_0 {strides = array<i32>} : memref<128x128xf32, #tpu.memory_space<vmem>>, vector<16xf32>,
      %swap3A_74 = arith.index_cast %scan3A_71 : i32 to index
      %swap3A_75 = arith.constant 16 : index
      %swap3A_76 = tpu.vector_load %arg16[%swap3A_74, %swap3A_75] {strides = array<i32>} : memref<128x128xf32, #tpu.memory_space<vmem>>, vector<16xf32>,
      tpu.vector_store %arg16[%swap3A_74, %swap3A_75], %broadcast_in_dim3A_0 {strides = array<i32>} : memref<128x128xf32, #tpu.memory_space<vmem>>, vector<16xf32>,
      %swap3A_77 = arith.index_cast %scan3A_71 : i32 to index
      %swap3A_78 = arith.constant 32 : index
      %swap3A_79 = tpu.vector_load %arg16[%swap3A_77, %swap3A_78] {strides = array<i32>} : memref<128x128xf32, #tpu.memory_space<vmem>>, vector<16xf32>,
      tpu.vector_store %arg16[%swap3A_77, %swap3A_78], %broadcast_in_dim3A_0 {strides = array<i32>} : memref<128x128xf32, #tpu.memory_space<vmem>>, vector<16xf32>,
      %swap3A_80 = arith.index_cast %scan3A_71 : i32 to index
      %swap3A_81 = arith.constant 48 : index
      %swap3A_82 = tpu.vector_load %arg16[%swap3A_80, %swap3A_81] {strides = array<i32>} : memref<128x128xf32, #tpu.memory_space<vmem>>, vector<16xf32>,
      tpu.vector_store %arg16[%swap3A_80, %swap3A_81], %broadcast_in_dim3A_0 {strides = array<i32>} : memref<128x128xf32, #tpu.memory_space<vmem>>, vector<16xf32>,
      %swap3A_83 = arith.index_cast %scan3A_71 : i32 to index
      %swap3A_84 = arith.constant 64 : index
      %swap3A_85 = tpu.vector_load %arg16[%swap3A_83, %swap3A_84] {strides = array<i32>} : memref<128x128xf32, #tpu.memory_space<vmem>>, vector<16xf32>,
      tpu.vector_store %arg16[%swap3A_83, %swap3A_84], %broadcast_in_dim3A_0 {strides = array<i32>} : memref<128x128xf32, #tpu.memory_space<vmem>>, vector<16xf32>,
      %swap3A_86 = arith.index_cast %scan3A_71 : i32 to index
      %swap3A_87 = arith.constant 80 : index
      %swap3A_88 = tpu.vector_load %arg16[%swap3A_86, %swap3A_87] {strides = array<i32>} : memref<128x128xf32, #tpu.memory_space<vmem>>, vector<16xf32>,
      tpu.vector_store %arg16[%swap3A_86, %swap3A_87], %broadcast_in_dim3A_0 {strides = array<i32>} : memref<128x128xf32, #tpu.memory_space<vmem>>, vector<16xf32>,
      %swap3A_89 = arith.index_cast %scan3A_71 : i32 to index
      %swap3A_90 = arith.constant 96 : index
      %swap3A_91 = tpu.vector_load %arg16[%swap3A_89, %swap3A_90] {strides = array<i32>} : memref<128x128xf32, #tpu.memory_space<vmem>>, vector<16xf32>,
      tpu.vector_store %arg16[%swap3A_89, %swap3A_90], %broadcast_in_dim3A_0 {strides = array<i32>} : memref<128x128xf32, #tpu.memory_space<vmem>>, vector<16xf32>,
      %swap3A_92 = arith.index_cast %scan3A_71 : i32 to index
      %swap3A_93 = arith.constant 112 : index
      %swap3A_94 = tpu.vector_load %arg16[%swap3A_92, %swap3A_93] {strides = array<i32>} : memref<128x128xf32, #tpu.memory_space<vmem>>, vector<16xf32>,
      tpu.vector_store %arg16[%swap3A_92, %swap3A_93], %broadcast_in_dim3A_0 {strides = array<i32>} : memref<128x128xf32, #tpu.memory_space<vmem>>, vector<16xf32>,
      %swap3A_95 = arith.index_cast %scan3A_71 : i32 to index
      %swap3A_96 = arith.constant 0 : index
      %swap3A_97 = tpu.vector_load %arg18[%swap3A_95, %swap3A_96] {strides = array<i32>} : memref<128x16xf32, #tpu.memory_space<vmem>>, vector<16xf32>,
      tpu.vector_store %arg18[%swap3A_95, %swap3A_96], %broadcast_in_dim3A_0 {strides = array<i32>} : memref<128x16xf32, #tpu.memory_space<vmem>>, vector<16xf32>,
    }
    %scan3A_5 = arith.constant 128 : i32
    %mul3A = arith.constant 640 : i32
    %mul3A_6 = arith.muli %arg1, %mul3A : i32
    %add3A = arith.constant 0 : i32
    %add3A_7 = arith.addi %mul3A_6, %add3A : i32
    "tpu.region"() ({
      %run_scoped3A = tpu.sem_alloc : memref<!tpu.dma_semaphore, #tpu.memory_space<semaphore_mem>>
      %dma_start3A_71 = arith.constant 0 : i32
      %dma_start3A_72 = tpu.memref_slice %arg19[%add3A_7, %dma_start3A_71] : memref<10240x128xf32, #tpu.memory_space<vmem_shared>> -> memref<128x128xf32, #tpu.memory_space<vmem_shared>>
      %dma_start3A_73 = arith.constant 0 : i32
      %dma_start3A_74 = tpu.memref_slice %arg19[%add3A_7, %dma_start3A_73] : memref<10240x128xf32, #tpu.memory_space<vmem_shared>> -> memref<128x128xf32, #tpu.memory_space<vmem_shared>>
      tpu.enqueue_dma source(%arg16 : memref<128x128xf32, #tpu.memory_space<vmem>>) target(%dma_start3A_74 : memref<128x128xf32, #tpu.memory_space<vmem_shared>>) target_semaphore(%run_scoped3A : memref<!tpu.dma_semaphore, #tpu.memory_space<semaphore_mem>>)
      %dma_wait3A_75 = arith.constant 0 : i32
      %dma_wait3A_76 = tpu.memref_slice %arg19[%add3A_7, %dma_wait3A_75] : memref<10240x128xf32, #tpu.memory_space<vmem_shared>> -> memref<128x128xf32, #tpu.memory_space<vmem_shared>>
      %dma_wait3A_77 = arith.constant 0 : i32
      %dma_wait3A_78 = tpu.memref_slice %arg19[%add3A_7, %dma_wait3A_77] : memref<10240x128xf32, #tpu.memory_space<vmem_shared>> -> memref<128x128xf32, #tpu.memory_space<vmem_shared>>
      tpu.wait_dma2 semaphore(%run_scoped3A : memref<!tpu.dma_semaphore, #tpu.memory_space<semaphore_mem>>) src(%arg16 : memref<128x128xf32, #tpu.memory_space<vmem>>) dst(%dma_wait3A_78 : memref<128x128xf32, #tpu.memory_space<vmem_shared>>)
      tpu.yield
    }) : () -> ()
    "tpu.region"() ({
      %run_scoped3A = tpu.sem_alloc : memref<!tpu.dma_semaphore, #tpu.memory_space<semaphore_mem>>
      %dma_start3A_71 = arith.constant 0 : i32
      %dma_start3A_72 = tpu.memref_slice %arg20[%add3A_7, %dma_start3A_71] : memref<10240x16xf32, #tpu.memory_space<vmem_shared>> -> memref<128x16xf32, #tpu.memory_space<vmem_shared>>
      %dma_start3A_73 = arith.constant 0 : i32
      %dma_start3A_74 = tpu.memref_slice %arg20[%add3A_7, %dma_start3A_73] : memref<10240x16xf32, #tpu.memory_space<vmem_shared>> -> memref<128x16xf32, #tpu.memory_space<vmem_shared>>
      tpu.enqueue_dma source(%arg18 : memref<128x16xf32, #tpu.memory_space<vmem>>) target(%dma_start3A_74 : memref<128x16xf32, #tpu.memory_space<vmem_shared>>) target_semaphore(%run_scoped3A : memref<!tpu.dma_semaphore, #tpu.memory_space<semaphore_mem>>)
      %dma_wait3A_75 = arith.constant 0 : i32
      %dma_wait3A_76 = tpu.memref_slice %arg20[%add3A_7, %dma_wait3A_75] : memref<10240x16xf32, #tpu.memory_space<vmem_shared>> -> memref<128x16xf32, #tpu.memory_space<vmem_shared>>
      %dma_wait3A_77 = arith.constant 0 : i32
      %dma_wait3A_78 = tpu.memref_slice %arg20[%add3A_7, %dma_wait3A_77] : memref<10240x16xf32, #tpu.memory_space<vmem_shared>> -> memref<128x16xf32, #tpu.memory_space<vmem_shared>>
      tpu.wait_dma2 semaphore(%run_scoped3A : memref<!tpu.dma_semaphore, #tpu.memory_space<semaphore_mem>>) src(%arg18 : memref<128x16xf32, #tpu.memory_space<vmem>>) dst(%dma_wait3A_78 : memref<128x16xf32, #tpu.memory_space<vmem_shared>>)
      tpu.yield
    }) : () -> ()
    %mul3A_8 = arith.constant 640 : i32
    %mul3A_9 = arith.muli %arg1, %mul3A_8 : i32
    %add3A_10 = arith.constant 128 : i32
    %add3A_11 = arith.addi %mul3A_9, %add3A_10 : i32
    "tpu.region"() ({
      %run_scoped3A = tpu.sem_alloc : memref<!tpu.dma_semaphore, #tpu.memory_space<semaphore_mem>>
      %dma_start3A_71 = arith.constant 0 : i32
      %dma_start3A_72 = tpu.memref_slice %arg19[%add3A_11, %dma_start3A_71] : memref<10240x128xf32, #tpu.memory_space<vmem_shared>> -> memref<128x128xf32, #tpu.memory_space<vmem_shared>>
      %dma_start3A_73 = arith.constant 0 : i32
      %dma_start3A_74 = tpu.memref_slice %arg19[%add3A_11, %dma_start3A_73] : memref<10240x128xf32, #tpu.memory_space<vmem_shared>> -> memref<128x128xf32, #tpu.memory_space<vmem_shared>>
      tpu.enqueue_dma source(%arg16 : memref<128x128xf32, #tpu.memory_space<vmem>>) target(%dma_start3A_74 : memref<128x128xf32, #tpu.memory_space<vmem_shared>>) target_semaphore(%run_scoped3A : memref<!tpu.dma_semaphore, #tpu.memory_space<semaphore_mem>>)
      %dma_wait3A_75 = arith.constant 0 : i32
      %dma_wait3A_76 = tpu.memref_slice %arg19[%add3A_11, %dma_wait3A_75] : memref<10240x128xf32, #tpu.memory_space<vmem_shared>> -> memref<128x128xf32, #tpu.memory_space<vmem_shared>>
      %dma_wait3A_77 = arith.constant 0 : i32
      %dma_wait3A_78 = tpu.memref_slice %arg19[%add3A_11, %dma_wait3A_77] : memref<10240x128xf32, #tpu.memory_space<vmem_shared>> -> memref<128x128xf32, #tpu.memory_space<vmem_shared>>
      tpu.wait_dma2 semaphore(%run_scoped3A : memref<!tpu.dma_semaphore, #tpu.memory_space<semaphore_mem>>) src(%arg16 : memref<128x128xf32, #tpu.memory_space<vmem>>) dst(%dma_wait3A_78 : memref<128x128xf32, #tpu.memory_space<vmem_shared>>)
      tpu.yield
    }) : () -> ()
    "tpu.region"() ({
      %run_scoped3A = tpu.sem_alloc : memref<!tpu.dma_semaphore, #tpu.memory_space<semaphore_mem>>
      %dma_start3A_71 = arith.constant 0 : i32
      %dma_start3A_72 = tpu.memref_slice %arg20[%add3A_11, %dma_start3A_71] : memref<10240x16xf32, #tpu.memory_space<vmem_shared>> -> memref<128x16xf32, #tpu.memory_space<vmem_shared>>
      %dma_start3A_73 = arith.constant 0 : i32
      %dma_start3A_74 = tpu.memref_slice %arg20[%add3A_11, %dma_start3A_73] : memref<10240x16xf32, #tpu.memory_space<vmem_shared>> -> memref<128x16xf32, #tpu.memory_space<vmem_shared>>
      tpu.enqueue_dma source(%arg18 : memref<128x16xf32, #tpu.memory_space<vmem>>) target(%dma_start3A_74 : memref<128x16xf32, #tpu.memory_space<vmem_shared>>) target_semaphore(%run_scoped3A : memref<!tpu.dma_semaphore, #tpu.memory_space<semaphore_mem>>)
      %dma_wait3A_75 = arith.constant 0 : i32
      %dma_wait3A_76 = tpu.memref_slice %arg20[%add3A_11, %dma_wait3A_75] : memref<10240x16xf32, #tpu.memory_space<vmem_shared>> -> memref<128x16xf32, #tpu.memory_space<vmem_shared>>
      %dma_wait3A_77 = arith.constant 0 : i32
      %dma_wait3A_78 = tpu.memref_slice %arg20[%add3A_11, %dma_wait3A_77] : memref<10240x16xf32, #tpu.memory_space<vmem_shared>> -> memref<128x16xf32, #tpu.memory_space<vmem_shared>>
      tpu.wait_dma2 semaphore(%run_scoped3A : memref<!tpu.dma_semaphore, #tpu.memory_space<semaphore_mem>>) src(%arg18 : memref<128x16xf32, #tpu.memory_space<vmem>>) dst(%dma_wait3A_78 : memref<128x16xf32, #tpu.memory_space<vmem_shared>>)
      tpu.yield
    }) : () -> ()
    %mul3A_12 = arith.constant 640 : i32
    %mul3A_13 = arith.muli %arg1, %mul3A_12 : i32
    %add3A_14 = arith.constant 256 : i32
    %add3A_15 = arith.addi %mul3A_13, %add3A_14 : i32
    "tpu.region"() ({
      %run_scoped3A = tpu.sem_alloc : memref<!tpu.dma_semaphore, #tpu.memory_space<semaphore_mem>>
      %dma_start3A_71 = arith.constant 0 : i32
      %dma_start3A_72 = tpu.memref_slice %arg19[%add3A_15, %dma_start3A_71] : memref<10240x128xf32, #tpu.memory_space<vmem_shared>> -> memref<128x128xf32, #tpu.memory_space<vmem_shared>>
      %dma_start3A_73 = arith.constant 0 : i32
      %dma_start3A_74 = tpu.memref_slice %arg19[%add3A_15, %dma_start3A_73] : memref<10240x128xf32, #tpu.memory_space<vmem_shared>> -> memref<128x128xf32, #tpu.memory_space<vmem_shared>>
      tpu.enqueue_dma source(%arg16 : memref<128x128xf32, #tpu.memory_space<vmem>>) target(%dma_start3A_74 : memref<128x128xf32, #tpu.memory_space<vmem_shared>>) target_semaphore(%run_scoped3A : memref<!tpu.dma_semaphore, #tpu.memory_space<semaphore_mem>>)
      %dma_wait3A_75 = arith.constant 0 : i32
      %dma_wait3A_76 = tpu.memref_slice %arg19[%add3A_15, %dma_wait3A_75] : memref<10240x128xf32, #tpu.memory_space<vmem_shared>> -> memref<128x128xf32, #tpu.memory_space<vmem_shared>>
      %dma_wait3A_77 = arith.constant 0 : i32
      %dma_wait3A_78 = tpu.memref_slice %arg19[%add3A_15, %dma_wait3A_77] : memref<10240x128xf32, #tpu.memory_space<vmem_shared>> -> memref<128x128xf32, #tpu.memory_space<vmem_shared>>
      tpu.wait_dma2 semaphore(%run_scoped3A : memref<!tpu.dma_semaphore, #tpu.memory_space<semaphore_mem>>) src(%arg16 : memref<128x128xf32, #tpu.memory_space<vmem>>) dst(%dma_wait3A_78 : memref<128x128xf32, #tpu.memory_space<vmem_shared>>)
      tpu.yield
    }) : () -> ()
    "tpu.region"() ({
      %run_scoped3A = tpu.sem_alloc : memref<!tpu.dma_semaphore, #tpu.memory_space<semaphore_mem>>
      %dma_start3A_71 = arith.constant 0 : i32
      %dma_start3A_72 = tpu.memref_slice %arg20[%add3A_15, %dma_start3A_71] : memref<10240x16xf32, #tpu.memory_space<vmem_shared>> -> memref<128x16xf32, #tpu.memory_space<vmem_shared>>
      %dma_start3A_73 = arith.constant 0 : i32
      %dma_start3A_74 = tpu.memref_slice %arg20[%add3A_15, %dma_start3A_73] : memref<10240x16xf32, #tpu.memory_space<vmem_shared>> -> memref<128x16xf32, #tpu.memory_space<vmem_shared>>
      tpu.enqueue_dma source(%arg18 : memref<128x16xf32, #tpu.memory_space<vmem>>) target(%dma_start3A_74 : memref<128x16xf32, #tpu.memory_space<vmem_shared>>) target_semaphore(%run_scoped3A : memref<!tpu.dma_semaphore, #tpu.memory_space<semaphore_mem>>)
      %dma_wait3A_75 = arith.constant 0 : i32
      %dma_wait3A_76 = tpu.memref_slice %arg20[%add3A_15, %dma_wait3A_75] : memref<10240x16xf32, #tpu.memory_space<vmem_shared>> -> memref<128x16xf32, #tpu.memory_space<vmem_shared>>
      %dma_wait3A_77 = arith.constant 0 : i32
      %dma_wait3A_78 = tpu.memref_slice %arg20[%add3A_15, %dma_wait3A_77] : memref<10240x16xf32, #tpu.memory_space<vmem_shared>> -> memref<128x16xf32, #tpu.memory_space<vmem_shared>>
      tpu.wait_dma2 semaphore(%run_scoped3A : memref<!tpu.dma_semaphore, #tpu.memory_space<semaphore_mem>>) src(%arg18 : memref<128x16xf32, #tpu.memory_space<vmem>>) dst(%dma_wait3A_78 : memref<128x16xf32, #tpu.memory_space<vmem_shared>>)
      tpu.yield
    }) : () -> ()
    %mul3A_16 = arith.constant 640 : i32
    %mul3A_17 = arith.muli %arg1, %mul3A_16 : i32
    %add3A_18 = arith.constant 384 : i32
    %add3A_19 = arith.addi %mul3A_17, %add3A_18 : i32
    "tpu.region"() ({
      %run_scoped3A = tpu.sem_alloc : memref<!tpu.dma_semaphore, #tpu.memory_space<semaphore_mem>>
      %dma_start3A_71 = arith.constant 0 : i32
      %dma_start3A_72 = tpu.memref_slice %arg19[%add3A_19, %dma_start3A_71] : memref<10240x128xf32, #tpu.memory_space<vmem_shared>> -> memref<128x128xf32, #tpu.memory_space<vmem_shared>>
      %dma_start3A_73 = arith.constant 0 : i32
      %dma_start3A_74 = tpu.memref_slice %arg19[%add3A_19, %dma_start3A_73] : memref<10240x128xf32, #tpu.memory_space<vmem_shared>> -> memref<128x128xf32, #tpu.memory_space<vmem_shared>>
      tpu.enqueue_dma source(%arg16 : memref<128x128xf32, #tpu.memory_space<vmem>>) target(%dma_start3A_74 : memref<128x128xf32, #tpu.memory_space<vmem_shared>>) target_semaphore(%run_scoped3A : memref<!tpu.dma_semaphore, #tpu.memory_space<semaphore_mem>>)
      %dma_wait3A_75 = arith.constant 0 : i32
      %dma_wait3A_76 = tpu.memref_slice %arg19[%add3A_19, %dma_wait3A_75] : memref<10240x128xf32, #tpu.memory_space<vmem_shared>> -> memref<128x128xf32, #tpu.memory_space<vmem_shared>>
      %dma_wait3A_77 = arith.constant 0 : i32
      %dma_wait3A_78 = tpu.memref_slice %arg19[%add3A_19, %dma_wait3A_77] : memref<10240x128xf32, #tpu.memory_space<vmem_shared>> -> memref<128x128xf32, #tpu.memory_space<vmem_shared>>
      tpu.wait_dma2 semaphore(%run_scoped3A : memref<!tpu.dma_semaphore, #tpu.memory_space<semaphore_mem>>) src(%arg16 : memref<128x128xf32, #tpu.memory_space<vmem>>) dst(%dma_wait3A_78 : memref<128x128xf32, #tpu.memory_space<vmem_shared>>)
      tpu.yield
    }) : () -> ()
    "tpu.region"() ({
      %run_scoped3A = tpu.sem_alloc : memref<!tpu.dma_semaphore, #tpu.memory_space<semaphore_mem>>
      %dma_start3A_71 = arith.constant 0 : i32
      %dma_start3A_72 = tpu.memref_slice %arg20[%add3A_19, %dma_start3A_71] : memref<10240x16xf32, #tpu.memory_space<vmem_shared>> -> memref<128x16xf32, #tpu.memory_space<vmem_shared>>
      %dma_start3A_73 = arith.constant 0 : i32
      %dma_start3A_74 = tpu.memref_slice %arg20[%add3A_19, %dma_start3A_73] : memref<10240x16xf32, #tpu.memory_space<vmem_shared>> -> memref<128x16xf32, #tpu.memory_space<vmem_shared>>
      tpu.enqueue_dma source(%arg18 : memref<128x16xf32, #tpu.memory_space<vmem>>) target(%dma_start3A_74 : memref<128x16xf32, #tpu.memory_space<vmem_shared>>) target_semaphore(%run_scoped3A : memref<!tpu.dma_semaphore, #tpu.memory_space<semaphore_mem>>)
      %dma_wait3A_75 = arith.constant 0 : i32
      %dma_wait3A_76 = tpu.memref_slice %arg20[%add3A_19, %dma_wait3A_75] : memref<10240x16xf32, #tpu.memory_space<vmem_shared>> -> memref<128x16xf32, #tpu.memory_space<vmem_shared>>
      %dma_wait3A_77 = arith.constant 0 : i32
      %dma_wait3A_78 = tpu.memref_slice %arg20[%add3A_19, %dma_wait3A_77] : memref<10240x16xf32, #tpu.memory_space<vmem_shared>> -> memref<128x16xf32, #tpu.memory_space<vmem_shared>>
      tpu.wait_dma2 semaphore(%run_scoped3A : memref<!tpu.dma_semaphore, #tpu.memory_space<semaphore_mem>>) src(%arg18 : memref<128x16xf32, #tpu.memory_space<vmem>>) dst(%dma_wait3A_78 : memref<128x16xf32, #tpu.memory_space<vmem_shared>>)
      tpu.yield
    }) : () -> ()
    %mul3A_20 = arith.constant 640 : i32
    %mul3A_21 = arith.muli %arg1, %mul3A_20 : i32
    %add3A_22 = arith.constant 512 : i32
    %add3A_23 = arith.addi %mul3A_21, %add3A_22 : i32
    "tpu.region"() ({
      %run_scoped3A = tpu.sem_alloc : memref<!tpu.dma_semaphore, #tpu.memory_space<semaphore_mem>>
      %dma_start3A_71 = arith.constant 0 : i32
      %dma_start3A_72 = tpu.memref_slice %arg19[%add3A_23, %dma_start3A_71] : memref<10240x128xf32, #tpu.memory_space<vmem_shared>> -> memref<128x128xf32, #tpu.memory_space<vmem_shared>>
      %dma_start3A_73 = arith.constant 0 : i32
      %dma_start3A_74 = tpu.memref_slice %arg19[%add3A_23, %dma_start3A_73] : memref<10240x128xf32, #tpu.memory_space<vmem_shared>> -> memref<128x128xf32, #tpu.memory_space<vmem_shared>>
      tpu.enqueue_dma source(%arg16 : memref<128x128xf32, #tpu.memory_space<vmem>>) target(%dma_start3A_74 : memref<128x128xf32, #tpu.memory_space<vmem_shared>>) target_semaphore(%run_scoped3A : memref<!tpu.dma_semaphore, #tpu.memory_space<semaphore_mem>>)
      %dma_wait3A_75 = arith.constant 0 : i32
      %dma_wait3A_76 = tpu.memref_slice %arg19[%add3A_23, %dma_wait3A_75] : memref<10240x128xf32, #tpu.memory_space<vmem_shared>> -> memref<128x128xf32, #tpu.memory_space<vmem_shared>>
      %dma_wait3A_77 = arith.constant 0 : i32
      %dma_wait3A_78 = tpu.memref_slice %arg19[%add3A_23, %dma_wait3A_77] : memref<10240x128xf32, #tpu.memory_space<vmem_shared>> -> memref<128x128xf32, #tpu.memory_space<vmem_shared>>
      tpu.wait_dma2 semaphore(%run_scoped3A : memref<!tpu.dma_semaphore, #tpu.memory_space<semaphore_mem>>) src(%arg16 : memref<128x128xf32, #tpu.memory_space<vmem>>) dst(%dma_wait3A_78 : memref<128x128xf32, #tpu.memory_space<vmem_shared>>)
      tpu.yield
    }) : () -> ()
    "tpu.region"() ({
      %run_scoped3A = tpu.sem_alloc : memref<!tpu.dma_semaphore, #tpu.memory_space<semaphore_mem>>
      %dma_start3A_71 = arith.constant 0 : i32
      %dma_start3A_72 = tpu.memref_slice %arg20[%add3A_23, %dma_start3A_71] : memref<10240x16xf32, #tpu.memory_space<vmem_shared>> -> memref<128x16xf32, #tpu.memory_space<vmem_shared>>
      %dma_start3A_73 = arith.constant 0 : i32
      %dma_start3A_74 = tpu.memref_slice %arg20[%add3A_23, %dma_start3A_73] : memref<10240x16xf32, #tpu.memory_space<vmem_shared>> -> memref<128x16xf32, #tpu.memory_space<vmem_shared>>
      tpu.enqueue_dma source(%arg18 : memref<128x16xf32, #tpu.memory_space<vmem>>) target(%dma_start3A_74 : memref<128x16xf32, #tpu.memory_space<vmem_shared>>) target_semaphore(%run_scoped3A : memref<!tpu.dma_semaphore, #tpu.memory_space<semaphore_mem>>)
      %dma_wait3A_75 = arith.constant 0 : i32
      %dma_wait3A_76 = tpu.memref_slice %arg20[%add3A_23, %dma_wait3A_75] : memref<10240x16xf32, #tpu.memory_space<vmem_shared>> -> memref<128x16xf32, #tpu.memory_space<vmem_shared>>
      %dma_wait3A_77 = arith.constant 0 : i32
      %dma_wait3A_78 = tpu.memref_slice %arg20[%add3A_23, %dma_wait3A_77] : memref<10240x16xf32, #tpu.memory_space<vmem_shared>> -> memref<128x16xf32, #tpu.memory_space<vmem_shared>>
      tpu.wait_dma2 semaphore(%run_scoped3A : memref<!tpu.dma_semaphore, #tpu.memory_space<semaphore_mem>>) src(%arg18 : memref<128x16xf32, #tpu.memory_space<vmem>>) dst(%dma_wait3A_78 : memref<128x16xf32, #tpu.memory_space<vmem_shared>>)
      tpu.yield
    }) : () -> ()
    %broadcast_in_dim3A_24 = arith.constant 1.000000e+00 : f32
    %broadcast_in_dim3A_25 = vector.broadcast %broadcast_in_dim3A_24 : f32 to vector<16xf32>
    %scan3A_26 = arith.constant 0 : i32
    %scan3A_27 = arith.constant 0 : i32
    %scan3A_28 = arith.constant 128 : i32
    %scan3A_29 = arith.addi %scan3A_27, %scan3A_28 : i32
    %scan3A_30 = arith.constant 1 : i32
    scf.for %scan3A_71 = %scan3A_27 to %scan3A_29 step %scan3A_30  : i32 {
      %swap3A = arith.index_cast %scan3A_71 : i32 to index
      %swap3A_72 = arith.constant 0 : index
      %swap3A_73 = tpu.vector_load %arg18[%swap3A, %swap3A_72] {strides = array<i32>} : memref<128x16xf32, #tpu.memory_space<vmem>>, vector<16xf32>,
      tpu.vector_store %arg18[%swap3A, %swap3A_72], %broadcast_in_dim3A_25 {strides = array<i32>} : memref<128x16xf32, #tpu.memory_space<vmem>>, vector<16xf32>,
    }
    %scan3A_31 = arith.constant 128 : i32
    %mul3A_32 = arith.constant 16 : i32
    %mul3A_33 = arith.muli %arg0, %mul3A_32 : i32
    %add3A_34 = arith.addi %mul3A_33, %arg1 : i32
    %mul3A_35 = arith.constant 40 : i32
    %mul3A_36 = arith.muli %add3A_34, %mul3A_35 : i32
    "tpu.region"() ({
      %run_scoped3A = tpu.sem_alloc : memref<!tpu.dma_semaphore, #tpu.memory_space<semaphore_mem>>
      %dma_start3A_71 = arith.constant 0 : i32
      %dma_start3A_72 = tpu.memref_slice %arg2[%mul3A_36, %dma_start3A_71] : memref<1280x128xi32, #tpu.memory_space<hbm>> -> memref<4x128xi32, #tpu.memory_space<hbm>>
      %dma_start3A_73 = arith.constant 0 : i32
      %dma_start3A_74 = tpu.memref_slice %arg2[%mul3A_36, %dma_start3A_73] : memref<1280x128xi32, #tpu.memory_space<hbm>> -> memref<4x128xi32, #tpu.memory_space<hbm>>
      tpu.enqueue_dma source(%dma_start3A_74 : memref<4x128xi32, #tpu.memory_space<hbm>>) target(%arg8 : memref<4x128xi32, #tpu.memory_space<vmem>>) target_semaphore(%run_scoped3A : memref<!tpu.dma_semaphore, #tpu.memory_space<semaphore_mem>>)
      %dma_wait3A_75 = arith.constant 0 : i32
      %dma_wait3A_76 = tpu.memref_slice %arg2[%mul3A_36, %dma_wait3A_75] : memref<1280x128xi32, #tpu.memory_space<hbm>> -> memref<4x128xi32, #tpu.memory_space<hbm>>
      %dma_wait3A_77 = arith.constant 0 : i32
      %dma_wait3A_78 = tpu.memref_slice %arg2[%mul3A_36, %dma_wait3A_77] : memref<1280x128xi32, #tpu.memory_space<hbm>> -> memref<4x128xi32, #tpu.memory_space<hbm>>
      tpu.wait_dma2 semaphore(%run_scoped3A : memref<!tpu.dma_semaphore, #tpu.memory_space<semaphore_mem>>) src(%dma_wait3A_78 : memref<4x128xi32, #tpu.memory_space<hbm>>) dst(%arg8 : memref<4x128xi32, #tpu.memory_space<vmem>>)
      tpu.yield
    }) : () -> ()
    "tpu.region"() ({
      %run_scoped3A = tpu.sem_alloc : memref<!tpu.dma_semaphore, #tpu.memory_space<semaphore_mem>>
      %dma_start3A_71 = arith.constant 0 : i32
      %dma_start3A_72 = tpu.memref_slice %arg3[%mul3A_36, %dma_start3A_71] : memref<1280x128xi32, #tpu.memory_space<hbm>> -> memref<4x128xi32, #tpu.memory_space<hbm>>
      %dma_start3A_73 = arith.constant 0 : i32
      %dma_start3A_74 = tpu.memref_slice %arg3[%mul3A_36, %dma_start3A_73] : memref<1280x128xi32, #tpu.memory_space<hbm>> -> memref<4x128xi32, #tpu.memory_space<hbm>>
      tpu.enqueue_dma source(%dma_start3A_74 : memref<4x128xi32, #tpu.memory_space<hbm>>) target(%arg10 : memref<4x128xi32, #tpu.memory_space<vmem>>) target_semaphore(%run_scoped3A : memref<!tpu.dma_semaphore, #tpu.memory_space<semaphore_mem>>)
      %dma_wait3A_75 = arith.constant 0 : i32
      %dma_wait3A_76 = tpu.memref_slice %arg3[%mul3A_36, %dma_wait3A_75] : memref<1280x128xi32, #tpu.memory_space<hbm>> -> memref<4x128xi32, #tpu.memory_space<hbm>>
      %dma_wait3A_77 = arith.constant 0 : i32
      %dma_wait3A_78 = tpu.memref_slice %arg3[%mul3A_36, %dma_wait3A_77] : memref<1280x128xi32, #tpu.memory_space<hbm>> -> memref<4x128xi32, #tpu.memory_space<hbm>>
      tpu.wait_dma2 semaphore(%run_scoped3A : memref<!tpu.dma_semaphore, #tpu.memory_space<semaphore_mem>>) src(%dma_wait3A_78 : memref<4x128xi32, #tpu.memory_space<hbm>>) dst(%arg10 : memref<4x128xi32, #tpu.memory_space<vmem>>)
      tpu.yield
    }) : () -> ()
    "tpu.region"() ({
      %run_scoped3A = tpu.sem_alloc : memref<!tpu.dma_semaphore, #tpu.memory_space<semaphore_mem>>
      %dma_start3A_71 = arith.constant 0 : i32
      %dma_start3A_72 = tpu.memref_slice %arg4[%mul3A_36, %dma_start3A_71] : memref<1280x128xf32, #tpu.memory_space<hbm>> -> memref<4x128xf32, #tpu.memory_space<hbm>>
      %dma_start3A_73 = arith.constant 0 : i32
      %dma_start3A_74 = tpu.memref_slice %arg4[%mul3A_36, %dma_start3A_73] : memref<1280x128xf32, #tpu.memory_space<hbm>> -> memref<4x128xf32, #tpu.memory_space<hbm>>
      tpu.enqueue_dma source(%dma_start3A_74 : memref<4x128xf32, #tpu.memory_space<hbm>>) target(%arg12 : memref<4x128xf32, #tpu.memory_space<vmem>>) target_semaphore(%run_scoped3A : memref<!tpu.dma_semaphore, #tpu.memory_space<semaphore_mem>>)
      %dma_wait3A_75 = arith.constant 0 : i32
      %dma_wait3A_76 = tpu.memref_slice %arg4[%mul3A_36, %dma_wait3A_75] : memref<1280x128xf32, #tpu.memory_space<hbm>> -> memref<4x128xf32, #tpu.memory_space<hbm>>
      %dma_wait3A_77 = arith.constant 0 : i32
      %dma_wait3A_78 = tpu.memref_slice %arg4[%mul3A_36, %dma_wait3A_77] : memref<1280x128xf32, #tpu.memory_space<hbm>> -> memref<4x128xf32, #tpu.memory_space<hbm>>
      tpu.wait_dma2 semaphore(%run_scoped3A : memref<!tpu.dma_semaphore, #tpu.memory_space<semaphore_mem>>) src(%dma_wait3A_78 : memref<4x128xf32, #tpu.memory_space<hbm>>) dst(%arg12 : memref<4x128xf32, #tpu.memory_space<vmem>>)
      tpu.yield
    }) : () -> ()
    %barrier3A = arith.constant 0 : index
    tpu.barrier barrier_id(%barrier3A)
    %dma_start3A = arith.constant 0 : i32
    %dma_start3A_37 = arith.constant 0 : i32
    %dma_start3A_38 = tpu.memref_slice %arg8[%dma_start3A, %dma_start3A_37] : memref<4x128xi32, #tpu.memory_space<vmem>> -> memref<1x128xi32, #tpu.memory_space<vmem>>
    %dma_start3A_39 = tpu.memref_squeeze %dma_start3A_38 : memref<1x128xi32, #tpu.memory_space<vmem>> -> memref<128xi32, #tpu.memory_space<vmem>>
    %dma_start3A_40 = arith.constant 0 : i32
    %dma_start3A_41 = arith.constant 0 : i32
    %dma_start3A_42 = tpu.memref_slice %arg5[%dma_start3A_40, %dma_start3A_41] : memref<10000x128xbf16, #tpu.memory_space<hbm>> -> memref<10000x128xbf16, #tpu.memory_space<hbm>>
    tpu.enqueue_indirect_dma source(%dma_start3A_42 : memref<10000x128xbf16, #tpu.memory_space<hbm>>) target(%arg14 : memref<128x128xbf16, #tpu.memory_space<vmem>>) offsets(%dma_start3A_39 : memref<128xi32, #tpu.memory_space<vmem>>) semaphore(%arg21 : memref<!tpu.dma_semaphore, #tpu.memory_space<semaphore_mem>>)
    %scan3A_43 = arith.constant 0 : i32
    %scan3A_44 = arith.constant 0 : i32
    %scan3A_45 = arith.constant 5 : i32
    %scan3A_46 = arith.addi %scan3A_44, %scan3A_45 : i32
    %scan3A_47 = arith.constant 1 : i32
    scf.for %scan3A_71 = %scan3A_44 to %scan3A_46 step %scan3A_47  : i32 {
      %mul3A_72 = arith.constant 2 : i32
      %mul3A_73 = arith.muli %scan3A_71, %mul3A_72 : i32
      %add3A_74 = arith.constant 0 : i32
      %add3A_75 = arith.addi %mul3A_73, %add3A_74 : i32
      %mul3A_76 = arith.constant 4 : i32
      %mul3A_77 = arith.muli %add3A_75, %mul3A_76 : i32
      %add3A_78 = arith.constant 0 : i32
      %add3A_79 = arith.addi %mul3A_77, %add3A_78 : i32
      %add3A_80 = arith.constant 1 : i32
      %add3A_81 = arith.addi %add3A_75, %add3A_80 : i32
      %lt3A = arith.constant 10 : i32
      %lt3A_82 = arith.cmpi slt, %add3A_81, %lt3A : i32
      %convert_element_type3A = arith.extui %lt3A_82 : i1 to i32
      %cond3A = arith.constant 0 : i32
      %cond3A_83 = arith.cmpi ne, %convert_element_type3A, %cond3A : i32
      scf.if %cond3A_83 {
        %add3A_944 = arith.constant 1 : i32
        %add3A_945 = arith.addi %add3A_75, %add3A_944 : i32
        %mul3A_946 = arith.constant 4 : i32
        %mul3A_947 = arith.muli %add3A_945, %mul3A_946 : i32
        %add3A_948 = arith.addi %mul3A_36, %mul3A_947 : i32
        %dma_start3A_949 = arith.constant 0 : i32
        %dma_start3A_950 = tpu.memref_slice %arg2[%add3A_948, %dma_start3A_949] : memref<1280x128xi32, #tpu.memory_space<hbm>> -> memref<4x128xi32, #tpu.memory_space<hbm>>
        %dma_start3A_951 = arith.constant 0 : i32
        %dma_start3A_952 = tpu.memref_slice %arg2[%add3A_948, %dma_start3A_951] : memref<1280x128xi32, #tpu.memory_space<hbm>> -> memref<4x128xi32, #tpu.memory_space<hbm>>
        tpu.enqueue_dma source(%dma_start3A_952 : memref<4x128xi32, #tpu.memory_space<hbm>>) target(%arg9 : memref<4x128xi32, #tpu.memory_space<vmem>>) target_semaphore(%arg25 : memref<!tpu.dma_semaphore, #tpu.memory_space<semaphore_mem>>)
        %dma_start3A_953 = arith.constant 0 : i32
        %dma_start3A_954 = tpu.memref_slice %arg3[%add3A_948, %dma_start3A_953] : memref<1280x128xi32, #tpu.memory_space<hbm>> -> memref<4x128xi32, #tpu.memory_space<hbm>>
        %dma_start3A_955 = arith.constant 0 : i32
        %dma_start3A_956 = tpu.memref_slice %arg3[%add3A_948, %dma_start3A_955] : memref<1280x128xi32, #tpu.memory_space<hbm>> -> memref<4x128xi32, #tpu.memory_space<hbm>>
        tpu.enqueue_dma source(%dma_start3A_956 : memref<4x128xi32, #tpu.memory_space<hbm>>) target(%arg11 : memref<4x128xi32, #tpu.memory_space<vmem>>) target_semaphore(%arg25 : memref<!tpu.dma_semaphore, #tpu.memory_space<semaphore_mem>>)
        %dma_start3A_957 = arith.constant 0 : i32
        %dma_start3A_958 = tpu.memref_slice %arg4[%add3A_948, %dma_start3A_957] : memref<1280x128xf32, #tpu.memory_space<hbm>> -> memref<4x128xf32, #tpu.memory_space<hbm>>
        %dma_start3A_959 = arith.constant 0 : i32
        %dma_start3A_960 = tpu.memref_slice %arg4[%add3A_948, %dma_start3A_959] : memref<1280x128xf32, #tpu.memory_space<hbm>> -> memref<4x128xf32, #tpu.memory_space<hbm>>
        tpu.enqueue_dma source(%dma_start3A_960 : memref<4x128xf32, #tpu.memory_space<hbm>>) target(%arg13 : memref<4x128xf32, #tpu.memory_space<vmem>>) target_semaphore(%arg25 : memref<!tpu.dma_semaphore, #tpu.memory_space<semaphore_mem>>)
      } else {
      }
      %add3A_84 = arith.constant 1 : i32
      %add3A_85 = arith.addi %add3A_79, %add3A_84 : i32
      %lt3A_86 = arith.constant 40 : i32
      %lt3A_87 = arith.cmpi slt, %add3A_85, %lt3A_86 : i32
      %convert_element_type3A_88 = arith.extui %lt3A_87 : i1 to i32
      %cond3A_89 = arith.constant 0 : i32
      %cond3A_90 = arith.cmpi ne, %convert_element_type3A_88, %cond3A_89 : i32
      scf.if %cond3A_90 {
        %dma_start3A_944 = arith.constant 1 : i32
        %dma_start3A_945 = arith.constant 0 : i32
        %dma_start3A_946 = tpu.memref_slice %arg8[%dma_start3A_944, %dma_start3A_945] : memref<4x128xi32, #tpu.memory_space<vmem>> -> memref<1x128xi32, #tpu.memory_space<vmem>>
        %dma_start3A_947 = tpu.memref_squeeze %dma_start3A_946 : memref<1x128xi32, #tpu.memory_space<vmem>> -> memref<128xi32, #tpu.memory_space<vmem>>
        %dma_start3A_948 = arith.constant 0 : i32
        %dma_start3A_949 = arith.constant 0 : i32
        %dma_start3A_950 = tpu.memref_slice %arg5[%dma_start3A_948, %dma_start3A_949] : memref<10000x128xbf16, #tpu.memory_space<hbm>> -> memref<10000x128xbf16, #tpu.memory_space<hbm>>
        tpu.enqueue_indirect_dma source(%dma_start3A_950 : memref<10000x128xbf16, #tpu.memory_space<hbm>>) target(%arg15 : memref<128x128xbf16, #tpu.memory_space<vmem>>) offsets(%dma_start3A_947 : memref<128xi32, #tpu.memory_space<vmem>>) semaphore(%arg22 : memref<!tpu.dma_semaphore, #tpu.memory_space<semaphore_mem>>)
      } else {
      }
      %dma_wait3A_91 = arith.constant 0 : i32
      %dma_wait3A_92 = arith.constant 0 : i32
      %dma_wait3A_93 = tpu.memref_slice %arg8[%dma_wait3A_91, %dma_wait3A_92] : memref<4x128xi32, #tpu.memory_space<vmem>> -> memref<1x128xi32, #tpu.memory_space<vmem>>
      %dma_wait3A_94 = tpu.memref_squeeze %dma_wait3A_93 : memref<1x128xi32, #tpu.memory_space<vmem>> -> memref<128xi32, #tpu.memory_space<vmem>>
      %dma_wait3A_95 = arith.constant 0 : i32
      %dma_wait3A_96 = arith.constant 0 : i32
      %dma_wait3A_97 = tpu.memref_slice %arg5[%dma_wait3A_95, %dma_wait3A_96] : memref<10000x128xbf16, #tpu.memory_space<hbm>> -> memref<10000x128xbf16, #tpu.memory_space<hbm>>
      tpu.wait_indirect_dma semaphore(%arg21 : memref<!tpu.dma_semaphore, #tpu.memory_space<semaphore_mem>>) src(%dma_wait3A_97 : memref<10000x128xbf16, #tpu.memory_space<hbm>>) dst(%arg14 : memref<128x128xbf16, #tpu.memory_space<vmem>>)
      %ge3A = arith.constant 1 : i32
      %ge3A_98 = arith.cmpi sge, %add3A_79, %ge3A : i32
      %convert_element_type3A_99 = arith.extui %ge3A_98 : i1 to i32
      %cond3A_100 = arith.constant 0 : i32
      %cond3A_101 = arith.cmpi ne, %convert_element_type3A_99, %cond3A_100 : i32
      scf.if %cond3A_101 {
        %dma_wait3A_944 = arith.constant 1 : i32
        %dma_wait3A_945 = arith.constant 0 : i32
        %dma_wait3A_946 = tpu.memref_slice %arg17[%dma_wait3A_944, %dma_wait3A_945] : memref<2x128xi32, #tpu.memory_space<vmem>> -> memref<1x128xi32, #tpu.memory_space<vmem>>
        %dma_wait3A_947 = tpu.memref_squeeze %dma_wait3A_946 : memref<1x128xi32, #tpu.memory_space<vmem>> -> memref<128xi32, #tpu.memory_space<vmem>>
        %dma_wait3A_948 = arith.constant 0 : i32
        %dma_wait3A_949 = arith.constant 0 : i32
        %dma_wait3A_950 = tpu.memref_slice %arg19[%dma_wait3A_948, %dma_wait3A_949] : memref<10240x128xf32, #tpu.memory_space<vmem_shared>> -> memref<10240x128xf32, #tpu.memory_space<vmem_shared>>
        tpu.wait_indirect_dma semaphore(%arg23 : memref<!tpu.dma_semaphore, #tpu.memory_space<semaphore_mem>>) src(%arg16 : memref<128x128xf32, #tpu.memory_space<vmem>>) dst(%dma_wait3A_950 : memref<10240x128xf32, #tpu.memory_space<vmem_shared>>)
        %dma_wait3A_951 = arith.constant 1 : i32
        %dma_wait3A_952 = arith.constant 0 : i32
        %dma_wait3A_953 = tpu.memref_slice %arg17[%dma_wait3A_951, %dma_wait3A_952] : memref<2x128xi32, #tpu.memory_space<vmem>> -> memref<1x128xi32, #tpu.memory_space<vmem>>
        %dma_wait3A_954 = tpu.memref_squeeze %dma_wait3A_953 : memref<1x128xi32, #tpu.memory_space<vmem>> -> memref<128xi32, #tpu.memory_space<vmem>>
        %dma_wait3A_955 = arith.constant 0 : i32
        %dma_wait3A_956 = arith.constant 0 : i32
        %dma_wait3A_957 = tpu.memref_slice %arg20[%dma_wait3A_955, %dma_wait3A_956] : memref<10240x16xf32, #tpu.memory_space<vmem_shared>> -> memref<10240x16xf32, #tpu.memory_space<vmem_shared>>
        tpu.wait_indirect_dma semaphore(%arg23 : memref<!tpu.dma_semaphore, #tpu.memory_space<semaphore_mem>>) src(%arg18 : memref<128x16xf32, #tpu.memory_space<vmem>>) dst(%dma_wait3A_957 : memref<10240x16xf32, #tpu.memory_space<vmem_shared>>)
      } else {
      }
      %get3A = arith.constant 0 : i32
      %get3A_102 = arith.index_cast %get3A : i32 to index
      %get3A_103 = arith.constant 0 : index
      %get3A_104 = tpu.vector_load %arg10[%get3A_102, %get3A_103] {strides = array<i32>} : memref<4x128xi32, #tpu.memory_space<vmem>>, vector<16xi32>,
      %swap3A = arith.constant 0 : i32
      %swap3A_105 = arith.index_cast %swap3A : i32 to index
      %swap3A_106 = arith.constant 0 : index
      %swap3A_107 = tpu.vector_load %arg17[%swap3A_105, %swap3A_106] {strides = array<i32>} : memref<2x128xi32, #tpu.memory_space<vmem>>, vector<16xi32>,
      tpu.vector_store %arg17[%swap3A_105, %swap3A_106], %get3A_104 {strides = array<i32>} : memref<2x128xi32, #tpu.memory_space<vmem>>, vector<16xi32>,
      %get3A_108 = arith.constant 0 : i32
      %get3A_109 = arith.index_cast %get3A_108 : i32 to index
      %get3A_110 = arith.constant 16 : index
      %get3A_111 = tpu.vector_load %arg10[%get3A_109, %get3A_110] {strides = array<i32>} : memref<4x128xi32, #tpu.memory_space<vmem>>, vector<16xi32>,
      %swap3A_112 = arith.constant 0 : i32
      %swap3A_113 = arith.index_cast %swap3A_112 : i32 to index
      %swap3A_114 = arith.constant 16 : index
      %swap3A_115 = tpu.vector_load %arg17[%swap3A_113, %swap3A_114] {strides = array<i32>} : memref<2x128xi32, #tpu.memory_space<vmem>>, vector<16xi32>,
      tpu.vector_store %arg17[%swap3A_113, %swap3A_114], %get3A_111 {strides = array<i32>} : memref<2x128xi32, #tpu.memory_space<vmem>>, vector<16xi32>,
      %get3A_116 = arith.constant 0 : i32
      %get3A_117 = arith.index_cast %get3A_116 : i32 to index
      %get3A_118 = arith.constant 32 : index
      %get3A_119 = tpu.vector_load %arg10[%get3A_117, %get3A_118] {strides = array<i32>} : memref<4x128xi32, #tpu.memory_space<vmem>>, vector<16xi32>,
      %swap3A_120 = arith.constant 0 : i32
      %swap3A_121 = arith.index_cast %swap3A_120 : i32 to index
      %swap3A_122 = arith.constant 32 : index
      %swap3A_123 = tpu.vector_load %arg17[%swap3A_121, %swap3A_122] {strides = array<i32>} : memref<2x128xi32, #tpu.memory_space<vmem>>, vector<16xi32>,
      tpu.vector_store %arg17[%swap3A_121, %swap3A_122], %get3A_119 {strides = array<i32>} : memref<2x128xi32, #tpu.memory_space<vmem>>, vector<16xi32>,
      %get3A_124 = arith.constant 0 : i32
      %get3A_125 = arith.index_cast %get3A_124 : i32 to index
      %get3A_126 = arith.constant 48 : index
      %get3A_127 = tpu.vector_load %arg10[%get3A_125, %get3A_126] {strides = array<i32>} : memref<4x128xi32, #tpu.memory_space<vmem>>, vector<16xi32>,
      %swap3A_128 = arith.constant 0 : i32
      %swap3A_129 = arith.index_cast %swap3A_128 : i32 to index
      %swap3A_130 = arith.constant 48 : index
      %swap3A_131 = tpu.vector_load %arg17[%swap3A_129, %swap3A_130] {strides = array<i32>} : memref<2x128xi32, #tpu.memory_space<vmem>>, vector<16xi32>,
      tpu.vector_store %arg17[%swap3A_129, %swap3A_130], %get3A_127 {strides = array<i32>} : memref<2x128xi32, #tpu.memory_space<vmem>>, vector<16xi32>,
      %get3A_132 = arith.constant 0 : i32
      %get3A_133 = arith.index_cast %get3A_132 : i32 to index
      %get3A_134 = arith.constant 64 : index
      %get3A_135 = tpu.vector_load %arg10[%get3A_133, %get3A_134] {strides = array<i32>} : memref<4x128xi32, #tpu.memory_space<vmem>>, vector<16xi32>,
      %swap3A_136 = arith.constant 0 : i32
      %swap3A_137 = arith.index_cast %swap3A_136 : i32 to index
      %swap3A_138 = arith.constant 64 : index
      %swap3A_139 = tpu.vector_load %arg17[%swap3A_137, %swap3A_138] {strides = array<i32>} : memref<2x128xi32, #tpu.memory_space<vmem>>, vector<16xi32>,
      tpu.vector_store %arg17[%swap3A_137, %swap3A_138], %get3A_135 {strides = array<i32>} : memref<2x128xi32, #tpu.memory_space<vmem>>, vector<16xi32>,
      %get3A_140 = arith.constant 0 : i32
      %get3A_141 = arith.index_cast %get3A_140 : i32 to index
      %get3A_142 = arith.constant 80 : index
      %get3A_143 = tpu.vector_load %arg10[%get3A_141, %get3A_142] {strides = array<i32>} : memref<4x128xi32, #tpu.memory_space<vmem>>, vector<16xi32>,
      %swap3A_144 = arith.constant 0 : i32
      %swap3A_145 = arith.index_cast %swap3A_144 : i32 to index
      %swap3A_146 = arith.constant 80 : index
      %swap3A_147 = tpu.vector_load %arg17[%swap3A_145, %swap3A_146] {strides = array<i32>} : memref<2x128xi32, #tpu.memory_space<vmem>>, vector<16xi32>,
      tpu.vector_store %arg17[%swap3A_145, %swap3A_146], %get3A_143 {strides = array<i32>} : memref<2x128xi32, #tpu.memory_space<vmem>>, vector<16xi32>,
      %get3A_148 = arith.constant 0 : i32
      %get3A_149 = arith.index_cast %get3A_148 : i32 to index
      %get3A_150 = arith.constant 96 : index
      %get3A_151 = tpu.vector_load %arg10[%get3A_149, %get3A_150] {strides = array<i32>} : memref<4x128xi32, #tpu.memory_space<vmem>>, vector<16xi32>,
      %swap3A_152 = arith.constant 0 : i32
      %swap3A_153 = arith.index_cast %swap3A_152 : i32 to index
      %swap3A_154 = arith.constant 96 : index
      %swap3A_155 = tpu.vector_load %arg17[%swap3A_153, %swap3A_154] {strides = array<i32>} : memref<2x128xi32, #tpu.memory_space<vmem>>, vector<16xi32>,
      tpu.vector_store %arg17[%swap3A_153, %swap3A_154], %get3A_151 {strides = array<i32>} : memref<2x128xi32, #tpu.memory_space<vmem>>, vector<16xi32>,
      %get3A_156 = arith.constant 0 : i32
      %get3A_157 = arith.index_cast %get3A_156 : i32 to index
      %get3A_158 = arith.constant 112 : index
      %get3A_159 = tpu.vector_load %arg10[%get3A_157, %get3A_158] {strides = array<i32>} : memref<4x128xi32, #tpu.memory_space<vmem>>, vector<16xi32>,
      %swap3A_160 = arith.constant 0 : i32
      %swap3A_161 = arith.index_cast %swap3A_160 : i32 to index
      %swap3A_162 = arith.constant 112 : index
      %swap3A_163 = tpu.vector_load %arg17[%swap3A_161, %swap3A_162] {strides = array<i32>} : memref<2x128xi32, #tpu.memory_space<vmem>>, vector<16xi32>,
      tpu.vector_store %arg17[%swap3A_161, %swap3A_162], %get3A_159 {strides = array<i32>} : memref<2x128xi32, #tpu.memory_space<vmem>>, vector<16xi32>,
      %scan3A_164 = arith.constant 0 : i32
      %scan3A_165 = arith.constant 0 : i32
      %scan3A_166 = arith.constant 64 : i32
      %scan3A_167 = arith.addi %scan3A_165, %scan3A_166 : i32
      %scan3A_168 = arith.constant 1 : i32
      scf.for %scan3A_944 = %scan3A_165 to %scan3A_167 step %scan3A_168  : i32 {
        %mul3A_945 = arith.constant 2 : i32
        %mul3A_946 = arith.muli %scan3A_944, %mul3A_945 : i32
        %add3A_947 = arith.constant 0 : i32
        %add3A_948 = arith.addi %mul3A_946, %add3A_947 : i32
        %broadcast_in_dim3A_949 = arith.constant 0 : i32
        %broadcast_in_dim3A_950 = vector.broadcast %broadcast_in_dim3A_949 : i32 to vector<16xi32>
        %broadcast_in_dim3A_951 = vector.broadcast %add3A_948 : i32 to vector<16xi32>
        %gather3A = tpu.vector_load_idx %arg12[%broadcast_in_dim3A_950, %broadcast_in_dim3A_951] : memref<4x128xf32, #tpu.memory_space<vmem>>[vector<16xi32>, vector<16xi32>], vector<16xf32>,
        %get3A_952 = arith.index_cast %add3A_948 : i32 to index
        %get3A_953 = arith.constant 0 : index
        %get3A_954 = tpu.vector_load %arg14[%get3A_952, %get3A_953] {strides = array<i32>} : memref<128x128xbf16, #tpu.memory_space<vmem>>, vector<32xbf16>,
        %unpack3A = tpu.unpack_subelements %get3A_954, 0 {pack_format = #tpu.pack_format<interleaved>} : vector<32xbf16> -> vector<16xf32>
        %unpack3A_955 = tpu.unpack_subelements %get3A_954, 1 {pack_format = #tpu.pack_format<interleaved>} : vector<32xbf16> -> vector<16xf32>
        %mul3A_956 = arith.mulf %unpack3A, %gather3A : vector<16xf32>
        %swap3A_957 = arith.index_cast %add3A_948 : i32 to index
        %swap3A_958 = arith.constant 0 : index
        %swap3A_959 = tpu.vector_load %arg16[%swap3A_957, %swap3A_958] {strides = array<i32>} : memref<128x128xf32, #tpu.memory_space<vmem>>, vector<16xf32>,
        tpu.vector_store %arg16[%swap3A_957, %swap3A_958], %mul3A_956 {strides = array<i32>} : memref<128x128xf32, #tpu.memory_space<vmem>>, vector<16xf32>,
        %mul3A_960 = arith.mulf %unpack3A_955, %gather3A : vector<16xf32>
        %swap3A_961 = arith.index_cast %add3A_948 : i32 to index
        %swap3A_962 = arith.constant 16 : index
        %swap3A_963 = tpu.vector_load %arg16[%swap3A_961, %swap3A_962] {strides = array<i32>} : memref<128x128xf32, #tpu.memory_space<vmem>>, vector<16xf32>,
        tpu.vector_store %arg16[%swap3A_961, %swap3A_962], %mul3A_960 {strides = array<i32>} : memref<128x128xf32, #tpu.memory_space<vmem>>, vector<16xf32>,
        %get3A_964 = arith.index_cast %add3A_948 : i32 to index
        %get3A_965 = arith.constant 32 : index
        %get3A_966 = tpu.vector_load %arg14[%get3A_964, %get3A_965] {strides = array<i32>} : memref<128x128xbf16, #tpu.memory_space<vmem>>, vector<32xbf16>,
        %unpack3A_967 = tpu.unpack_subelements %get3A_966, 0 {pack_format = #tpu.pack_format<interleaved>} : vector<32xbf16> -> vector<16xf32>
        %unpack3A_968 = tpu.unpack_subelements %get3A_966, 1 {pack_format = #tpu.pack_format<interleaved>} : vector<32xbf16> -> vector<16xf32>
        %mul3A_969 = arith.mulf %unpack3A_967, %gather3A : vector<16xf32>
        %swap3A_970 = arith.index_cast %add3A_948 : i32 to index
        %swap3A_971 = arith.constant 32 : index
        %swap3A_972 = tpu.vector_load %arg16[%swap3A_970, %swap3A_971] {strides = array<i32>} : memref<128x128xf32, #tpu.memory_space<vmem>>, vector<16xf32>,
        tpu.vector_store %arg16[%swap3A_970, %swap3A_971], %mul3A_969 {strides = array<i32>} : memref<128x128xf32, #tpu.memory_space<vmem>>, vector<16xf32>,
        %mul3A_973 = arith.mulf %unpack3A_968, %gather3A : vector<16xf32>
        %swap3A_974 = arith.index_cast %add3A_948 : i32 to index
        %swap3A_975 = arith.constant 48 : index
        %swap3A_976 = tpu.vector_load %arg16[%swap3A_974, %swap3A_975] {strides = array<i32>} : memref<128x128xf32, #tpu.memory_space<vmem>>, vector<16xf32>,
        tpu.vector_store %arg16[%swap3A_974, %swap3A_975], %mul3A_973 {strides = array<i32>} : memref<128x128xf32, #tpu.memory_space<vmem>>, vector<16xf32>,
        %get3A_977 = arith.index_cast %add3A_948 : i32 to index
        %get3A_978 = arith.constant 64 : index
        %get3A_979 = tpu.vector_load %arg14[%get3A_977, %get3A_978] {strides = array<i32>} : memref<128x128xbf16, #tpu.memory_space<vmem>>, vector<32xbf16>,
        %unpack3A_980 = tpu.unpack_subelements %get3A_979, 0 {pack_format = #tpu.pack_format<interleaved>} : vector<32xbf16> -> vector<16xf32>
        %unpack3A_981 = tpu.unpack_subelements %get3A_979, 1 {pack_format = #tpu.pack_format<interleaved>} : vector<32xbf16> -> vector<16xf32>
        %mul3A_982 = arith.mulf %unpack3A_980, %gather3A : vector<16xf32>
        %swap3A_983 = arith.index_cast %add3A_948 : i32 to index
        %swap3A_984 = arith.constant 64 : index
        %swap3A_985 = tpu.vector_load %arg16[%swap3A_983, %swap3A_984] {strides = array<i32>} : memref<128x128xf32, #tpu.memory_space<vmem>>, vector<16xf32>,
        tpu.vector_store %arg16[%swap3A_983, %swap3A_984], %mul3A_982 {strides = array<i32>} : memref<128x128xf32, #tpu.memory_space<vmem>>, vector<16xf32>,
        %mul3A_986 = arith.mulf %unpack3A_981, %gather3A : vector<16xf32>
        %swap3A_987 = arith.index_cast %add3A_948 : i32 to index
        %swap3A_988 = arith.constant 80 : index
        %swap3A_989 = tpu.vector_load %arg16[%swap3A_987, %swap3A_988] {strides = array<i32>} : memref<128x128xf32, #tpu.memory_space<vmem>>, vector<16xf32>,
        tpu.vector_store %arg16[%swap3A_987, %swap3A_988], %mul3A_986 {strides = array<i32>} : memref<128x128xf32, #tpu.memory_space<vmem>>, vector<16xf32>,
        %get3A_990 = arith.index_cast %add3A_948 : i32 to index
        %get3A_991 = arith.constant 96 : index
        %get3A_992 = tpu.vector_load %arg14[%get3A_990, %get3A_991] {strides = array<i32>} : memref<128x128xbf16, #tpu.memory_space<vmem>>, vector<32xbf16>,
        %unpack3A_993 = tpu.unpack_subelements %get3A_992, 0 {pack_format = #tpu.pack_format<interleaved>} : vector<32xbf16> -> vector<16xf32>
        %unpack3A_994 = tpu.unpack_subelements %get3A_992, 1 {pack_format = #tpu.pack_format<interleaved>} : vector<32xbf16> -> vector<16xf32>
        %mul3A_995 = arith.mulf %unpack3A_993, %gather3A : vector<16xf32>
        %swap3A_996 = arith.index_cast %add3A_948 : i32 to index
        %swap3A_997 = arith.constant 96 : index
        %swap3A_998 = tpu.vector_load %arg16[%swap3A_996, %swap3A_997] {strides = array<i32>} : memref<128x128xf32, #tpu.memory_space<vmem>>, vector<16xf32>,
        tpu.vector_store %arg16[%swap3A_996, %swap3A_997], %mul3A_995 {strides = array<i32>} : memref<128x128xf32, #tpu.memory_space<vmem>>, vector<16xf32>,
        %mul3A_999 = arith.mulf %unpack3A_994, %gather3A : vector<16xf32>
        %swap3A_1000 = arith.index_cast %add3A_948 : i32 to index
        %swap3A_1001 = arith.constant 112 : index
        %swap3A_1002 = tpu.vector_load %arg16[%swap3A_1000, %swap3A_1001] {strides = array<i32>} : memref<128x128xf32, #tpu.memory_space<vmem>>, vector<16xf32>,
        tpu.vector_store %arg16[%swap3A_1000, %swap3A_1001], %mul3A_999 {strides = array<i32>} : memref<128x128xf32, #tpu.memory_space<vmem>>, vector<16xf32>,
        %mul3A_1003 = arith.constant 2 : i32
        %mul3A_1004 = arith.muli %scan3A_944, %mul3A_1003 : i32
        %add3A_1005 = arith.constant 1 : i32
        %add3A_1006 = arith.addi %mul3A_1004, %add3A_1005 : i32
        %broadcast_in_dim3A_1007 = arith.constant 0 : i32
        %broadcast_in_dim3A_1008 = vector.broadcast %broadcast_in_dim3A_1007 : i32 to vector<16xi32>
        %broadcast_in_dim3A_1009 = vector.broadcast %add3A_1006 : i32 to vector<16xi32>
        %gather3A_1010 = tpu.vector_load_idx %arg12[%broadcast_in_dim3A_1008, %broadcast_in_dim3A_1009] : memref<4x128xf32, #tpu.memory_space<vmem>>[vector<16xi32>, vector<16xi32>], vector<16xf32>,
        %get3A_1011 = arith.index_cast %add3A_1006 : i32 to index
        %get3A_1012 = arith.constant 0 : index
        %get3A_1013 = tpu.vector_load %arg14[%get3A_1011, %get3A_1012] {strides = array<i32>} : memref<128x128xbf16, #tpu.memory_space<vmem>>, vector<32xbf16>,
        %unpack3A_1014 = tpu.unpack_subelements %get3A_1013, 0 {pack_format = #tpu.pack_format<interleaved>} : vector<32xbf16> -> vector<16xf32>
        %unpack3A_1015 = tpu.unpack_subelements %get3A_1013, 1 {pack_format = #tpu.pack_format<interleaved>} : vector<32xbf16> -> vector<16xf32>
        %mul3A_1016 = arith.mulf %unpack3A_1014, %gather3A_1010 : vector<16xf32>
        %swap3A_1017 = arith.index_cast %add3A_1006 : i32 to index
        %swap3A_1018 = arith.constant 0 : index
        %swap3A_1019 = tpu.vector_load %arg16[%swap3A_1017, %swap3A_1018] {strides = array<i32>} : memref<128x128xf32, #tpu.memory_space<vmem>>, vector<16xf32>,
        tpu.vector_store %arg16[%swap3A_1017, %swap3A_1018], %mul3A_1016 {strides = array<i32>} : memref<128x128xf32, #tpu.memory_space<vmem>>, vector<16xf32>,
        %mul3A_1020 = arith.mulf %unpack3A_1015, %gather3A_1010 : vector<16xf32>
        %swap3A_1021 = arith.index_cast %add3A_1006 : i32 to index
        %swap3A_1022 = arith.constant 16 : index
        %swap3A_1023 = tpu.vector_load %arg16[%swap3A_1021, %swap3A_1022] {strides = array<i32>} : memref<128x128xf32, #tpu.memory_space<vmem>>, vector<16xf32>,
        tpu.vector_store %arg16[%swap3A_1021, %swap3A_1022], %mul3A_1020 {strides = array<i32>} : memref<128x128xf32, #tpu.memory_space<vmem>>, vector<16xf32>,
        %get3A_1024 = arith.index_cast %add3A_1006 : i32 to index
        %get3A_1025 = arith.constant 32 : index
        %get3A_1026 = tpu.vector_load %arg14[%get3A_1024, %get3A_1025] {strides = array<i32>} : memref<128x128xbf16, #tpu.memory_space<vmem>>, vector<32xbf16>,
        %unpack3A_1027 = tpu.unpack_subelements %get3A_1026, 0 {pack_format = #tpu.pack_format<interleaved>} : vector<32xbf16> -> vector<16xf32>
        %unpack3A_1028 = tpu.unpack_subelements %get3A_1026, 1 {pack_format = #tpu.pack_format<interleaved>} : vector<32xbf16> -> vector<16xf32>
        %mul3A_1029 = arith.mulf %unpack3A_1027, %gather3A_1010 : vector<16xf32>
        %swap3A_1030 = arith.index_cast %add3A_1006 : i32 to index
        %swap3A_1031 = arith.constant 32 : index
        %swap3A_1032 = tpu.vector_load %arg16[%swap3A_1030, %swap3A_1031] {strides = array<i32>} : memref<128x128xf32, #tpu.memory_space<vmem>>, vector<16xf32>,
        tpu.vector_store %arg16[%swap3A_1030, %swap3A_1031], %mul3A_1029 {strides = array<i32>} : memref<128x128xf32, #tpu.memory_space<vmem>>, vector<16xf32>,
        %mul3A_1033 = arith.mulf %unpack3A_1028, %gather3A_1010 : vector<16xf32>
        %swap3A_1034 = arith.index_cast %add3A_1006 : i32 to index
        %swap3A_1035 = arith.constant 48 : index
        %swap3A_1036 = tpu.vector_load %arg16[%swap3A_1034, %swap3A_1035] {strides = array<i32>} : memref<128x128xf32, #tpu.memory_space<vmem>>, vector<16xf32>,
        tpu.vector_store %arg16[%swap3A_1034, %swap3A_1035], %mul3A_1033 {strides = array<i32>} : memref<128x128xf32, #tpu.memory_space<vmem>>, vector<16xf32>,
        %get3A_1037 = arith.index_cast %add3A_1006 : i32 to index
        %get3A_1038 = arith.constant 64 : index
        %get3A_1039 = tpu.vector_load %arg14[%get3A_1037, %get3A_1038] {strides = array<i32>} : memref<128x128xbf16, #tpu.memory_space<vmem>>, vector<32xbf16>,
        %unpack3A_1040 = tpu.unpack_subelements %get3A_1039, 0 {pack_format = #tpu.pack_format<interleaved>} : vector<32xbf16> -> vector<16xf32>
        %unpack3A_1041 = tpu.unpack_subelements %get3A_1039, 1 {pack_format = #tpu.pack_format<interleaved>} : vector<32xbf16> -> vector<16xf32>
        %mul3A_1042 = arith.mulf %unpack3A_1040, %gather3A_1010 : vector<16xf32>
        %swap3A_1043 = arith.index_cast %add3A_1006 : i32 to index
        %swap3A_1044 = arith.constant 64 : index
        %swap3A_1045 = tpu.vector_load %arg16[%swap3A_1043, %swap3A_1044] {strides = array<i32>} : memref<128x128xf32, #tpu.memory_space<vmem>>, vector<16xf32>,
        tpu.vector_store %arg16[%swap3A_1043, %swap3A_1044], %mul3A_1042 {strides = array<i32>} : memref<128x128xf32, #tpu.memory_space<vmem>>, vector<16xf32>,
        %mul3A_1046 = arith.mulf %unpack3A_1041, %gather3A_1010 : vector<16xf32>
        %swap3A_1047 = arith.index_cast %add3A_1006 : i32 to index
        %swap3A_1048 = arith.constant 80 : index
        %swap3A_1049 = tpu.vector_load %arg16[%swap3A_1047, %swap3A_1048] {strides = array<i32>} : memref<128x128xf32, #tpu.memory_space<vmem>>, vector<16xf32>,
        tpu.vector_store %arg16[%swap3A_1047, %swap3A_1048], %mul3A_1046 {strides = array<i32>} : memref<128x128xf32, #tpu.memory_space<vmem>>, vector<16xf32>,
        %get3A_1050 = arith.index_cast %add3A_1006 : i32 to index
        %get3A_1051 = arith.constant 96 : index
        %get3A_1052 = tpu.vector_load %arg14[%get3A_1050, %get3A_1051] {strides = array<i32>} : memref<128x128xbf16, #tpu.memory_space<vmem>>, vector<32xbf16>,
        %unpack3A_1053 = tpu.unpack_subelements %get3A_1052, 0 {pack_format = #tpu.pack_format<interleaved>} : vector<32xbf16> -> vector<16xf32>
        %unpack3A_1054 = tpu.unpack_subelements %get3A_1052, 1 {pack_format = #tpu.pack_format<interleaved>} : vector<32xbf16> -> vector<16xf32>
        %mul3A_1055 = arith.mulf %unpack3A_1053, %gather3A_1010 : vector<16xf32>
        %swap3A_1056 = arith.index_cast %add3A_1006 : i32 to index
        %swap3A_1057 = arith.constant 96 : index
        %swap3A_1058 = tpu.vector_load %arg16[%swap3A_1056, %swap3A_1057] {strides = array<i32>} : memref<128x128xf32, #tpu.memory_space<vmem>>, vector<16xf32>,
        tpu.vector_store %arg16[%swap3A_1056, %swap3A_1057], %mul3A_1055 {strides = array<i32>} : memref<128x128xf32, #tpu.memory_space<vmem>>, vector<16xf32>,
        %mul3A_1059 = arith.mulf %unpack3A_1054, %gather3A_1010 : vector<16xf32>
        %swap3A_1060 = arith.index_cast %add3A_1006 : i32 to index
        %swap3A_1061 = arith.constant 112 : index
        %swap3A_1062 = tpu.vector_load %arg16[%swap3A_1060, %swap3A_1061] {strides = array<i32>} : memref<128x128xf32, #tpu.memory_space<vmem>>, vector<16xf32>,
        tpu.vector_store %arg16[%swap3A_1060, %swap3A_1061], %mul3A_1059 {strides = array<i32>} : memref<128x128xf32, #tpu.memory_space<vmem>>, vector<16xf32>,
      }
      %scan3A_169 = arith.constant 64 : i32
      %dma_start3A_170 = arith.constant 0 : i32
      %dma_start3A_171 = arith.constant 0 : i32
      %dma_start3A_172 = tpu.memref_slice %arg17[%dma_start3A_170, %dma_start3A_171] : memref<2x128xi32, #tpu.memory_space<vmem>> -> memref<1x128xi32, #tpu.memory_space<vmem>>
      %dma_start3A_173 = tpu.memref_squeeze %dma_start3A_172 : memref<1x128xi32, #tpu.memory_space<vmem>> -> memref<128xi32, #tpu.memory_space<vmem>>
      %dma_start3A_174 = arith.constant 0 : i32
      %dma_start3A_175 = arith.constant 0 : i32
      %dma_start3A_176 = tpu.memref_slice %arg19[%dma_start3A_174, %dma_start3A_175] : memref<10240x128xf32, #tpu.memory_space<vmem_shared>> -> memref<10240x128xf32, #tpu.memory_space<vmem_shared>>
      tpu.enqueue_indirect_dma source(%arg16 : memref<128x128xf32, #tpu.memory_space<vmem>>) target(%dma_start3A_176 : memref<10240x128xf32, #tpu.memory_space<vmem_shared>>) offsets(%dma_start3A_173 : memref<128xi32, #tpu.memory_space<vmem>>) semaphore(%arg23 : memref<!tpu.dma_semaphore, #tpu.memory_space<semaphore_mem>>) {add = true}
      %dma_start3A_177 = arith.constant 0 : i32
      %dma_start3A_178 = arith.constant 0 : i32
      %dma_start3A_179 = tpu.memref_slice %arg17[%dma_start3A_177, %dma_start3A_178] : memref<2x128xi32, #tpu.memory_space<vmem>> -> memref<1x128xi32, #tpu.memory_space<vmem>>
      %dma_start3A_180 = tpu.memref_squeeze %dma_start3A_179 : memref<1x128xi32, #tpu.memory_space<vmem>> -> memref<128xi32, #tpu.memory_space<vmem>>
      %dma_start3A_181 = arith.constant 0 : i32
      %dma_start3A_182 = arith.constant 0 : i32
      %dma_start3A_183 = tpu.memref_slice %arg20[%dma_start3A_181, %dma_start3A_182] : memref<10240x16xf32, #tpu.memory_space<vmem_shared>> -> memref<10240x16xf32, #tpu.memory_space<vmem_shared>>
      tpu.enqueue_indirect_dma source(%arg18 : memref<128x16xf32, #tpu.memory_space<vmem>>) target(%dma_start3A_183 : memref<10240x16xf32, #tpu.memory_space<vmem_shared>>) offsets(%dma_start3A_180 : memref<128xi32, #tpu.memory_space<vmem>>) semaphore(%arg23 : memref<!tpu.dma_semaphore, #tpu.memory_space<semaphore_mem>>) {add = true}
      %mul3A_184 = arith.constant 4 : i32
      %mul3A_185 = arith.muli %add3A_75, %mul3A_184 : i32
      %add3A_186 = arith.constant 1 : i32
      %add3A_187 = arith.addi %mul3A_185, %add3A_186 : i32
      %add3A_188 = arith.constant 1 : i32
      %add3A_189 = arith.addi %add3A_187, %add3A_188 : i32
      %lt3A_190 = arith.constant 40 : i32
      %lt3A_191 = arith.cmpi slt, %add3A_189, %lt3A_190 : i32
      %convert_element_type3A_192 = arith.extui %lt3A_191 : i1 to i32
      %cond3A_193 = arith.constant 0 : i32
      %cond3A_194 = arith.cmpi ne, %convert_element_type3A_192, %cond3A_193 : i32
      scf.if %cond3A_194 {
        %dma_start3A_944 = arith.constant 2 : i32
        %dma_start3A_945 = arith.constant 0 : i32
        %dma_start3A_946 = tpu.memref_slice %arg8[%dma_start3A_944, %dma_start3A_945] : memref<4x128xi32, #tpu.memory_space<vmem>> -> memref<1x128xi32, #tpu.memory_space<vmem>>
        %dma_start3A_947 = tpu.memref_squeeze %dma_start3A_946 : memref<1x128xi32, #tpu.memory_space<vmem>> -> memref<128xi32, #tpu.memory_space<vmem>>
        %dma_start3A_948 = arith.constant 0 : i32
        %dma_start3A_949 = arith.constant 0 : i32
        %dma_start3A_950 = tpu.memref_slice %arg5[%dma_start3A_948, %dma_start3A_949] : memref<10000x128xbf16, #tpu.memory_space<hbm>> -> memref<10000x128xbf16, #tpu.memory_space<hbm>>
        tpu.enqueue_indirect_dma source(%dma_start3A_950 : memref<10000x128xbf16, #tpu.memory_space<hbm>>) target(%arg14 : memref<128x128xbf16, #tpu.memory_space<vmem>>) offsets(%dma_start3A_947 : memref<128xi32, #tpu.memory_space<vmem>>) semaphore(%arg21 : memref<!tpu.dma_semaphore, #tpu.memory_space<semaphore_mem>>)
      } else {
      }
      %dma_wait3A_195 = arith.constant 1 : i32
      %dma_wait3A_196 = arith.constant 0 : i32
      %dma_wait3A_197 = tpu.memref_slice %arg8[%dma_wait3A_195, %dma_wait3A_196] : memref<4x128xi32, #tpu.memory_space<vmem>> -> memref<1x128xi32, #tpu.memory_space<vmem>>
      %dma_wait3A_198 = tpu.memref_squeeze %dma_wait3A_197 : memref<1x128xi32, #tpu.memory_space<vmem>> -> memref<128xi32, #tpu.memory_space<vmem>>
      %dma_wait3A_199 = arith.constant 0 : i32
      %dma_wait3A_200 = arith.constant 0 : i32
      %dma_wait3A_201 = tpu.memref_slice %arg5[%dma_wait3A_199, %dma_wait3A_200] : memref<10000x128xbf16, #tpu.memory_space<hbm>> -> memref<10000x128xbf16, #tpu.memory_space<hbm>>
      tpu.wait_indirect_dma semaphore(%arg22 : memref<!tpu.dma_semaphore, #tpu.memory_space<semaphore_mem>>) src(%dma_wait3A_201 : memref<10000x128xbf16, #tpu.memory_space<hbm>>) dst(%arg15 : memref<128x128xbf16, #tpu.memory_space<vmem>>)
      %ge3A_202 = arith.constant 1 : i32
      %ge3A_203 = arith.cmpi sge, %add3A_187, %ge3A_202 : i32
      %convert_element_type3A_204 = arith.extui %ge3A_203 : i1 to i32
      %cond3A_205 = arith.constant 0 : i32
      %cond3A_206 = arith.cmpi ne, %convert_element_type3A_204, %cond3A_205 : i32
      scf.if %cond3A_206 {
        %dma_wait3A_944 = arith.constant 0 : i32
        %dma_wait3A_945 = arith.constant 0 : i32
        %dma_wait3A_946 = tpu.memref_slice %arg17[%dma_wait3A_944, %dma_wait3A_945] : memref<2x128xi32, #tpu.memory_space<vmem>> -> memref<1x128xi32, #tpu.memory_space<vmem>>
        %dma_wait3A_947 = tpu.memref_squeeze %dma_wait3A_946 : memref<1x128xi32, #tpu.memory_space<vmem>> -> memref<128xi32, #tpu.memory_space<vmem>>
        %dma_wait3A_948 = arith.constant 0 : i32
        %dma_wait3A_949 = arith.constant 0 : i32
        %dma_wait3A_950 = tpu.memref_slice %arg19[%dma_wait3A_948, %dma_wait3A_949] : memref<10240x128xf32, #tpu.memory_space<vmem_shared>> -> memref<10240x128xf32, #tpu.memory_space<vmem_shared>>
        tpu.wait_indirect_dma semaphore(%arg23 : memref<!tpu.dma_semaphore, #tpu.memory_space<semaphore_mem>>) src(%arg16 : memref<128x128xf32, #tpu.memory_space<vmem>>) dst(%dma_wait3A_950 : memref<10240x128xf32, #tpu.memory_space<vmem_shared>>)
        %dma_wait3A_951 = arith.constant 0 : i32
        %dma_wait3A_952 = arith.constant 0 : i32
        %dma_wait3A_953 = tpu.memref_slice %arg17[%dma_wait3A_951, %dma_wait3A_952] : memref<2x128xi32, #tpu.memory_space<vmem>> -> memref<1x128xi32, #tpu.memory_space<vmem>>
        %dma_wait3A_954 = tpu.memref_squeeze %dma_wait3A_953 : memref<1x128xi32, #tpu.memory_space<vmem>> -> memref<128xi32, #tpu.memory_space<vmem>>
        %dma_wait3A_955 = arith.constant 0 : i32
        %dma_wait3A_956 = arith.constant 0 : i32
        %dma_wait3A_957 = tpu.memref_slice %arg20[%dma_wait3A_955, %dma_wait3A_956] : memref<10240x16xf32, #tpu.memory_space<vmem_shared>> -> memref<10240x16xf32, #tpu.memory_space<vmem_shared>>
        tpu.wait_indirect_dma semaphore(%arg23 : memref<!tpu.dma_semaphore, #tpu.memory_space<semaphore_mem>>) src(%arg18 : memref<128x16xf32, #tpu.memory_space<vmem>>) dst(%dma_wait3A_957 : memref<10240x16xf32, #tpu.memory_space<vmem_shared>>)
      } else {
      }
      %get3A_207 = arith.constant 1 : i32
      %get3A_208 = arith.index_cast %get3A_207 : i32 to index
      %get3A_209 = arith.constant 0 : index
      %get3A_210 = tpu.vector_load %arg10[%get3A_208, %get3A_209] {strides = array<i32>} : memref<4x128xi32, #tpu.memory_space<vmem>>, vector<16xi32>,
      %swap3A_211 = arith.constant 1 : i32
      %swap3A_212 = arith.index_cast %swap3A_211 : i32 to index
      %swap3A_213 = arith.constant 0 : index
      %swap3A_214 = tpu.vector_load %arg17[%swap3A_212, %swap3A_213] {strides = array<i32>} : memref<2x128xi32, #tpu.memory_space<vmem>>, vector<16xi32>,
      tpu.vector_store %arg17[%swap3A_212, %swap3A_213], %get3A_210 {strides = array<i32>} : memref<2x128xi32, #tpu.memory_space<vmem>>, vector<16xi32>,
      %get3A_215 = arith.constant 1 : i32
      %get3A_216 = arith.index_cast %get3A_215 : i32 to index
      %get3A_217 = arith.constant 16 : index
      %get3A_218 = tpu.vector_load %arg10[%get3A_216, %get3A_217] {strides = array<i32>} : memref<4x128xi32, #tpu.memory_space<vmem>>, vector<16xi32>,
      %swap3A_219 = arith.constant 1 : i32
      %swap3A_220 = arith.index_cast %swap3A_219 : i32 to index
      %swap3A_221 = arith.constant 16 : index
      %swap3A_222 = tpu.vector_load %arg17[%swap3A_220, %swap3A_221] {strides = array<i32>} : memref<2x128xi32, #tpu.memory_space<vmem>>, vector<16xi32>,
      tpu.vector_store %arg17[%swap3A_220, %swap3A_221], %get3A_218 {strides = array<i32>} : memref<2x128xi32, #tpu.memory_space<vmem>>, vector<16xi32>,
      %get3A_223 = arith.constant 1 : i32
      %get3A_224 = arith.index_cast %get3A_223 : i32 to index
      %get3A_225 = arith.constant 32 : index
      %get3A_226 = tpu.vector_load %arg10[%get3A_224, %get3A_225] {strides = array<i32>} : memref<4x128xi32, #tpu.memory_space<vmem>>, vector<16xi32>,
      %swap3A_227 = arith.constant 1 : i32
      %swap3A_228 = arith.index_cast %swap3A_227 : i32 to index
      %swap3A_229 = arith.constant 32 : index
      %swap3A_230 = tpu.vector_load %arg17[%swap3A_228, %swap3A_229] {strides = array<i32>} : memref<2x128xi32, #tpu.memory_space<vmem>>, vector<16xi32>,
      tpu.vector_store %arg17[%swap3A_228, %swap3A_229], %get3A_226 {strides = array<i32>} : memref<2x128xi32, #tpu.memory_space<vmem>>, vector<16xi32>,
      %get3A_231 = arith.constant 1 : i32
      %get3A_232 = arith.index_cast %get3A_231 : i32 to index
      %get3A_233 = arith.constant 48 : index
      %get3A_234 = tpu.vector_load %arg10[%get3A_232, %get3A_233] {strides = array<i32>} : memref<4x128xi32, #tpu.memory_space<vmem>>, vector<16xi32>,
      %swap3A_235 = arith.constant 1 : i32
      %swap3A_236 = arith.index_cast %swap3A_235 : i32 to index
      %swap3A_237 = arith.constant 48 : index
      %swap3A_238 = tpu.vector_load %arg17[%swap3A_236, %swap3A_237] {strides = array<i32>} : memref<2x128xi32, #tpu.memory_space<vmem>>, vector<16xi32>,
      tpu.vector_store %arg17[%swap3A_236, %swap3A_237], %get3A_234 {strides = array<i32>} : memref<2x128xi32, #tpu.memory_space<vmem>>, vector<16xi32>,
      %get3A_239 = arith.constant 1 : i32
      %get3A_240 = arith.index_cast %get3A_239 : i32 to index
      %get3A_241 = arith.constant 64 : index
      %get3A_242 = tpu.vector_load %arg10[%get3A_240, %get3A_241] {strides = array<i32>} : memref<4x128xi32, #tpu.memory_space<vmem>>, vector<16xi32>,
      %swap3A_243 = arith.constant 1 : i32
      %swap3A_244 = arith.index_cast %swap3A_243 : i32 to index
      %swap3A_245 = arith.constant 64 : index
      %swap3A_246 = tpu.vector_load %arg17[%swap3A_244, %swap3A_245] {strides = array<i32>} : memref<2x128xi32, #tpu.memory_space<vmem>>, vector<16xi32>,
      tpu.vector_store %arg17[%swap3A_244, %swap3A_245], %get3A_242 {strides = array<i32>} : memref<2x128xi32, #tpu.memory_space<vmem>>, vector<16xi32>,
      %get3A_247 = arith.constant 1 : i32
      %get3A_248 = arith.index_cast %get3A_247 : i32 to index
      %get3A_249 = arith.constant 80 : index
      %get3A_250 = tpu.vector_load %arg10[%get3A_248, %get3A_249] {strides = array<i32>} : memref<4x128xi32, #tpu.memory_space<vmem>>, vector<16xi32>,
      %swap3A_251 = arith.constant 1 : i32
      %swap3A_252 = arith.index_cast %swap3A_251 : i32 to index
      %swap3A_253 = arith.constant 80 : index
      %swap3A_254 = tpu.vector_load %arg17[%swap3A_252, %swap3A_253] {strides = array<i32>} : memref<2x128xi32, #tpu.memory_space<vmem>>, vector<16xi32>,
      tpu.vector_store %arg17[%swap3A_252, %swap3A_253], %get3A_250 {strides = array<i32>} : memref<2x128xi32, #tpu.memory_space<vmem>>, vector<16xi32>,
      %get3A_255 = arith.constant 1 : i32
      %get3A_256 = arith.index_cast %get3A_255 : i32 to index
      %get3A_257 = arith.constant 96 : index
      %get3A_258 = tpu.vector_load %arg10[%get3A_256, %get3A_257] {strides = array<i32>} : memref<4x128xi32, #tpu.memory_space<vmem>>, vector<16xi32>,
      %swap3A_259 = arith.constant 1 : i32
      %swap3A_260 = arith.index_cast %swap3A_259 : i32 to index
      %swap3A_261 = arith.constant 96 : index
      %swap3A_262 = tpu.vector_load %arg17[%swap3A_260, %swap3A_261] {strides = array<i32>} : memref<2x128xi32, #tpu.memory_space<vmem>>, vector<16xi32>,
      tpu.vector_store %arg17[%swap3A_260, %swap3A_261], %get3A_258 {strides = array<i32>} : memref<2x128xi32, #tpu.memory_space<vmem>>, vector<16xi32>,
      %get3A_263 = arith.constant 1 : i32
      %get3A_264 = arith.index_cast %get3A_263 : i32 to index
      %get3A_265 = arith.constant 112 : index
      %get3A_266 = tpu.vector_load %arg10[%get3A_264, %get3A_265] {strides = array<i32>} : memref<4x128xi32, #tpu.memory_space<vmem>>, vector<16xi32>,
      %swap3A_267 = arith.constant 1 : i32
      %swap3A_268 = arith.index_cast %swap3A_267 : i32 to index
      %swap3A_269 = arith.constant 112 : index
      %swap3A_270 = tpu.vector_load %arg17[%swap3A_268, %swap3A_269] {strides = array<i32>} : memref<2x128xi32, #tpu.memory_space<vmem>>, vector<16xi32>,
      tpu.vector_store %arg17[%swap3A_268, %swap3A_269], %get3A_266 {strides = array<i32>} : memref<2x128xi32, #tpu.memory_space<vmem>>, vector<16xi32>,
      %scan3A_271 = arith.constant 0 : i32
      %scan3A_272 = arith.constant 0 : i32
      %scan3A_273 = arith.constant 64 : i32
      %scan3A_274 = arith.addi %scan3A_272, %scan3A_273 : i32
      %scan3A_275 = arith.constant 1 : i32
      scf.for %scan3A_944 = %scan3A_272 to %scan3A_274 step %scan3A_275  : i32 {
        %mul3A_945 = arith.constant 2 : i32
        %mul3A_946 = arith.muli %scan3A_944, %mul3A_945 : i32
        %add3A_947 = arith.constant 0 : i32
        %add3A_948 = arith.addi %mul3A_946, %add3A_947 : i32
        %broadcast_in_dim3A_949 = arith.constant 1 : i32
        %broadcast_in_dim3A_950 = vector.broadcast %broadcast_in_dim3A_949 : i32 to vector<16xi32>
        %broadcast_in_dim3A_951 = vector.broadcast %add3A_948 : i32 to vector<16xi32>
        %gather3A = tpu.vector_load_idx %arg12[%broadcast_in_dim3A_950, %broadcast_in_dim3A_951] : memref<4x128xf32, #tpu.memory_space<vmem>>[vector<16xi32>, vector<16xi32>], vector<16xf32>,
        %get3A_952 = arith.index_cast %add3A_948 : i32 to index
        %get3A_953 = arith.constant 0 : index
        %get3A_954 = tpu.vector_load %arg15[%get3A_952, %get3A_953] {strides = array<i32>} : memref<128x128xbf16, #tpu.memory_space<vmem>>, vector<32xbf16>,
        %unpack3A = tpu.unpack_subelements %get3A_954, 0 {pack_format = #tpu.pack_format<interleaved>} : vector<32xbf16> -> vector<16xf32>
        %unpack3A_955 = tpu.unpack_subelements %get3A_954, 1 {pack_format = #tpu.pack_format<interleaved>} : vector<32xbf16> -> vector<16xf32>
        %mul3A_956 = arith.mulf %unpack3A, %gather3A : vector<16xf32>
        %swap3A_957 = arith.index_cast %add3A_948 : i32 to index
        %swap3A_958 = arith.constant 0 : index
        %swap3A_959 = tpu.vector_load %arg16[%swap3A_957, %swap3A_958] {strides = array<i32>} : memref<128x128xf32, #tpu.memory_space<vmem>>, vector<16xf32>,
        tpu.vector_store %arg16[%swap3A_957, %swap3A_958], %mul3A_956 {strides = array<i32>} : memref<128x128xf32, #tpu.memory_space<vmem>>, vector<16xf32>,
        %mul3A_960 = arith.mulf %unpack3A_955, %gather3A : vector<16xf32>
        %swap3A_961 = arith.index_cast %add3A_948 : i32 to index
        %swap3A_962 = arith.constant 16 : index
        %swap3A_963 = tpu.vector_load %arg16[%swap3A_961, %swap3A_962] {strides = array<i32>} : memref<128x128xf32, #tpu.memory_space<vmem>>, vector<16xf32>,
        tpu.vector_store %arg16[%swap3A_961, %swap3A_962], %mul3A_960 {strides = array<i32>} : memref<128x128xf32, #tpu.memory_space<vmem>>, vector<16xf32>,
        %get3A_964 = arith.index_cast %add3A_948 : i32 to index
        %get3A_965 = arith.constant 32 : index
        %get3A_966 = tpu.vector_load %arg15[%get3A_964, %get3A_965] {strides = array<i32>} : memref<128x128xbf16, #tpu.memory_space<vmem>>, vector<32xbf16>,
        %unpack3A_967 = tpu.unpack_subelements %get3A_966, 0 {pack_format = #tpu.pack_format<interleaved>} : vector<32xbf16> -> vector<16xf32>
        %unpack3A_968 = tpu.unpack_subelements %get3A_966, 1 {pack_format = #tpu.pack_format<interleaved>} : vector<32xbf16> -> vector<16xf32>
        %mul3A_969 = arith.mulf %unpack3A_967, %gather3A : vector<16xf32>
        %swap3A_970 = arith.index_cast %add3A_948 : i32 to index
        %swap3A_971 = arith.constant 32 : index
        %swap3A_972 = tpu.vector_load %arg16[%swap3A_970, %swap3A_971] {strides = array<i32>} : memref<128x128xf32, #tpu.memory_space<vmem>>, vector<16xf32>,
        tpu.vector_store %arg16[%swap3A_970, %swap3A_971], %mul3A_969 {strides = array<i32>} : memref<128x128xf32, #tpu.memory_space<vmem>>, vector<16xf32>,
        %mul3A_973 = arith.mulf %unpack3A_968, %gather3A : vector<16xf32>
        %swap3A_974 = arith.index_cast %add3A_948 : i32 to index
        %swap3A_975 = arith.constant 48 : index
        %swap3A_976 = tpu.vector_load %arg16[%swap3A_974, %swap3A_975] {strides = array<i32>} : memref<128x128xf32, #tpu.memory_space<vmem>>, vector<16xf32>,
        tpu.vector_store %arg16[%swap3A_974, %swap3A_975], %mul3A_973 {strides = array<i32>} : memref<128x128xf32, #tpu.memory_space<vmem>>, vector<16xf32>,
        %get3A_977 = arith.index_cast %add3A_948 : i32 to index
        %get3A_978 = arith.constant 64 : index
        %get3A_979 = tpu.vector_load %arg15[%get3A_977, %get3A_978] {strides = array<i32>} : memref<128x128xbf16, #tpu.memory_space<vmem>>, vector<32xbf16>,
        %unpack3A_980 = tpu.unpack_subelements %get3A_979, 0 {pack_format = #tpu.pack_format<interleaved>} : vector<32xbf16> -> vector<16xf32>
        %unpack3A_981 = tpu.unpack_subelements %get3A_979, 1 {pack_format = #tpu.pack_format<interleaved>} : vector<32xbf16> -> vector<16xf32>
        %mul3A_982 = arith.mulf %unpack3A_980, %gather3A : vector<16xf32>
        %swap3A_983 = arith.index_cast %add3A_948 : i32 to index
        %swap3A_984 = arith.constant 64 : index
        %swap3A_985 = tpu.vector_load %arg16[%swap3A_983, %swap3A_984] {strides = array<i32>} : memref<128x128xf32, #tpu.memory_space<vmem>>, vector<16xf32>,
        tpu.vector_store %arg16[%swap3A_983, %swap3A_984], %mul3A_982 {strides = array<i32>} : memref<128x128xf32, #tpu.memory_space<vmem>>, vector<16xf32>,
        %mul3A_986 = arith.mulf %unpack3A_981, %gather3A : vector<16xf32>
        %swap3A_987 = arith.index_cast %add3A_948 : i32 to index
        %swap3A_988 = arith.constant 80 : index
        %swap3A_989 = tpu.vector_load %arg16[%swap3A_987, %swap3A_988] {strides = array<i32>} : memref<128x128xf32, #tpu.memory_space<vmem>>, vector<16xf32>,
        tpu.vector_store %arg16[%swap3A_987, %swap3A_988], %mul3A_986 {strides = array<i32>} : memref<128x128xf32, #tpu.memory_space<vmem>>, vector<16xf32>,
        %get3A_990 = arith.index_cast %add3A_948 : i32 to index
        %get3A_991 = arith.constant 96 : index
        %get3A_992 = tpu.vector_load %arg15[%get3A_990, %get3A_991] {strides = array<i32>} : memref<128x128xbf16, #tpu.memory_space<vmem>>, vector<32xbf16>,
        %unpack3A_993 = tpu.unpack_subelements %get3A_992, 0 {pack_format = #tpu.pack_format<interleaved>} : vector<32xbf16> -> vector<16xf32>
        %unpack3A_994 = tpu.unpack_subelements %get3A_992, 1 {pack_format = #tpu.pack_format<interleaved>} : vector<32xbf16> -> vector<16xf32>
        %mul3A_995 = arith.mulf %unpack3A_993, %gather3A : vector<16xf32>
        %swap3A_996 = arith.index_cast %add3A_948 : i32 to index
        %swap3A_997 = arith.constant 96 : index
        %swap3A_998 = tpu.vector_load %arg16[%swap3A_996, %swap3A_997] {strides = array<i32>} : memref<128x128xf32, #tpu.memory_space<vmem>>, vector<16xf32>,
        tpu.vector_store %arg16[%swap3A_996, %swap3A_997], %mul3A_995 {strides = array<i32>} : memref<128x128xf32, #tpu.memory_space<vmem>>, vector<16xf32>,
        %mul3A_999 = arith.mulf %unpack3A_994, %gather3A : vector<16xf32>
        %swap3A_1000 = arith.index_cast %add3A_948 : i32 to index
        %swap3A_1001 = arith.constant 112 : index
        %swap3A_1002 = tpu.vector_load %arg16[%swap3A_1000, %swap3A_1001] {strides = array<i32>} : memref<128x128xf32, #tpu.memory_space<vmem>>, vector<16xf32>,
        tpu.vector_store %arg16[%swap3A_1000, %swap3A_1001], %mul3A_999 {strides = array<i32>} : memref<128x128xf32, #tpu.memory_space<vmem>>, vector<16xf32>,
        %mul3A_1003 = arith.constant 2 : i32
        %mul3A_1004 = arith.muli %scan3A_944, %mul3A_1003 : i32
        %add3A_1005 = arith.constant 1 : i32
        %add3A_1006 = arith.addi %mul3A_1004, %add3A_1005 : i32
        %broadcast_in_dim3A_1007 = arith.constant 1 : i32
        %broadcast_in_dim3A_1008 = vector.broadcast %broadcast_in_dim3A_1007 : i32 to vector<16xi32>
        %broadcast_in_dim3A_1009 = vector.broadcast %add3A_1006 : i32 to vector<16xi32>
        %gather3A_1010 = tpu.vector_load_idx %arg12[%broadcast_in_dim3A_1008, %broadcast_in_dim3A_1009] : memref<4x128xf32, #tpu.memory_space<vmem>>[vector<16xi32>, vector<16xi32>], vector<16xf32>,
        %get3A_1011 = arith.index_cast %add3A_1006 : i32 to index
        %get3A_1012 = arith.constant 0 : index
        %get3A_1013 = tpu.vector_load %arg15[%get3A_1011, %get3A_1012] {strides = array<i32>} : memref<128x128xbf16, #tpu.memory_space<vmem>>, vector<32xbf16>,
        %unpack3A_1014 = tpu.unpack_subelements %get3A_1013, 0 {pack_format = #tpu.pack_format<interleaved>} : vector<32xbf16> -> vector<16xf32>
        %unpack3A_1015 = tpu.unpack_subelements %get3A_1013, 1 {pack_format = #tpu.pack_format<interleaved>} : vector<32xbf16> -> vector<16xf32>
        %mul3A_1016 = arith.mulf %unpack3A_1014, %gather3A_1010 : vector<16xf32>
        %swap3A_1017 = arith.index_cast %add3A_1006 : i32 to index
        %swap3A_1018 = arith.constant 0 : index
        %swap3A_1019 = tpu.vector_load %arg16[%swap3A_1017, %swap3A_1018] {strides = array<i32>} : memref<128x128xf32, #tpu.memory_space<vmem>>, vector<16xf32>,
        tpu.vector_store %arg16[%swap3A_1017, %swap3A_1018], %mul3A_1016 {strides = array<i32>} : memref<128x128xf32, #tpu.memory_space<vmem>>, vector<16xf32>,
        %mul3A_1020 = arith.mulf %unpack3A_1015, %gather3A_1010 : vector<16xf32>
        %swap3A_1021 = arith.index_cast %add3A_1006 : i32 to index
        %swap3A_1022 = arith.constant 16 : index
        %swap3A_1023 = tpu.vector_load %arg16[%swap3A_1021, %swap3A_1022] {strides = array<i32>} : memref<128x128xf32, #tpu.memory_space<vmem>>, vector<16xf32>,
        tpu.vector_store %arg16[%swap3A_1021, %swap3A_1022], %mul3A_1020 {strides = array<i32>} : memref<128x128xf32, #tpu.memory_space<vmem>>, vector<16xf32>,
        %get3A_1024 = arith.index_cast %add3A_1006 : i32 to index
        %get3A_1025 = arith.constant 32 : index
        %get3A_1026 = tpu.vector_load %arg15[%get3A_1024, %get3A_1025] {strides = array<i32>} : memref<128x128xbf16, #tpu.memory_space<vmem>>, vector<32xbf16>,
        %unpack3A_1027 = tpu.unpack_subelements %get3A_1026, 0 {pack_format = #tpu.pack_format<interleaved>} : vector<32xbf16> -> vector<16xf32>
        %unpack3A_1028 = tpu.unpack_subelements %get3A_1026, 1 {pack_format = #tpu.pack_format<interleaved>} : vector<32xbf16> -> vector<16xf32>
        %mul3A_1029 = arith.mulf %unpack3A_1027, %gather3A_1010 : vector<16xf32>
        %swap3A_1030 = arith.index_cast %add3A_1006 : i32 to index
        %swap3A_1031 = arith.constant 32 : index
        %swap3A_1032 = tpu.vector_load %arg16[%swap3A_1030, %swap3A_1031] {strides = array<i32>} : memref<128x128xf32, #tpu.memory_space<vmem>>, vector<16xf32>,
        tpu.vector_store %arg16[%swap3A_1030, %swap3A_1031], %mul3A_1029 {strides = array<i32>} : memref<128x128xf32, #tpu.memory_space<vmem>>, vector<16xf32>,
        %mul3A_1033 = arith.mulf %unpack3A_1028, %gather3A_1010 : vector<16xf32>
        %swap3A_1034 = arith.index_cast %add3A_1006 : i32 to index
        %swap3A_1035 = arith.constant 48 : index
        %swap3A_1036 = tpu.vector_load %arg16[%swap3A_1034, %swap3A_1035] {strides = array<i32>} : memref<128x128xf32, #tpu.memory_space<vmem>>, vector<16xf32>,
        tpu.vector_store %arg16[%swap3A_1034, %swap3A_1035], %mul3A_1033 {strides = array<i32>} : memref<128x128xf32, #tpu.memory_space<vmem>>, vector<16xf32>,
        %get3A_1037 = arith.index_cast %add3A_1006 : i32 to index
        %get3A_1038 = arith.constant 64 : index
        %get3A_1039 = tpu.vector_load %arg15[%get3A_1037, %get3A_1038] {strides = array<i32>} : memref<128x128xbf16, #tpu.memory_space<vmem>>, vector<32xbf16>,
        %unpack3A_1040 = tpu.unpack_subelements %get3A_1039, 0 {pack_format = #tpu.pack_format<interleaved>} : vector<32xbf16> -> vector<16xf32>
        %unpack3A_1041 = tpu.unpack_subelements %get3A_1039, 1 {pack_format = #tpu.pack_format<interleaved>} : vector<32xbf16> -> vector<16xf32>
        %mul3A_1042 = arith.mulf %unpack3A_1040, %gather3A_1010 : vector<16xf32>
        %swap3A_1043 = arith.index_cast %add3A_1006 : i32 to index
        %swap3A_1044 = arith.constant 64 : index
        %swap3A_1045 = tpu.vector_load %arg16[%swap3A_1043, %swap3A_1044] {strides = array<i32>} : memref<128x128xf32, #tpu.memory_space<vmem>>, vector<16xf32>,
        tpu.vector_store %arg16[%swap3A_1043, %swap3A_1044], %mul3A_1042 {strides = array<i32>} : memref<128x128xf32, #tpu.memory_space<vmem>>, vector<16xf32>,
        %mul3A_1046 = arith.mulf %unpack3A_1041, %gather3A_1010 : vector<16xf32>
        %swap3A_1047 = arith.index_cast %add3A_1006 : i32 to index
        %swap3A_1048 = arith.constant 80 : index
        %swap3A_1049 = tpu.vector_load %arg16[%swap3A_1047, %swap3A_1048] {strides = array<i32>} : memref<128x128xf32, #tpu.memory_space<vmem>>, vector<16xf32>,
        tpu.vector_store %arg16[%swap3A_1047, %swap3A_1048], %mul3A_1046 {strides = array<i32>} : memref<128x128xf32, #tpu.memory_space<vmem>>, vector<16xf32>,
        %get3A_1050 = arith.index_cast %add3A_1006 : i32 to index
        %get3A_1051 = arith.constant 96 : index
        %get3A_1052 = tpu.vector_load %arg15[%get3A_1050, %get3A_1051] {strides = array<i32>} : memref<128x128xbf16, #tpu.memory_space<vmem>>, vector<32xbf16>,
        %unpack3A_1053 = tpu.unpack_subelements %get3A_1052, 0 {pack_format = #tpu.pack_format<interleaved>} : vector<32xbf16> -> vector<16xf32>
        %unpack3A_1054 = tpu.unpack_subelements %get3A_1052, 1 {pack_format = #tpu.pack_format<interleaved>} : vector<32xbf16> -> vector<16xf32>
        %mul3A_1055 = arith.mulf %unpack3A_1053, %gather3A_1010 : vector<16xf32>
        %swap3A_1056 = arith.index_cast %add3A_1006 : i32 to index
        %swap3A_1057 = arith.constant 96 : index
        %swap3A_1058 = tpu.vector_load %arg16[%swap3A_1056, %swap3A_1057] {strides = array<i32>} : memref<128x128xf32, #tpu.memory_space<vmem>>, vector<16xf32>,
        tpu.vector_store %arg16[%swap3A_1056, %swap3A_1057], %mul3A_1055 {strides = array<i32>} : memref<128x128xf32, #tpu.memory_space<vmem>>, vector<16xf32>,
        %mul3A_1059 = arith.mulf %unpack3A_1054, %gather3A_1010 : vector<16xf32>
        %swap3A_1060 = arith.index_cast %add3A_1006 : i32 to index
        %swap3A_1061 = arith.constant 112 : index
        %swap3A_1062 = tpu.vector_load %arg16[%swap3A_1060, %swap3A_1061] {strides = array<i32>} : memref<128x128xf32, #tpu.memory_space<vmem>>, vector<16xf32>,
        tpu.vector_store %arg16[%swap3A_1060, %swap3A_1061], %mul3A_1059 {strides = array<i32>} : memref<128x128xf32, #tpu.memory_space<vmem>>, vector<16xf32>,
      }
      %scan3A_276 = arith.constant 64 : i32
      %dma_start3A_277 = arith.constant 1 : i32
      %dma_start3A_278 = arith.constant 0 : i32
      %dma_start3A_279 = tpu.memref_slice %arg17[%dma_start3A_277, %dma_start3A_278] : memref<2x128xi32, #tpu.memory_space<vmem>> -> memref<1x128xi32, #tpu.memory_space<vmem>>
      %dma_start3A_280 = tpu.memref_squeeze %dma_start3A_279 : memref<1x128xi32, #tpu.memory_space<vmem>> -> memref<128xi32, #tpu.memory_space<vmem>>
      %dma_start3A_281 = arith.constant 0 : i32
      %dma_start3A_282 = arith.constant 0 : i32
      %dma_start3A_283 = tpu.memref_slice %arg19[%dma_start3A_281, %dma_start3A_282] : memref<10240x128xf32, #tpu.memory_space<vmem_shared>> -> memref<10240x128xf32, #tpu.memory_space<vmem_shared>>
      tpu.enqueue_indirect_dma source(%arg16 : memref<128x128xf32, #tpu.memory_space<vmem>>) target(%dma_start3A_283 : memref<10240x128xf32, #tpu.memory_space<vmem_shared>>) offsets(%dma_start3A_280 : memref<128xi32, #tpu.memory_space<vmem>>) semaphore(%arg23 : memref<!tpu.dma_semaphore, #tpu.memory_space<semaphore_mem>>) {add = true}
      %dma_start3A_284 = arith.constant 1 : i32
      %dma_start3A_285 = arith.constant 0 : i32
      %dma_start3A_286 = tpu.memref_slice %arg17[%dma_start3A_284, %dma_start3A_285] : memref<2x128xi32, #tpu.memory_space<vmem>> -> memref<1x128xi32, #tpu.memory_space<vmem>>
      %dma_start3A_287 = tpu.memref_squeeze %dma_start3A_286 : memref<1x128xi32, #tpu.memory_space<vmem>> -> memref<128xi32, #tpu.memory_space<vmem>>
      %dma_start3A_288 = arith.constant 0 : i32
      %dma_start3A_289 = arith.constant 0 : i32
      %dma_start3A_290 = tpu.memref_slice %arg20[%dma_start3A_288, %dma_start3A_289] : memref<10240x16xf32, #tpu.memory_space<vmem_shared>> -> memref<10240x16xf32, #tpu.memory_space<vmem_shared>>
      tpu.enqueue_indirect_dma source(%arg18 : memref<128x16xf32, #tpu.memory_space<vmem>>) target(%dma_start3A_290 : memref<10240x16xf32, #tpu.memory_space<vmem_shared>>) offsets(%dma_start3A_287 : memref<128xi32, #tpu.memory_space<vmem>>) semaphore(%arg23 : memref<!tpu.dma_semaphore, #tpu.memory_space<semaphore_mem>>) {add = true}
      %mul3A_291 = arith.constant 4 : i32
      %mul3A_292 = arith.muli %add3A_75, %mul3A_291 : i32
      %add3A_293 = arith.constant 2 : i32
      %add3A_294 = arith.addi %mul3A_292, %add3A_293 : i32
      %add3A_295 = arith.constant 1 : i32
      %add3A_296 = arith.addi %add3A_294, %add3A_295 : i32
      %lt3A_297 = arith.constant 40 : i32
      %lt3A_298 = arith.cmpi slt, %add3A_296, %lt3A_297 : i32
      %convert_element_type3A_299 = arith.extui %lt3A_298 : i1 to i32
      %cond3A_300 = arith.constant 0 : i32
      %cond3A_301 = arith.cmpi ne, %convert_element_type3A_299, %cond3A_300 : i32
      scf.if %cond3A_301 {
        %dma_start3A_944 = arith.constant 3 : i32
        %dma_start3A_945 = arith.constant 0 : i32
        %dma_start3A_946 = tpu.memref_slice %arg8[%dma_start3A_944, %dma_start3A_945] : memref<4x128xi32, #tpu.memory_space<vmem>> -> memref<1x128xi32, #tpu.memory_space<vmem>>
        %dma_start3A_947 = tpu.memref_squeeze %dma_start3A_946 : memref<1x128xi32, #tpu.memory_space<vmem>> -> memref<128xi32, #tpu.memory_space<vmem>>
        %dma_start3A_948 = arith.constant 0 : i32
        %dma_start3A_949 = arith.constant 0 : i32
        %dma_start3A_950 = tpu.memref_slice %arg5[%dma_start3A_948, %dma_start3A_949] : memref<10000x128xbf16, #tpu.memory_space<hbm>> -> memref<10000x128xbf16, #tpu.memory_space<hbm>>
        tpu.enqueue_indirect_dma source(%dma_start3A_950 : memref<10000x128xbf16, #tpu.memory_space<hbm>>) target(%arg15 : memref<128x128xbf16, #tpu.memory_space<vmem>>) offsets(%dma_start3A_947 : memref<128xi32, #tpu.memory_space<vmem>>) semaphore(%arg22 : memref<!tpu.dma_semaphore, #tpu.memory_space<semaphore_mem>>)
      } else {
      }
      %dma_wait3A_302 = arith.constant 2 : i32
      %dma_wait3A_303 = arith.constant 0 : i32
      %dma_wait3A_304 = tpu.memref_slice %arg8[%dma_wait3A_302, %dma_wait3A_303] : memref<4x128xi32, #tpu.memory_space<vmem>> -> memref<1x128xi32, #tpu.memory_space<vmem>>
      %dma_wait3A_305 = tpu.memref_squeeze %dma_wait3A_304 : memref<1x128xi32, #tpu.memory_space<vmem>> -> memref<128xi32, #tpu.memory_space<vmem>>
      %dma_wait3A_306 = arith.constant 0 : i32
      %dma_wait3A_307 = arith.constant 0 : i32
      %dma_wait3A_308 = tpu.memref_slice %arg5[%dma_wait3A_306, %dma_wait3A_307] : memref<10000x128xbf16, #tpu.memory_space<hbm>> -> memref<10000x128xbf16, #tpu.memory_space<hbm>>
      tpu.wait_indirect_dma semaphore(%arg21 : memref<!tpu.dma_semaphore, #tpu.memory_space<semaphore_mem>>) src(%dma_wait3A_308 : memref<10000x128xbf16, #tpu.memory_space<hbm>>) dst(%arg14 : memref<128x128xbf16, #tpu.memory_space<vmem>>)
      %ge3A_309 = arith.constant 1 : i32
      %ge3A_310 = arith.cmpi sge, %add3A_294, %ge3A_309 : i32
      %convert_element_type3A_311 = arith.extui %ge3A_310 : i1 to i32
      %cond3A_312 = arith.constant 0 : i32
      %cond3A_313 = arith.cmpi ne, %convert_element_type3A_311, %cond3A_312 : i32
      scf.if %cond3A_313 {
        %dma_wait3A_944 = arith.constant 1 : i32
        %dma_wait3A_945 = arith.constant 0 : i32
        %dma_wait3A_946 = tpu.memref_slice %arg17[%dma_wait3A_944, %dma_wait3A_945] : memref<2x128xi32, #tpu.memory_space<vmem>> -> memref<1x128xi32, #tpu.memory_space<vmem>>
        %dma_wait3A_947 = tpu.memref_squeeze %dma_wait3A_946 : memref<1x128xi32, #tpu.memory_space<vmem>> -> memref<128xi32, #tpu.memory_space<vmem>>
        %dma_wait3A_948 = arith.constant 0 : i32
        %dma_wait3A_949 = arith.constant 0 : i32
        %dma_wait3A_950 = tpu.memref_slice %arg19[%dma_wait3A_948, %dma_wait3A_949] : memref<10240x128xf32, #tpu.memory_space<vmem_shared>> -> memref<10240x128xf32, #tpu.memory_space<vmem_shared>>
        tpu.wait_indirect_dma semaphore(%arg23 : memref<!tpu.dma_semaphore, #tpu.memory_space<semaphore_mem>>) src(%arg16 : memref<128x128xf32, #tpu.memory_space<vmem>>) dst(%dma_wait3A_950 : memref<10240x128xf32, #tpu.memory_space<vmem_shared>>)
        %dma_wait3A_951 = arith.constant 1 : i32
        %dma_wait3A_952 = arith.constant 0 : i32
        %dma_wait3A_953 = tpu.memref_slice %arg17[%dma_wait3A_951, %dma_wait3A_952] : memref<2x128xi32, #tpu.memory_space<vmem>> -> memref<1x128xi32, #tpu.memory_space<vmem>>
        %dma_wait3A_954 = tpu.memref_squeeze %dma_wait3A_953 : memref<1x128xi32, #tpu.memory_space<vmem>> -> memref<128xi32, #tpu.memory_space<vmem>>
        %dma_wait3A_955 = arith.constant 0 : i32
        %dma_wait3A_956 = arith.constant 0 : i32
        %dma_wait3A_957 = tpu.memref_slice %arg20[%dma_wait3A_955, %dma_wait3A_956] : memref<10240x16xf32, #tpu.memory_space<vmem_shared>> -> memref<10240x16xf32, #tpu.memory_space<vmem_shared>>
        tpu.wait_indirect_dma semaphore(%arg23 : memref<!tpu.dma_semaphore, #tpu.memory_space<semaphore_mem>>) src(%arg18 : memref<128x16xf32, #tpu.memory_space<vmem>>) dst(%dma_wait3A_957 : memref<10240x16xf32, #tpu.memory_space<vmem_shared>>)
      } else {
      }
      %get3A_314 = arith.constant 2 : i32
      %get3A_315 = arith.index_cast %get3A_314 : i32 to index
      %get3A_316 = arith.constant 0 : index
      %get3A_317 = tpu.vector_load %arg10[%get3A_315, %get3A_316] {strides = array<i32>} : memref<4x128xi32, #tpu.memory_space<vmem>>, vector<16xi32>,
      %swap3A_318 = arith.constant 0 : i32
      %swap3A_319 = arith.index_cast %swap3A_318 : i32 to index
      %swap3A_320 = arith.constant 0 : index
      %swap3A_321 = tpu.vector_load %arg17[%swap3A_319, %swap3A_320] {strides = array<i32>} : memref<2x128xi32, #tpu.memory_space<vmem>>, vector<16xi32>,
      tpu.vector_store %arg17[%swap3A_319, %swap3A_320], %get3A_317 {strides = array<i32>} : memref<2x128xi32, #tpu.memory_space<vmem>>, vector<16xi32>,
      %get3A_322 = arith.constant 2 : i32
      %get3A_323 = arith.index_cast %get3A_322 : i32 to index
      %get3A_324 = arith.constant 16 : index
      %get3A_325 = tpu.vector_load %arg10[%get3A_323, %get3A_324] {strides = array<i32>} : memref<4x128xi32, #tpu.memory_space<vmem>>, vector<16xi32>,
      %swap3A_326 = arith.constant 0 : i32
      %swap3A_327 = arith.index_cast %swap3A_326 : i32 to index
      %swap3A_328 = arith.constant 16 : index
      %swap3A_329 = tpu.vector_load %arg17[%swap3A_327, %swap3A_328] {strides = array<i32>} : memref<2x128xi32, #tpu.memory_space<vmem>>, vector<16xi32>,
      tpu.vector_store %arg17[%swap3A_327, %swap3A_328], %get3A_325 {strides = array<i32>} : memref<2x128xi32, #tpu.memory_space<vmem>>, vector<16xi32>,
      %get3A_330 = arith.constant 2 : i32
      %get3A_331 = arith.index_cast %get3A_330 : i32 to index
      %get3A_332 = arith.constant 32 : index
      %get3A_333 = tpu.vector_load %arg10[%get3A_331, %get3A_332] {strides = array<i32>} : memref<4x128xi32, #tpu.memory_space<vmem>>, vector<16xi32>,
      %swap3A_334 = arith.constant 0 : i32
      %swap3A_335 = arith.index_cast %swap3A_334 : i32 to index
      %swap3A_336 = arith.constant 32 : index
      %swap3A_337 = tpu.vector_load %arg17[%swap3A_335, %swap3A_336] {strides = array<i32>} : memref<2x128xi32, #tpu.memory_space<vmem>>, vector<16xi32>,
      tpu.vector_store %arg17[%swap3A_335, %swap3A_336], %get3A_333 {strides = array<i32>} : memref<2x128xi32, #tpu.memory_space<vmem>>, vector<16xi32>,
      %get3A_338 = arith.constant 2 : i32
      %get3A_339 = arith.index_cast %get3A_338 : i32 to index
      %get3A_340 = arith.constant 48 : index
      %get3A_341 = tpu.vector_load %arg10[%get3A_339, %get3A_340] {strides = array<i32>} : memref<4x128xi32, #tpu.memory_space<vmem>>, vector<16xi32>,
      %swap3A_342 = arith.constant 0 : i32
      %swap3A_343 = arith.index_cast %swap3A_342 : i32 to index
      %swap3A_344 = arith.constant 48 : index
      %swap3A_345 = tpu.vector_load %arg17[%swap3A_343, %swap3A_344] {strides = array<i32>} : memref<2x128xi32, #tpu.memory_space<vmem>>, vector<16xi32>,
      tpu.vector_store %arg17[%swap3A_343, %swap3A_344], %get3A_341 {strides = array<i32>} : memref<2x128xi32, #tpu.memory_space<vmem>>, vector<16xi32>,
      %get3A_346 = arith.constant 2 : i32
      %get3A_347 = arith.index_cast %get3A_346 : i32 to index
      %get3A_348 = arith.constant 64 : index
      %get3A_349 = tpu.vector_load %arg10[%get3A_347, %get3A_348] {strides = array<i32>} : memref<4x128xi32, #tpu.memory_space<vmem>>, vector<16xi32>,
      %swap3A_350 = arith.constant 0 : i32
      %swap3A_351 = arith.index_cast %swap3A_350 : i32 to index
      %swap3A_352 = arith.constant 64 : index
      %swap3A_353 = tpu.vector_load %arg17[%swap3A_351, %swap3A_352] {strides = array<i32>} : memref<2x128xi32, #tpu.memory_space<vmem>>, vector<16xi32>,
      tpu.vector_store %arg17[%swap3A_351, %swap3A_352], %get3A_349 {strides = array<i32>} : memref<2x128xi32, #tpu.memory_space<vmem>>, vector<16xi32>,
      %get3A_354 = arith.constant 2 : i32
      %get3A_355 = arith.index_cast %get3A_354 : i32 to index
      %get3A_356 = arith.constant 80 : index
      %get3A_357 = tpu.vector_load %arg10[%get3A_355, %get3A_356] {strides = array<i32>} : memref<4x128xi32, #tpu.memory_space<vmem>>, vector<16xi32>,
      %swap3A_358 = arith.constant 0 : i32
      %swap3A_359 = arith.index_cast %swap3A_358 : i32 to index
      %swap3A_360 = arith.constant 80 : index
      %swap3A_361 = tpu.vector_load %arg17[%swap3A_359, %swap3A_360] {strides = array<i32>} : memref<2x128xi32, #tpu.memory_space<vmem>>, vector<16xi32>,
      tpu.vector_store %arg17[%swap3A_359, %swap3A_360], %get3A_357 {strides = array<i32>} : memref<2x128xi32, #tpu.memory_space<vmem>>, vector<16xi32>,
      %get3A_362 = arith.constant 2 : i32
      %get3A_363 = arith.index_cast %get3A_362 : i32 to index
      %get3A_364 = arith.constant 96 : index
      %get3A_365 = tpu.vector_load %arg10[%get3A_363, %get3A_364] {strides = array<i32>} : memref<4x128xi32, #tpu.memory_space<vmem>>, vector<16xi32>,
      %swap3A_366 = arith.constant 0 : i32
      %swap3A_367 = arith.index_cast %swap3A_366 : i32 to index
      %swap3A_368 = arith.constant 96 : index
      %swap3A_369 = tpu.vector_load %arg17[%swap3A_367, %swap3A_368] {strides = array<i32>} : memref<2x128xi32, #tpu.memory_space<vmem>>, vector<16xi32>,
      tpu.vector_store %arg17[%swap3A_367, %swap3A_368], %get3A_365 {strides = array<i32>} : memref<2x128xi32, #tpu.memory_space<vmem>>, vector<16xi32>,
      %get3A_370 = arith.constant 2 : i32
      %get3A_371 = arith.index_cast %get3A_370 : i32 to index
      %get3A_372 = arith.constant 112 : index
      %get3A_373 = tpu.vector_load %arg10[%get3A_371, %get3A_372] {strides = array<i32>} : memref<4x128xi32, #tpu.memory_space<vmem>>, vector<16xi32>,
      %swap3A_374 = arith.constant 0 : i32
      %swap3A_375 = arith.index_cast %swap3A_374 : i32 to index
      %swap3A_376 = arith.constant 112 : index
      %swap3A_377 = tpu.vector_load %arg17[%swap3A_375, %swap3A_376] {strides = array<i32>} : memref<2x128xi32, #tpu.memory_space<vmem>>, vector<16xi32>,
      tpu.vector_store %arg17[%swap3A_375, %swap3A_376], %get3A_373 {strides = array<i32>} : memref<2x128xi32, #tpu.memory_space<vmem>>, vector<16xi32>,
      %scan3A_378 = arith.constant 0 : i32
      %scan3A_379 = arith.constant 0 : i32
      %scan3A_380 = arith.constant 64 : i32
      %scan3A_381 = arith.addi %scan3A_379, %scan3A_380 : i32
      %scan3A_382 = arith.constant 1 : i32
      scf.for %scan3A_944 = %scan3A_379 to %scan3A_381 step %scan3A_382  : i32 {
        %mul3A_945 = arith.constant 2 : i32
        %mul3A_946 = arith.muli %scan3A_944, %mul3A_945 : i32
        %add3A_947 = arith.constant 0 : i32
        %add3A_948 = arith.addi %mul3A_946, %add3A_947 : i32
        %broadcast_in_dim3A_949 = arith.constant 2 : i32
        %broadcast_in_dim3A_950 = vector.broadcast %broadcast_in_dim3A_949 : i32 to vector<16xi32>
        %broadcast_in_dim3A_951 = vector.broadcast %add3A_948 : i32 to vector<16xi32>
        %gather3A = tpu.vector_load_idx %arg12[%broadcast_in_dim3A_950, %broadcast_in_dim3A_951] : memref<4x128xf32, #tpu.memory_space<vmem>>[vector<16xi32>, vector<16xi32>], vector<16xf32>,
        %get3A_952 = arith.index_cast %add3A_948 : i32 to index
        %get3A_953 = arith.constant 0 : index
        %get3A_954 = tpu.vector_load %arg14[%get3A_952, %get3A_953] {strides = array<i32>} : memref<128x128xbf16, #tpu.memory_space<vmem>>, vector<32xbf16>,
        %unpack3A = tpu.unpack_subelements %get3A_954, 0 {pack_format = #tpu.pack_format<interleaved>} : vector<32xbf16> -> vector<16xf32>
        %unpack3A_955 = tpu.unpack_subelements %get3A_954, 1 {pack_format = #tpu.pack_format<interleaved>} : vector<32xbf16> -> vector<16xf32>
        %mul3A_956 = arith.mulf %unpack3A, %gather3A : vector<16xf32>
        %swap3A_957 = arith.index_cast %add3A_948 : i32 to index
        %swap3A_958 = arith.constant 0 : index
        %swap3A_959 = tpu.vector_load %arg16[%swap3A_957, %swap3A_958] {strides = array<i32>} : memref<128x128xf32, #tpu.memory_space<vmem>>, vector<16xf32>,
        tpu.vector_store %arg16[%swap3A_957, %swap3A_958], %mul3A_956 {strides = array<i32>} : memref<128x128xf32, #tpu.memory_space<vmem>>, vector<16xf32>,
        %mul3A_960 = arith.mulf %unpack3A_955, %gather3A : vector<16xf32>
        %swap3A_961 = arith.index_cast %add3A_948 : i32 to index
        %swap3A_962 = arith.constant 16 : index
        %swap3A_963 = tpu.vector_load %arg16[%swap3A_961, %swap3A_962] {strides = array<i32>} : memref<128x128xf32, #tpu.memory_space<vmem>>, vector<16xf32>,
        tpu.vector_store %arg16[%swap3A_961, %swap3A_962], %mul3A_960 {strides = array<i32>} : memref<128x128xf32, #tpu.memory_space<vmem>>, vector<16xf32>,
        %get3A_964 = arith.index_cast %add3A_948 : i32 to index
        %get3A_965 = arith.constant 32 : index
        %get3A_966 = tpu.vector_load %arg14[%get3A_964, %get3A_965] {strides = array<i32>} : memref<128x128xbf16, #tpu.memory_space<vmem>>, vector<32xbf16>,
        %unpack3A_967 = tpu.unpack_subelements %get3A_966, 0 {pack_format = #tpu.pack_format<interleaved>} : vector<32xbf16> -> vector<16xf32>
        %unpack3A_968 = tpu.unpack_subelements %get3A_966, 1 {pack_format = #tpu.pack_format<interleaved>} : vector<32xbf16> -> vector<16xf32>
        %mul3A_969 = arith.mulf %unpack3A_967, %gather3A : vector<16xf32>
        %swap3A_970 = arith.index_cast %add3A_948 : i32 to index
        %swap3A_971 = arith.constant 32 : index
        %swap3A_972 = tpu.vector_load %arg16[%swap3A_970, %swap3A_971] {strides = array<i32>} : memref<128x128xf32, #tpu.memory_space<vmem>>, vector<16xf32>,
        tpu.vector_store %arg16[%swap3A_970, %swap3A_971], %mul3A_969 {strides = array<i32>} : memref<128x128xf32, #tpu.memory_space<vmem>>, vector<16xf32>,
        %mul3A_973 = arith.mulf %unpack3A_968, %gather3A : vector<16xf32>
        %swap3A_974 = arith.index_cast %add3A_948 : i32 to index
        %swap3A_975 = arith.constant 48 : index
        %swap3A_976 = tpu.vector_load %arg16[%swap3A_974, %swap3A_975] {strides = array<i32>} : memref<128x128xf32, #tpu.memory_space<vmem>>, vector<16xf32>,
        tpu.vector_store %arg16[%swap3A_974, %swap3A_975], %mul3A_973 {strides = array<i32>} : memref<128x128xf32, #tpu.memory_space<vmem>>, vector<16xf32>,
        %get3A_977 = arith.index_cast %add3A_948 : i32 to index
        %get3A_978 = arith.constant 64 : index
        %get3A_979 = tpu.vector_load %arg14[%get3A_977, %get3A_978] {strides = array<i32>} : memref<128x128xbf16, #tpu.memory_space<vmem>>, vector<32xbf16>,
        %unpack3A_980 = tpu.unpack_subelements %get3A_979, 0 {pack_format = #tpu.pack_format<interleaved>} : vector<32xbf16> -> vector<16xf32>
        %unpack3A_981 = tpu.unpack_subelements %get3A_979, 1 {pack_format = #tpu.pack_format<interleaved>} : vector<32xbf16> -> vector<16xf32>
        %mul3A_982 = arith.mulf %unpack3A_980, %gather3A : vector<16xf32>
        %swap3A_983 = arith.index_cast %add3A_948 : i32 to index
        %swap3A_984 = arith.constant 64 : index
        %swap3A_985 = tpu.vector_load %arg16[%swap3A_983, %swap3A_984] {strides = array<i32>} : memref<128x128xf32, #tpu.memory_space<vmem>>, vector<16xf32>,
        tpu.vector_store %arg16[%swap3A_983, %swap3A_984], %mul3A_982 {strides = array<i32>} : memref<128x128xf32, #tpu.memory_space<vmem>>, vector<16xf32>,
        %mul3A_986 = arith.mulf %unpack3A_981, %gather3A : vector<16xf32>
        %swap3A_987 = arith.index_cast %add3A_948 : i32 to index
        %swap3A_988 = arith.constant 80 : index
        %swap3A_989 = tpu.vector_load %arg16[%swap3A_987, %swap3A_988] {strides = array<i32>} : memref<128x128xf32, #tpu.memory_space<vmem>>, vector<16xf32>,
        tpu.vector_store %arg16[%swap3A_987, %swap3A_988], %mul3A_986 {strides = array<i32>} : memref<128x128xf32, #tpu.memory_space<vmem>>, vector<16xf32>,
        %get3A_990 = arith.index_cast %add3A_948 : i32 to index
        %get3A_991 = arith.constant 96 : index
        %get3A_992 = tpu.vector_load %arg14[%get3A_990, %get3A_991] {strides = array<i32>} : memref<128x128xbf16, #tpu.memory_space<vmem>>, vector<32xbf16>,
        %unpack3A_993 = tpu.unpack_subelements %get3A_992, 0 {pack_format = #tpu.pack_format<interleaved>} : vector<32xbf16> -> vector<16xf32>
        %unpack3A_994 = tpu.unpack_subelements %get3A_992, 1 {pack_format = #tpu.pack_format<interleaved>} : vector<32xbf16> -> vector<16xf32>
        %mul3A_995 = arith.mulf %unpack3A_993, %gather3A : vector<16xf32>
        %swap3A_996 = arith.index_cast %add3A_948 : i32 to index
        %swap3A_997 = arith.constant 96 : index
        %swap3A_998 = tpu.vector_load %arg16[%swap3A_996, %swap3A_997] {strides = array<i32>} : memref<128x128xf32, #tpu.memory_space<vmem>>, vector<16xf32>,
        tpu.vector_store %arg16[%swap3A_996, %swap3A_997], %mul3A_995 {strides = array<i32>} : memref<128x128xf32, #tpu.memory_space<vmem>>, vector<16xf32>,
        %mul3A_999 = arith.mulf %unpack3A_994, %gather3A : vector<16xf32>
        %swap3A_1000 = arith.index_cast %add3A_948 : i32 to index
        %swap3A_1001 = arith.constant 112 : index
        %swap3A_1002 = tpu.vector_load %arg16[%swap3A_1000, %swap3A_1001] {strides = array<i32>} : memref<128x128xf32, #tpu.memory_space<vmem>>, vector<16xf32>,
        tpu.vector_store %arg16[%swap3A_1000, %swap3A_1001], %mul3A_999 {strides = array<i32>} : memref<128x128xf32, #tpu.memory_space<vmem>>, vector<16xf32>,
        %mul3A_1003 = arith.constant 2 : i32
        %mul3A_1004 = arith.muli %scan3A_944, %mul3A_1003 : i32
        %add3A_1005 = arith.constant 1 : i32
        %add3A_1006 = arith.addi %mul3A_1004, %add3A_1005 : i32
        %broadcast_in_dim3A_1007 = arith.constant 2 : i32
        %broadcast_in_dim3A_1008 = vector.broadcast %broadcast_in_dim3A_1007 : i32 to vector<16xi32>
        %broadcast_in_dim3A_1009 = vector.broadcast %add3A_1006 : i32 to vector<16xi32>
        %gather3A_1010 = tpu.vector_load_idx %arg12[%broadcast_in_dim3A_1008, %broadcast_in_dim3A_1009] : memref<4x128xf32, #tpu.memory_space<vmem>>[vector<16xi32>, vector<16xi32>], vector<16xf32>,
        %get3A_1011 = arith.index_cast %add3A_1006 : i32 to index
        %get3A_1012 = arith.constant 0 : index
        %get3A_1013 = tpu.vector_load %arg14[%get3A_1011, %get3A_1012] {strides = array<i32>} : memref<128x128xbf16, #tpu.memory_space<vmem>>, vector<32xbf16>,
        %unpack3A_1014 = tpu.unpack_subelements %get3A_1013, 0 {pack_format = #tpu.pack_format<interleaved>} : vector<32xbf16> -> vector<16xf32>
        %unpack3A_1015 = tpu.unpack_subelements %get3A_1013, 1 {pack_format = #tpu.pack_format<interleaved>} : vector<32xbf16> -> vector<16xf32>
        %mul3A_1016 = arith.mulf %unpack3A_1014, %gather3A_1010 : vector<16xf32>
        %swap3A_1017 = arith.index_cast %add3A_1006 : i32 to index
        %swap3A_1018 = arith.constant 0 : index
        %swap3A_1019 = tpu.vector_load %arg16[%swap3A_1017, %swap3A_1018] {strides = array<i32>} : memref<128x128xf32, #tpu.memory_space<vmem>>, vector<16xf32>,
        tpu.vector_store %arg16[%swap3A_1017, %swap3A_1018], %mul3A_1016 {strides = array<i32>} : memref<128x128xf32, #tpu.memory_space<vmem>>, vector<16xf32>,
        %mul3A_1020 = arith.mulf %unpack3A_1015, %gather3A_1010 : vector<16xf32>
        %swap3A_1021 = arith.index_cast %add3A_1006 : i32 to index
        %swap3A_1022 = arith.constant 16 : index
        %swap3A_1023 = tpu.vector_load %arg16[%swap3A_1021, %swap3A_1022] {strides = array<i32>} : memref<128x128xf32, #tpu.memory_space<vmem>>, vector<16xf32>,
        tpu.vector_store %arg16[%swap3A_1021, %swap3A_1022], %mul3A_1020 {strides = array<i32>} : memref<128x128xf32, #tpu.memory_space<vmem>>, vector<16xf32>,
        %get3A_1024 = arith.index_cast %add3A_1006 : i32 to index
        %get3A_1025 = arith.constant 32 : index
        %get3A_1026 = tpu.vector_load %arg14[%get3A_1024, %get3A_1025] {strides = array<i32>} : memref<128x128xbf16, #tpu.memory_space<vmem>>, vector<32xbf16>,
        %unpack3A_1027 = tpu.unpack_subelements %get3A_1026, 0 {pack_format = #tpu.pack_format<interleaved>} : vector<32xbf16> -> vector<16xf32>
        %unpack3A_1028 = tpu.unpack_subelements %get3A_1026, 1 {pack_format = #tpu.pack_format<interleaved>} : vector<32xbf16> -> vector<16xf32>
        %mul3A_1029 = arith.mulf %unpack3A_1027, %gather3A_1010 : vector<16xf32>
        %swap3A_1030 = arith.index_cast %add3A_1006 : i32 to index
        %swap3A_1031 = arith.constant 32 : index
        %swap3A_1032 = tpu.vector_load %arg16[%swap3A_1030, %swap3A_1031] {strides = array<i32>} : memref<128x128xf32, #tpu.memory_space<vmem>>, vector<16xf32>,
        tpu.vector_store %arg16[%swap3A_1030, %swap3A_1031], %mul3A_1029 {strides = array<i32>} : memref<128x128xf32, #tpu.memory_space<vmem>>, vector<16xf32>,
        %mul3A_1033 = arith.mulf %unpack3A_1028, %gather3A_1010 : vector<16xf32>
        %swap3A_1034 = arith.index_cast %add3A_1006 : i32 to index
        %swap3A_1035 = arith.constant 48 : index
        %swap3A_1036 = tpu.vector_load %arg16[%swap3A_1034, %swap3A_1035] {strides = array<i32>} : memref<128x128xf32, #tpu.memory_space<vmem>>, vector<16xf32>,
        tpu.vector_store %arg16[%swap3A_1034, %swap3A_1035], %mul3A_1033 {strides = array<i32>} : memref<128x128xf32, #tpu.memory_space<vmem>>, vector<16xf32>,
        %get3A_1037 = arith.index_cast %add3A_1006 : i32 to index
        %get3A_1038 = arith.constant 64 : index
        %get3A_1039 = tpu.vector_load %arg14[%get3A_1037, %get3A_1038] {strides = array<i32>} : memref<128x128xbf16, #tpu.memory_space<vmem>>, vector<32xbf16>,
        %unpack3A_1040 = tpu.unpack_subelements %get3A_1039, 0 {pack_format = #tpu.pack_format<interleaved>} : vector<32xbf16> -> vector<16xf32>
        %unpack3A_1041 = tpu.unpack_subelements %get3A_1039, 1 {pack_format = #tpu.pack_format<interleaved>} : vector<32xbf16> -> vector<16xf32>
        %mul3A_1042 = arith.mulf %unpack3A_1040, %gather3A_1010 : vector<16xf32>
        %swap3A_1043 = arith.index_cast %add3A_1006 : i32 to index
        %swap3A_1044 = arith.constant 64 : index
        %swap3A_1045 = tpu.vector_load %arg16[%swap3A_1043, %swap3A_1044] {strides = array<i32>} : memref<128x128xf32, #tpu.memory_space<vmem>>, vector<16xf32>,
        tpu.vector_store %arg16[%swap3A_1043, %swap3A_1044], %mul3A_1042 {strides = array<i32>} : memref<128x128xf32, #tpu.memory_space<vmem>>, vector<16xf32>,
        %mul3A_1046 = arith.mulf %unpack3A_1041, %gather3A_1010 : vector<16xf32>
        %swap3A_1047 = arith.index_cast %add3A_1006 : i32 to index
        %swap3A_1048 = arith.constant 80 : index
        %swap3A_1049 = tpu.vector_load %arg16[%swap3A_1047, %swap3A_1048] {strides = array<i32>} : memref<128x128xf32, #tpu.memory_space<vmem>>, vector<16xf32>,
        tpu.vector_store %arg16[%swap3A_1047, %swap3A_1048], %mul3A_1046 {strides = array<i32>} : memref<128x128xf32, #tpu.memory_space<vmem>>, vector<16xf32>,
        %get3A_1050 = arith.index_cast %add3A_1006 : i32 to index
        %get3A_1051 = arith.constant 96 : index
        %get3A_1052 = tpu.vector_load %arg14[%get3A_1050, %get3A_1051] {strides = array<i32>} : memref<128x128xbf16, #tpu.memory_space<vmem>>, vector<32xbf16>,
        %unpack3A_1053 = tpu.unpack_subelements %get3A_1052, 0 {pack_format = #tpu.pack_format<interleaved>} : vector<32xbf16> -> vector<16xf32>
        %unpack3A_1054 = tpu.unpack_subelements %get3A_1052, 1 {pack_format = #tpu.pack_format<interleaved>} : vector<32xbf16> -> vector<16xf32>
        %mul3A_1055 = arith.mulf %unpack3A_1053, %gather3A_1010 : vector<16xf32>
        %swap3A_1056 = arith.index_cast %add3A_1006 : i32 to index
        %swap3A_1057 = arith.constant 96 : index
        %swap3A_1058 = tpu.vector_load %arg16[%swap3A_1056, %swap3A_1057] {strides = array<i32>} : memref<128x128xf32, #tpu.memory_space<vmem>>, vector<16xf32>,
        tpu.vector_store %arg16[%swap3A_1056, %swap3A_1057], %mul3A_1055 {strides = array<i32>} : memref<128x128xf32, #tpu.memory_space<vmem>>, vector<16xf32>,
        %mul3A_1059 = arith.mulf %unpack3A_1054, %gather3A_1010 : vector<16xf32>
        %swap3A_1060 = arith.index_cast %add3A_1006 : i32 to index
        %swap3A_1061 = arith.constant 112 : index
        %swap3A_1062 = tpu.vector_load %arg16[%swap3A_1060, %swap3A_1061] {strides = array<i32>} : memref<128x128xf32, #tpu.memory_space<vmem>>, vector<16xf32>,
        tpu.vector_store %arg16[%swap3A_1060, %swap3A_1061], %mul3A_1059 {strides = array<i32>} : memref<128x128xf32, #tpu.memory_space<vmem>>, vector<16xf32>,
      }
      %scan3A_383 = arith.constant 64 : i32
      %dma_start3A_384 = arith.constant 0 : i32
      %dma_start3A_385 = arith.constant 0 : i32
      %dma_start3A_386 = tpu.memref_slice %arg17[%dma_start3A_384, %dma_start3A_385] : memref<2x128xi32, #tpu.memory_space<vmem>> -> memref<1x128xi32, #tpu.memory_space<vmem>>
      %dma_start3A_387 = tpu.memref_squeeze %dma_start3A_386 : memref<1x128xi32, #tpu.memory_space<vmem>> -> memref<128xi32, #tpu.memory_space<vmem>>
      %dma_start3A_388 = arith.constant 0 : i32
      %dma_start3A_389 = arith.constant 0 : i32
      %dma_start3A_390 = tpu.memref_slice %arg19[%dma_start3A_388, %dma_start3A_389] : memref<10240x128xf32, #tpu.memory_space<vmem_shared>> -> memref<10240x128xf32, #tpu.memory_space<vmem_shared>>
      tpu.enqueue_indirect_dma source(%arg16 : memref<128x128xf32, #tpu.memory_space<vmem>>) target(%dma_start3A_390 : memref<10240x128xf32, #tpu.memory_space<vmem_shared>>) offsets(%dma_start3A_387 : memref<128xi32, #tpu.memory_space<vmem>>) semaphore(%arg23 : memref<!tpu.dma_semaphore, #tpu.memory_space<semaphore_mem>>) {add = true}
      %dma_start3A_391 = arith.constant 0 : i32
      %dma_start3A_392 = arith.constant 0 : i32
      %dma_start3A_393 = tpu.memref_slice %arg17[%dma_start3A_391, %dma_start3A_392] : memref<2x128xi32, #tpu.memory_space<vmem>> -> memref<1x128xi32, #tpu.memory_space<vmem>>
      %dma_start3A_394 = tpu.memref_squeeze %dma_start3A_393 : memref<1x128xi32, #tpu.memory_space<vmem>> -> memref<128xi32, #tpu.memory_space<vmem>>
      %dma_start3A_395 = arith.constant 0 : i32
      %dma_start3A_396 = arith.constant 0 : i32
      %dma_start3A_397 = tpu.memref_slice %arg20[%dma_start3A_395, %dma_start3A_396] : memref<10240x16xf32, #tpu.memory_space<vmem_shared>> -> memref<10240x16xf32, #tpu.memory_space<vmem_shared>>
      tpu.enqueue_indirect_dma source(%arg18 : memref<128x16xf32, #tpu.memory_space<vmem>>) target(%dma_start3A_397 : memref<10240x16xf32, #tpu.memory_space<vmem_shared>>) offsets(%dma_start3A_394 : memref<128xi32, #tpu.memory_space<vmem>>) semaphore(%arg23 : memref<!tpu.dma_semaphore, #tpu.memory_space<semaphore_mem>>) {add = true}
      %mul3A_398 = arith.constant 4 : i32
      %mul3A_399 = arith.muli %add3A_75, %mul3A_398 : i32
      %add3A_400 = arith.constant 3 : i32
      %add3A_401 = arith.addi %mul3A_399, %add3A_400 : i32
      %add3A_402 = arith.constant 1 : i32
      %add3A_403 = arith.addi %add3A_75, %add3A_402 : i32
      %lt3A_404 = arith.constant 10 : i32
      %lt3A_405 = arith.cmpi slt, %add3A_403, %lt3A_404 : i32
      %convert_element_type3A_406 = arith.extui %lt3A_405 : i1 to i32
      %cond3A_407 = arith.constant 0 : i32
      %cond3A_408 = arith.cmpi ne, %convert_element_type3A_406, %cond3A_407 : i32
      scf.if %cond3A_408 {
        %add3A_944 = arith.constant 1 : i32
        %add3A_945 = arith.addi %add3A_75, %add3A_944 : i32
        %mul3A_946 = arith.constant 4 : i32
        %mul3A_947 = arith.muli %add3A_945, %mul3A_946 : i32
        %add3A_948 = arith.addi %mul3A_36, %mul3A_947 : i32
        %dma_wait3A_949 = arith.constant 0 : i32
        %dma_wait3A_950 = tpu.memref_slice %arg2[%add3A_948, %dma_wait3A_949] : memref<1280x128xi32, #tpu.memory_space<hbm>> -> memref<4x128xi32, #tpu.memory_space<hbm>>
        %dma_wait3A_951 = arith.constant 0 : i32
        %dma_wait3A_952 = tpu.memref_slice %arg2[%add3A_948, %dma_wait3A_951] : memref<1280x128xi32, #tpu.memory_space<hbm>> -> memref<4x128xi32, #tpu.memory_space<hbm>>
        tpu.wait_dma2 semaphore(%arg25 : memref<!tpu.dma_semaphore, #tpu.memory_space<semaphore_mem>>) src(%dma_wait3A_952 : memref<4x128xi32, #tpu.memory_space<hbm>>) dst(%arg9 : memref<4x128xi32, #tpu.memory_space<vmem>>)
        %dma_wait3A_953 = arith.constant 0 : i32
        %dma_wait3A_954 = tpu.memref_slice %arg3[%add3A_948, %dma_wait3A_953] : memref<1280x128xi32, #tpu.memory_space<hbm>> -> memref<4x128xi32, #tpu.memory_space<hbm>>
        %dma_wait3A_955 = arith.constant 0 : i32
        %dma_wait3A_956 = tpu.memref_slice %arg3[%add3A_948, %dma_wait3A_955] : memref<1280x128xi32, #tpu.memory_space<hbm>> -> memref<4x128xi32, #tpu.memory_space<hbm>>
        tpu.wait_dma2 semaphore(%arg25 : memref<!tpu.dma_semaphore, #tpu.memory_space<semaphore_mem>>) src(%dma_wait3A_956 : memref<4x128xi32, #tpu.memory_space<hbm>>) dst(%arg11 : memref<4x128xi32, #tpu.memory_space<vmem>>)
        %dma_wait3A_957 = arith.constant 0 : i32
        %dma_wait3A_958 = tpu.memref_slice %arg4[%add3A_948, %dma_wait3A_957] : memref<1280x128xf32, #tpu.memory_space<hbm>> -> memref<4x128xf32, #tpu.memory_space<hbm>>
        %dma_wait3A_959 = arith.constant 0 : i32
        %dma_wait3A_960 = tpu.memref_slice %arg4[%add3A_948, %dma_wait3A_959] : memref<1280x128xf32, #tpu.memory_space<hbm>> -> memref<4x128xf32, #tpu.memory_space<hbm>>
        tpu.wait_dma2 semaphore(%arg25 : memref<!tpu.dma_semaphore, #tpu.memory_space<semaphore_mem>>) src(%dma_wait3A_960 : memref<4x128xf32, #tpu.memory_space<hbm>>) dst(%arg13 : memref<4x128xf32, #tpu.memory_space<vmem>>)
        %dma_start3A_961 = arith.constant 0 : i32
        %dma_start3A_962 = arith.constant 0 : i32
        %dma_start3A_963 = tpu.memref_slice %arg9[%dma_start3A_961, %dma_start3A_962] : memref<4x128xi32, #tpu.memory_space<vmem>> -> memref<1x128xi32, #tpu.memory_space<vmem>>
        %dma_start3A_964 = tpu.memref_squeeze %dma_start3A_963 : memref<1x128xi32, #tpu.memory_space<vmem>> -> memref<128xi32, #tpu.memory_space<vmem>>
        %dma_start3A_965 = arith.constant 0 : i32
        %dma_start3A_966 = arith.constant 0 : i32
        %dma_start3A_967 = tpu.memref_slice %arg5[%dma_start3A_965, %dma_start3A_966] : memref<10000x128xbf16, #tpu.memory_space<hbm>> -> memref<10000x128xbf16, #tpu.memory_space<hbm>>
        tpu.enqueue_indirect_dma source(%dma_start3A_967 : memref<10000x128xbf16, #tpu.memory_space<hbm>>) target(%arg14 : memref<128x128xbf16, #tpu.memory_space<vmem>>) offsets(%dma_start3A_964 : memref<128xi32, #tpu.memory_space<vmem>>) semaphore(%arg21 : memref<!tpu.dma_semaphore, #tpu.memory_space<semaphore_mem>>)
      } else {
      }
      %dma_wait3A_409 = arith.constant 3 : i32
      %dma_wait3A_410 = arith.constant 0 : i32
      %dma_wait3A_411 = tpu.memref_slice %arg8[%dma_wait3A_409, %dma_wait3A_410] : memref<4x128xi32, #tpu.memory_space<vmem>> -> memref<1x128xi32, #tpu.memory_space<vmem>>
      %dma_wait3A_412 = tpu.memref_squeeze %dma_wait3A_411 : memref<1x128xi32, #tpu.memory_space<vmem>> -> memref<128xi32, #tpu.memory_space<vmem>>
      %dma_wait3A_413 = arith.constant 0 : i32
      %dma_wait3A_414 = arith.constant 0 : i32
      %dma_wait3A_415 = tpu.memref_slice %arg5[%dma_wait3A_413, %dma_wait3A_414] : memref<10000x128xbf16, #tpu.memory_space<hbm>> -> memref<10000x128xbf16, #tpu.memory_space<hbm>>
      tpu.wait_indirect_dma semaphore(%arg22 : memref<!tpu.dma_semaphore, #tpu.memory_space<semaphore_mem>>) src(%dma_wait3A_415 : memref<10000x128xbf16, #tpu.memory_space<hbm>>) dst(%arg15 : memref<128x128xbf16, #tpu.memory_space<vmem>>)
      %ge3A_416 = arith.constant 1 : i32
      %ge3A_417 = arith.cmpi sge, %add3A_401, %ge3A_416 : i32
      %convert_element_type3A_418 = arith.extui %ge3A_417 : i1 to i32
      %cond3A_419 = arith.constant 0 : i32
      %cond3A_420 = arith.cmpi ne, %convert_element_type3A_418, %cond3A_419 : i32
      scf.if %cond3A_420 {
        %dma_wait3A_944 = arith.constant 0 : i32
        %dma_wait3A_945 = arith.constant 0 : i32
        %dma_wait3A_946 = tpu.memref_slice %arg17[%dma_wait3A_944, %dma_wait3A_945] : memref<2x128xi32, #tpu.memory_space<vmem>> -> memref<1x128xi32, #tpu.memory_space<vmem>>
        %dma_wait3A_947 = tpu.memref_squeeze %dma_wait3A_946 : memref<1x128xi32, #tpu.memory_space<vmem>> -> memref<128xi32, #tpu.memory_space<vmem>>
        %dma_wait3A_948 = arith.constant 0 : i32
        %dma_wait3A_949 = arith.constant 0 : i32
        %dma_wait3A_950 = tpu.memref_slice %arg19[%dma_wait3A_948, %dma_wait3A_949] : memref<10240x128xf32, #tpu.memory_space<vmem_shared>> -> memref<10240x128xf32, #tpu.memory_space<vmem_shared>>
        tpu.wait_indirect_dma semaphore(%arg23 : memref<!tpu.dma_semaphore, #tpu.memory_space<semaphore_mem>>) src(%arg16 : memref<128x128xf32, #tpu.memory_space<vmem>>) dst(%dma_wait3A_950 : memref<10240x128xf32, #tpu.memory_space<vmem_shared>>)
        %dma_wait3A_951 = arith.constant 0 : i32
        %dma_wait3A_952 = arith.constant 0 : i32
        %dma_wait3A_953 = tpu.memref_slice %arg17[%dma_wait3A_951, %dma_wait3A_952] : memref<2x128xi32, #tpu.memory_space<vmem>> -> memref<1x128xi32, #tpu.memory_space<vmem>>
        %dma_wait3A_954 = tpu.memref_squeeze %dma_wait3A_953 : memref<1x128xi32, #tpu.memory_space<vmem>> -> memref<128xi32, #tpu.memory_space<vmem>>
        %dma_wait3A_955 = arith.constant 0 : i32
        %dma_wait3A_956 = arith.constant 0 : i32
        %dma_wait3A_957 = tpu.memref_slice %arg20[%dma_wait3A_955, %dma_wait3A_956] : memref<10240x16xf32, #tpu.memory_space<vmem_shared>> -> memref<10240x16xf32, #tpu.memory_space<vmem_shared>>
        tpu.wait_indirect_dma semaphore(%arg23 : memref<!tpu.dma_semaphore, #tpu.memory_space<semaphore_mem>>) src(%arg18 : memref<128x16xf32, #tpu.memory_space<vmem>>) dst(%dma_wait3A_957 : memref<10240x16xf32, #tpu.memory_space<vmem_shared>>)
      } else {
      }
      %get3A_421 = arith.constant 3 : i32
      %get3A_422 = arith.index_cast %get3A_421 : i32 to index
      %get3A_423 = arith.constant 0 : index
      %get3A_424 = tpu.vector_load %arg10[%get3A_422, %get3A_423] {strides = array<i32>} : memref<4x128xi32, #tpu.memory_space<vmem>>, vector<16xi32>,
      %swap3A_425 = arith.constant 1 : i32
      %swap3A_426 = arith.index_cast %swap3A_425 : i32 to index
      %swap3A_427 = arith.constant 0 : index
      %swap3A_428 = tpu.vector_load %arg17[%swap3A_426, %swap3A_427] {strides = array<i32>} : memref<2x128xi32, #tpu.memory_space<vmem>>, vector<16xi32>,
      tpu.vector_store %arg17[%swap3A_426, %swap3A_427], %get3A_424 {strides = array<i32>} : memref<2x128xi32, #tpu.memory_space<vmem>>, vector<16xi32>,
      %get3A_429 = arith.constant 3 : i32
      %get3A_430 = arith.index_cast %get3A_429 : i32 to index
      %get3A_431 = arith.constant 16 : index
      %get3A_432 = tpu.vector_load %arg10[%get3A_430, %get3A_431] {strides = array<i32>} : memref<4x128xi32, #tpu.memory_space<vmem>>, vector<16xi32>,
      %swap3A_433 = arith.constant 1 : i32
      %swap3A_434 = arith.index_cast %swap3A_433 : i32 to index
      %swap3A_435 = arith.constant 16 : index
      %swap3A_436 = tpu.vector_load %arg17[%swap3A_434, %swap3A_435] {strides = array<i32>} : memref<2x128xi32, #tpu.memory_space<vmem>>, vector<16xi32>,
      tpu.vector_store %arg17[%swap3A_434, %swap3A_435], %get3A_432 {strides = array<i32>} : memref<2x128xi32, #tpu.memory_space<vmem>>, vector<16xi32>,
      %get3A_437 = arith.constant 3 : i32
      %get3A_438 = arith.index_cast %get3A_437 : i32 to index
      %get3A_439 = arith.constant 32 : index
      %get3A_440 = tpu.vector_load %arg10[%get3A_438, %get3A_439] {strides = array<i32>} : memref<4x128xi32, #tpu.memory_space<vmem>>, vector<16xi32>,
      %swap3A_441 = arith.constant 1 : i32
      %swap3A_442 = arith.index_cast %swap3A_441 : i32 to index
      %swap3A_443 = arith.constant 32 : index
      %swap3A_444 = tpu.vector_load %arg17[%swap3A_442, %swap3A_443] {strides = array<i32>} : memref<2x128xi32, #tpu.memory_space<vmem>>, vector<16xi32>,
      tpu.vector_store %arg17[%swap3A_442, %swap3A_443], %get3A_440 {strides = array<i32>} : memref<2x128xi32, #tpu.memory_space<vmem>>, vector<16xi32>,
      %get3A_445 = arith.constant 3 : i32
      %get3A_446 = arith.index_cast %get3A_445 : i32 to index
      %get3A_447 = arith.constant 48 : index
      %get3A_448 = tpu.vector_load %arg10[%get3A_446, %get3A_447] {strides = array<i32>} : memref<4x128xi32, #tpu.memory_space<vmem>>, vector<16xi32>,
      %swap3A_449 = arith.constant 1 : i32
      %swap3A_450 = arith.index_cast %swap3A_449 : i32 to index
      %swap3A_451 = arith.constant 48 : index
      %swap3A_452 = tpu.vector_load %arg17[%swap3A_450, %swap3A_451] {strides = array<i32>} : memref<2x128xi32, #tpu.memory_space<vmem>>, vector<16xi32>,
      tpu.vector_store %arg17[%swap3A_450, %swap3A_451], %get3A_448 {strides = array<i32>} : memref<2x128xi32, #tpu.memory_space<vmem>>, vector<16xi32>,
      %get3A_453 = arith.constant 3 : i32
      %get3A_454 = arith.index_cast %get3A_453 : i32 to index
      %get3A_455 = arith.constant 64 : index
      %get3A_456 = tpu.vector_load %arg10[%get3A_454, %get3A_455] {strides = array<i32>} : memref<4x128xi32, #tpu.memory_space<vmem>>, vector<16xi32>,
      %swap3A_457 = arith.constant 1 : i32
      %swap3A_458 = arith.index_cast %swap3A_457 : i32 to index
      %swap3A_459 = arith.constant 64 : index
      %swap3A_460 = tpu.vector_load %arg17[%swap3A_458, %swap3A_459] {strides = array<i32>} : memref<2x128xi32, #tpu.memory_space<vmem>>, vector<16xi32>,
      tpu.vector_store %arg17[%swap3A_458, %swap3A_459], %get3A_456 {strides = array<i32>} : memref<2x128xi32, #tpu.memory_space<vmem>>, vector<16xi32>,
      %get3A_461 = arith.constant 3 : i32
      %get3A_462 = arith.index_cast %get3A_461 : i32 to index
      %get3A_463 = arith.constant 80 : index
      %get3A_464 = tpu.vector_load %arg10[%get3A_462, %get3A_463] {strides = array<i32>} : memref<4x128xi32, #tpu.memory_space<vmem>>, vector<16xi32>,
      %swap3A_465 = arith.constant 1 : i32
      %swap3A_466 = arith.index_cast %swap3A_465 : i32 to index
      %swap3A_467 = arith.constant 80 : index
      %swap3A_468 = tpu.vector_load %arg17[%swap3A_466, %swap3A_467] {strides = array<i32>} : memref<2x128xi32, #tpu.memory_space<vmem>>, vector<16xi32>,
      tpu.vector_store %arg17[%swap3A_466, %swap3A_467], %get3A_464 {strides = array<i32>} : memref<2x128xi32, #tpu.memory_space<vmem>>, vector<16xi32>,
      %get3A_469 = arith.constant 3 : i32
      %get3A_470 = arith.index_cast %get3A_469 : i32 to index
      %get3A_471 = arith.constant 96 : index
      %get3A_472 = tpu.vector_load %arg10[%get3A_470, %get3A_471] {strides = array<i32>} : memref<4x128xi32, #tpu.memory_space<vmem>>, vector<16xi32>,
      %swap3A_473 = arith.constant 1 : i32
      %swap3A_474 = arith.index_cast %swap3A_473 : i32 to index
      %swap3A_475 = arith.constant 96 : index
      %swap3A_476 = tpu.vector_load %arg17[%swap3A_474, %swap3A_475] {strides = array<i32>} : memref<2x128xi32, #tpu.memory_space<vmem>>, vector<16xi32>,
      tpu.vector_store %arg17[%swap3A_474, %swap3A_475], %get3A_472 {strides = array<i32>} : memref<2x128xi32, #tpu.memory_space<vmem>>, vector<16xi32>,
      %get3A_477 = arith.constant 3 : i32
      %get3A_478 = arith.index_cast %get3A_477 : i32 to index
      %get3A_479 = arith.constant 112 : index
      %get3A_480 = tpu.vector_load %arg10[%get3A_478, %get3A_479] {strides = array<i32>} : memref<4x128xi32, #tpu.memory_space<vmem>>, vector<16xi32>,
      %swap3A_481 = arith.constant 1 : i32
      %swap3A_482 = arith.index_cast %swap3A_481 : i32 to index
      %swap3A_483 = arith.constant 112 : index
      %swap3A_484 = tpu.vector_load %arg17[%swap3A_482, %swap3A_483] {strides = array<i32>} : memref<2x128xi32, #tpu.memory_space<vmem>>, vector<16xi32>,
      tpu.vector_store %arg17[%swap3A_482, %swap3A_483], %get3A_480 {strides = array<i32>} : memref<2x128xi32, #tpu.memory_space<vmem>>, vector<16xi32>,
      %scan3A_485 = arith.constant 0 : i32
      %scan3A_486 = arith.constant 0 : i32
      %scan3A_487 = arith.constant 64 : i32
      %scan3A_488 = arith.addi %scan3A_486, %scan3A_487 : i32
      %scan3A_489 = arith.constant 1 : i32
      scf.for %scan3A_944 = %scan3A_486 to %scan3A_488 step %scan3A_489  : i32 {
        %mul3A_945 = arith.constant 2 : i32
        %mul3A_946 = arith.muli %scan3A_944, %mul3A_945 : i32
        %add3A_947 = arith.constant 0 : i32
        %add3A_948 = arith.addi %mul3A_946, %add3A_947 : i32
        %broadcast_in_dim3A_949 = arith.constant 3 : i32
        %broadcast_in_dim3A_950 = vector.broadcast %broadcast_in_dim3A_949 : i32 to vector<16xi32>
        %broadcast_in_dim3A_951 = vector.broadcast %add3A_948 : i32 to vector<16xi32>
        %gather3A = tpu.vector_load_idx %arg12[%broadcast_in_dim3A_950, %broadcast_in_dim3A_951] : memref<4x128xf32, #tpu.memory_space<vmem>>[vector<16xi32>, vector<16xi32>], vector<16xf32>,
        %get3A_952 = arith.index_cast %add3A_948 : i32 to index
        %get3A_953 = arith.constant 0 : index
        %get3A_954 = tpu.vector_load %arg15[%get3A_952, %get3A_953] {strides = array<i32>} : memref<128x128xbf16, #tpu.memory_space<vmem>>, vector<32xbf16>,
        %unpack3A = tpu.unpack_subelements %get3A_954, 0 {pack_format = #tpu.pack_format<interleaved>} : vector<32xbf16> -> vector<16xf32>
        %unpack3A_955 = tpu.unpack_subelements %get3A_954, 1 {pack_format = #tpu.pack_format<interleaved>} : vector<32xbf16> -> vector<16xf32>
        %mul3A_956 = arith.mulf %unpack3A, %gather3A : vector<16xf32>
        %swap3A_957 = arith.index_cast %add3A_948 : i32 to index
        %swap3A_958 = arith.constant 0 : index
        %swap3A_959 = tpu.vector_load %arg16[%swap3A_957, %swap3A_958] {strides = array<i32>} : memref<128x128xf32, #tpu.memory_space<vmem>>, vector<16xf32>,
        tpu.vector_store %arg16[%swap3A_957, %swap3A_958], %mul3A_956 {strides = array<i32>} : memref<128x128xf32, #tpu.memory_space<vmem>>, vector<16xf32>,
        %mul3A_960 = arith.mulf %unpack3A_955, %gather3A : vector<16xf32>
        %swap3A_961 = arith.index_cast %add3A_948 : i32 to index
        %swap3A_962 = arith.constant 16 : index
        %swap3A_963 = tpu.vector_load %arg16[%swap3A_961, %swap3A_962] {strides = array<i32>} : memref<128x128xf32, #tpu.memory_space<vmem>>, vector<16xf32>,
        tpu.vector_store %arg16[%swap3A_961, %swap3A_962], %mul3A_960 {strides = array<i32>} : memref<128x128xf32, #tpu.memory_space<vmem>>, vector<16xf32>,
        %get3A_964 = arith.index_cast %add3A_948 : i32 to index
        %get3A_965 = arith.constant 32 : index
        %get3A_966 = tpu.vector_load %arg15[%get3A_964, %get3A_965] {strides = array<i32>} : memref<128x128xbf16, #tpu.memory_space<vmem>>, vector<32xbf16>,
        %unpack3A_967 = tpu.unpack_subelements %get3A_966, 0 {pack_format = #tpu.pack_format<interleaved>} : vector<32xbf16> -> vector<16xf32>
        %unpack3A_968 = tpu.unpack_subelements %get3A_966, 1 {pack_format = #tpu.pack_format<interleaved>} : vector<32xbf16> -> vector<16xf32>
        %mul3A_969 = arith.mulf %unpack3A_967, %gather3A : vector<16xf32>
        %swap3A_970 = arith.index_cast %add3A_948 : i32 to index
        %swap3A_971 = arith.constant 32 : index
        %swap3A_972 = tpu.vector_load %arg16[%swap3A_970, %swap3A_971] {strides = array<i32>} : memref<128x128xf32, #tpu.memory_space<vmem>>, vector<16xf32>,
        tpu.vector_store %arg16[%swap3A_970, %swap3A_971], %mul3A_969 {strides = array<i32>} : memref<128x128xf32, #tpu.memory_space<vmem>>, vector<16xf32>,
        %mul3A_973 = arith.mulf %unpack3A_968, %gather3A : vector<16xf32>
        %swap3A_974 = arith.index_cast %add3A_948 : i32 to index
        %swap3A_975 = arith.constant 48 : index
        %swap3A_976 = tpu.vector_load %arg16[%swap3A_974, %swap3A_975] {strides = array<i32>} : memref<128x128xf32, #tpu.memory_space<vmem>>, vector<16xf32>,
        tpu.vector_store %arg16[%swap3A_974, %swap3A_975], %mul3A_973 {strides = array<i32>} : memref<128x128xf32, #tpu.memory_space<vmem>>, vector<16xf32>,
        %get3A_977 = arith.index_cast %add3A_948 : i32 to index
        %get3A_978 = arith.constant 64 : index
        %get3A_979 = tpu.vector_load %arg15[%get3A_977, %get3A_978] {strides = array<i32>} : memref<128x128xbf16, #tpu.memory_space<vmem>>, vector<32xbf16>,
        %unpack3A_980 = tpu.unpack_subelements %get3A_979, 0 {pack_format = #tpu.pack_format<interleaved>} : vector<32xbf16> -> vector<16xf32>
        %unpack3A_981 = tpu.unpack_subelements %get3A_979, 1 {pack_format = #tpu.pack_format<interleaved>} : vector<32xbf16> -> vector<16xf32>
        %mul3A_982 = arith.mulf %unpack3A_980, %gather3A : vector<16xf32>
        %swap3A_983 = arith.index_cast %add3A_948 : i32 to index
        %swap3A_984 = arith.constant 64 : index
        %swap3A_985 = tpu.vector_load %arg16[%swap3A_983, %swap3A_984] {strides = array<i32>} : memref<128x128xf32, #tpu.memory_space<vmem>>, vector<16xf32>,
        tpu.vector_store %arg16[%swap3A_983, %swap3A_984], %mul3A_982 {strides = array<i32>} : memref<128x128xf32, #tpu.memory_space<vmem>>, vector<16xf32>,
        %mul3A_986 = arith.mulf %unpack3A_981, %gather3A : vector<16xf32>
        %swap3A_987 = arith.index_cast %add3A_948 : i32 to index
        %swap3A_988 = arith.constant 80 : index
        %swap3A_989 = tpu.vector_load %arg16[%swap3A_987, %swap3A_988] {strides = array<i32>} : memref<128x128xf32, #tpu.memory_space<vmem>>, vector<16xf32>,
        tpu.vector_store %arg16[%swap3A_987, %swap3A_988], %mul3A_986 {strides = array<i32>} : memref<128x128xf32, #tpu.memory_space<vmem>>, vector<16xf32>,
        %get3A_990 = arith.index_cast %add3A_948 : i32 to index
        %get3A_991 = arith.constant 96 : index
        %get3A_992 = tpu.vector_load %arg15[%get3A_990, %get3A_991] {strides = array<i32>} : memref<128x128xbf16, #tpu.memory_space<vmem>>, vector<32xbf16>,
        %unpack3A_993 = tpu.unpack_subelements %get3A_992, 0 {pack_format = #tpu.pack_format<interleaved>} : vector<32xbf16> -> vector<16xf32>
        %unpack3A_994 = tpu.unpack_subelements %get3A_992, 1 {pack_format = #tpu.pack_format<interleaved>} : vector<32xbf16> -> vector<16xf32>
        %mul3A_995 = arith.mulf %unpack3A_993, %gather3A : vector<16xf32>
        %swap3A_996 = arith.index_cast %add3A_948 : i32 to index
        %swap3A_997 = arith.constant 96 : index
        %swap3A_998 = tpu.vector_load %arg16[%swap3A_996, %swap3A_997] {strides = array<i32>} : memref<128x128xf32, #tpu.memory_space<vmem>>, vector<16xf32>,
        tpu.vector_store %arg16[%swap3A_996, %swap3A_997], %mul3A_995 {strides = array<i32>} : memref<128x128xf32, #tpu.memory_space<vmem>>, vector<16xf32>,
        %mul3A_999 = arith.mulf %unpack3A_994, %gather3A : vector<16xf32>
        %swap3A_1000 = arith.index_cast %add3A_948 : i32 to index
        %swap3A_1001 = arith.constant 112 : index
        %swap3A_1002 = tpu.vector_load %arg16[%swap3A_1000, %swap3A_1001] {strides = array<i32>} : memref<128x128xf32, #tpu.memory_space<vmem>>, vector<16xf32>,
        tpu.vector_store %arg16[%swap3A_1000, %swap3A_1001], %mul3A_999 {strides = array<i32>} : memref<128x128xf32, #tpu.memory_space<vmem>>, vector<16xf32>,
        %mul3A_1003 = arith.constant 2 : i32
        %mul3A_1004 = arith.muli %scan3A_944, %mul3A_1003 : i32
        %add3A_1005 = arith.constant 1 : i32
        %add3A_1006 = arith.addi %mul3A_1004, %add3A_1005 : i32
        %broadcast_in_dim3A_1007 = arith.constant 3 : i32
        %broadcast_in_dim3A_1008 = vector.broadcast %broadcast_in_dim3A_1007 : i32 to vector<16xi32>
        %broadcast_in_dim3A_1009 = vector.broadcast %add3A_1006 : i32 to vector<16xi32>
        %gather3A_1010 = tpu.vector_load_idx %arg12[%broadcast_in_dim3A_1008, %broadcast_in_dim3A_1009] : memref<4x128xf32, #tpu.memory_space<vmem>>[vector<16xi32>, vector<16xi32>], vector<16xf32>,
        %get3A_1011 = arith.index_cast %add3A_1006 : i32 to index
        %get3A_1012 = arith.constant 0 : index
        %get3A_1013 = tpu.vector_load %arg15[%get3A_1011, %get3A_1012] {strides = array<i32>} : memref<128x128xbf16, #tpu.memory_space<vmem>>, vector<32xbf16>,
        %unpack3A_1014 = tpu.unpack_subelements %get3A_1013, 0 {pack_format = #tpu.pack_format<interleaved>} : vector<32xbf16> -> vector<16xf32>
        %unpack3A_1015 = tpu.unpack_subelements %get3A_1013, 1 {pack_format = #tpu.pack_format<interleaved>} : vector<32xbf16> -> vector<16xf32>
        %mul3A_1016 = arith.mulf %unpack3A_1014, %gather3A_1010 : vector<16xf32>
        %swap3A_1017 = arith.index_cast %add3A_1006 : i32 to index
        %swap3A_1018 = arith.constant 0 : index
        %swap3A_1019 = tpu.vector_load %arg16[%swap3A_1017, %swap3A_1018] {strides = array<i32>} : memref<128x128xf32, #tpu.memory_space<vmem>>, vector<16xf32>,
        tpu.vector_store %arg16[%swap3A_1017, %swap3A_1018], %mul3A_1016 {strides = array<i32>} : memref<128x128xf32, #tpu.memory_space<vmem>>, vector<16xf32>,
        %mul3A_1020 = arith.mulf %unpack3A_1015, %gather3A_1010 : vector<16xf32>
        %swap3A_1021 = arith.index_cast %add3A_1006 : i32 to index
        %swap3A_1022 = arith.constant 16 : index
        %swap3A_1023 = tpu.vector_load %arg16[%swap3A_1021, %swap3A_1022] {strides = array<i32>} : memref<128x128xf32, #tpu.memory_space<vmem>>, vector<16xf32>,
        tpu.vector_store %arg16[%swap3A_1021, %swap3A_1022], %mul3A_1020 {strides = array<i32>} : memref<128x128xf32, #tpu.memory_space<vmem>>, vector<16xf32>,
        %get3A_1024 = arith.index_cast %add3A_1006 : i32 to index
        %get3A_1025 = arith.constant 32 : index
        %get3A_1026 = tpu.vector_load %arg15[%get3A_1024, %get3A_1025] {strides = array<i32>} : memref<128x128xbf16, #tpu.memory_space<vmem>>, vector<32xbf16>,
        %unpack3A_1027 = tpu.unpack_subelements %get3A_1026, 0 {pack_format = #tpu.pack_format<interleaved>} : vector<32xbf16> -> vector<16xf32>
        %unpack3A_1028 = tpu.unpack_subelements %get3A_1026, 1 {pack_format = #tpu.pack_format<interleaved>} : vector<32xbf16> -> vector<16xf32>
        %mul3A_1029 = arith.mulf %unpack3A_1027, %gather3A_1010 : vector<16xf32>
        %swap3A_1030 = arith.index_cast %add3A_1006 : i32 to index
        %swap3A_1031 = arith.constant 32 : index
        %swap3A_1032 = tpu.vector_load %arg16[%swap3A_1030, %swap3A_1031] {strides = array<i32>} : memref<128x128xf32, #tpu.memory_space<vmem>>, vector<16xf32>,
        tpu.vector_store %arg16[%swap3A_1030, %swap3A_1031], %mul3A_1029 {strides = array<i32>} : memref<128x128xf32, #tpu.memory_space<vmem>>, vector<16xf32>,
        %mul3A_1033 = arith.mulf %unpack3A_1028, %gather3A_1010 : vector<16xf32>
        %swap3A_1034 = arith.index_cast %add3A_1006 : i32 to index
        %swap3A_1035 = arith.constant 48 : index
        %swap3A_1036 = tpu.vector_load %arg16[%swap3A_1034, %swap3A_1035] {strides = array<i32>} : memref<128x128xf32, #tpu.memory_space<vmem>>, vector<16xf32>,
        tpu.vector_store %arg16[%swap3A_1034, %swap3A_1035], %mul3A_1033 {strides = array<i32>} : memref<128x128xf32, #tpu.memory_space<vmem>>, vector<16xf32>,
        %get3A_1037 = arith.index_cast %add3A_1006 : i32 to index
        %get3A_1038 = arith.constant 64 : index
        %get3A_1039 = tpu.vector_load %arg15[%get3A_1037, %get3A_1038] {strides = array<i32>} : memref<128x128xbf16, #tpu.memory_space<vmem>>, vector<32xbf16>,
        %unpack3A_1040 = tpu.unpack_subelements %get3A_1039, 0 {pack_format = #tpu.pack_format<interleaved>} : vector<32xbf16> -> vector<16xf32>
        %unpack3A_1041 = tpu.unpack_subelements %get3A_1039, 1 {pack_format = #tpu.pack_format<interleaved>} : vector<32xbf16> -> vector<16xf32>
        %mul3A_1042 = arith.mulf %unpack3A_1040, %gather3A_1010 : vector<16xf32>
        %swap3A_1043 = arith.index_cast %add3A_1006 : i32 to index
        %swap3A_1044 = arith.constant 64 : index
        %swap3A_1045 = tpu.vector_load %arg16[%swap3A_1043, %swap3A_1044] {strides = array<i32>} : memref<128x128xf32, #tpu.memory_space<vmem>>, vector<16xf32>,
        tpu.vector_store %arg16[%swap3A_1043, %swap3A_1044], %mul3A_1042 {strides = array<i32>} : memref<128x128xf32, #tpu.memory_space<vmem>>, vector<16xf32>,
        %mul3A_1046 = arith.mulf %unpack3A_1041, %gather3A_1010 : vector<16xf32>
        %swap3A_1047 = arith.index_cast %add3A_1006 : i32 to index
        %swap3A_1048 = arith.constant 80 : index
        %swap3A_1049 = tpu.vector_load %arg16[%swap3A_1047, %swap3A_1048] {strides = array<i32>} : memref<128x128xf32, #tpu.memory_space<vmem>>, vector<16xf32>,
        tpu.vector_store %arg16[%swap3A_1047, %swap3A_1048], %mul3A_1046 {strides = array<i32>} : memref<128x128xf32, #tpu.memory_space<vmem>>, vector<16xf32>,
        %get3A_1050 = arith.index_cast %add3A_1006 : i32 to index
        %get3A_1051 = arith.constant 96 : index
        %get3A_1052 = tpu.vector_load %arg15[%get3A_1050, %get3A_1051] {strides = array<i32>} : memref<128x128xbf16, #tpu.memory_space<vmem>>, vector<32xbf16>,
        %unpack3A_1053 = tpu.unpack_subelements %get3A_1052, 0 {pack_format = #tpu.pack_format<interleaved>} : vector<32xbf16> -> vector<16xf32>
        %unpack3A_1054 = tpu.unpack_subelements %get3A_1052, 1 {pack_format = #tpu.pack_format<interleaved>} : vector<32xbf16> -> vector<16xf32>
        %mul3A_1055 = arith.mulf %unpack3A_1053, %gather3A_1010 : vector<16xf32>
        %swap3A_1056 = arith.index_cast %add3A_1006 : i32 to index
        %swap3A_1057 = arith.constant 96 : index
        %swap3A_1058 = tpu.vector_load %arg16[%swap3A_1056, %swap3A_1057] {strides = array<i32>} : memref<128x128xf32, #tpu.memory_space<vmem>>, vector<16xf32>,
        tpu.vector_store %arg16[%swap3A_1056, %swap3A_1057], %mul3A_1055 {strides = array<i32>} : memref<128x128xf32, #tpu.memory_space<vmem>>, vector<16xf32>,
        %mul3A_1059 = arith.mulf %unpack3A_1054, %gather3A_1010 : vector<16xf32>
        %swap3A_1060 = arith.index_cast %add3A_1006 : i32 to index
        %swap3A_1061 = arith.constant 112 : index
        %swap3A_1062 = tpu.vector_load %arg16[%swap3A_1060, %swap3A_1061] {strides = array<i32>} : memref<128x128xf32, #tpu.memory_space<vmem>>, vector<16xf32>,
        tpu.vector_store %arg16[%swap3A_1060, %swap3A_1061], %mul3A_1059 {strides = array<i32>} : memref<128x128xf32, #tpu.memory_space<vmem>>, vector<16xf32>,
      }
      %scan3A_490 = arith.constant 64 : i32
      %dma_start3A_491 = arith.constant 1 : i32
      %dma_start3A_492 = arith.constant 0 : i32
      %dma_start3A_493 = tpu.memref_slice %arg17[%dma_start3A_491, %dma_start3A_492] : memref<2x128xi32, #tpu.memory_space<vmem>> -> memref<1x128xi32, #tpu.memory_space<vmem>>
      %dma_start3A_494 = tpu.memref_squeeze %dma_start3A_493 : memref<1x128xi32, #tpu.memory_space<vmem>> -> memref<128xi32, #tpu.memory_space<vmem>>
      %dma_start3A_495 = arith.constant 0 : i32
      %dma_start3A_496 = arith.constant 0 : i32
      %dma_start3A_497 = tpu.memref_slice %arg19[%dma_start3A_495, %dma_start3A_496] : memref<10240x128xf32, #tpu.memory_space<vmem_shared>> -> memref<10240x128xf32, #tpu.memory_space<vmem_shared>>
      tpu.enqueue_indirect_dma source(%arg16 : memref<128x128xf32, #tpu.memory_space<vmem>>) target(%dma_start3A_497 : memref<10240x128xf32, #tpu.memory_space<vmem_shared>>) offsets(%dma_start3A_494 : memref<128xi32, #tpu.memory_space<vmem>>) semaphore(%arg23 : memref<!tpu.dma_semaphore, #tpu.memory_space<semaphore_mem>>) {add = true}
      %dma_start3A_498 = arith.constant 1 : i32
      %dma_start3A_499 = arith.constant 0 : i32
      %dma_start3A_500 = tpu.memref_slice %arg17[%dma_start3A_498, %dma_start3A_499] : memref<2x128xi32, #tpu.memory_space<vmem>> -> memref<1x128xi32, #tpu.memory_space<vmem>>
      %dma_start3A_501 = tpu.memref_squeeze %dma_start3A_500 : memref<1x128xi32, #tpu.memory_space<vmem>> -> memref<128xi32, #tpu.memory_space<vmem>>
      %dma_start3A_502 = arith.constant 0 : i32
      %dma_start3A_503 = arith.constant 0 : i32
      %dma_start3A_504 = tpu.memref_slice %arg20[%dma_start3A_502, %dma_start3A_503] : memref<10240x16xf32, #tpu.memory_space<vmem_shared>> -> memref<10240x16xf32, #tpu.memory_space<vmem_shared>>
      tpu.enqueue_indirect_dma source(%arg18 : memref<128x16xf32, #tpu.memory_space<vmem>>) target(%dma_start3A_504 : memref<10240x16xf32, #tpu.memory_space<vmem_shared>>) offsets(%dma_start3A_501 : memref<128xi32, #tpu.memory_space<vmem>>) semaphore(%arg23 : memref<!tpu.dma_semaphore, #tpu.memory_space<semaphore_mem>>) {add = true}
      %mul3A_505 = arith.constant 2 : i32
      %mul3A_506 = arith.muli %scan3A_71, %mul3A_505 : i32
      %add3A_507 = arith.constant 1 : i32
      %add3A_508 = arith.addi %mul3A_506, %add3A_507 : i32
      %mul3A_509 = arith.constant 4 : i32
      %mul3A_510 = arith.muli %add3A_508, %mul3A_509 : i32
      %add3A_511 = arith.constant 0 : i32
      %add3A_512 = arith.addi %mul3A_510, %add3A_511 : i32
      %add3A_513 = arith.constant 1 : i32
      %add3A_514 = arith.addi %add3A_508, %add3A_513 : i32
      %lt3A_515 = arith.constant 10 : i32
      %lt3A_516 = arith.cmpi slt, %add3A_514, %lt3A_515 : i32
      %convert_element_type3A_517 = arith.extui %lt3A_516 : i1 to i32
      %cond3A_518 = arith.constant 0 : i32
      %cond3A_519 = arith.cmpi ne, %convert_element_type3A_517, %cond3A_518 : i32
      scf.if %cond3A_519 {
        %add3A_944 = arith.constant 1 : i32
        %add3A_945 = arith.addi %add3A_508, %add3A_944 : i32
        %mul3A_946 = arith.constant 4 : i32
        %mul3A_947 = arith.muli %add3A_945, %mul3A_946 : i32
        %add3A_948 = arith.addi %mul3A_36, %mul3A_947 : i32
        %dma_start3A_949 = arith.constant 0 : i32
        %dma_start3A_950 = tpu.memref_slice %arg2[%add3A_948, %dma_start3A_949] : memref<1280x128xi32, #tpu.memory_space<hbm>> -> memref<4x128xi32, #tpu.memory_space<hbm>>
        %dma_start3A_951 = arith.constant 0 : i32
        %dma_start3A_952 = tpu.memref_slice %arg2[%add3A_948, %dma_start3A_951] : memref<1280x128xi32, #tpu.memory_space<hbm>> -> memref<4x128xi32, #tpu.memory_space<hbm>>
        tpu.enqueue_dma source(%dma_start3A_952 : memref<4x128xi32, #tpu.memory_space<hbm>>) target(%arg8 : memref<4x128xi32, #tpu.memory_space<vmem>>) target_semaphore(%arg24 : memref<!tpu.dma_semaphore, #tpu.memory_space<semaphore_mem>>)
        %dma_start3A_953 = arith.constant 0 : i32
        %dma_start3A_954 = tpu.memref_slice %arg3[%add3A_948, %dma_start3A_953] : memref<1280x128xi32, #tpu.memory_space<hbm>> -> memref<4x128xi32, #tpu.memory_space<hbm>>
        %dma_start3A_955 = arith.constant 0 : i32
        %dma_start3A_956 = tpu.memref_slice %arg3[%add3A_948, %dma_start3A_955] : memref<1280x128xi32, #tpu.memory_space<hbm>> -> memref<4x128xi32, #tpu.memory_space<hbm>>
        tpu.enqueue_dma source(%dma_start3A_956 : memref<4x128xi32, #tpu.memory_space<hbm>>) target(%arg10 : memref<4x128xi32, #tpu.memory_space<vmem>>) target_semaphore(%arg24 : memref<!tpu.dma_semaphore, #tpu.memory_space<semaphore_mem>>)
        %dma_start3A_957 = arith.constant 0 : i32
        %dma_start3A_958 = tpu.memref_slice %arg4[%add3A_948, %dma_start3A_957] : memref<1280x128xf32, #tpu.memory_space<hbm>> -> memref<4x128xf32, #tpu.memory_space<hbm>>
        %dma_start3A_959 = arith.constant 0 : i32
        %dma_start3A_960 = tpu.memref_slice %arg4[%add3A_948, %dma_start3A_959] : memref<1280x128xf32, #tpu.memory_space<hbm>> -> memref<4x128xf32, #tpu.memory_space<hbm>>
        tpu.enqueue_dma source(%dma_start3A_960 : memref<4x128xf32, #tpu.memory_space<hbm>>) target(%arg12 : memref<4x128xf32, #tpu.memory_space<vmem>>) target_semaphore(%arg24 : memref<!tpu.dma_semaphore, #tpu.memory_space<semaphore_mem>>)
      } else {
      }
      %add3A_520 = arith.constant 1 : i32
      %add3A_521 = arith.addi %add3A_512, %add3A_520 : i32
      %lt3A_522 = arith.constant 40 : i32
      %lt3A_523 = arith.cmpi slt, %add3A_521, %lt3A_522 : i32
      %convert_element_type3A_524 = arith.extui %lt3A_523 : i1 to i32
      %cond3A_525 = arith.constant 0 : i32
      %cond3A_526 = arith.cmpi ne, %convert_element_type3A_524, %cond3A_525 : i32
      scf.if %cond3A_526 {
        %dma_start3A_944 = arith.constant 1 : i32
        %dma_start3A_945 = arith.constant 0 : i32
        %dma_start3A_946 = tpu.memref_slice %arg9[%dma_start3A_944, %dma_start3A_945] : memref<4x128xi32, #tpu.memory_space<vmem>> -> memref<1x128xi32, #tpu.memory_space<vmem>>
        %dma_start3A_947 = tpu.memref_squeeze %dma_start3A_946 : memref<1x128xi32, #tpu.memory_space<vmem>> -> memref<128xi32, #tpu.memory_space<vmem>>
        %dma_start3A_948 = arith.constant 0 : i32
        %dma_start3A_949 = arith.constant 0 : i32
        %dma_start3A_950 = tpu.memref_slice %arg5[%dma_start3A_948, %dma_start3A_949] : memref<10000x128xbf16, #tpu.memory_space<hbm>> -> memref<10000x128xbf16, #tpu.memory_space<hbm>>
        tpu.enqueue_indirect_dma source(%dma_start3A_950 : memref<10000x128xbf16, #tpu.memory_space<hbm>>) target(%arg15 : memref<128x128xbf16, #tpu.memory_space<vmem>>) offsets(%dma_start3A_947 : memref<128xi32, #tpu.memory_space<vmem>>) semaphore(%arg22 : memref<!tpu.dma_semaphore, #tpu.memory_space<semaphore_mem>>)
      } else {
      }
      %dma_wait3A_527 = arith.constant 0 : i32
      %dma_wait3A_528 = arith.constant 0 : i32
      %dma_wait3A_529 = tpu.memref_slice %arg9[%dma_wait3A_527, %dma_wait3A_528] : memref<4x128xi32, #tpu.memory_space<vmem>> -> memref<1x128xi32, #tpu.memory_space<vmem>>
      %dma_wait3A_530 = tpu.memref_squeeze %dma_wait3A_529 : memref<1x128xi32, #tpu.memory_space<vmem>> -> memref<128xi32, #tpu.memory_space<vmem>>
      %dma_wait3A_531 = arith.constant 0 : i32
      %dma_wait3A_532 = arith.constant 0 : i32
      %dma_wait3A_533 = tpu.memref_slice %arg5[%dma_wait3A_531, %dma_wait3A_532] : memref<10000x128xbf16, #tpu.memory_space<hbm>> -> memref<10000x128xbf16, #tpu.memory_space<hbm>>
      tpu.wait_indirect_dma semaphore(%arg21 : memref<!tpu.dma_semaphore, #tpu.memory_space<semaphore_mem>>) src(%dma_wait3A_533 : memref<10000x128xbf16, #tpu.memory_space<hbm>>) dst(%arg14 : memref<128x128xbf16, #tpu.memory_space<vmem>>)
      %ge3A_534 = arith.constant 1 : i32
      %ge3A_535 = arith.cmpi sge, %add3A_512, %ge3A_534 : i32
      %convert_element_type3A_536 = arith.extui %ge3A_535 : i1 to i32
      %cond3A_537 = arith.constant 0 : i32
      %cond3A_538 = arith.cmpi ne, %convert_element_type3A_536, %cond3A_537 : i32
      scf.if %cond3A_538 {
        %dma_wait3A_944 = arith.constant 1 : i32
        %dma_wait3A_945 = arith.constant 0 : i32
        %dma_wait3A_946 = tpu.memref_slice %arg17[%dma_wait3A_944, %dma_wait3A_945] : memref<2x128xi32, #tpu.memory_space<vmem>> -> memref<1x128xi32, #tpu.memory_space<vmem>>
        %dma_wait3A_947 = tpu.memref_squeeze %dma_wait3A_946 : memref<1x128xi32, #tpu.memory_space<vmem>> -> memref<128xi32, #tpu.memory_space<vmem>>
        %dma_wait3A_948 = arith.constant 0 : i32
        %dma_wait3A_949 = arith.constant 0 : i32
        %dma_wait3A_950 = tpu.memref_slice %arg19[%dma_wait3A_948, %dma_wait3A_949] : memref<10240x128xf32, #tpu.memory_space<vmem_shared>> -> memref<10240x128xf32, #tpu.memory_space<vmem_shared>>
        tpu.wait_indirect_dma semaphore(%arg23 : memref<!tpu.dma_semaphore, #tpu.memory_space<semaphore_mem>>) src(%arg16 : memref<128x128xf32, #tpu.memory_space<vmem>>) dst(%dma_wait3A_950 : memref<10240x128xf32, #tpu.memory_space<vmem_shared>>)
        %dma_wait3A_951 = arith.constant 1 : i32
        %dma_wait3A_952 = arith.constant 0 : i32
        %dma_wait3A_953 = tpu.memref_slice %arg17[%dma_wait3A_951, %dma_wait3A_952] : memref<2x128xi32, #tpu.memory_space<vmem>> -> memref<1x128xi32, #tpu.memory_space<vmem>>
        %dma_wait3A_954 = tpu.memref_squeeze %dma_wait3A_953 : memref<1x128xi32, #tpu.memory_space<vmem>> -> memref<128xi32, #tpu.memory_space<vmem>>
        %dma_wait3A_955 = arith.constant 0 : i32
        %dma_wait3A_956 = arith.constant 0 : i32
        %dma_wait3A_957 = tpu.memref_slice %arg20[%dma_wait3A_955, %dma_wait3A_956] : memref<10240x16xf32, #tpu.memory_space<vmem_shared>> -> memref<10240x16xf32, #tpu.memory_space<vmem_shared>>
        tpu.wait_indirect_dma semaphore(%arg23 : memref<!tpu.dma_semaphore, #tpu.memory_space<semaphore_mem>>) src(%arg18 : memref<128x16xf32, #tpu.memory_space<vmem>>) dst(%dma_wait3A_957 : memref<10240x16xf32, #tpu.memory_space<vmem_shared>>)
      } else {
      }
      %get3A_539 = arith.constant 0 : i32
      %get3A_540 = arith.index_cast %get3A_539 : i32 to index
      %get3A_541 = arith.constant 0 : index
      %get3A_542 = tpu.vector_load %arg11[%get3A_540, %get3A_541] {strides = array<i32>} : memref<4x128xi32, #tpu.memory_space<vmem>>, vector<16xi32>,
      %swap3A_543 = arith.constant 0 : i32
      %swap3A_544 = arith.index_cast %swap3A_543 : i32 to index
      %swap3A_545 = arith.constant 0 : index
      %swap3A_546 = tpu.vector_load %arg17[%swap3A_544, %swap3A_545] {strides = array<i32>} : memref<2x128xi32, #tpu.memory_space<vmem>>, vector<16xi32>,
      tpu.vector_store %arg17[%swap3A_544, %swap3A_545], %get3A_542 {strides = array<i32>} : memref<2x128xi32, #tpu.memory_space<vmem>>, vector<16xi32>,
      %get3A_547 = arith.constant 0 : i32
      %get3A_548 = arith.index_cast %get3A_547 : i32 to index
      %get3A_549 = arith.constant 16 : index
      %get3A_550 = tpu.vector_load %arg11[%get3A_548, %get3A_549] {strides = array<i32>} : memref<4x128xi32, #tpu.memory_space<vmem>>, vector<16xi32>,
      %swap3A_551 = arith.constant 0 : i32
      %swap3A_552 = arith.index_cast %swap3A_551 : i32 to index
      %swap3A_553 = arith.constant 16 : index
      %swap3A_554 = tpu.vector_load %arg17[%swap3A_552, %swap3A_553] {strides = array<i32>} : memref<2x128xi32, #tpu.memory_space<vmem>>, vector<16xi32>,
      tpu.vector_store %arg17[%swap3A_552, %swap3A_553], %get3A_550 {strides = array<i32>} : memref<2x128xi32, #tpu.memory_space<vmem>>, vector<16xi32>,
      %get3A_555 = arith.constant 0 : i32
      %get3A_556 = arith.index_cast %get3A_555 : i32 to index
      %get3A_557 = arith.constant 32 : index
      %get3A_558 = tpu.vector_load %arg11[%get3A_556, %get3A_557] {strides = array<i32>} : memref<4x128xi32, #tpu.memory_space<vmem>>, vector<16xi32>,
      %swap3A_559 = arith.constant 0 : i32
      %swap3A_560 = arith.index_cast %swap3A_559 : i32 to index
      %swap3A_561 = arith.constant 32 : index
      %swap3A_562 = tpu.vector_load %arg17[%swap3A_560, %swap3A_561] {strides = array<i32>} : memref<2x128xi32, #tpu.memory_space<vmem>>, vector<16xi32>,
      tpu.vector_store %arg17[%swap3A_560, %swap3A_561], %get3A_558 {strides = array<i32>} : memref<2x128xi32, #tpu.memory_space<vmem>>, vector<16xi32>,
      %get3A_563 = arith.constant 0 : i32
      %get3A_564 = arith.index_cast %get3A_563 : i32 to index
      %get3A_565 = arith.constant 48 : index
      %get3A_566 = tpu.vector_load %arg11[%get3A_564, %get3A_565] {strides = array<i32>} : memref<4x128xi32, #tpu.memory_space<vmem>>, vector<16xi32>,
      %swap3A_567 = arith.constant 0 : i32
      %swap3A_568 = arith.index_cast %swap3A_567 : i32 to index
      %swap3A_569 = arith.constant 48 : index
      %swap3A_570 = tpu.vector_load %arg17[%swap3A_568, %swap3A_569] {strides = array<i32>} : memref<2x128xi32, #tpu.memory_space<vmem>>, vector<16xi32>,
      tpu.vector_store %arg17[%swap3A_568, %swap3A_569], %get3A_566 {strides = array<i32>} : memref<2x128xi32, #tpu.memory_space<vmem>>, vector<16xi32>,
      %get3A_571 = arith.constant 0 : i32
      %get3A_572 = arith.index_cast %get3A_571 : i32 to index
      %get3A_573 = arith.constant 64 : index
      %get3A_574 = tpu.vector_load %arg11[%get3A_572, %get3A_573] {strides = array<i32>} : memref<4x128xi32, #tpu.memory_space<vmem>>, vector<16xi32>,
      %swap3A_575 = arith.constant 0 : i32
      %swap3A_576 = arith.index_cast %swap3A_575 : i32 to index
      %swap3A_577 = arith.constant 64 : index
      %swap3A_578 = tpu.vector_load %arg17[%swap3A_576, %swap3A_577] {strides = array<i32>} : memref<2x128xi32, #tpu.memory_space<vmem>>, vector<16xi32>,
      tpu.vector_store %arg17[%swap3A_576, %swap3A_577], %get3A_574 {strides = array<i32>} : memref<2x128xi32, #tpu.memory_space<vmem>>, vector<16xi32>,
      %get3A_579 = arith.constant 0 : i32
      %get3A_580 = arith.index_cast %get3A_579 : i32 to index
      %get3A_581 = arith.constant 80 : index
      %get3A_582 = tpu.vector_load %arg11[%get3A_580, %get3A_581] {strides = array<i32>} : memref<4x128xi32, #tpu.memory_space<vmem>>, vector<16xi32>,
      %swap3A_583 = arith.constant 0 : i32
      %swap3A_584 = arith.index_cast %swap3A_583 : i32 to index
      %swap3A_585 = arith.constant 80 : index
      %swap3A_586 = tpu.vector_load %arg17[%swap3A_584, %swap3A_585] {strides = array<i32>} : memref<2x128xi32, #tpu.memory_space<vmem>>, vector<16xi32>,
      tpu.vector_store %arg17[%swap3A_584, %swap3A_585], %get3A_582 {strides = array<i32>} : memref<2x128xi32, #tpu.memory_space<vmem>>, vector<16xi32>,
      %get3A_587 = arith.constant 0 : i32
      %get3A_588 = arith.index_cast %get3A_587 : i32 to index
      %get3A_589 = arith.constant 96 : index
      %get3A_590 = tpu.vector_load %arg11[%get3A_588, %get3A_589] {strides = array<i32>} : memref<4x128xi32, #tpu.memory_space<vmem>>, vector<16xi32>,
      %swap3A_591 = arith.constant 0 : i32
      %swap3A_592 = arith.index_cast %swap3A_591 : i32 to index
      %swap3A_593 = arith.constant 96 : index
      %swap3A_594 = tpu.vector_load %arg17[%swap3A_592, %swap3A_593] {strides = array<i32>} : memref<2x128xi32, #tpu.memory_space<vmem>>, vector<16xi32>,
      tpu.vector_store %arg17[%swap3A_592, %swap3A_593], %get3A_590 {strides = array<i32>} : memref<2x128xi32, #tpu.memory_space<vmem>>, vector<16xi32>,
      %get3A_595 = arith.constant 0 : i32
      %get3A_596 = arith.index_cast %get3A_595 : i32 to index
      %get3A_597 = arith.constant 112 : index
      %get3A_598 = tpu.vector_load %arg11[%get3A_596, %get3A_597] {strides = array<i32>} : memref<4x128xi32, #tpu.memory_space<vmem>>, vector<16xi32>,
      %swap3A_599 = arith.constant 0 : i32
      %swap3A_600 = arith.index_cast %swap3A_599 : i32 to index
      %swap3A_601 = arith.constant 112 : index
      %swap3A_602 = tpu.vector_load %arg17[%swap3A_600, %swap3A_601] {strides = array<i32>} : memref<2x128xi32, #tpu.memory_space<vmem>>, vector<16xi32>,
      tpu.vector_store %arg17[%swap3A_600, %swap3A_601], %get3A_598 {strides = array<i32>} : memref<2x128xi32, #tpu.memory_space<vmem>>, vector<16xi32>,
      %scan3A_603 = arith.constant 0 : i32
      %scan3A_604 = arith.constant 0 : i32
      %scan3A_605 = arith.constant 64 : i32
      %scan3A_606 = arith.addi %scan3A_604, %scan3A_605 : i32
      %scan3A_607 = arith.constant 1 : i32
      scf.for %scan3A_944 = %scan3A_604 to %scan3A_606 step %scan3A_607  : i32 {
        %mul3A_945 = arith.constant 2 : i32
        %mul3A_946 = arith.muli %scan3A_944, %mul3A_945 : i32
        %add3A_947 = arith.constant 0 : i32
        %add3A_948 = arith.addi %mul3A_946, %add3A_947 : i32
        %broadcast_in_dim3A_949 = arith.constant 0 : i32
        %broadcast_in_dim3A_950 = vector.broadcast %broadcast_in_dim3A_949 : i32 to vector<16xi32>
        %broadcast_in_dim3A_951 = vector.broadcast %add3A_948 : i32 to vector<16xi32>
        %gather3A = tpu.vector_load_idx %arg13[%broadcast_in_dim3A_950, %broadcast_in_dim3A_951] : memref<4x128xf32, #tpu.memory_space<vmem>>[vector<16xi32>, vector<16xi32>], vector<16xf32>,
        %get3A_952 = arith.index_cast %add3A_948 : i32 to index
        %get3A_953 = arith.constant 0 : index
        %get3A_954 = tpu.vector_load %arg14[%get3A_952, %get3A_953] {strides = array<i32>} : memref<128x128xbf16, #tpu.memory_space<vmem>>, vector<32xbf16>,
        %unpack3A = tpu.unpack_subelements %get3A_954, 0 {pack_format = #tpu.pack_format<interleaved>} : vector<32xbf16> -> vector<16xf32>
        %unpack3A_955 = tpu.unpack_subelements %get3A_954, 1 {pack_format = #tpu.pack_format<interleaved>} : vector<32xbf16> -> vector<16xf32>
        %mul3A_956 = arith.mulf %unpack3A, %gather3A : vector<16xf32>
        %swap3A_957 = arith.index_cast %add3A_948 : i32 to index
        %swap3A_958 = arith.constant 0 : index
        %swap3A_959 = tpu.vector_load %arg16[%swap3A_957, %swap3A_958] {strides = array<i32>} : memref<128x128xf32, #tpu.memory_space<vmem>>, vector<16xf32>,
        tpu.vector_store %arg16[%swap3A_957, %swap3A_958], %mul3A_956 {strides = array<i32>} : memref<128x128xf32, #tpu.memory_space<vmem>>, vector<16xf32>,
        %mul3A_960 = arith.mulf %unpack3A_955, %gather3A : vector<16xf32>
        %swap3A_961 = arith.index_cast %add3A_948 : i32 to index
        %swap3A_962 = arith.constant 16 : index
        %swap3A_963 = tpu.vector_load %arg16[%swap3A_961, %swap3A_962] {strides = array<i32>} : memref<128x128xf32, #tpu.memory_space<vmem>>, vector<16xf32>,
        tpu.vector_store %arg16[%swap3A_961, %swap3A_962], %mul3A_960 {strides = array<i32>} : memref<128x128xf32, #tpu.memory_space<vmem>>, vector<16xf32>,
        %get3A_964 = arith.index_cast %add3A_948 : i32 to index
        %get3A_965 = arith.constant 32 : index
        %get3A_966 = tpu.vector_load %arg14[%get3A_964, %get3A_965] {strides = array<i32>} : memref<128x128xbf16, #tpu.memory_space<vmem>>, vector<32xbf16>,
        %unpack3A_967 = tpu.unpack_subelements %get3A_966, 0 {pack_format = #tpu.pack_format<interleaved>} : vector<32xbf16> -> vector<16xf32>
        %unpack3A_968 = tpu.unpack_subelements %get3A_966, 1 {pack_format = #tpu.pack_format<interleaved>} : vector<32xbf16> -> vector<16xf32>
        %mul3A_969 = arith.mulf %unpack3A_967, %gather3A : vector<16xf32>
        %swap3A_970 = arith.index_cast %add3A_948 : i32 to index
        %swap3A_971 = arith.constant 32 : index
        %swap3A_972 = tpu.vector_load %arg16[%swap3A_970, %swap3A_971] {strides = array<i32>} : memref<128x128xf32, #tpu.memory_space<vmem>>, vector<16xf32>,
        tpu.vector_store %arg16[%swap3A_970, %swap3A_971], %mul3A_969 {strides = array<i32>} : memref<128x128xf32, #tpu.memory_space<vmem>>, vector<16xf32>,
        %mul3A_973 = arith.mulf %unpack3A_968, %gather3A : vector<16xf32>
        %swap3A_974 = arith.index_cast %add3A_948 : i32 to index
        %swap3A_975 = arith.constant 48 : index
        %swap3A_976 = tpu.vector_load %arg16[%swap3A_974, %swap3A_975] {strides = array<i32>} : memref<128x128xf32, #tpu.memory_space<vmem>>, vector<16xf32>,
        tpu.vector_store %arg16[%swap3A_974, %swap3A_975], %mul3A_973 {strides = array<i32>} : memref<128x128xf32, #tpu.memory_space<vmem>>, vector<16xf32>,
        %get3A_977 = arith.index_cast %add3A_948 : i32 to index
        %get3A_978 = arith.constant 64 : index
        %get3A_979 = tpu.vector_load %arg14[%get3A_977, %get3A_978] {strides = array<i32>} : memref<128x128xbf16, #tpu.memory_space<vmem>>, vector<32xbf16>,
        %unpack3A_980 = tpu.unpack_subelements %get3A_979, 0 {pack_format = #tpu.pack_format<interleaved>} : vector<32xbf16> -> vector<16xf32>
        %unpack3A_981 = tpu.unpack_subelements %get3A_979, 1 {pack_format = #tpu.pack_format<interleaved>} : vector<32xbf16> -> vector<16xf32>
        %mul3A_982 = arith.mulf %unpack3A_980, %gather3A : vector<16xf32>
        %swap3A_983 = arith.index_cast %add3A_948 : i32 to index
        %swap3A_984 = arith.constant 64 : index
        %swap3A_985 = tpu.vector_load %arg16[%swap3A_983, %swap3A_984] {strides = array<i32>} : memref<128x128xf32, #tpu.memory_space<vmem>>, vector<16xf32>,
        tpu.vector_store %arg16[%swap3A_983, %swap3A_984], %mul3A_982 {strides = array<i32>} : memref<128x128xf32, #tpu.memory_space<vmem>>, vector<16xf32>,
        %mul3A_986 = arith.mulf %unpack3A_981, %gather3A : vector<16xf32>
        %swap3A_987 = arith.index_cast %add3A_948 : i32 to index
        %swap3A_988 = arith.constant 80 : index
        %swap3A_989 = tpu.vector_load %arg16[%swap3A_987, %swap3A_988] {strides = array<i32>} : memref<128x128xf32, #tpu.memory_space<vmem>>, vector<16xf32>,
        tpu.vector_store %arg16[%swap3A_987, %swap3A_988], %mul3A_986 {strides = array<i32>} : memref<128x128xf32, #tpu.memory_space<vmem>>, vector<16xf32>,
        %get3A_990 = arith.index_cast %add3A_948 : i32 to index
        %get3A_991 = arith.constant 96 : index
        %get3A_992 = tpu.vector_load %arg14[%get3A_990, %get3A_991] {strides = array<i32>} : memref<128x128xbf16, #tpu.memory_space<vmem>>, vector<32xbf16>,
        %unpack3A_993 = tpu.unpack_subelements %get3A_992, 0 {pack_format = #tpu.pack_format<interleaved>} : vector<32xbf16> -> vector<16xf32>
        %unpack3A_994 = tpu.unpack_subelements %get3A_992, 1 {pack_format = #tpu.pack_format<interleaved>} : vector<32xbf16> -> vector<16xf32>
        %mul3A_995 = arith.mulf %unpack3A_993, %gather3A : vector<16xf32>
        %swap3A_996 = arith.index_cast %add3A_948 : i32 to index
        %swap3A_997 = arith.constant 96 : index
        %swap3A_998 = tpu.vector_load %arg16[%swap3A_996, %swap3A_997] {strides = array<i32>} : memref<128x128xf32, #tpu.memory_space<vmem>>, vector<16xf32>,
        tpu.vector_store %arg16[%swap3A_996, %swap3A_997], %mul3A_995 {strides = array<i32>} : memref<128x128xf32, #tpu.memory_space<vmem>>, vector<16xf32>,
        %mul3A_999 = arith.mulf %unpack3A_994, %gather3A : vector<16xf32>
        %swap3A_1000 = arith.index_cast %add3A_948 : i32 to index
        %swap3A_1001 = arith.constant 112 : index
        %swap3A_1002 = tpu.vector_load %arg16[%swap3A_1000, %swap3A_1001] {strides = array<i32>} : memref<128x128xf32, #tpu.memory_space<vmem>>, vector<16xf32>,
        tpu.vector_store %arg16[%swap3A_1000, %swap3A_1001], %mul3A_999 {strides = array<i32>} : memref<128x128xf32, #tpu.memory_space<vmem>>, vector<16xf32>,
        %mul3A_1003 = arith.constant 2 : i32
        %mul3A_1004 = arith.muli %scan3A_944, %mul3A_1003 : i32
        %add3A_1005 = arith.constant 1 : i32
        %add3A_1006 = arith.addi %mul3A_1004, %add3A_1005 : i32
        %broadcast_in_dim3A_1007 = arith.constant 0 : i32
        %broadcast_in_dim3A_1008 = vector.broadcast %broadcast_in_dim3A_1007 : i32 to vector<16xi32>
        %broadcast_in_dim3A_1009 = vector.broadcast %add3A_1006 : i32 to vector<16xi32>
        %gather3A_1010 = tpu.vector_load_idx %arg13[%broadcast_in_dim3A_1008, %broadcast_in_dim3A_1009] : memref<4x128xf32, #tpu.memory_space<vmem>>[vector<16xi32>, vector<16xi32>], vector<16xf32>,
        %get3A_1011 = arith.index_cast %add3A_1006 : i32 to index
        %get3A_1012 = arith.constant 0 : index
        %get3A_1013 = tpu.vector_load %arg14[%get3A_1011, %get3A_1012] {strides = array<i32>} : memref<128x128xbf16, #tpu.memory_space<vmem>>, vector<32xbf16>,
        %unpack3A_1014 = tpu.unpack_subelements %get3A_1013, 0 {pack_format = #tpu.pack_format<interleaved>} : vector<32xbf16> -> vector<16xf32>
        %unpack3A_1015 = tpu.unpack_subelements %get3A_1013, 1 {pack_format = #tpu.pack_format<interleaved>} : vector<32xbf16> -> vector<16xf32>
        %mul3A_1016 = arith.mulf %unpack3A_1014, %gather3A_1010 : vector<16xf32>
        %swap3A_1017 = arith.index_cast %add3A_1006 : i32 to index
        %swap3A_1018 = arith.constant 0 : index
        %swap3A_1019 = tpu.vector_load %arg16[%swap3A_1017, %swap3A_1018] {strides = array<i32>} : memref<128x128xf32, #tpu.memory_space<vmem>>, vector<16xf32>,
        tpu.vector_store %arg16[%swap3A_1017, %swap3A_1018], %mul3A_1016 {strides = array<i32>} : memref<128x128xf32, #tpu.memory_space<vmem>>, vector<16xf32>,
        %mul3A_1020 = arith.mulf %unpack3A_1015, %gather3A_1010 : vector<16xf32>
        %swap3A_1021 = arith.index_cast %add3A_1006 : i32 to index
        %swap3A_1022 = arith.constant 16 : index
        %swap3A_1023 = tpu.vector_load %arg16[%swap3A_1021, %swap3A_1022] {strides = array<i32>} : memref<128x128xf32, #tpu.memory_space<vmem>>, vector<16xf32>,
        tpu.vector_store %arg16[%swap3A_1021, %swap3A_1022], %mul3A_1020 {strides = array<i32>} : memref<128x128xf32, #tpu.memory_space<vmem>>, vector<16xf32>,
        %get3A_1024 = arith.index_cast %add3A_1006 : i32 to index
        %get3A_1025 = arith.constant 32 : index
        %get3A_1026 = tpu.vector_load %arg14[%get3A_1024, %get3A_1025] {strides = array<i32>} : memref<128x128xbf16, #tpu.memory_space<vmem>>, vector<32xbf16>,
        %unpack3A_1027 = tpu.unpack_subelements %get3A_1026, 0 {pack_format = #tpu.pack_format<interleaved>} : vector<32xbf16> -> vector<16xf32>
        %unpack3A_1028 = tpu.unpack_subelements %get3A_1026, 1 {pack_format = #tpu.pack_format<interleaved>} : vector<32xbf16> -> vector<16xf32>
        %mul3A_1029 = arith.mulf %unpack3A_1027, %gather3A_1010 : vector<16xf32>
        %swap3A_1030 = arith.index_cast %add3A_1006 : i32 to index
        %swap3A_1031 = arith.constant 32 : index
        %swap3A_1032 = tpu.vector_load %arg16[%swap3A_1030, %swap3A_1031] {strides = array<i32>} : memref<128x128xf32, #tpu.memory_space<vmem>>, vector<16xf32>,
        tpu.vector_store %arg16[%swap3A_1030, %swap3A_1031], %mul3A_1029 {strides = array<i32>} : memref<128x128xf32, #tpu.memory_space<vmem>>, vector<16xf32>,
        %mul3A_1033 = arith.mulf %unpack3A_1028, %gather3A_1010 : vector<16xf32>
        %swap3A_1034 = arith.index_cast %add3A_1006 : i32 to index
        %swap3A_1035 = arith.constant 48 : index
        %swap3A_1036 = tpu.vector_load %arg16[%swap3A_1034, %swap3A_1035] {strides = array<i32>} : memref<128x128xf32, #tpu.memory_space<vmem>>, vector<16xf32>,
        tpu.vector_store %arg16[%swap3A_1034, %swap3A_1035], %mul3A_1033 {strides = array<i32>} : memref<128x128xf32, #tpu.memory_space<vmem>>, vector<16xf32>,
        %get3A_1037 = arith.index_cast %add3A_1006 : i32 to index
        %get3A_1038 = arith.constant 64 : index
        %get3A_1039 = tpu.vector_load %arg14[%get3A_1037, %get3A_1038] {strides = array<i32>} : memref<128x128xbf16, #tpu.memory_space<vmem>>, vector<32xbf16>,
        %unpack3A_1040 = tpu.unpack_subelements %get3A_1039, 0 {pack_format = #tpu.pack_format<interleaved>} : vector<32xbf16> -> vector<16xf32>
        %unpack3A_1041 = tpu.unpack_subelements %get3A_1039, 1 {pack_format = #tpu.pack_format<interleaved>} : vector<32xbf16> -> vector<16xf32>
        %mul3A_1042 = arith.mulf %unpack3A_1040, %gather3A_1010 : vector<16xf32>
        %swap3A_1043 = arith.index_cast %add3A_1006 : i32 to index
        %swap3A_1044 = arith.constant 64 : index
        %swap3A_1045 = tpu.vector_load %arg16[%swap3A_1043, %swap3A_1044] {strides = array<i32>} : memref<128x128xf32, #tpu.memory_space<vmem>>, vector<16xf32>,
        tpu.vector_store %arg16[%swap3A_1043, %swap3A_1044], %mul3A_1042 {strides = array<i32>} : memref<128x128xf32, #tpu.memory_space<vmem>>, vector<16xf32>,
        %mul3A_1046 = arith.mulf %unpack3A_1041, %gather3A_1010 : vector<16xf32>
        %swap3A_1047 = arith.index_cast %add3A_1006 : i32 to index
        %swap3A_1048 = arith.constant 80 : index
        %swap3A_1049 = tpu.vector_load %arg16[%swap3A_1047, %swap3A_1048] {strides = array<i32>} : memref<128x128xf32, #tpu.memory_space<vmem>>, vector<16xf32>,
        tpu.vector_store %arg16[%swap3A_1047, %swap3A_1048], %mul3A_1046 {strides = array<i32>} : memref<128x128xf32, #tpu.memory_space<vmem>>, vector<16xf32>,
        %get3A_1050 = arith.index_cast %add3A_1006 : i32 to index
        %get3A_1051 = arith.constant 96 : index
        %get3A_1052 = tpu.vector_load %arg14[%get3A_1050, %get3A_1051] {strides = array<i32>} : memref<128x128xbf16, #tpu.memory_space<vmem>>, vector<32xbf16>,
        %unpack3A_1053 = tpu.unpack_subelements %get3A_1052, 0 {pack_format = #tpu.pack_format<interleaved>} : vector<32xbf16> -> vector<16xf32>
        %unpack3A_1054 = tpu.unpack_subelements %get3A_1052, 1 {pack_format = #tpu.pack_format<interleaved>} : vector<32xbf16> -> vector<16xf32>
        %mul3A_1055 = arith.mulf %unpack3A_1053, %gather3A_1010 : vector<16xf32>
        %swap3A_1056 = arith.index_cast %add3A_1006 : i32 to index
        %swap3A_1057 = arith.constant 96 : index
        %swap3A_1058 = tpu.vector_load %arg16[%swap3A_1056, %swap3A_1057] {strides = array<i32>} : memref<128x128xf32, #tpu.memory_space<vmem>>, vector<16xf32>,
        tpu.vector_store %arg16[%swap3A_1056, %swap3A_1057], %mul3A_1055 {strides = array<i32>} : memref<128x128xf32, #tpu.memory_space<vmem>>, vector<16xf32>,
        %mul3A_1059 = arith.mulf %unpack3A_1054, %gather3A_1010 : vector<16xf32>
        %swap3A_1060 = arith.index_cast %add3A_1006 : i32 to index
        %swap3A_1061 = arith.constant 112 : index
        %swap3A_1062 = tpu.vector_load %arg16[%swap3A_1060, %swap3A_1061] {strides = array<i32>} : memref<128x128xf32, #tpu.memory_space<vmem>>, vector<16xf32>,
        tpu.vector_store %arg16[%swap3A_1060, %swap3A_1061], %mul3A_1059 {strides = array<i32>} : memref<128x128xf32, #tpu.memory_space<vmem>>, vector<16xf32>,
      }
      %scan3A_608 = arith.constant 64 : i32
      %dma_start3A_609 = arith.constant 0 : i32
      %dma_start3A_610 = arith.constant 0 : i32
      %dma_start3A_611 = tpu.memref_slice %arg17[%dma_start3A_609, %dma_start3A_610] : memref<2x128xi32, #tpu.memory_space<vmem>> -> memref<1x128xi32, #tpu.memory_space<vmem>>
      %dma_start3A_612 = tpu.memref_squeeze %dma_start3A_611 : memref<1x128xi32, #tpu.memory_space<vmem>> -> memref<128xi32, #tpu.memory_space<vmem>>
      %dma_start3A_613 = arith.constant 0 : i32
      %dma_start3A_614 = arith.constant 0 : i32
      %dma_start3A_615 = tpu.memref_slice %arg19[%dma_start3A_613, %dma_start3A_614] : memref<10240x128xf32, #tpu.memory_space<vmem_shared>> -> memref<10240x128xf32, #tpu.memory_space<vmem_shared>>
      tpu.enqueue_indirect_dma source(%arg16 : memref<128x128xf32, #tpu.memory_space<vmem>>) target(%dma_start3A_615 : memref<10240x128xf32, #tpu.memory_space<vmem_shared>>) offsets(%dma_start3A_612 : memref<128xi32, #tpu.memory_space<vmem>>) semaphore(%arg23 : memref<!tpu.dma_semaphore, #tpu.memory_space<semaphore_mem>>) {add = true}
      %dma_start3A_616 = arith.constant 0 : i32
      %dma_start3A_617 = arith.constant 0 : i32
      %dma_start3A_618 = tpu.memref_slice %arg17[%dma_start3A_616, %dma_start3A_617] : memref<2x128xi32, #tpu.memory_space<vmem>> -> memref<1x128xi32, #tpu.memory_space<vmem>>
      %dma_start3A_619 = tpu.memref_squeeze %dma_start3A_618 : memref<1x128xi32, #tpu.memory_space<vmem>> -> memref<128xi32, #tpu.memory_space<vmem>>
      %dma_start3A_620 = arith.constant 0 : i32
      %dma_start3A_621 = arith.constant 0 : i32
      %dma_start3A_622 = tpu.memref_slice %arg20[%dma_start3A_620, %dma_start3A_621] : memref<10240x16xf32, #tpu.memory_space<vmem_shared>> -> memref<10240x16xf32, #tpu.memory_space<vmem_shared>>
      tpu.enqueue_indirect_dma source(%arg18 : memref<128x16xf32, #tpu.memory_space<vmem>>) target(%dma_start3A_622 : memref<10240x16xf32, #tpu.memory_space<vmem_shared>>) offsets(%dma_start3A_619 : memref<128xi32, #tpu.memory_space<vmem>>) semaphore(%arg23 : memref<!tpu.dma_semaphore, #tpu.memory_space<semaphore_mem>>) {add = true}
      %mul3A_623 = arith.constant 4 : i32
      %mul3A_624 = arith.muli %add3A_508, %mul3A_623 : i32
      %add3A_625 = arith.constant 1 : i32
      %add3A_626 = arith.addi %mul3A_624, %add3A_625 : i32
      %add3A_627 = arith.constant 1 : i32
      %add3A_628 = arith.addi %add3A_626, %add3A_627 : i32
      %lt3A_629 = arith.constant 40 : i32
      %lt3A_630 = arith.cmpi slt, %add3A_628, %lt3A_629 : i32
      %convert_element_type3A_631 = arith.extui %lt3A_630 : i1 to i32
      %cond3A_632 = arith.constant 0 : i32
      %cond3A_633 = arith.cmpi ne, %convert_element_type3A_631, %cond3A_632 : i32
      scf.if %cond3A_633 {
        %dma_start3A_944 = arith.constant 2 : i32
        %dma_start3A_945 = arith.constant 0 : i32
        %dma_start3A_946 = tpu.memref_slice %arg9[%dma_start3A_944, %dma_start3A_945] : memref<4x128xi32, #tpu.memory_space<vmem>> -> memref<1x128xi32, #tpu.memory_space<vmem>>
        %dma_start3A_947 = tpu.memref_squeeze %dma_start3A_946 : memref<1x128xi32, #tpu.memory_space<vmem>> -> memref<128xi32, #tpu.memory_space<vmem>>
        %dma_start3A_948 = arith.constant 0 : i32
        %dma_start3A_949 = arith.constant 0 : i32
        %dma_start3A_950 = tpu.memref_slice %arg5[%dma_start3A_948, %dma_start3A_949] : memref<10000x128xbf16, #tpu.memory_space<hbm>> -> memref<10000x128xbf16, #tpu.memory_space<hbm>>
        tpu.enqueue_indirect_dma source(%dma_start3A_950 : memref<10000x128xbf16, #tpu.memory_space<hbm>>) target(%arg14 : memref<128x128xbf16, #tpu.memory_space<vmem>>) offsets(%dma_start3A_947 : memref<128xi32, #tpu.memory_space<vmem>>) semaphore(%arg21 : memref<!tpu.dma_semaphore, #tpu.memory_space<semaphore_mem>>)
      } else {
      }
      %dma_wait3A_634 = arith.constant 1 : i32
      %dma_wait3A_635 = arith.constant 0 : i32
      %dma_wait3A_636 = tpu.memref_slice %arg9[%dma_wait3A_634, %dma_wait3A_635] : memref<4x128xi32, #tpu.memory_space<vmem>> -> memref<1x128xi32, #tpu.memory_space<vmem>>
      %dma_wait3A_637 = tpu.memref_squeeze %dma_wait3A_636 : memref<1x128xi32, #tpu.memory_space<vmem>> -> memref<128xi32, #tpu.memory_space<vmem>>
      %dma_wait3A_638 = arith.constant 0 : i32
      %dma_wait3A_639 = arith.constant 0 : i32
      %dma_wait3A_640 = tpu.memref_slice %arg5[%dma_wait3A_638, %dma_wait3A_639] : memref<10000x128xbf16, #tpu.memory_space<hbm>> -> memref<10000x128xbf16, #tpu.memory_space<hbm>>
      tpu.wait_indirect_dma semaphore(%arg22 : memref<!tpu.dma_semaphore, #tpu.memory_space<semaphore_mem>>) src(%dma_wait3A_640 : memref<10000x128xbf16, #tpu.memory_space<hbm>>) dst(%arg15 : memref<128x128xbf16, #tpu.memory_space<vmem>>)
      %ge3A_641 = arith.constant 1 : i32
      %ge3A_642 = arith.cmpi sge, %add3A_626, %ge3A_641 : i32
      %convert_element_type3A_643 = arith.extui %ge3A_642 : i1 to i32
      %cond3A_644 = arith.constant 0 : i32
      %cond3A_645 = arith.cmpi ne, %convert_element_type3A_643, %cond3A_644 : i32
      scf.if %cond3A_645 {
        %dma_wait3A_944 = arith.constant 0 : i32
        %dma_wait3A_945 = arith.constant 0 : i32
        %dma_wait3A_946 = tpu.memref_slice %arg17[%dma_wait3A_944, %dma_wait3A_945] : memref<2x128xi32, #tpu.memory_space<vmem>> -> memref<1x128xi32, #tpu.memory_space<vmem>>
        %dma_wait3A_947 = tpu.memref_squeeze %dma_wait3A_946 : memref<1x128xi32, #tpu.memory_space<vmem>> -> memref<128xi32, #tpu.memory_space<vmem>>
        %dma_wait3A_948 = arith.constant 0 : i32
        %dma_wait3A_949 = arith.constant 0 : i32
        %dma_wait3A_950 = tpu.memref_slice %arg19[%dma_wait3A_948, %dma_wait3A_949] : memref<10240x128xf32, #tpu.memory_space<vmem_shared>> -> memref<10240x128xf32, #tpu.memory_space<vmem_shared>>
        tpu.wait_indirect_dma semaphore(%arg23 : memref<!tpu.dma_semaphore, #tpu.memory_space<semaphore_mem>>) src(%arg16 : memref<128x128xf32, #tpu.memory_space<vmem>>) dst(%dma_wait3A_950 : memref<10240x128xf32, #tpu.memory_space<vmem_shared>>)
        %dma_wait3A_951 = arith.constant 0 : i32
        %dma_wait3A_952 = arith.constant 0 : i32
        %dma_wait3A_953 = tpu.memref_slice %arg17[%dma_wait3A_951, %dma_wait3A_952] : memref<2x128xi32, #tpu.memory_space<vmem>> -> memref<1x128xi32, #tpu.memory_space<vmem>>
        %dma_wait3A_954 = tpu.memref_squeeze %dma_wait3A_953 : memref<1x128xi32, #tpu.memory_space<vmem>> -> memref<128xi32, #tpu.memory_space<vmem>>
        %dma_wait3A_955 = arith.constant 0 : i32
        %dma_wait3A_956 = arith.constant 0 : i32
        %dma_wait3A_957 = tpu.memref_slice %arg20[%dma_wait3A_955, %dma_wait3A_956] : memref<10240x16xf32, #tpu.memory_space<vmem_shared>> -> memref<10240x16xf32, #tpu.memory_space<vmem_shared>>
        tpu.wait_indirect_dma semaphore(%arg23 : memref<!tpu.dma_semaphore, #tpu.memory_space<semaphore_mem>>) src(%arg18 : memref<128x16xf32, #tpu.memory_space<vmem>>) dst(%dma_wait3A_957 : memref<10240x16xf32, #tpu.memory_space<vmem_shared>>)
      } else {
      }
      %get3A_646 = arith.constant 1 : i32
      %get3A_647 = arith.index_cast %get3A_646 : i32 to index
      %get3A_648 = arith.constant 0 : index
      %get3A_649 = tpu.vector_load %arg11[%get3A_647, %get3A_648] {strides = array<i32>} : memref<4x128xi32, #tpu.memory_space<vmem>>, vector<16xi32>,
      %swap3A_650 = arith.constant 1 : i32
      %swap3A_651 = arith.index_cast %swap3A_650 : i32 to index
      %swap3A_652 = arith.constant 0 : index
      %swap3A_653 = tpu.vector_load %arg17[%swap3A_651, %swap3A_652] {strides = array<i32>} : memref<2x128xi32, #tpu.memory_space<vmem>>, vector<16xi32>,
      tpu.vector_store %arg17[%swap3A_651, %swap3A_652], %get3A_649 {strides = array<i32>} : memref<2x128xi32, #tpu.memory_space<vmem>>, vector<16xi32>,
      %get3A_654 = arith.constant 1 : i32
      %get3A_655 = arith.index_cast %get3A_654 : i32 to index
      %get3A_656 = arith.constant 16 : index
      %get3A_657 = tpu.vector_load %arg11[%get3A_655, %get3A_656] {strides = array<i32>} : memref<4x128xi32, #tpu.memory_space<vmem>>, vector<16xi32>,
      %swap3A_658 = arith.constant 1 : i32
      %swap3A_659 = arith.index_cast %swap3A_658 : i32 to index
      %swap3A_660 = arith.constant 16 : index
      %swap3A_661 = tpu.vector_load %arg17[%swap3A_659, %swap3A_660] {strides = array<i32>} : memref<2x128xi32, #tpu.memory_space<vmem>>, vector<16xi32>,
      tpu.vector_store %arg17[%swap3A_659, %swap3A_660], %get3A_657 {strides = array<i32>} : memref<2x128xi32, #tpu.memory_space<vmem>>, vector<16xi32>,
      %get3A_662 = arith.constant 1 : i32
      %get3A_663 = arith.index_cast %get3A_662 : i32 to index
      %get3A_664 = arith.constant 32 : index
      %get3A_665 = tpu.vector_load %arg11[%get3A_663, %get3A_664] {strides = array<i32>} : memref<4x128xi32, #tpu.memory_space<vmem>>, vector<16xi32>,
      %swap3A_666 = arith.constant 1 : i32
      %swap3A_667 = arith.index_cast %swap3A_666 : i32 to index
      %swap3A_668 = arith.constant 32 : index
      %swap3A_669 = tpu.vector_load %arg17[%swap3A_667, %swap3A_668] {strides = array<i32>} : memref<2x128xi32, #tpu.memory_space<vmem>>, vector<16xi32>,
      tpu.vector_store %arg17[%swap3A_667, %swap3A_668], %get3A_665 {strides = array<i32>} : memref<2x128xi32, #tpu.memory_space<vmem>>, vector<16xi32>,
      %get3A_670 = arith.constant 1 : i32
      %get3A_671 = arith.index_cast %get3A_670 : i32 to index
      %get3A_672 = arith.constant 48 : index
      %get3A_673 = tpu.vector_load %arg11[%get3A_671, %get3A_672] {strides = array<i32>} : memref<4x128xi32, #tpu.memory_space<vmem>>, vector<16xi32>,
      %swap3A_674 = arith.constant 1 : i32
      %swap3A_675 = arith.index_cast %swap3A_674 : i32 to index
      %swap3A_676 = arith.constant 48 : index
      %swap3A_677 = tpu.vector_load %arg17[%swap3A_675, %swap3A_676] {strides = array<i32>} : memref<2x128xi32, #tpu.memory_space<vmem>>, vector<16xi32>,
      tpu.vector_store %arg17[%swap3A_675, %swap3A_676], %get3A_673 {strides = array<i32>} : memref<2x128xi32, #tpu.memory_space<vmem>>, vector<16xi32>,
      %get3A_678 = arith.constant 1 : i32
      %get3A_679 = arith.index_cast %get3A_678 : i32 to index
      %get3A_680 = arith.constant 64 : index
      %get3A_681 = tpu.vector_load %arg11[%get3A_679, %get3A_680] {strides = array<i32>} : memref<4x128xi32, #tpu.memory_space<vmem>>, vector<16xi32>,
      %swap3A_682 = arith.constant 1 : i32
      %swap3A_683 = arith.index_cast %swap3A_682 : i32 to index
      %swap3A_684 = arith.constant 64 : index
      %swap3A_685 = tpu.vector_load %arg17[%swap3A_683, %swap3A_684] {strides = array<i32>} : memref<2x128xi32, #tpu.memory_space<vmem>>, vector<16xi32>,
      tpu.vector_store %arg17[%swap3A_683, %swap3A_684], %get3A_681 {strides = array<i32>} : memref<2x128xi32, #tpu.memory_space<vmem>>, vector<16xi32>,
      %get3A_686 = arith.constant 1 : i32
      %get3A_687 = arith.index_cast %get3A_686 : i32 to index
      %get3A_688 = arith.constant 80 : index
      %get3A_689 = tpu.vector_load %arg11[%get3A_687, %get3A_688] {strides = array<i32>} : memref<4x128xi32, #tpu.memory_space<vmem>>, vector<16xi32>,
      %swap3A_690 = arith.constant 1 : i32
      %swap3A_691 = arith.index_cast %swap3A_690 : i32 to index
      %swap3A_692 = arith.constant 80 : index
      %swap3A_693 = tpu.vector_load %arg17[%swap3A_691, %swap3A_692] {strides = array<i32>} : memref<2x128xi32, #tpu.memory_space<vmem>>, vector<16xi32>,
      tpu.vector_store %arg17[%swap3A_691, %swap3A_692], %get3A_689 {strides = array<i32>} : memref<2x128xi32, #tpu.memory_space<vmem>>, vector<16xi32>,
      %get3A_694 = arith.constant 1 : i32
      %get3A_695 = arith.index_cast %get3A_694 : i32 to index
      %get3A_696 = arith.constant 96 : index
      %get3A_697 = tpu.vector_load %arg11[%get3A_695, %get3A_696] {strides = array<i32>} : memref<4x128xi32, #tpu.memory_space<vmem>>, vector<16xi32>,
      %swap3A_698 = arith.constant 1 : i32
      %swap3A_699 = arith.index_cast %swap3A_698 : i32 to index
      %swap3A_700 = arith.constant 96 : index
      %swap3A_701 = tpu.vector_load %arg17[%swap3A_699, %swap3A_700] {strides = array<i32>} : memref<2x128xi32, #tpu.memory_space<vmem>>, vector<16xi32>,
      tpu.vector_store %arg17[%swap3A_699, %swap3A_700], %get3A_697 {strides = array<i32>} : memref<2x128xi32, #tpu.memory_space<vmem>>, vector<16xi32>,
      %get3A_702 = arith.constant 1 : i32
      %get3A_703 = arith.index_cast %get3A_702 : i32 to index
      %get3A_704 = arith.constant 112 : index
      %get3A_705 = tpu.vector_load %arg11[%get3A_703, %get3A_704] {strides = array<i32>} : memref<4x128xi32, #tpu.memory_space<vmem>>, vector<16xi32>,
      %swap3A_706 = arith.constant 1 : i32
      %swap3A_707 = arith.index_cast %swap3A_706 : i32 to index
      %swap3A_708 = arith.constant 112 : index
      %swap3A_709 = tpu.vector_load %arg17[%swap3A_707, %swap3A_708] {strides = array<i32>} : memref<2x128xi32, #tpu.memory_space<vmem>>, vector<16xi32>,
      tpu.vector_store %arg17[%swap3A_707, %swap3A_708], %get3A_705 {strides = array<i32>} : memref<2x128xi32, #tpu.memory_space<vmem>>, vector<16xi32>,
      %scan3A_710 = arith.constant 0 : i32
      %scan3A_711 = arith.constant 0 : i32
      %scan3A_712 = arith.constant 64 : i32
      %scan3A_713 = arith.addi %scan3A_711, %scan3A_712 : i32
      %scan3A_714 = arith.constant 1 : i32
      scf.for %scan3A_944 = %scan3A_711 to %scan3A_713 step %scan3A_714  : i32 {
        %mul3A_945 = arith.constant 2 : i32
        %mul3A_946 = arith.muli %scan3A_944, %mul3A_945 : i32
        %add3A_947 = arith.constant 0 : i32
        %add3A_948 = arith.addi %mul3A_946, %add3A_947 : i32
        %broadcast_in_dim3A_949 = arith.constant 1 : i32
        %broadcast_in_dim3A_950 = vector.broadcast %broadcast_in_dim3A_949 : i32 to vector<16xi32>
        %broadcast_in_dim3A_951 = vector.broadcast %add3A_948 : i32 to vector<16xi32>
        %gather3A = tpu.vector_load_idx %arg13[%broadcast_in_dim3A_950, %broadcast_in_dim3A_951] : memref<4x128xf32, #tpu.memory_space<vmem>>[vector<16xi32>, vector<16xi32>], vector<16xf32>,
        %get3A_952 = arith.index_cast %add3A_948 : i32 to index
        %get3A_953 = arith.constant 0 : index
        %get3A_954 = tpu.vector_load %arg15[%get3A_952, %get3A_953] {strides = array<i32>} : memref<128x128xbf16, #tpu.memory_space<vmem>>, vector<32xbf16>,
        %unpack3A = tpu.unpack_subelements %get3A_954, 0 {pack_format = #tpu.pack_format<interleaved>} : vector<32xbf16> -> vector<16xf32>
        %unpack3A_955 = tpu.unpack_subelements %get3A_954, 1 {pack_format = #tpu.pack_format<interleaved>} : vector<32xbf16> -> vector<16xf32>
        %mul3A_956 = arith.mulf %unpack3A, %gather3A : vector<16xf32>
        %swap3A_957 = arith.index_cast %add3A_948 : i32 to index
        %swap3A_958 = arith.constant 0 : index
        %swap3A_959 = tpu.vector_load %arg16[%swap3A_957, %swap3A_958] {strides = array<i32>} : memref<128x128xf32, #tpu.memory_space<vmem>>, vector<16xf32>,
        tpu.vector_store %arg16[%swap3A_957, %swap3A_958], %mul3A_956 {strides = array<i32>} : memref<128x128xf32, #tpu.memory_space<vmem>>, vector<16xf32>,
        %mul3A_960 = arith.mulf %unpack3A_955, %gather3A : vector<16xf32>
        %swap3A_961 = arith.index_cast %add3A_948 : i32 to index
        %swap3A_962 = arith.constant 16 : index
        %swap3A_963 = tpu.vector_load %arg16[%swap3A_961, %swap3A_962] {strides = array<i32>} : memref<128x128xf32, #tpu.memory_space<vmem>>, vector<16xf32>,
        tpu.vector_store %arg16[%swap3A_961, %swap3A_962], %mul3A_960 {strides = array<i32>} : memref<128x128xf32, #tpu.memory_space<vmem>>, vector<16xf32>,
        %get3A_964 = arith.index_cast %add3A_948 : i32 to index
        %get3A_965 = arith.constant 32 : index
        %get3A_966 = tpu.vector_load %arg15[%get3A_964, %get3A_965] {strides = array<i32>} : memref<128x128xbf16, #tpu.memory_space<vmem>>, vector<32xbf16>,
        %unpack3A_967 = tpu.unpack_subelements %get3A_966, 0 {pack_format = #tpu.pack_format<interleaved>} : vector<32xbf16> -> vector<16xf32>
        %unpack3A_968 = tpu.unpack_subelements %get3A_966, 1 {pack_format = #tpu.pack_format<interleaved>} : vector<32xbf16> -> vector<16xf32>
        %mul3A_969 = arith.mulf %unpack3A_967, %gather3A : vector<16xf32>
        %swap3A_970 = arith.index_cast %add3A_948 : i32 to index
        %swap3A_971 = arith.constant 32 : index
        %swap3A_972 = tpu.vector_load %arg16[%swap3A_970, %swap3A_971] {strides = array<i32>} : memref<128x128xf32, #tpu.memory_space<vmem>>, vector<16xf32>,
        tpu.vector_store %arg16[%swap3A_970, %swap3A_971], %mul3A_969 {strides = array<i32>} : memref<128x128xf32, #tpu.memory_space<vmem>>, vector<16xf32>,
        %mul3A_973 = arith.mulf %unpack3A_968, %gather3A : vector<16xf32>
        %swap3A_974 = arith.index_cast %add3A_948 : i32 to index
        %swap3A_975 = arith.constant 48 : index
        %swap3A_976 = tpu.vector_load %arg16[%swap3A_974, %swap3A_975] {strides = array<i32>} : memref<128x128xf32, #tpu.memory_space<vmem>>, vector<16xf32>,
        tpu.vector_store %arg16[%swap3A_974, %swap3A_975], %mul3A_973 {strides = array<i32>} : memref<128x128xf32, #tpu.memory_space<vmem>>, vector<16xf32>,
        %get3A_977 = arith.index_cast %add3A_948 : i32 to index
        %get3A_978 = arith.constant 64 : index
        %get3A_979 = tpu.vector_load %arg15[%get3A_977, %get3A_978] {strides = array<i32>} : memref<128x128xbf16, #tpu.memory_space<vmem>>, vector<32xbf16>,
        %unpack3A_980 = tpu.unpack_subelements %get3A_979, 0 {pack_format = #tpu.pack_format<interleaved>} : vector<32xbf16> -> vector<16xf32>
        %unpack3A_981 = tpu.unpack_subelements %get3A_979, 1 {pack_format = #tpu.pack_format<interleaved>} : vector<32xbf16> -> vector<16xf32>
        %mul3A_982 = arith.mulf %unpack3A_980, %gather3A : vector<16xf32>
        %swap3A_983 = arith.index_cast %add3A_948 : i32 to index
        %swap3A_984 = arith.constant 64 : index
        %swap3A_985 = tpu.vector_load %arg16[%swap3A_983, %swap3A_984] {strides = array<i32>} : memref<128x128xf32, #tpu.memory_space<vmem>>, vector<16xf32>,
        tpu.vector_store %arg16[%swap3A_983, %swap3A_984], %mul3A_982 {strides = array<i32>} : memref<128x128xf32, #tpu.memory_space<vmem>>, vector<16xf32>,
        %mul3A_986 = arith.mulf %unpack3A_981, %gather3A : vector<16xf32>
        %swap3A_987 = arith.index_cast %add3A_948 : i32 to index
        %swap3A_988 = arith.constant 80 : index
        %swap3A_989 = tpu.vector_load %arg16[%swap3A_987, %swap3A_988] {strides = array<i32>} : memref<128x128xf32, #tpu.memory_space<vmem>>, vector<16xf32>,
        tpu.vector_store %arg16[%swap3A_987, %swap3A_988], %mul3A_986 {strides = array<i32>} : memref<128x128xf32, #tpu.memory_space<vmem>>, vector<16xf32>,
        %get3A_990 = arith.index_cast %add3A_948 : i32 to index
        %get3A_991 = arith.constant 96 : index
        %get3A_992 = tpu.vector_load %arg15[%get3A_990, %get3A_991] {strides = array<i32>} : memref<128x128xbf16, #tpu.memory_space<vmem>>, vector<32xbf16>,
        %unpack3A_993 = tpu.unpack_subelements %get3A_992, 0 {pack_format = #tpu.pack_format<interleaved>} : vector<32xbf16> -> vector<16xf32>
        %unpack3A_994 = tpu.unpack_subelements %get3A_992, 1 {pack_format = #tpu.pack_format<interleaved>} : vector<32xbf16> -> vector<16xf32>
        %mul3A_995 = arith.mulf %unpack3A_993, %gather3A : vector<16xf32>
        %swap3A_996 = arith.index_cast %add3A_948 : i32 to index
        %swap3A_997 = arith.constant 96 : index
        %swap3A_998 = tpu.vector_load %arg16[%swap3A_996, %swap3A_997] {strides = array<i32>} : memref<128x128xf32, #tpu.memory_space<vmem>>, vector<16xf32>,
        tpu.vector_store %arg16[%swap3A_996, %swap3A_997], %mul3A_995 {strides = array<i32>} : memref<128x128xf32, #tpu.memory_space<vmem>>, vector<16xf32>,
        %mul3A_999 = arith.mulf %unpack3A_994, %gather3A : vector<16xf32>
        %swap3A_1000 = arith.index_cast %add3A_948 : i32 to index
        %swap3A_1001 = arith.constant 112 : index
        %swap3A_1002 = tpu.vector_load %arg16[%swap3A_1000, %swap3A_1001] {strides = array<i32>} : memref<128x128xf32, #tpu.memory_space<vmem>>, vector<16xf32>,
        tpu.vector_store %arg16[%swap3A_1000, %swap3A_1001], %mul3A_999 {strides = array<i32>} : memref<128x128xf32, #tpu.memory_space<vmem>>, vector<16xf32>,
        %mul3A_1003 = arith.constant 2 : i32
        %mul3A_1004 = arith.muli %scan3A_944, %mul3A_1003 : i32
        %add3A_1005 = arith.constant 1 : i32
        %add3A_1006 = arith.addi %mul3A_1004, %add3A_1005 : i32
        %broadcast_in_dim3A_1007 = arith.constant 1 : i32
        %broadcast_in_dim3A_1008 = vector.broadcast %broadcast_in_dim3A_1007 : i32 to vector<16xi32>
        %broadcast_in_dim3A_1009 = vector.broadcast %add3A_1006 : i32 to vector<16xi32>
        %gather3A_1010 = tpu.vector_load_idx %arg13[%broadcast_in_dim3A_1008, %broadcast_in_dim3A_1009] : memref<4x128xf32, #tpu.memory_space<vmem>>[vector<16xi32>, vector<16xi32>], vector<16xf32>,
        %get3A_1011 = arith.index_cast %add3A_1006 : i32 to index
        %get3A_1012 = arith.constant 0 : index
        %get3A_1013 = tpu.vector_load %arg15[%get3A_1011, %get3A_1012] {strides = array<i32>} : memref<128x128xbf16, #tpu.memory_space<vmem>>, vector<32xbf16>,
        %unpack3A_1014 = tpu.unpack_subelements %get3A_1013, 0 {pack_format = #tpu.pack_format<interleaved>} : vector<32xbf16> -> vector<16xf32>
        %unpack3A_1015 = tpu.unpack_subelements %get3A_1013, 1 {pack_format = #tpu.pack_format<interleaved>} : vector<32xbf16> -> vector<16xf32>
        %mul3A_1016 = arith.mulf %unpack3A_1014, %gather3A_1010 : vector<16xf32>
        %swap3A_1017 = arith.index_cast %add3A_1006 : i32 to index
        %swap3A_1018 = arith.constant 0 : index
        %swap3A_1019 = tpu.vector_load %arg16[%swap3A_1017, %swap3A_1018] {strides = array<i32>} : memref<128x128xf32, #tpu.memory_space<vmem>>, vector<16xf32>,
        tpu.vector_store %arg16[%swap3A_1017, %swap3A_1018], %mul3A_1016 {strides = array<i32>} : memref<128x128xf32, #tpu.memory_space<vmem>>, vector<16xf32>,
        %mul3A_1020 = arith.mulf %unpack3A_1015, %gather3A_1010 : vector<16xf32>
        %swap3A_1021 = arith.index_cast %add3A_1006 : i32 to index
        %swap3A_1022 = arith.constant 16 : index
        %swap3A_1023 = tpu.vector_load %arg16[%swap3A_1021, %swap3A_1022] {strides = array<i32>} : memref<128x128xf32, #tpu.memory_space<vmem>>, vector<16xf32>,
        tpu.vector_store %arg16[%swap3A_1021, %swap3A_1022], %mul3A_1020 {strides = array<i32>} : memref<128x128xf32, #tpu.memory_space<vmem>>, vector<16xf32>,
        %get3A_1024 = arith.index_cast %add3A_1006 : i32 to index
        %get3A_1025 = arith.constant 32 : index
        %get3A_1026 = tpu.vector_load %arg15[%get3A_1024, %get3A_1025] {strides = array<i32>} : memref<128x128xbf16, #tpu.memory_space<vmem>>, vector<32xbf16>,
        %unpack3A_1027 = tpu.unpack_subelements %get3A_1026, 0 {pack_format = #tpu.pack_format<interleaved>} : vector<32xbf16> -> vector<16xf32>
        %unpack3A_1028 = tpu.unpack_subelements %get3A_1026, 1 {pack_format = #tpu.pack_format<interleaved>} : vector<32xbf16> -> vector<16xf32>
        %mul3A_1029 = arith.mulf %unpack3A_1027, %gather3A_1010 : vector<16xf32>
        %swap3A_1030 = arith.index_cast %add3A_1006 : i32 to index
        %swap3A_1031 = arith.constant 32 : index
        %swap3A_1032 = tpu.vector_load %arg16[%swap3A_1030, %swap3A_1031] {strides = array<i32>} : memref<128x128xf32, #tpu.memory_space<vmem>>, vector<16xf32>,
        tpu.vector_store %arg16[%swap3A_1030, %swap3A_1031], %mul3A_1029 {strides = array<i32>} : memref<128x128xf32, #tpu.memory_space<vmem>>, vector<16xf32>,
        %mul3A_1033 = arith.mulf %unpack3A_1028, %gather3A_1010 : vector<16xf32>
        %swap3A_1034 = arith.index_cast %add3A_1006 : i32 to index
        %swap3A_1035 = arith.constant 48 : index
        %swap3A_1036 = tpu.vector_load %arg16[%swap3A_1034, %swap3A_1035] {strides = array<i32>} : memref<128x128xf32, #tpu.memory_space<vmem>>, vector<16xf32>,
        tpu.vector_store %arg16[%swap3A_1034, %swap3A_1035], %mul3A_1033 {strides = array<i32>} : memref<128x128xf32, #tpu.memory_space<vmem>>, vector<16xf32>,
        %get3A_1037 = arith.index_cast %add3A_1006 : i32 to index
        %get3A_1038 = arith.constant 64 : index
        %get3A_1039 = tpu.vector_load %arg15[%get3A_1037, %get3A_1038] {strides = array<i32>} : memref<128x128xbf16, #tpu.memory_space<vmem>>, vector<32xbf16>,
        %unpack3A_1040 = tpu.unpack_subelements %get3A_1039, 0 {pack_format = #tpu.pack_format<interleaved>} : vector<32xbf16> -> vector<16xf32>
        %unpack3A_1041 = tpu.unpack_subelements %get3A_1039, 1 {pack_format = #tpu.pack_format<interleaved>} : vector<32xbf16> -> vector<16xf32>
        %mul3A_1042 = arith.mulf %unpack3A_1040, %gather3A_1010 : vector<16xf32>
        %swap3A_1043 = arith.index_cast %add3A_1006 : i32 to index
        %swap3A_1044 = arith.constant 64 : index
        %swap3A_1045 = tpu.vector_load %arg16[%swap3A_1043, %swap3A_1044] {strides = array<i32>} : memref<128x128xf32, #tpu.memory_space<vmem>>, vector<16xf32>,
        tpu.vector_store %arg16[%swap3A_1043, %swap3A_1044], %mul3A_1042 {strides = array<i32>} : memref<128x128xf32, #tpu.memory_space<vmem>>, vector<16xf32>,
        %mul3A_1046 = arith.mulf %unpack3A_1041, %gather3A_1010 : vector<16xf32>
        %swap3A_1047 = arith.index_cast %add3A_1006 : i32 to index
        %swap3A_1048 = arith.constant 80 : index
        %swap3A_1049 = tpu.vector_load %arg16[%swap3A_1047, %swap3A_1048] {strides = array<i32>} : memref<128x128xf32, #tpu.memory_space<vmem>>, vector<16xf32>,
        tpu.vector_store %arg16[%swap3A_1047, %swap3A_1048], %mul3A_1046 {strides = array<i32>} : memref<128x128xf32, #tpu.memory_space<vmem>>, vector<16xf32>,
        %get3A_1050 = arith.index_cast %add3A_1006 : i32 to index
        %get3A_1051 = arith.constant 96 : index
        %get3A_1052 = tpu.vector_load %arg15[%get3A_1050, %get3A_1051] {strides = array<i32>} : memref<128x128xbf16, #tpu.memory_space<vmem>>, vector<32xbf16>,
        %unpack3A_1053 = tpu.unpack_subelements %get3A_1052, 0 {pack_format = #tpu.pack_format<interleaved>} : vector<32xbf16> -> vector<16xf32>
        %unpack3A_1054 = tpu.unpack_subelements %get3A_1052, 1 {pack_format = #tpu.pack_format<interleaved>} : vector<32xbf16> -> vector<16xf32>
        %mul3A_1055 = arith.mulf %unpack3A_1053, %gather3A_1010 : vector<16xf32>
        %swap3A_1056 = arith.index_cast %add3A_1006 : i32 to index
        %swap3A_1057 = arith.constant 96 : index
        %swap3A_1058 = tpu.vector_load %arg16[%swap3A_1056, %swap3A_1057] {strides = array<i32>} : memref<128x128xf32, #tpu.memory_space<vmem>>, vector<16xf32>,
        tpu.vector_store %arg16[%swap3A_1056, %swap3A_1057], %mul3A_1055 {strides = array<i32>} : memref<128x128xf32, #tpu.memory_space<vmem>>, vector<16xf32>,
        %mul3A_1059 = arith.mulf %unpack3A_1054, %gather3A_1010 : vector<16xf32>
        %swap3A_1060 = arith.index_cast %add3A_1006 : i32 to index
        %swap3A_1061 = arith.constant 112 : index
        %swap3A_1062 = tpu.vector_load %arg16[%swap3A_1060, %swap3A_1061] {strides = array<i32>} : memref<128x128xf32, #tpu.memory_space<vmem>>, vector<16xf32>,
        tpu.vector_store %arg16[%swap3A_1060, %swap3A_1061], %mul3A_1059 {strides = array<i32>} : memref<128x128xf32, #tpu.memory_space<vmem>>, vector<16xf32>,
      }
      %scan3A_715 = arith.constant 64 : i32
      %dma_start3A_716 = arith.constant 1 : i32
      %dma_start3A_717 = arith.constant 0 : i32
      %dma_start3A_718 = tpu.memref_slice %arg17[%dma_start3A_716, %dma_start3A_717] : memref<2x128xi32, #tpu.memory_space<vmem>> -> memref<1x128xi32, #tpu.memory_space<vmem>>
      %dma_start3A_719 = tpu.memref_squeeze %dma_start3A_718 : memref<1x128xi32, #tpu.memory_space<vmem>> -> memref<128xi32, #tpu.memory_space<vmem>>
      %dma_start3A_720 = arith.constant 0 : i32
      %dma_start3A_721 = arith.constant 0 : i32
      %dma_start3A_722 = tpu.memref_slice %arg19[%dma_start3A_720, %dma_start3A_721] : memref<10240x128xf32, #tpu.memory_space<vmem_shared>> -> memref<10240x128xf32, #tpu.memory_space<vmem_shared>>
      tpu.enqueue_indirect_dma source(%arg16 : memref<128x128xf32, #tpu.memory_space<vmem>>) target(%dma_start3A_722 : memref<10240x128xf32, #tpu.memory_space<vmem_shared>>) offsets(%dma_start3A_719 : memref<128xi32, #tpu.memory_space<vmem>>) semaphore(%arg23 : memref<!tpu.dma_semaphore, #tpu.memory_space<semaphore_mem>>) {add = true}
      %dma_start3A_723 = arith.constant 1 : i32
      %dma_start3A_724 = arith.constant 0 : i32
      %dma_start3A_725 = tpu.memref_slice %arg17[%dma_start3A_723, %dma_start3A_724] : memref<2x128xi32, #tpu.memory_space<vmem>> -> memref<1x128xi32, #tpu.memory_space<vmem>>
      %dma_start3A_726 = tpu.memref_squeeze %dma_start3A_725 : memref<1x128xi32, #tpu.memory_space<vmem>> -> memref<128xi32, #tpu.memory_space<vmem>>
      %dma_start3A_727 = arith.constant 0 : i32
      %dma_start3A_728 = arith.constant 0 : i32
      %dma_start3A_729 = tpu.memref_slice %arg20[%dma_start3A_727, %dma_start3A_728] : memref<10240x16xf32, #tpu.memory_space<vmem_shared>> -> memref<10240x16xf32, #tpu.memory_space<vmem_shared>>
      tpu.enqueue_indirect_dma source(%arg18 : memref<128x16xf32, #tpu.memory_space<vmem>>) target(%dma_start3A_729 : memref<10240x16xf32, #tpu.memory_space<vmem_shared>>) offsets(%dma_start3A_726 : memref<128xi32, #tpu.memory_space<vmem>>) semaphore(%arg23 : memref<!tpu.dma_semaphore, #tpu.memory_space<semaphore_mem>>) {add = true}
      %mul3A_730 = arith.constant 4 : i32
      %mul3A_731 = arith.muli %add3A_508, %mul3A_730 : i32
      %add3A_732 = arith.constant 2 : i32
      %add3A_733 = arith.addi %mul3A_731, %add3A_732 : i32
      %add3A_734 = arith.constant 1 : i32
      %add3A_735 = arith.addi %add3A_733, %add3A_734 : i32
      %lt3A_736 = arith.constant 40 : i32
      %lt3A_737 = arith.cmpi slt, %add3A_735, %lt3A_736 : i32
      %convert_element_type3A_738 = arith.extui %lt3A_737 : i1 to i32
      %cond3A_739 = arith.constant 0 : i32
      %cond3A_740 = arith.cmpi ne, %convert_element_type3A_738, %cond3A_739 : i32
      scf.if %cond3A_740 {
        %dma_start3A_944 = arith.constant 3 : i32
        %dma_start3A_945 = arith.constant 0 : i32
        %dma_start3A_946 = tpu.memref_slice %arg9[%dma_start3A_944, %dma_start3A_945] : memref<4x128xi32, #tpu.memory_space<vmem>> -> memref<1x128xi32, #tpu.memory_space<vmem>>
        %dma_start3A_947 = tpu.memref_squeeze %dma_start3A_946 : memref<1x128xi32, #tpu.memory_space<vmem>> -> memref<128xi32, #tpu.memory_space<vmem>>
        %dma_start3A_948 = arith.constant 0 : i32
        %dma_start3A_949 = arith.constant 0 : i32
        %dma_start3A_950 = tpu.memref_slice %arg5[%dma_start3A_948, %dma_start3A_949] : memref<10000x128xbf16, #tpu.memory_space<hbm>> -> memref<10000x128xbf16, #tpu.memory_space<hbm>>
        tpu.enqueue_indirect_dma source(%dma_start3A_950 : memref<10000x128xbf16, #tpu.memory_space<hbm>>) target(%arg15 : memref<128x128xbf16, #tpu.memory_space<vmem>>) offsets(%dma_start3A_947 : memref<128xi32, #tpu.memory_space<vmem>>) semaphore(%arg22 : memref<!tpu.dma_semaphore, #tpu.memory_space<semaphore_mem>>)
      } else {
      }
      %dma_wait3A_741 = arith.constant 2 : i32
      %dma_wait3A_742 = arith.constant 0 : i32
      %dma_wait3A_743 = tpu.memref_slice %arg9[%dma_wait3A_741, %dma_wait3A_742] : memref<4x128xi32, #tpu.memory_space<vmem>> -> memref<1x128xi32, #tpu.memory_space<vmem>>
      %dma_wait3A_744 = tpu.memref_squeeze %dma_wait3A_743 : memref<1x128xi32, #tpu.memory_space<vmem>> -> memref<128xi32, #tpu.memory_space<vmem>>
      %dma_wait3A_745 = arith.constant 0 : i32
      %dma_wait3A_746 = arith.constant 0 : i32
      %dma_wait3A_747 = tpu.memref_slice %arg5[%dma_wait3A_745, %dma_wait3A_746] : memref<10000x128xbf16, #tpu.memory_space<hbm>> -> memref<10000x128xbf16, #tpu.memory_space<hbm>>
      tpu.wait_indirect_dma semaphore(%arg21 : memref<!tpu.dma_semaphore, #tpu.memory_space<semaphore_mem>>) src(%dma_wait3A_747 : memref<10000x128xbf16, #tpu.memory_space<hbm>>) dst(%arg14 : memref<128x128xbf16, #tpu.memory_space<vmem>>)
      %ge3A_748 = arith.constant 1 : i32
      %ge3A_749 = arith.cmpi sge, %add3A_733, %ge3A_748 : i32
      %convert_element_type3A_750 = arith.extui %ge3A_749 : i1 to i32
      %cond3A_751 = arith.constant 0 : i32
      %cond3A_752 = arith.cmpi ne, %convert_element_type3A_750, %cond3A_751 : i32
      scf.if %cond3A_752 {
        %dma_wait3A_944 = arith.constant 1 : i32
        %dma_wait3A_945 = arith.constant 0 : i32
        %dma_wait3A_946 = tpu.memref_slice %arg17[%dma_wait3A_944, %dma_wait3A_945] : memref<2x128xi32, #tpu.memory_space<vmem>> -> memref<1x128xi32, #tpu.memory_space<vmem>>
        %dma_wait3A_947 = tpu.memref_squeeze %dma_wait3A_946 : memref<1x128xi32, #tpu.memory_space<vmem>> -> memref<128xi32, #tpu.memory_space<vmem>>
        %dma_wait3A_948 = arith.constant 0 : i32
        %dma_wait3A_949 = arith.constant 0 : i32
        %dma_wait3A_950 = tpu.memref_slice %arg19[%dma_wait3A_948, %dma_wait3A_949] : memref<10240x128xf32, #tpu.memory_space<vmem_shared>> -> memref<10240x128xf32, #tpu.memory_space<vmem_shared>>
        tpu.wait_indirect_dma semaphore(%arg23 : memref<!tpu.dma_semaphore, #tpu.memory_space<semaphore_mem>>) src(%arg16 : memref<128x128xf32, #tpu.memory_space<vmem>>) dst(%dma_wait3A_950 : memref<10240x128xf32, #tpu.memory_space<vmem_shared>>)
        %dma_wait3A_951 = arith.constant 1 : i32
        %dma_wait3A_952 = arith.constant 0 : i32
        %dma_wait3A_953 = tpu.memref_slice %arg17[%dma_wait3A_951, %dma_wait3A_952] : memref<2x128xi32, #tpu.memory_space<vmem>> -> memref<1x128xi32, #tpu.memory_space<vmem>>
        %dma_wait3A_954 = tpu.memref_squeeze %dma_wait3A_953 : memref<1x128xi32, #tpu.memory_space<vmem>> -> memref<128xi32, #tpu.memory_space<vmem>>
        %dma_wait3A_955 = arith.constant 0 : i32
        %dma_wait3A_956 = arith.constant 0 : i32
        %dma_wait3A_957 = tpu.memref_slice %arg20[%dma_wait3A_955, %dma_wait3A_956] : memref<10240x16xf32, #tpu.memory_space<vmem_shared>> -> memref<10240x16xf32, #tpu.memory_space<vmem_shared>>
        tpu.wait_indirect_dma semaphore(%arg23 : memref<!tpu.dma_semaphore, #tpu.memory_space<semaphore_mem>>) src(%arg18 : memref<128x16xf32, #tpu.memory_space<vmem>>) dst(%dma_wait3A_957 : memref<10240x16xf32, #tpu.memory_space<vmem_shared>>)
      } else {
      }
      %get3A_753 = arith.constant 2 : i32
      %get3A_754 = arith.index_cast %get3A_753 : i32 to index
      %get3A_755 = arith.constant 0 : index
      %get3A_756 = tpu.vector_load %arg11[%get3A_754, %get3A_755] {strides = array<i32>} : memref<4x128xi32, #tpu.memory_space<vmem>>, vector<16xi32>,
      %swap3A_757 = arith.constant 0 : i32
      %swap3A_758 = arith.index_cast %swap3A_757 : i32 to index
      %swap3A_759 = arith.constant 0 : index
      %swap3A_760 = tpu.vector_load %arg17[%swap3A_758, %swap3A_759] {strides = array<i32>} : memref<2x128xi32, #tpu.memory_space<vmem>>, vector<16xi32>,
      tpu.vector_store %arg17[%swap3A_758, %swap3A_759], %get3A_756 {strides = array<i32>} : memref<2x128xi32, #tpu.memory_space<vmem>>, vector<16xi32>,
      %get3A_761 = arith.constant 2 : i32
      %get3A_762 = arith.index_cast %get3A_761 : i32 to index
      %get3A_763 = arith.constant 16 : index
      %get3A_764 = tpu.vector_load %arg11[%get3A_762, %get3A_763] {strides = array<i32>} : memref<4x128xi32, #tpu.memory_space<vmem>>, vector<16xi32>,
      %swap3A_765 = arith.constant 0 : i32
      %swap3A_766 = arith.index_cast %swap3A_765 : i32 to index
      %swap3A_767 = arith.constant 16 : index
      %swap3A_768 = tpu.vector_load %arg17[%swap3A_766, %swap3A_767] {strides = array<i32>} : memref<2x128xi32, #tpu.memory_space<vmem>>, vector<16xi32>,
      tpu.vector_store %arg17[%swap3A_766, %swap3A_767], %get3A_764 {strides = array<i32>} : memref<2x128xi32, #tpu.memory_space<vmem>>, vector<16xi32>,
      %get3A_769 = arith.constant 2 : i32
      %get3A_770 = arith.index_cast %get3A_769 : i32 to index
      %get3A_771 = arith.constant 32 : index
      %get3A_772 = tpu.vector_load %arg11[%get3A_770, %get3A_771] {strides = array<i32>} : memref<4x128xi32, #tpu.memory_space<vmem>>, vector<16xi32>,
      %swap3A_773 = arith.constant 0 : i32
      %swap3A_774 = arith.index_cast %swap3A_773 : i32 to index
      %swap3A_775 = arith.constant 32 : index
      %swap3A_776 = tpu.vector_load %arg17[%swap3A_774, %swap3A_775] {strides = array<i32>} : memref<2x128xi32, #tpu.memory_space<vmem>>, vector<16xi32>,
      tpu.vector_store %arg17[%swap3A_774, %swap3A_775], %get3A_772 {strides = array<i32>} : memref<2x128xi32, #tpu.memory_space<vmem>>, vector<16xi32>,
      %get3A_777 = arith.constant 2 : i32
      %get3A_778 = arith.index_cast %get3A_777 : i32 to index
      %get3A_779 = arith.constant 48 : index
      %get3A_780 = tpu.vector_load %arg11[%get3A_778, %get3A_779] {strides = array<i32>} : memref<4x128xi32, #tpu.memory_space<vmem>>, vector<16xi32>,
      %swap3A_781 = arith.constant 0 : i32
      %swap3A_782 = arith.index_cast %swap3A_781 : i32 to index
      %swap3A_783 = arith.constant 48 : index
      %swap3A_784 = tpu.vector_load %arg17[%swap3A_782, %swap3A_783] {strides = array<i32>} : memref<2x128xi32, #tpu.memory_space<vmem>>, vector<16xi32>,
      tpu.vector_store %arg17[%swap3A_782, %swap3A_783], %get3A_780 {strides = array<i32>} : memref<2x128xi32, #tpu.memory_space<vmem>>, vector<16xi32>,
      %get3A_785 = arith.constant 2 : i32
      %get3A_786 = arith.index_cast %get3A_785 : i32 to index
      %get3A_787 = arith.constant 64 : index
      %get3A_788 = tpu.vector_load %arg11[%get3A_786, %get3A_787] {strides = array<i32>} : memref<4x128xi32, #tpu.memory_space<vmem>>, vector<16xi32>,
      %swap3A_789 = arith.constant 0 : i32
      %swap3A_790 = arith.index_cast %swap3A_789 : i32 to index
      %swap3A_791 = arith.constant 64 : index
      %swap3A_792 = tpu.vector_load %arg17[%swap3A_790, %swap3A_791] {strides = array<i32>} : memref<2x128xi32, #tpu.memory_space<vmem>>, vector<16xi32>,
      tpu.vector_store %arg17[%swap3A_790, %swap3A_791], %get3A_788 {strides = array<i32>} : memref<2x128xi32, #tpu.memory_space<vmem>>, vector<16xi32>,
      %get3A_793 = arith.constant 2 : i32
      %get3A_794 = arith.index_cast %get3A_793 : i32 to index
      %get3A_795 = arith.constant 80 : index
      %get3A_796 = tpu.vector_load %arg11[%get3A_794, %get3A_795] {strides = array<i32>} : memref<4x128xi32, #tpu.memory_space<vmem>>, vector<16xi32>,
      %swap3A_797 = arith.constant 0 : i32
      %swap3A_798 = arith.index_cast %swap3A_797 : i32 to index
      %swap3A_799 = arith.constant 80 : index
      %swap3A_800 = tpu.vector_load %arg17[%swap3A_798, %swap3A_799] {strides = array<i32>} : memref<2x128xi32, #tpu.memory_space<vmem>>, vector<16xi32>,
      tpu.vector_store %arg17[%swap3A_798, %swap3A_799], %get3A_796 {strides = array<i32>} : memref<2x128xi32, #tpu.memory_space<vmem>>, vector<16xi32>,
      %get3A_801 = arith.constant 2 : i32
      %get3A_802 = arith.index_cast %get3A_801 : i32 to index
      %get3A_803 = arith.constant 96 : index
      %get3A_804 = tpu.vector_load %arg11[%get3A_802, %get3A_803] {strides = array<i32>} : memref<4x128xi32, #tpu.memory_space<vmem>>, vector<16xi32>,
      %swap3A_805 = arith.constant 0 : i32
      %swap3A_806 = arith.index_cast %swap3A_805 : i32 to index
      %swap3A_807 = arith.constant 96 : index
      %swap3A_808 = tpu.vector_load %arg17[%swap3A_806, %swap3A_807] {strides = array<i32>} : memref<2x128xi32, #tpu.memory_space<vmem>>, vector<16xi32>,
      tpu.vector_store %arg17[%swap3A_806, %swap3A_807], %get3A_804 {strides = array<i32>} : memref<2x128xi32, #tpu.memory_space<vmem>>, vector<16xi32>,
      %get3A_809 = arith.constant 2 : i32
      %get3A_810 = arith.index_cast %get3A_809 : i32 to index
      %get3A_811 = arith.constant 112 : index
      %get3A_812 = tpu.vector_load %arg11[%get3A_810, %get3A_811] {strides = array<i32>} : memref<4x128xi32, #tpu.memory_space<vmem>>, vector<16xi32>,
      %swap3A_813 = arith.constant 0 : i32
      %swap3A_814 = arith.index_cast %swap3A_813 : i32 to index
      %swap3A_815 = arith.constant 112 : index
      %swap3A_816 = tpu.vector_load %arg17[%swap3A_814, %swap3A_815] {strides = array<i32>} : memref<2x128xi32, #tpu.memory_space<vmem>>, vector<16xi32>,
      tpu.vector_store %arg17[%swap3A_814, %swap3A_815], %get3A_812 {strides = array<i32>} : memref<2x128xi32, #tpu.memory_space<vmem>>, vector<16xi32>,
      %scan3A_817 = arith.constant 0 : i32
      %scan3A_818 = arith.constant 0 : i32
      %scan3A_819 = arith.constant 64 : i32
      %scan3A_820 = arith.addi %scan3A_818, %scan3A_819 : i32
      %scan3A_821 = arith.constant 1 : i32
      scf.for %scan3A_944 = %scan3A_818 to %scan3A_820 step %scan3A_821  : i32 {
        %mul3A_945 = arith.constant 2 : i32
        %mul3A_946 = arith.muli %scan3A_944, %mul3A_945 : i32
        %add3A_947 = arith.constant 0 : i32
        %add3A_948 = arith.addi %mul3A_946, %add3A_947 : i32
        %broadcast_in_dim3A_949 = arith.constant 2 : i32
        %broadcast_in_dim3A_950 = vector.broadcast %broadcast_in_dim3A_949 : i32 to vector<16xi32>
        %broadcast_in_dim3A_951 = vector.broadcast %add3A_948 : i32 to vector<16xi32>
        %gather3A = tpu.vector_load_idx %arg13[%broadcast_in_dim3A_950, %broadcast_in_dim3A_951] : memref<4x128xf32, #tpu.memory_space<vmem>>[vector<16xi32>, vector<16xi32>], vector<16xf32>,
        %get3A_952 = arith.index_cast %add3A_948 : i32 to index
        %get3A_953 = arith.constant 0 : index
        %get3A_954 = tpu.vector_load %arg14[%get3A_952, %get3A_953] {strides = array<i32>} : memref<128x128xbf16, #tpu.memory_space<vmem>>, vector<32xbf16>,
        %unpack3A = tpu.unpack_subelements %get3A_954, 0 {pack_format = #tpu.pack_format<interleaved>} : vector<32xbf16> -> vector<16xf32>
        %unpack3A_955 = tpu.unpack_subelements %get3A_954, 1 {pack_format = #tpu.pack_format<interleaved>} : vector<32xbf16> -> vector<16xf32>
        %mul3A_956 = arith.mulf %unpack3A, %gather3A : vector<16xf32>
        %swap3A_957 = arith.index_cast %add3A_948 : i32 to index
        %swap3A_958 = arith.constant 0 : index
        %swap3A_959 = tpu.vector_load %arg16[%swap3A_957, %swap3A_958] {strides = array<i32>} : memref<128x128xf32, #tpu.memory_space<vmem>>, vector<16xf32>,
        tpu.vector_store %arg16[%swap3A_957, %swap3A_958], %mul3A_956 {strides = array<i32>} : memref<128x128xf32, #tpu.memory_space<vmem>>, vector<16xf32>,
        %mul3A_960 = arith.mulf %unpack3A_955, %gather3A : vector<16xf32>
        %swap3A_961 = arith.index_cast %add3A_948 : i32 to index
        %swap3A_962 = arith.constant 16 : index
        %swap3A_963 = tpu.vector_load %arg16[%swap3A_961, %swap3A_962] {strides = array<i32>} : memref<128x128xf32, #tpu.memory_space<vmem>>, vector<16xf32>,
        tpu.vector_store %arg16[%swap3A_961, %swap3A_962], %mul3A_960 {strides = array<i32>} : memref<128x128xf32, #tpu.memory_space<vmem>>, vector<16xf32>,
        %get3A_964 = arith.index_cast %add3A_948 : i32 to index
        %get3A_965 = arith.constant 32 : index
        %get3A_966 = tpu.vector_load %arg14[%get3A_964, %get3A_965] {strides = array<i32>} : memref<128x128xbf16, #tpu.memory_space<vmem>>, vector<32xbf16>,
        %unpack3A_967 = tpu.unpack_subelements %get3A_966, 0 {pack_format = #tpu.pack_format<interleaved>} : vector<32xbf16> -> vector<16xf32>
        %unpack3A_968 = tpu.unpack_subelements %get3A_966, 1 {pack_format = #tpu.pack_format<interleaved>} : vector<32xbf16> -> vector<16xf32>
        %mul3A_969 = arith.mulf %unpack3A_967, %gather3A : vector<16xf32>
        %swap3A_970 = arith.index_cast %add3A_948 : i32 to index
        %swap3A_971 = arith.constant 32 : index
        %swap3A_972 = tpu.vector_load %arg16[%swap3A_970, %swap3A_971] {strides = array<i32>} : memref<128x128xf32, #tpu.memory_space<vmem>>, vector<16xf32>,
        tpu.vector_store %arg16[%swap3A_970, %swap3A_971], %mul3A_969 {strides = array<i32>} : memref<128x128xf32, #tpu.memory_space<vmem>>, vector<16xf32>,
        %mul3A_973 = arith.mulf %unpack3A_968, %gather3A : vector<16xf32>
        %swap3A_974 = arith.index_cast %add3A_948 : i32 to index
        %swap3A_975 = arith.constant 48 : index
        %swap3A_976 = tpu.vector_load %arg16[%swap3A_974, %swap3A_975] {strides = array<i32>} : memref<128x128xf32, #tpu.memory_space<vmem>>, vector<16xf32>,
        tpu.vector_store %arg16[%swap3A_974, %swap3A_975], %mul3A_973 {strides = array<i32>} : memref<128x128xf32, #tpu.memory_space<vmem>>, vector<16xf32>,
        %get3A_977 = arith.index_cast %add3A_948 : i32 to index
        %get3A_978 = arith.constant 64 : index
        %get3A_979 = tpu.vector_load %arg14[%get3A_977, %get3A_978] {strides = array<i32>} : memref<128x128xbf16, #tpu.memory_space<vmem>>, vector<32xbf16>,
        %unpack3A_980 = tpu.unpack_subelements %get3A_979, 0 {pack_format = #tpu.pack_format<interleaved>} : vector<32xbf16> -> vector<16xf32>
        %unpack3A_981 = tpu.unpack_subelements %get3A_979, 1 {pack_format = #tpu.pack_format<interleaved>} : vector<32xbf16> -> vector<16xf32>
        %mul3A_982 = arith.mulf %unpack3A_980, %gather3A : vector<16xf32>
        %swap3A_983 = arith.index_cast %add3A_948 : i32 to index
        %swap3A_984 = arith.constant 64 : index
        %swap3A_985 = tpu.vector_load %arg16[%swap3A_983, %swap3A_984] {strides = array<i32>} : memref<128x128xf32, #tpu.memory_space<vmem>>, vector<16xf32>,
        tpu.vector_store %arg16[%swap3A_983, %swap3A_984], %mul3A_982 {strides = array<i32>} : memref<128x128xf32, #tpu.memory_space<vmem>>, vector<16xf32>,
        %mul3A_986 = arith.mulf %unpack3A_981, %gather3A : vector<16xf32>
        %swap3A_987 = arith.index_cast %add3A_948 : i32 to index
        %swap3A_988 = arith.constant 80 : index
        %swap3A_989 = tpu.vector_load %arg16[%swap3A_987, %swap3A_988] {strides = array<i32>} : memref<128x128xf32, #tpu.memory_space<vmem>>, vector<16xf32>,
        tpu.vector_store %arg16[%swap3A_987, %swap3A_988], %mul3A_986 {strides = array<i32>} : memref<128x128xf32, #tpu.memory_space<vmem>>, vector<16xf32>,
        %get3A_990 = arith.index_cast %add3A_948 : i32 to index
        %get3A_991 = arith.constant 96 : index
        %get3A_992 = tpu.vector_load %arg14[%get3A_990, %get3A_991] {strides = array<i32>} : memref<128x128xbf16, #tpu.memory_space<vmem>>, vector<32xbf16>,
        %unpack3A_993 = tpu.unpack_subelements %get3A_992, 0 {pack_format = #tpu.pack_format<interleaved>} : vector<32xbf16> -> vector<16xf32>
        %unpack3A_994 = tpu.unpack_subelements %get3A_992, 1 {pack_format = #tpu.pack_format<interleaved>} : vector<32xbf16> -> vector<16xf32>
        %mul3A_995 = arith.mulf %unpack3A_993, %gather3A : vector<16xf32>
        %swap3A_996 = arith.index_cast %add3A_948 : i32 to index
        %swap3A_997 = arith.constant 96 : index
        %swap3A_998 = tpu.vector_load %arg16[%swap3A_996, %swap3A_997] {strides = array<i32>} : memref<128x128xf32, #tpu.memory_space<vmem>>, vector<16xf32>,
        tpu.vector_store %arg16[%swap3A_996, %swap3A_997], %mul3A_995 {strides = array<i32>} : memref<128x128xf32, #tpu.memory_space<vmem>>, vector<16xf32>,
        %mul3A_999 = arith.mulf %unpack3A_994, %gather3A : vector<16xf32>
        %swap3A_1000 = arith.index_cast %add3A_948 : i32 to index
        %swap3A_1001 = arith.constant 112 : index
        %swap3A_1002 = tpu.vector_load %arg16[%swap3A_1000, %swap3A_1001] {strides = array<i32>} : memref<128x128xf32, #tpu.memory_space<vmem>>, vector<16xf32>,
        tpu.vector_store %arg16[%swap3A_1000, %swap3A_1001], %mul3A_999 {strides = array<i32>} : memref<128x128xf32, #tpu.memory_space<vmem>>, vector<16xf32>,
        %mul3A_1003 = arith.constant 2 : i32
        %mul3A_1004 = arith.muli %scan3A_944, %mul3A_1003 : i32
        %add3A_1005 = arith.constant 1 : i32
        %add3A_1006 = arith.addi %mul3A_1004, %add3A_1005 : i32
        %broadcast_in_dim3A_1007 = arith.constant 2 : i32
        %broadcast_in_dim3A_1008 = vector.broadcast %broadcast_in_dim3A_1007 : i32 to vector<16xi32>
        %broadcast_in_dim3A_1009 = vector.broadcast %add3A_1006 : i32 to vector<16xi32>
        %gather3A_1010 = tpu.vector_load_idx %arg13[%broadcast_in_dim3A_1008, %broadcast_in_dim3A_1009] : memref<4x128xf32, #tpu.memory_space<vmem>>[vector<16xi32>, vector<16xi32>], vector<16xf32>,
        %get3A_1011 = arith.index_cast %add3A_1006 : i32 to index
        %get3A_1012 = arith.constant 0 : index
        %get3A_1013 = tpu.vector_load %arg14[%get3A_1011, %get3A_1012] {strides = array<i32>} : memref<128x128xbf16, #tpu.memory_space<vmem>>, vector<32xbf16>,
        %unpack3A_1014 = tpu.unpack_subelements %get3A_1013, 0 {pack_format = #tpu.pack_format<interleaved>} : vector<32xbf16> -> vector<16xf32>
        %unpack3A_1015 = tpu.unpack_subelements %get3A_1013, 1 {pack_format = #tpu.pack_format<interleaved>} : vector<32xbf16> -> vector<16xf32>
        %mul3A_1016 = arith.mulf %unpack3A_1014, %gather3A_1010 : vector<16xf32>
        %swap3A_1017 = arith.index_cast %add3A_1006 : i32 to index
        %swap3A_1018 = arith.constant 0 : index
        %swap3A_1019 = tpu.vector_load %arg16[%swap3A_1017, %swap3A_1018] {strides = array<i32>} : memref<128x128xf32, #tpu.memory_space<vmem>>, vector<16xf32>,
        tpu.vector_store %arg16[%swap3A_1017, %swap3A_1018], %mul3A_1016 {strides = array<i32>} : memref<128x128xf32, #tpu.memory_space<vmem>>, vector<16xf32>,
        %mul3A_1020 = arith.mulf %unpack3A_1015, %gather3A_1010 : vector<16xf32>
        %swap3A_1021 = arith.index_cast %add3A_1006 : i32 to index
        %swap3A_1022 = arith.constant 16 : index
        %swap3A_1023 = tpu.vector_load %arg16[%swap3A_1021, %swap3A_1022] {strides = array<i32>} : memref<128x128xf32, #tpu.memory_space<vmem>>, vector<16xf32>,
        tpu.vector_store %arg16[%swap3A_1021, %swap3A_1022], %mul3A_1020 {strides = array<i32>} : memref<128x128xf32, #tpu.memory_space<vmem>>, vector<16xf32>,
        %get3A_1024 = arith.index_cast %add3A_1006 : i32 to index
        %get3A_1025 = arith.constant 32 : index
        %get3A_1026 = tpu.vector_load %arg14[%get3A_1024, %get3A_1025] {strides = array<i32>} : memref<128x128xbf16, #tpu.memory_space<vmem>>, vector<32xbf16>,
        %unpack3A_1027 = tpu.unpack_subelements %get3A_1026, 0 {pack_format = #tpu.pack_format<interleaved>} : vector<32xbf16> -> vector<16xf32>
        %unpack3A_1028 = tpu.unpack_subelements %get3A_1026, 1 {pack_format = #tpu.pack_format<interleaved>} : vector<32xbf16> -> vector<16xf32>
        %mul3A_1029 = arith.mulf %unpack3A_1027, %gather3A_1010 : vector<16xf32>
        %swap3A_1030 = arith.index_cast %add3A_1006 : i32 to index
        %swap3A_1031 = arith.constant 32 : index
        %swap3A_1032 = tpu.vector_load %arg16[%swap3A_1030, %swap3A_1031] {strides = array<i32>} : memref<128x128xf32, #tpu.memory_space<vmem>>, vector<16xf32>,
        tpu.vector_store %arg16[%swap3A_1030, %swap3A_1031], %mul3A_1029 {strides = array<i32>} : memref<128x128xf32, #tpu.memory_space<vmem>>, vector<16xf32>,
        %mul3A_1033 = arith.mulf %unpack3A_1028, %gather3A_1010 : vector<16xf32>
        %swap3A_1034 = arith.index_cast %add3A_1006 : i32 to index
        %swap3A_1035 = arith.constant 48 : index
        %swap3A_1036 = tpu.vector_load %arg16[%swap3A_1034, %swap3A_1035] {strides = array<i32>} : memref<128x128xf32, #tpu.memory_space<vmem>>, vector<16xf32>,
        tpu.vector_store %arg16[%swap3A_1034, %swap3A_1035], %mul3A_1033 {strides = array<i32>} : memref<128x128xf32, #tpu.memory_space<vmem>>, vector<16xf32>,
        %get3A_1037 = arith.index_cast %add3A_1006 : i32 to index
        %get3A_1038 = arith.constant 64 : index
        %get3A_1039 = tpu.vector_load %arg14[%get3A_1037, %get3A_1038] {strides = array<i32>} : memref<128x128xbf16, #tpu.memory_space<vmem>>, vector<32xbf16>,
        %unpack3A_1040 = tpu.unpack_subelements %get3A_1039, 0 {pack_format = #tpu.pack_format<interleaved>} : vector<32xbf16> -> vector<16xf32>
        %unpack3A_1041 = tpu.unpack_subelements %get3A_1039, 1 {pack_format = #tpu.pack_format<interleaved>} : vector<32xbf16> -> vector<16xf32>
        %mul3A_1042 = arith.mulf %unpack3A_1040, %gather3A_1010 : vector<16xf32>
        %swap3A_1043 = arith.index_cast %add3A_1006 : i32 to index
        %swap3A_1044 = arith.constant 64 : index
        %swap3A_1045 = tpu.vector_load %arg16[%swap3A_1043, %swap3A_1044] {strides = array<i32>} : memref<128x128xf32, #tpu.memory_space<vmem>>, vector<16xf32>,
        tpu.vector_store %arg16[%swap3A_1043, %swap3A_1044], %mul3A_1042 {strides = array<i32>} : memref<128x128xf32, #tpu.memory_space<vmem>>, vector<16xf32>,
        %mul3A_1046 = arith.mulf %unpack3A_1041, %gather3A_1010 : vector<16xf32>
        %swap3A_1047 = arith.index_cast %add3A_1006 : i32 to index
        %swap3A_1048 = arith.constant 80 : index
        %swap3A_1049 = tpu.vector_load %arg16[%swap3A_1047, %swap3A_1048] {strides = array<i32>} : memref<128x128xf32, #tpu.memory_space<vmem>>, vector<16xf32>,
        tpu.vector_store %arg16[%swap3A_1047, %swap3A_1048], %mul3A_1046 {strides = array<i32>} : memref<128x128xf32, #tpu.memory_space<vmem>>, vector<16xf32>,
        %get3A_1050 = arith.index_cast %add3A_1006 : i32 to index
        %get3A_1051 = arith.constant 96 : index
        %get3A_1052 = tpu.vector_load %arg14[%get3A_1050, %get3A_1051] {strides = array<i32>} : memref<128x128xbf16, #tpu.memory_space<vmem>>, vector<32xbf16>,
        %unpack3A_1053 = tpu.unpack_subelements %get3A_1052, 0 {pack_format = #tpu.pack_format<interleaved>} : vector<32xbf16> -> vector<16xf32>
        %unpack3A_1054 = tpu.unpack_subelements %get3A_1052, 1 {pack_format = #tpu.pack_format<interleaved>} : vector<32xbf16> -> vector<16xf32>
        %mul3A_1055 = arith.mulf %unpack3A_1053, %gather3A_1010 : vector<16xf32>
        %swap3A_1056 = arith.index_cast %add3A_1006 : i32 to index
        %swap3A_1057 = arith.constant 96 : index
        %swap3A_1058 = tpu.vector_load %arg16[%swap3A_1056, %swap3A_1057] {strides = array<i32>} : memref<128x128xf32, #tpu.memory_space<vmem>>, vector<16xf32>,
        tpu.vector_store %arg16[%swap3A_1056, %swap3A_1057], %mul3A_1055 {strides = array<i32>} : memref<128x128xf32, #tpu.memory_space<vmem>>, vector<16xf32>,
        %mul3A_1059 = arith.mulf %unpack3A_1054, %gather3A_1010 : vector<16xf32>
        %swap3A_1060 = arith.index_cast %add3A_1006 : i32 to index
        %swap3A_1061 = arith.constant 112 : index
        %swap3A_1062 = tpu.vector_load %arg16[%swap3A_1060, %swap3A_1061] {strides = array<i32>} : memref<128x128xf32, #tpu.memory_space<vmem>>, vector<16xf32>,
        tpu.vector_store %arg16[%swap3A_1060, %swap3A_1061], %mul3A_1059 {strides = array<i32>} : memref<128x128xf32, #tpu.memory_space<vmem>>, vector<16xf32>,
      }
      %scan3A_822 = arith.constant 64 : i32
      %dma_start3A_823 = arith.constant 0 : i32
      %dma_start3A_824 = arith.constant 0 : i32
      %dma_start3A_825 = tpu.memref_slice %arg17[%dma_start3A_823, %dma_start3A_824] : memref<2x128xi32, #tpu.memory_space<vmem>> -> memref<1x128xi32, #tpu.memory_space<vmem>>
      %dma_start3A_826 = tpu.memref_squeeze %dma_start3A_825 : memref<1x128xi32, #tpu.memory_space<vmem>> -> memref<128xi32, #tpu.memory_space<vmem>>
      %dma_start3A_827 = arith.constant 0 : i32
      %dma_start3A_828 = arith.constant 0 : i32
      %dma_start3A_829 = tpu.memref_slice %arg19[%dma_start3A_827, %dma_start3A_828] : memref<10240x128xf32, #tpu.memory_space<vmem_shared>> -> memref<10240x128xf32, #tpu.memory_space<vmem_shared>>
      tpu.enqueue_indirect_dma source(%arg16 : memref<128x128xf32, #tpu.memory_space<vmem>>) target(%dma_start3A_829 : memref<10240x128xf32, #tpu.memory_space<vmem_shared>>) offsets(%dma_start3A_826 : memref<128xi32, #tpu.memory_space<vmem>>) semaphore(%arg23 : memref<!tpu.dma_semaphore, #tpu.memory_space<semaphore_mem>>) {add = true}
      %dma_start3A_830 = arith.constant 0 : i32
      %dma_start3A_831 = arith.constant 0 : i32
      %dma_start3A_832 = tpu.memref_slice %arg17[%dma_start3A_830, %dma_start3A_831] : memref<2x128xi32, #tpu.memory_space<vmem>> -> memref<1x128xi32, #tpu.memory_space<vmem>>
      %dma_start3A_833 = tpu.memref_squeeze %dma_start3A_832 : memref<1x128xi32, #tpu.memory_space<vmem>> -> memref<128xi32, #tpu.memory_space<vmem>>
      %dma_start3A_834 = arith.constant 0 : i32
      %dma_start3A_835 = arith.constant 0 : i32
      %dma_start3A_836 = tpu.memref_slice %arg20[%dma_start3A_834, %dma_start3A_835] : memref<10240x16xf32, #tpu.memory_space<vmem_shared>> -> memref<10240x16xf32, #tpu.memory_space<vmem_shared>>
      tpu.enqueue_indirect_dma source(%arg18 : memref<128x16xf32, #tpu.memory_space<vmem>>) target(%dma_start3A_836 : memref<10240x16xf32, #tpu.memory_space<vmem_shared>>) offsets(%dma_start3A_833 : memref<128xi32, #tpu.memory_space<vmem>>) semaphore(%arg23 : memref<!tpu.dma_semaphore, #tpu.memory_space<semaphore_mem>>) {add = true}
      %mul3A_837 = arith.constant 4 : i32
      %mul3A_838 = arith.muli %add3A_508, %mul3A_837 : i32
      %add3A_839 = arith.constant 3 : i32
      %add3A_840 = arith.addi %mul3A_838, %add3A_839 : i32
      %add3A_841 = arith.constant 1 : i32
      %add3A_842 = arith.addi %add3A_508, %add3A_841 : i32
      %lt3A_843 = arith.constant 10 : i32
      %lt3A_844 = arith.cmpi slt, %add3A_842, %lt3A_843 : i32
      %convert_element_type3A_845 = arith.extui %lt3A_844 : i1 to i32
      %cond3A_846 = arith.constant 0 : i32
      %cond3A_847 = arith.cmpi ne, %convert_element_type3A_845, %cond3A_846 : i32
      scf.if %cond3A_847 {
        %add3A_944 = arith.constant 1 : i32
        %add3A_945 = arith.addi %add3A_508, %add3A_944 : i32
        %mul3A_946 = arith.constant 4 : i32
        %mul3A_947 = arith.muli %add3A_945, %mul3A_946 : i32
        %add3A_948 = arith.addi %mul3A_36, %mul3A_947 : i32
        %dma_wait3A_949 = arith.constant 0 : i32
        %dma_wait3A_950 = tpu.memref_slice %arg2[%add3A_948, %dma_wait3A_949] : memref<1280x128xi32, #tpu.memory_space<hbm>> -> memref<4x128xi32, #tpu.memory_space<hbm>>
        %dma_wait3A_951 = arith.constant 0 : i32
        %dma_wait3A_952 = tpu.memref_slice %arg2[%add3A_948, %dma_wait3A_951] : memref<1280x128xi32, #tpu.memory_space<hbm>> -> memref<4x128xi32, #tpu.memory_space<hbm>>
        tpu.wait_dma2 semaphore(%arg24 : memref<!tpu.dma_semaphore, #tpu.memory_space<semaphore_mem>>) src(%dma_wait3A_952 : memref<4x128xi32, #tpu.memory_space<hbm>>) dst(%arg8 : memref<4x128xi32, #tpu.memory_space<vmem>>)
        %dma_wait3A_953 = arith.constant 0 : i32
        %dma_wait3A_954 = tpu.memref_slice %arg3[%add3A_948, %dma_wait3A_953] : memref<1280x128xi32, #tpu.memory_space<hbm>> -> memref<4x128xi32, #tpu.memory_space<hbm>>
        %dma_wait3A_955 = arith.constant 0 : i32
        %dma_wait3A_956 = tpu.memref_slice %arg3[%add3A_948, %dma_wait3A_955] : memref<1280x128xi32, #tpu.memory_space<hbm>> -> memref<4x128xi32, #tpu.memory_space<hbm>>
        tpu.wait_dma2 semaphore(%arg24 : memref<!tpu.dma_semaphore, #tpu.memory_space<semaphore_mem>>) src(%dma_wait3A_956 : memref<4x128xi32, #tpu.memory_space<hbm>>) dst(%arg10 : memref<4x128xi32, #tpu.memory_space<vmem>>)
        %dma_wait3A_957 = arith.constant 0 : i32
        %dma_wait3A_958 = tpu.memref_slice %arg4[%add3A_948, %dma_wait3A_957] : memref<1280x128xf32, #tpu.memory_space<hbm>> -> memref<4x128xf32, #tpu.memory_space<hbm>>
        %dma_wait3A_959 = arith.constant 0 : i32
        %dma_wait3A_960 = tpu.memref_slice %arg4[%add3A_948, %dma_wait3A_959] : memref<1280x128xf32, #tpu.memory_space<hbm>> -> memref<4x128xf32, #tpu.memory_space<hbm>>
        tpu.wait_dma2 semaphore(%arg24 : memref<!tpu.dma_semaphore, #tpu.memory_space<semaphore_mem>>) src(%dma_wait3A_960 : memref<4x128xf32, #tpu.memory_space<hbm>>) dst(%arg12 : memref<4x128xf32, #tpu.memory_space<vmem>>)
        %dma_start3A_961 = arith.constant 0 : i32
        %dma_start3A_962 = arith.constant 0 : i32
        %dma_start3A_963 = tpu.memref_slice %arg8[%dma_start3A_961, %dma_start3A_962] : memref<4x128xi32, #tpu.memory_space<vmem>> -> memref<1x128xi32, #tpu.memory_space<vmem>>
        %dma_start3A_964 = tpu.memref_squeeze %dma_start3A_963 : memref<1x128xi32, #tpu.memory_space<vmem>> -> memref<128xi32, #tpu.memory_space<vmem>>
        %dma_start3A_965 = arith.constant 0 : i32
        %dma_start3A_966 = arith.constant 0 : i32
        %dma_start3A_967 = tpu.memref_slice %arg5[%dma_start3A_965, %dma_start3A_966] : memref<10000x128xbf16, #tpu.memory_space<hbm>> -> memref<10000x128xbf16, #tpu.memory_space<hbm>>
        tpu.enqueue_indirect_dma source(%dma_start3A_967 : memref<10000x128xbf16, #tpu.memory_space<hbm>>) target(%arg14 : memref<128x128xbf16, #tpu.memory_space<vmem>>) offsets(%dma_start3A_964 : memref<128xi32, #tpu.memory_space<vmem>>) semaphore(%arg21 : memref<!tpu.dma_semaphore, #tpu.memory_space<semaphore_mem>>)
      } else {
      }
      %dma_wait3A_848 = arith.constant 3 : i32
      %dma_wait3A_849 = arith.constant 0 : i32
      %dma_wait3A_850 = tpu.memref_slice %arg9[%dma_wait3A_848, %dma_wait3A_849] : memref<4x128xi32, #tpu.memory_space<vmem>> -> memref<1x128xi32, #tpu.memory_space<vmem>>
      %dma_wait3A_851 = tpu.memref_squeeze %dma_wait3A_850 : memref<1x128xi32, #tpu.memory_space<vmem>> -> memref<128xi32, #tpu.memory_space<vmem>>
      %dma_wait3A_852 = arith.constant 0 : i32
      %dma_wait3A_853 = arith.constant 0 : i32
      %dma_wait3A_854 = tpu.memref_slice %arg5[%dma_wait3A_852, %dma_wait3A_853] : memref<10000x128xbf16, #tpu.memory_space<hbm>> -> memref<10000x128xbf16, #tpu.memory_space<hbm>>
      tpu.wait_indirect_dma semaphore(%arg22 : memref<!tpu.dma_semaphore, #tpu.memory_space<semaphore_mem>>) src(%dma_wait3A_854 : memref<10000x128xbf16, #tpu.memory_space<hbm>>) dst(%arg15 : memref<128x128xbf16, #tpu.memory_space<vmem>>)
      %ge3A_855 = arith.constant 1 : i32
      %ge3A_856 = arith.cmpi sge, %add3A_840, %ge3A_855 : i32
      %convert_element_type3A_857 = arith.extui %ge3A_856 : i1 to i32
      %cond3A_858 = arith.constant 0 : i32
      %cond3A_859 = arith.cmpi ne, %convert_element_type3A_857, %cond3A_858 : i32
      scf.if %cond3A_859 {
        %dma_wait3A_944 = arith.constant 0 : i32
        %dma_wait3A_945 = arith.constant 0 : i32
        %dma_wait3A_946 = tpu.memref_slice %arg17[%dma_wait3A_944, %dma_wait3A_945] : memref<2x128xi32, #tpu.memory_space<vmem>> -> memref<1x128xi32, #tpu.memory_space<vmem>>
        %dma_wait3A_947 = tpu.memref_squeeze %dma_wait3A_946 : memref<1x128xi32, #tpu.memory_space<vmem>> -> memref<128xi32, #tpu.memory_space<vmem>>
        %dma_wait3A_948 = arith.constant 0 : i32
        %dma_wait3A_949 = arith.constant 0 : i32
        %dma_wait3A_950 = tpu.memref_slice %arg19[%dma_wait3A_948, %dma_wait3A_949] : memref<10240x128xf32, #tpu.memory_space<vmem_shared>> -> memref<10240x128xf32, #tpu.memory_space<vmem_shared>>
        tpu.wait_indirect_dma semaphore(%arg23 : memref<!tpu.dma_semaphore, #tpu.memory_space<semaphore_mem>>) src(%arg16 : memref<128x128xf32, #tpu.memory_space<vmem>>) dst(%dma_wait3A_950 : memref<10240x128xf32, #tpu.memory_space<vmem_shared>>)
        %dma_wait3A_951 = arith.constant 0 : i32
        %dma_wait3A_952 = arith.constant 0 : i32
        %dma_wait3A_953 = tpu.memref_slice %arg17[%dma_wait3A_951, %dma_wait3A_952] : memref<2x128xi32, #tpu.memory_space<vmem>> -> memref<1x128xi32, #tpu.memory_space<vmem>>
        %dma_wait3A_954 = tpu.memref_squeeze %dma_wait3A_953 : memref<1x128xi32, #tpu.memory_space<vmem>> -> memref<128xi32, #tpu.memory_space<vmem>>
        %dma_wait3A_955 = arith.constant 0 : i32
        %dma_wait3A_956 = arith.constant 0 : i32
        %dma_wait3A_957 = tpu.memref_slice %arg20[%dma_wait3A_955, %dma_wait3A_956] : memref<10240x16xf32, #tpu.memory_space<vmem_shared>> -> memref<10240x16xf32, #tpu.memory_space<vmem_shared>>
        tpu.wait_indirect_dma semaphore(%arg23 : memref<!tpu.dma_semaphore, #tpu.memory_space<semaphore_mem>>) src(%arg18 : memref<128x16xf32, #tpu.memory_space<vmem>>) dst(%dma_wait3A_957 : memref<10240x16xf32, #tpu.memory_space<vmem_shared>>)
      } else {
      }
      %get3A_860 = arith.constant 3 : i32
      %get3A_861 = arith.index_cast %get3A_860 : i32 to index
      %get3A_862 = arith.constant 0 : index
      %get3A_863 = tpu.vector_load %arg11[%get3A_861, %get3A_862] {strides = array<i32>} : memref<4x128xi32, #tpu.memory_space<vmem>>, vector<16xi32>,
      %swap3A_864 = arith.constant 1 : i32
      %swap3A_865 = arith.index_cast %swap3A_864 : i32 to index
      %swap3A_866 = arith.constant 0 : index
      %swap3A_867 = tpu.vector_load %arg17[%swap3A_865, %swap3A_866] {strides = array<i32>} : memref<2x128xi32, #tpu.memory_space<vmem>>, vector<16xi32>,
      tpu.vector_store %arg17[%swap3A_865, %swap3A_866], %get3A_863 {strides = array<i32>} : memref<2x128xi32, #tpu.memory_space<vmem>>, vector<16xi32>,
      %get3A_868 = arith.constant 3 : i32
      %get3A_869 = arith.index_cast %get3A_868 : i32 to index
      %get3A_870 = arith.constant 16 : index
      %get3A_871 = tpu.vector_load %arg11[%get3A_869, %get3A_870] {strides = array<i32>} : memref<4x128xi32, #tpu.memory_space<vmem>>, vector<16xi32>,
      %swap3A_872 = arith.constant 1 : i32
      %swap3A_873 = arith.index_cast %swap3A_872 : i32 to index
      %swap3A_874 = arith.constant 16 : index
      %swap3A_875 = tpu.vector_load %arg17[%swap3A_873, %swap3A_874] {strides = array<i32>} : memref<2x128xi32, #tpu.memory_space<vmem>>, vector<16xi32>,
      tpu.vector_store %arg17[%swap3A_873, %swap3A_874], %get3A_871 {strides = array<i32>} : memref<2x128xi32, #tpu.memory_space<vmem>>, vector<16xi32>,
      %get3A_876 = arith.constant 3 : i32
      %get3A_877 = arith.index_cast %get3A_876 : i32 to index
      %get3A_878 = arith.constant 32 : index
      %get3A_879 = tpu.vector_load %arg11[%get3A_877, %get3A_878] {strides = array<i32>} : memref<4x128xi32, #tpu.memory_space<vmem>>, vector<16xi32>,
      %swap3A_880 = arith.constant 1 : i32
      %swap3A_881 = arith.index_cast %swap3A_880 : i32 to index
      %swap3A_882 = arith.constant 32 : index
      %swap3A_883 = tpu.vector_load %arg17[%swap3A_881, %swap3A_882] {strides = array<i32>} : memref<2x128xi32, #tpu.memory_space<vmem>>, vector<16xi32>,
      tpu.vector_store %arg17[%swap3A_881, %swap3A_882], %get3A_879 {strides = array<i32>} : memref<2x128xi32, #tpu.memory_space<vmem>>, vector<16xi32>,
      %get3A_884 = arith.constant 3 : i32
      %get3A_885 = arith.index_cast %get3A_884 : i32 to index
      %get3A_886 = arith.constant 48 : index
      %get3A_887 = tpu.vector_load %arg11[%get3A_885, %get3A_886] {strides = array<i32>} : memref<4x128xi32, #tpu.memory_space<vmem>>, vector<16xi32>,
      %swap3A_888 = arith.constant 1 : i32
      %swap3A_889 = arith.index_cast %swap3A_888 : i32 to index
      %swap3A_890 = arith.constant 48 : index
      %swap3A_891 = tpu.vector_load %arg17[%swap3A_889, %swap3A_890] {strides = array<i32>} : memref<2x128xi32, #tpu.memory_space<vmem>>, vector<16xi32>,
      tpu.vector_store %arg17[%swap3A_889, %swap3A_890], %get3A_887 {strides = array<i32>} : memref<2x128xi32, #tpu.memory_space<vmem>>, vector<16xi32>,
      %get3A_892 = arith.constant 3 : i32
      %get3A_893 = arith.index_cast %get3A_892 : i32 to index
      %get3A_894 = arith.constant 64 : index
      %get3A_895 = tpu.vector_load %arg11[%get3A_893, %get3A_894] {strides = array<i32>} : memref<4x128xi32, #tpu.memory_space<vmem>>, vector<16xi32>,
      %swap3A_896 = arith.constant 1 : i32
      %swap3A_897 = arith.index_cast %swap3A_896 : i32 to index
      %swap3A_898 = arith.constant 64 : index
      %swap3A_899 = tpu.vector_load %arg17[%swap3A_897, %swap3A_898] {strides = array<i32>} : memref<2x128xi32, #tpu.memory_space<vmem>>, vector<16xi32>,
      tpu.vector_store %arg17[%swap3A_897, %swap3A_898], %get3A_895 {strides = array<i32>} : memref<2x128xi32, #tpu.memory_space<vmem>>, vector<16xi32>,
      %get3A_900 = arith.constant 3 : i32
      %get3A_901 = arith.index_cast %get3A_900 : i32 to index
      %get3A_902 = arith.constant 80 : index
      %get3A_903 = tpu.vector_load %arg11[%get3A_901, %get3A_902] {strides = array<i32>} : memref<4x128xi32, #tpu.memory_space<vmem>>, vector<16xi32>,
      %swap3A_904 = arith.constant 1 : i32
      %swap3A_905 = arith.index_cast %swap3A_904 : i32 to index
      %swap3A_906 = arith.constant 80 : index
      %swap3A_907 = tpu.vector_load %arg17[%swap3A_905, %swap3A_906] {strides = array<i32>} : memref<2x128xi32, #tpu.memory_space<vmem>>, vector<16xi32>,
      tpu.vector_store %arg17[%swap3A_905, %swap3A_906], %get3A_903 {strides = array<i32>} : memref<2x128xi32, #tpu.memory_space<vmem>>, vector<16xi32>,
      %get3A_908 = arith.constant 3 : i32
      %get3A_909 = arith.index_cast %get3A_908 : i32 to index
      %get3A_910 = arith.constant 96 : index
      %get3A_911 = tpu.vector_load %arg11[%get3A_909, %get3A_910] {strides = array<i32>} : memref<4x128xi32, #tpu.memory_space<vmem>>, vector<16xi32>,
      %swap3A_912 = arith.constant 1 : i32
      %swap3A_913 = arith.index_cast %swap3A_912 : i32 to index
      %swap3A_914 = arith.constant 96 : index
      %swap3A_915 = tpu.vector_load %arg17[%swap3A_913, %swap3A_914] {strides = array<i32>} : memref<2x128xi32, #tpu.memory_space<vmem>>, vector<16xi32>,
      tpu.vector_store %arg17[%swap3A_913, %swap3A_914], %get3A_911 {strides = array<i32>} : memref<2x128xi32, #tpu.memory_space<vmem>>, vector<16xi32>,
      %get3A_916 = arith.constant 3 : i32
      %get3A_917 = arith.index_cast %get3A_916 : i32 to index
      %get3A_918 = arith.constant 112 : index
      %get3A_919 = tpu.vector_load %arg11[%get3A_917, %get3A_918] {strides = array<i32>} : memref<4x128xi32, #tpu.memory_space<vmem>>, vector<16xi32>,
      %swap3A_920 = arith.constant 1 : i32
      %swap3A_921 = arith.index_cast %swap3A_920 : i32 to index
      %swap3A_922 = arith.constant 112 : index
      %swap3A_923 = tpu.vector_load %arg17[%swap3A_921, %swap3A_922] {strides = array<i32>} : memref<2x128xi32, #tpu.memory_space<vmem>>, vector<16xi32>,
      tpu.vector_store %arg17[%swap3A_921, %swap3A_922], %get3A_919 {strides = array<i32>} : memref<2x128xi32, #tpu.memory_space<vmem>>, vector<16xi32>,
      %scan3A_924 = arith.constant 0 : i32
      %scan3A_925 = arith.constant 0 : i32
      %scan3A_926 = arith.constant 64 : i32
      %scan3A_927 = arith.addi %scan3A_925, %scan3A_926 : i32
      %scan3A_928 = arith.constant 1 : i32
      scf.for %scan3A_944 = %scan3A_925 to %scan3A_927 step %scan3A_928  : i32 {
        %mul3A_945 = arith.constant 2 : i32
        %mul3A_946 = arith.muli %scan3A_944, %mul3A_945 : i32
        %add3A_947 = arith.constant 0 : i32
        %add3A_948 = arith.addi %mul3A_946, %add3A_947 : i32
        %broadcast_in_dim3A_949 = arith.constant 3 : i32
        %broadcast_in_dim3A_950 = vector.broadcast %broadcast_in_dim3A_949 : i32 to vector<16xi32>
        %broadcast_in_dim3A_951 = vector.broadcast %add3A_948 : i32 to vector<16xi32>
        %gather3A = tpu.vector_load_idx %arg13[%broadcast_in_dim3A_950, %broadcast_in_dim3A_951] : memref<4x128xf32, #tpu.memory_space<vmem>>[vector<16xi32>, vector<16xi32>], vector<16xf32>,
        %get3A_952 = arith.index_cast %add3A_948 : i32 to index
        %get3A_953 = arith.constant 0 : index
        %get3A_954 = tpu.vector_load %arg15[%get3A_952, %get3A_953] {strides = array<i32>} : memref<128x128xbf16, #tpu.memory_space<vmem>>, vector<32xbf16>,
        %unpack3A = tpu.unpack_subelements %get3A_954, 0 {pack_format = #tpu.pack_format<interleaved>} : vector<32xbf16> -> vector<16xf32>
        %unpack3A_955 = tpu.unpack_subelements %get3A_954, 1 {pack_format = #tpu.pack_format<interleaved>} : vector<32xbf16> -> vector<16xf32>
        %mul3A_956 = arith.mulf %unpack3A, %gather3A : vector<16xf32>
        %swap3A_957 = arith.index_cast %add3A_948 : i32 to index
        %swap3A_958 = arith.constant 0 : index
        %swap3A_959 = tpu.vector_load %arg16[%swap3A_957, %swap3A_958] {strides = array<i32>} : memref<128x128xf32, #tpu.memory_space<vmem>>, vector<16xf32>,
        tpu.vector_store %arg16[%swap3A_957, %swap3A_958], %mul3A_956 {strides = array<i32>} : memref<128x128xf32, #tpu.memory_space<vmem>>, vector<16xf32>,
        %mul3A_960 = arith.mulf %unpack3A_955, %gather3A : vector<16xf32>
        %swap3A_961 = arith.index_cast %add3A_948 : i32 to index
        %swap3A_962 = arith.constant 16 : index
        %swap3A_963 = tpu.vector_load %arg16[%swap3A_961, %swap3A_962] {strides = array<i32>} : memref<128x128xf32, #tpu.memory_space<vmem>>, vector<16xf32>,
        tpu.vector_store %arg16[%swap3A_961, %swap3A_962], %mul3A_960 {strides = array<i32>} : memref<128x128xf32, #tpu.memory_space<vmem>>, vector<16xf32>,
        %get3A_964 = arith.index_cast %add3A_948 : i32 to index
        %get3A_965 = arith.constant 32 : index
        %get3A_966 = tpu.vector_load %arg15[%get3A_964, %get3A_965] {strides = array<i32>} : memref<128x128xbf16, #tpu.memory_space<vmem>>, vector<32xbf16>,
        %unpack3A_967 = tpu.unpack_subelements %get3A_966, 0 {pack_format = #tpu.pack_format<interleaved>} : vector<32xbf16> -> vector<16xf32>
        %unpack3A_968 = tpu.unpack_subelements %get3A_966, 1 {pack_format = #tpu.pack_format<interleaved>} : vector<32xbf16> -> vector<16xf32>
        %mul3A_969 = arith.mulf %unpack3A_967, %gather3A : vector<16xf32>
        %swap3A_970 = arith.index_cast %add3A_948 : i32 to index
        %swap3A_971 = arith.constant 32 : index
        %swap3A_972 = tpu.vector_load %arg16[%swap3A_970, %swap3A_971] {strides = array<i32>} : memref<128x128xf32, #tpu.memory_space<vmem>>, vector<16xf32>,
        tpu.vector_store %arg16[%swap3A_970, %swap3A_971], %mul3A_969 {strides = array<i32>} : memref<128x128xf32, #tpu.memory_space<vmem>>, vector<16xf32>,
        %mul3A_973 = arith.mulf %unpack3A_968, %gather3A : vector<16xf32>
        %swap3A_974 = arith.index_cast %add3A_948 : i32 to index
        %swap3A_975 = arith.constant 48 : index
        %swap3A_976 = tpu.vector_load %arg16[%swap3A_974, %swap3A_975] {strides = array<i32>} : memref<128x128xf32, #tpu.memory_space<vmem>>, vector<16xf32>,
        tpu.vector_store %arg16[%swap3A_974, %swap3A_975], %mul3A_973 {strides = array<i32>} : memref<128x128xf32, #tpu.memory_space<vmem>>, vector<16xf32>,
        %get3A_977 = arith.index_cast %add3A_948 : i32 to index
        %get3A_978 = arith.constant 64 : index
        %get3A_979 = tpu.vector_load %arg15[%get3A_977, %get3A_978] {strides = array<i32>} : memref<128x128xbf16, #tpu.memory_space<vmem>>, vector<32xbf16>,
        %unpack3A_980 = tpu.unpack_subelements %get3A_979, 0 {pack_format = #tpu.pack_format<interleaved>} : vector<32xbf16> -> vector<16xf32>
        %unpack3A_981 = tpu.unpack_subelements %get3A_979, 1 {pack_format = #tpu.pack_format<interleaved>} : vector<32xbf16> -> vector<16xf32>
        %mul3A_982 = arith.mulf %unpack3A_980, %gather3A : vector<16xf32>
        %swap3A_983 = arith.index_cast %add3A_948 : i32 to index
        %swap3A_984 = arith.constant 64 : index
        %swap3A_985 = tpu.vector_load %arg16[%swap3A_983, %swap3A_984] {strides = array<i32>} : memref<128x128xf32, #tpu.memory_space<vmem>>, vector<16xf32>,
        tpu.vector_store %arg16[%swap3A_983, %swap3A_984], %mul3A_982 {strides = array<i32>} : memref<128x128xf32, #tpu.memory_space<vmem>>, vector<16xf32>,
        %mul3A_986 = arith.mulf %unpack3A_981, %gather3A : vector<16xf32>
        %swap3A_987 = arith.index_cast %add3A_948 : i32 to index
        %swap3A_988 = arith.constant 80 : index
        %swap3A_989 = tpu.vector_load %arg16[%swap3A_987, %swap3A_988] {strides = array<i32>} : memref<128x128xf32, #tpu.memory_space<vmem>>, vector<16xf32>,
        tpu.vector_store %arg16[%swap3A_987, %swap3A_988], %mul3A_986 {strides = array<i32>} : memref<128x128xf32, #tpu.memory_space<vmem>>, vector<16xf32>,
        %get3A_990 = arith.index_cast %add3A_948 : i32 to index
        %get3A_991 = arith.constant 96 : index
        %get3A_992 = tpu.vector_load %arg15[%get3A_990, %get3A_991] {strides = array<i32>} : memref<128x128xbf16, #tpu.memory_space<vmem>>, vector<32xbf16>,
        %unpack3A_993 = tpu.unpack_subelements %get3A_992, 0 {pack_format = #tpu.pack_format<interleaved>} : vector<32xbf16> -> vector<16xf32>
        %unpack3A_994 = tpu.unpack_subelements %get3A_992, 1 {pack_format = #tpu.pack_format<interleaved>} : vector<32xbf16> -> vector<16xf32>
        %mul3A_995 = arith.mulf %unpack3A_993, %gather3A : vector<16xf32>
        %swap3A_996 = arith.index_cast %add3A_948 : i32 to index
        %swap3A_997 = arith.constant 96 : index
        %swap3A_998 = tpu.vector_load %arg16[%swap3A_996, %swap3A_997] {strides = array<i32>} : memref<128x128xf32, #tpu.memory_space<vmem>>, vector<16xf32>,
        tpu.vector_store %arg16[%swap3A_996, %swap3A_997], %mul3A_995 {strides = array<i32>} : memref<128x128xf32, #tpu.memory_space<vmem>>, vector<16xf32>,
        %mul3A_999 = arith.mulf %unpack3A_994, %gather3A : vector<16xf32>
        %swap3A_1000 = arith.index_cast %add3A_948 : i32 to index
        %swap3A_1001 = arith.constant 112 : index
        %swap3A_1002 = tpu.vector_load %arg16[%swap3A_1000, %swap3A_1001] {strides = array<i32>} : memref<128x128xf32, #tpu.memory_space<vmem>>, vector<16xf32>,
        tpu.vector_store %arg16[%swap3A_1000, %swap3A_1001], %mul3A_999 {strides = array<i32>} : memref<128x128xf32, #tpu.memory_space<vmem>>, vector<16xf32>,
        %mul3A_1003 = arith.constant 2 : i32
        %mul3A_1004 = arith.muli %scan3A_944, %mul3A_1003 : i32
        %add3A_1005 = arith.constant 1 : i32
        %add3A_1006 = arith.addi %mul3A_1004, %add3A_1005 : i32
        %broadcast_in_dim3A_1007 = arith.constant 3 : i32
        %broadcast_in_dim3A_1008 = vector.broadcast %broadcast_in_dim3A_1007 : i32 to vector<16xi32>
        %broadcast_in_dim3A_1009 = vector.broadcast %add3A_1006 : i32 to vector<16xi32>
        %gather3A_1010 = tpu.vector_load_idx %arg13[%broadcast_in_dim3A_1008, %broadcast_in_dim3A_1009] : memref<4x128xf32, #tpu.memory_space<vmem>>[vector<16xi32>, vector<16xi32>], vector<16xf32>,
        %get3A_1011 = arith.index_cast %add3A_1006 : i32 to index
        %get3A_1012 = arith.constant 0 : index
        %get3A_1013 = tpu.vector_load %arg15[%get3A_1011, %get3A_1012] {strides = array<i32>} : memref<128x128xbf16, #tpu.memory_space<vmem>>, vector<32xbf16>,
        %unpack3A_1014 = tpu.unpack_subelements %get3A_1013, 0 {pack_format = #tpu.pack_format<interleaved>} : vector<32xbf16> -> vector<16xf32>
        %unpack3A_1015 = tpu.unpack_subelements %get3A_1013, 1 {pack_format = #tpu.pack_format<interleaved>} : vector<32xbf16> -> vector<16xf32>
        %mul3A_1016 = arith.mulf %unpack3A_1014, %gather3A_1010 : vector<16xf32>
        %swap3A_1017 = arith.index_cast %add3A_1006 : i32 to index
        %swap3A_1018 = arith.constant 0 : index
        %swap3A_1019 = tpu.vector_load %arg16[%swap3A_1017, %swap3A_1018] {strides = array<i32>} : memref<128x128xf32, #tpu.memory_space<vmem>>, vector<16xf32>,
        tpu.vector_store %arg16[%swap3A_1017, %swap3A_1018], %mul3A_1016 {strides = array<i32>} : memref<128x128xf32, #tpu.memory_space<vmem>>, vector<16xf32>,
        %mul3A_1020 = arith.mulf %unpack3A_1015, %gather3A_1010 : vector<16xf32>
        %swap3A_1021 = arith.index_cast %add3A_1006 : i32 to index
        %swap3A_1022 = arith.constant 16 : index
        %swap3A_1023 = tpu.vector_load %arg16[%swap3A_1021, %swap3A_1022] {strides = array<i32>} : memref<128x128xf32, #tpu.memory_space<vmem>>, vector<16xf32>,
        tpu.vector_store %arg16[%swap3A_1021, %swap3A_1022], %mul3A_1020 {strides = array<i32>} : memref<128x128xf32, #tpu.memory_space<vmem>>, vector<16xf32>,
        %get3A_1024 = arith.index_cast %add3A_1006 : i32 to index
        %get3A_1025 = arith.constant 32 : index
        %get3A_1026 = tpu.vector_load %arg15[%get3A_1024, %get3A_1025] {strides = array<i32>} : memref<128x128xbf16, #tpu.memory_space<vmem>>, vector<32xbf16>,
        %unpack3A_1027 = tpu.unpack_subelements %get3A_1026, 0 {pack_format = #tpu.pack_format<interleaved>} : vector<32xbf16> -> vector<16xf32>
        %unpack3A_1028 = tpu.unpack_subelements %get3A_1026, 1 {pack_format = #tpu.pack_format<interleaved>} : vector<32xbf16> -> vector<16xf32>
        %mul3A_1029 = arith.mulf %unpack3A_1027, %gather3A_1010 : vector<16xf32>
        %swap3A_1030 = arith.index_cast %add3A_1006 : i32 to index
        %swap3A_1031 = arith.constant 32 : index
        %swap3A_1032 = tpu.vector_load %arg16[%swap3A_1030, %swap3A_1031] {strides = array<i32>} : memref<128x128xf32, #tpu.memory_space<vmem>>, vector<16xf32>,
        tpu.vector_store %arg16[%swap3A_1030, %swap3A_1031], %mul3A_1029 {strides = array<i32>} : memref<128x128xf32, #tpu.memory_space<vmem>>, vector<16xf32>,
        %mul3A_1033 = arith.mulf %unpack3A_1028, %gather3A_1010 : vector<16xf32>
        %swap3A_1034 = arith.index_cast %add3A_1006 : i32 to index
        %swap3A_1035 = arith.constant 48 : index
        %swap3A_1036 = tpu.vector_load %arg16[%swap3A_1034, %swap3A_1035] {strides = array<i32>} : memref<128x128xf32, #tpu.memory_space<vmem>>, vector<16xf32>,
        tpu.vector_store %arg16[%swap3A_1034, %swap3A_1035], %mul3A_1033 {strides = array<i32>} : memref<128x128xf32, #tpu.memory_space<vmem>>, vector<16xf32>,
        %get3A_1037 = arith.index_cast %add3A_1006 : i32 to index
        %get3A_1038 = arith.constant 64 : index
        %get3A_1039 = tpu.vector_load %arg15[%get3A_1037, %get3A_1038] {strides = array<i32>} : memref<128x128xbf16, #tpu.memory_space<vmem>>, vector<32xbf16>,
        %unpack3A_1040 = tpu.unpack_subelements %get3A_1039, 0 {pack_format = #tpu.pack_format<interleaved>} : vector<32xbf16> -> vector<16xf32>
        %unpack3A_1041 = tpu.unpack_subelements %get3A_1039, 1 {pack_format = #tpu.pack_format<interleaved>} : vector<32xbf16> -> vector<16xf32>
        %mul3A_1042 = arith.mulf %unpack3A_1040, %gather3A_1010 : vector<16xf32>
        %swap3A_1043 = arith.index_cast %add3A_1006 : i32 to index
        %swap3A_1044 = arith.constant 64 : index
        %swap3A_1045 = tpu.vector_load %arg16[%swap3A_1043, %swap3A_1044] {strides = array<i32>} : memref<128x128xf32, #tpu.memory_space<vmem>>, vector<16xf32>,
        tpu.vector_store %arg16[%swap3A_1043, %swap3A_1044], %mul3A_1042 {strides = array<i32>} : memref<128x128xf32, #tpu.memory_space<vmem>>, vector<16xf32>,
        %mul3A_1046 = arith.mulf %unpack3A_1041, %gather3A_1010 : vector<16xf32>
        %swap3A_1047 = arith.index_cast %add3A_1006 : i32 to index
        %swap3A_1048 = arith.constant 80 : index
        %swap3A_1049 = tpu.vector_load %arg16[%swap3A_1047, %swap3A_1048] {strides = array<i32>} : memref<128x128xf32, #tpu.memory_space<vmem>>, vector<16xf32>,
        tpu.vector_store %arg16[%swap3A_1047, %swap3A_1048], %mul3A_1046 {strides = array<i32>} : memref<128x128xf32, #tpu.memory_space<vmem>>, vector<16xf32>,
        %get3A_1050 = arith.index_cast %add3A_1006 : i32 to index
        %get3A_1051 = arith.constant 96 : index
        %get3A_1052 = tpu.vector_load %arg15[%get3A_1050, %get3A_1051] {strides = array<i32>} : memref<128x128xbf16, #tpu.memory_space<vmem>>, vector<32xbf16>,
        %unpack3A_1053 = tpu.unpack_subelements %get3A_1052, 0 {pack_format = #tpu.pack_format<interleaved>} : vector<32xbf16> -> vector<16xf32>
        %unpack3A_1054 = tpu.unpack_subelements %get3A_1052, 1 {pack_format = #tpu.pack_format<interleaved>} : vector<32xbf16> -> vector<16xf32>
        %mul3A_1055 = arith.mulf %unpack3A_1053, %gather3A_1010 : vector<16xf32>
        %swap3A_1056 = arith.index_cast %add3A_1006 : i32 to index
        %swap3A_1057 = arith.constant 96 : index
        %swap3A_1058 = tpu.vector_load %arg16[%swap3A_1056, %swap3A_1057] {strides = array<i32>} : memref<128x128xf32, #tpu.memory_space<vmem>>, vector<16xf32>,
        tpu.vector_store %arg16[%swap3A_1056, %swap3A_1057], %mul3A_1055 {strides = array<i32>} : memref<128x128xf32, #tpu.memory_space<vmem>>, vector<16xf32>,
        %mul3A_1059 = arith.mulf %unpack3A_1054, %gather3A_1010 : vector<16xf32>
        %swap3A_1060 = arith.index_cast %add3A_1006 : i32 to index
        %swap3A_1061 = arith.constant 112 : index
        %swap3A_1062 = tpu.vector_load %arg16[%swap3A_1060, %swap3A_1061] {strides = array<i32>} : memref<128x128xf32, #tpu.memory_space<vmem>>, vector<16xf32>,
        tpu.vector_store %arg16[%swap3A_1060, %swap3A_1061], %mul3A_1059 {strides = array<i32>} : memref<128x128xf32, #tpu.memory_space<vmem>>, vector<16xf32>,
      }
      %scan3A_929 = arith.constant 64 : i32
      %dma_start3A_930 = arith.constant 1 : i32
      %dma_start3A_931 = arith.constant 0 : i32
      %dma_start3A_932 = tpu.memref_slice %arg17[%dma_start3A_930, %dma_start3A_931] : memref<2x128xi32, #tpu.memory_space<vmem>> -> memref<1x128xi32, #tpu.memory_space<vmem>>
      %dma_start3A_933 = tpu.memref_squeeze %dma_start3A_932 : memref<1x128xi32, #tpu.memory_space<vmem>> -> memref<128xi32, #tpu.memory_space<vmem>>
      %dma_start3A_934 = arith.constant 0 : i32
      %dma_start3A_935 = arith.constant 0 : i32
      %dma_start3A_936 = tpu.memref_slice %arg19[%dma_start3A_934, %dma_start3A_935] : memref<10240x128xf32, #tpu.memory_space<vmem_shared>> -> memref<10240x128xf32, #tpu.memory_space<vmem_shared>>
      tpu.enqueue_indirect_dma source(%arg16 : memref<128x128xf32, #tpu.memory_space<vmem>>) target(%dma_start3A_936 : memref<10240x128xf32, #tpu.memory_space<vmem_shared>>) offsets(%dma_start3A_933 : memref<128xi32, #tpu.memory_space<vmem>>) semaphore(%arg23 : memref<!tpu.dma_semaphore, #tpu.memory_space<semaphore_mem>>) {add = true}
      %dma_start3A_937 = arith.constant 1 : i32
      %dma_start3A_938 = arith.constant 0 : i32
      %dma_start3A_939 = tpu.memref_slice %arg17[%dma_start3A_937, %dma_start3A_938] : memref<2x128xi32, #tpu.memory_space<vmem>> -> memref<1x128xi32, #tpu.memory_space<vmem>>
      %dma_start3A_940 = tpu.memref_squeeze %dma_start3A_939 : memref<1x128xi32, #tpu.memory_space<vmem>> -> memref<128xi32, #tpu.memory_space<vmem>>
      %dma_start3A_941 = arith.constant 0 : i32
      %dma_start3A_942 = arith.constant 0 : i32
      %dma_start3A_943 = tpu.memref_slice %arg20[%dma_start3A_941, %dma_start3A_942] : memref<10240x16xf32, #tpu.memory_space<vmem_shared>> -> memref<10240x16xf32, #tpu.memory_space<vmem_shared>>
      tpu.enqueue_indirect_dma source(%arg18 : memref<128x16xf32, #tpu.memory_space<vmem>>) target(%dma_start3A_943 : memref<10240x16xf32, #tpu.memory_space<vmem_shared>>) offsets(%dma_start3A_940 : memref<128xi32, #tpu.memory_space<vmem>>) semaphore(%arg23 : memref<!tpu.dma_semaphore, #tpu.memory_space<semaphore_mem>>) {add = true}
    }
    %scan3A_48 = arith.constant 5 : i32
    %dma_wait3A = arith.constant 1 : i32
    %dma_wait3A_49 = arith.constant 0 : i32
    %dma_wait3A_50 = tpu.memref_slice %arg17[%dma_wait3A, %dma_wait3A_49] : memref<2x128xi32, #tpu.memory_space<vmem>> -> memref<1x128xi32, #tpu.memory_space<vmem>>
    %dma_wait3A_51 = tpu.memref_squeeze %dma_wait3A_50 : memref<1x128xi32, #tpu.memory_space<vmem>> -> memref<128xi32, #tpu.memory_space<vmem>>
    %dma_wait3A_52 = arith.constant 0 : i32
    %dma_wait3A_53 = arith.constant 0 : i32
    %dma_wait3A_54 = tpu.memref_slice %arg19[%dma_wait3A_52, %dma_wait3A_53] : memref<10240x128xf32, #tpu.memory_space<vmem_shared>> -> memref<10240x128xf32, #tpu.memory_space<vmem_shared>>
    tpu.wait_indirect_dma semaphore(%arg23 : memref<!tpu.dma_semaphore, #tpu.memory_space<semaphore_mem>>) src(%arg16 : memref<128x128xf32, #tpu.memory_space<vmem>>) dst(%dma_wait3A_54 : memref<10240x128xf32, #tpu.memory_space<vmem_shared>>)
    %dma_wait3A_55 = arith.constant 1 : i32
    %dma_wait3A_56 = arith.constant 0 : i32
    %dma_wait3A_57 = tpu.memref_slice %arg17[%dma_wait3A_55, %dma_wait3A_56] : memref<2x128xi32, #tpu.memory_space<vmem>> -> memref<1x128xi32, #tpu.memory_space<vmem>>
    %dma_wait3A_58 = tpu.memref_squeeze %dma_wait3A_57 : memref<1x128xi32, #tpu.memory_space<vmem>> -> memref<128xi32, #tpu.memory_space<vmem>>
    %dma_wait3A_59 = arith.constant 0 : i32
    %dma_wait3A_60 = arith.constant 0 : i32
    %dma_wait3A_61 = tpu.memref_slice %arg20[%dma_wait3A_59, %dma_wait3A_60] : memref<10240x16xf32, #tpu.memory_space<vmem_shared>> -> memref<10240x16xf32, #tpu.memory_space<vmem_shared>>
    tpu.wait_indirect_dma semaphore(%arg23 : memref<!tpu.dma_semaphore, #tpu.memory_space<semaphore_mem>>) src(%arg18 : memref<128x16xf32, #tpu.memory_space<vmem>>) dst(%dma_wait3A_61 : memref<10240x16xf32, #tpu.memory_space<vmem_shared>>)
    %barrier3A_62 = arith.constant 0 : index
    tpu.barrier barrier_id(%barrier3A_62)
    %mul3A_63 = arith.constant 640 : i32
    %mul3A_64 = arith.muli %arg1, %mul3A_63 : i32
    %mul3A_65 = arith.constant 10240 : i32
    %mul3A_66 = arith.muli %arg0, %mul3A_65 : i32
    %add3A_67 = arith.addi %mul3A_66, %mul3A_64 : i32
    "tpu.region"() ({
      %run_scoped3A = tpu.sem_alloc : memref<!tpu.dma_semaphore, #tpu.memory_space<semaphore_mem>>
      %dma_start3A_71 = arith.constant 0 : i32
      %dma_start3A_72 = tpu.memref_slice %arg6[%add3A_67, %dma_start3A_71] : memref<20480x128xf32, #tpu.memory_space<hbm>> -> memref<640x128xf32, #tpu.memory_space<hbm>>
      %dma_start3A_73 = arith.constant 0 : i32
      %dma_start3A_74 = tpu.memref_slice %arg19[%mul3A_64, %dma_start3A_73] : memref<10240x128xf32, #tpu.memory_space<vmem_shared>> -> memref<640x128xf32, #tpu.memory_space<vmem_shared>>
      tpu.enqueue_dma source(%dma_start3A_74 : memref<640x128xf32, #tpu.memory_space<vmem_shared>>) target(%dma_start3A_72 : memref<640x128xf32, #tpu.memory_space<hbm>>) target_semaphore(%run_scoped3A : memref<!tpu.dma_semaphore, #tpu.memory_space<semaphore_mem>>)
      %dma_wait3A_75 = arith.constant 0 : i32
      %dma_wait3A_76 = tpu.memref_slice %arg6[%add3A_67, %dma_wait3A_75] : memref<20480x128xf32, #tpu.memory_space<hbm>> -> memref<640x128xf32, #tpu.memory_space<hbm>>
      %dma_wait3A_77 = arith.constant 0 : i32
      %dma_wait3A_78 = tpu.memref_slice %arg19[%mul3A_64, %dma_wait3A_77] : memref<10240x128xf32, #tpu.memory_space<vmem_shared>> -> memref<640x128xf32, #tpu.memory_space<vmem_shared>>
      tpu.wait_dma2 semaphore(%run_scoped3A : memref<!tpu.dma_semaphore, #tpu.memory_space<semaphore_mem>>) src(%dma_wait3A_78 : memref<640x128xf32, #tpu.memory_space<vmem_shared>>) dst(%dma_wait3A_76 : memref<640x128xf32, #tpu.memory_space<hbm>>)
      tpu.yield
    }) : () -> ()
    %mul3A_68 = arith.constant 10240 : i32
    %mul3A_69 = arith.muli %arg0, %mul3A_68 : i32
    %add3A_70 = arith.addi %mul3A_69, %mul3A_64 : i32
    "tpu.region"() ({
      %run_scoped3A = tpu.sem_alloc : memref<!tpu.dma_semaphore, #tpu.memory_space<semaphore_mem>>
      %dma_start3A_71 = arith.constant 0 : i32
      %dma_start3A_72 = tpu.memref_slice %arg7[%add3A_70, %dma_start3A_71] : memref<20480x16xf32, #tpu.memory_space<hbm>> -> memref<640x16xf32, #tpu.memory_space<hbm>>
      %dma_start3A_73 = arith.constant 0 : i32
      %dma_start3A_74 = tpu.memref_slice %arg20[%mul3A_64, %dma_start3A_73] : memref<10240x16xf32, #tpu.memory_space<vmem_shared>> -> memref<640x16xf32, #tpu.memory_space<vmem_shared>>
      tpu.enqueue_dma source(%dma_start3A_74 : memref<640x16xf32, #tpu.memory_space<vmem_shared>>) target(%dma_start3A_72 : memref<640x16xf32, #tpu.memory_space<hbm>>) target_semaphore(%run_scoped3A : memref<!tpu.dma_semaphore, #tpu.memory_space<semaphore_mem>>)
      %dma_wait3A_75 = arith.constant 0 : i32
      %dma_wait3A_76 = tpu.memref_slice %arg7[%add3A_70, %dma_wait3A_75] : memref<20480x16xf32, #tpu.memory_space<hbm>> -> memref<640x16xf32, #tpu.memory_space<hbm>>
      %dma_wait3A_77 = arith.constant 0 : i32
      %dma_wait3A_78 = tpu.memref_slice %arg20[%mul3A_64, %dma_wait3A_77] : memref<10240x16xf32, #tpu.memory_space<vmem_shared>> -> memref<640x16xf32, #tpu.memory_space<vmem_shared>>
      tpu.wait_dma2 semaphore(%run_scoped3A : memref<!tpu.dma_semaphore, #tpu.memory_space<semaphore_mem>>) src(%dma_wait3A_78 : memref<640x16xf32, #tpu.memory_space<vmem_shared>>) dst(%dma_wait3A_76 : memref<640x16xf32, #tpu.memory_space<hbm>>)
      tpu.yield
    }) : () -> ()
    return
  }
}

module attributes {stable_mosaic.version = 14 : i64} {
  func.func @_edge_weight_body(%arg0: memref<6xf32, #tpu.memory_space<smem>>, %arg1: memref<1250x128xf32, #tpu.memory_space<vmem>>, %arg2: memref<1250x128xf32, #tpu.memory_space<vmem>>, %arg3: memref<1250x128xf32, #tpu.memory_space<vmem>>) attributes {dimension_semantics = [], scalar_prefetch = 0 : i64, scratch_operands = 0 : i64, tpu.core_type = #tpu.core_type<tc>} {
    %get3A = arith.constant 0 : index
    %get3A_0 = arith.constant 0 : index
    %get3A_1 = vector.load %arg1[%get3A, %get3A_0] : memref<1250x128xf32, #tpu.memory_space<vmem>>, vector<1250x128xf32>
    %get3A_2 = arith.constant 0 : index
    %get3A_3 = arith.constant 0 : index
    %get3A_4 = vector.load %arg2[%get3A_2, %get3A_3] : memref<1250x128xf32, #tpu.memory_space<vmem>>, vector<1250x128xf32>
    %get3A_5 = arith.constant 4 : index
    %get3A_6 = memref.load %arg0[%get3A_5] : memref<6xf32, #tpu.memory_space<smem>>
    %get3A_7 = arith.constant 5 : index
    %get3A_8 = memref.load %arg0[%get3A_7] : memref<6xf32, #tpu.memory_space<smem>>
    %broadcast_in_dim3A = arith.constant 0.000000e+00 : f32
    %broadcast_in_dim3A_9 = vector.broadcast %broadcast_in_dim3A : f32 to vector<1250x128xf32>
    %get3A_10 = arith.constant 0 : index
    %get3A_11 = memref.load %arg0[%get3A_10] : memref<6xf32, #tpu.memory_space<smem>>
    %sub3A = vector.broadcast %get3A_11 : f32 to vector<1250x128xf32>
    %sub3A_12 = arith.subf %get3A_1, %sub3A : vector<1250x128xf32>
    %div3A = vector.broadcast %get3A_6 : f32 to vector<1250x128xf32>
    %div3A_13 = arith.divf %sub3A_12, %div3A : vector<1250x128xf32>
    %integer_pow3A = arith.mulf %div3A_13, %div3A_13 : vector<1250x128xf32>
    %mul3A = arith.constant -5.000000e-01 : f32
    %mul3A_14 = vector.broadcast %mul3A : f32 to vector<1250x128xf32>
    %mul3A_15 = arith.mulf %mul3A_14, %integer_pow3A : vector<1250x128xf32>
    %exp3A = math.exp %mul3A_15 : vector<1250x128xf32>
    %add3A = arith.addf %broadcast_in_dim3A_9, %exp3A : vector<1250x128xf32>
    %get3A_16 = arith.constant 1 : index
    %get3A_17 = memref.load %arg0[%get3A_16] : memref<6xf32, #tpu.memory_space<smem>>
    %sub3A_18 = vector.broadcast %get3A_17 : f32 to vector<1250x128xf32>
    %sub3A_19 = arith.subf %get3A_1, %sub3A_18 : vector<1250x128xf32>
    %div3A_20 = vector.broadcast %get3A_6 : f32 to vector<1250x128xf32>
    %div3A_21 = arith.divf %sub3A_19, %div3A_20 : vector<1250x128xf32>
    %integer_pow3A_22 = arith.mulf %div3A_21, %div3A_21 : vector<1250x128xf32>
    %mul3A_23 = arith.constant -5.000000e-01 : f32
    %mul3A_24 = vector.broadcast %mul3A_23 : f32 to vector<1250x128xf32>
    %mul3A_25 = arith.mulf %mul3A_24, %integer_pow3A_22 : vector<1250x128xf32>
    %exp3A_26 = math.exp %mul3A_25 : vector<1250x128xf32>
    %add3A_27 = arith.addf %add3A, %exp3A_26 : vector<1250x128xf32>
    %broadcast_in_dim3A_28 = arith.constant 0.000000e+00 : f32
    %broadcast_in_dim3A_29 = vector.broadcast %broadcast_in_dim3A_28 : f32 to vector<1250x128xf32>
    %get3A_30 = arith.constant 2 : index
    %get3A_31 = memref.load %arg0[%get3A_30] : memref<6xf32, #tpu.memory_space<smem>>
    %sub3A_32 = vector.broadcast %get3A_31 : f32 to vector<1250x128xf32>
    %sub3A_33 = arith.subf %get3A_4, %sub3A_32 : vector<1250x128xf32>
    %cos3A = math.cos %sub3A_33 : vector<1250x128xf32>
    %mul3A_34 = vector.broadcast %get3A_8 : f32 to vector<1250x128xf32>
    %mul3A_35 = arith.mulf %mul3A_34, %cos3A : vector<1250x128xf32>
    %exp3A_36 = math.exp %mul3A_35 : vector<1250x128xf32>
    %add3A_37 = arith.addf %broadcast_in_dim3A_29, %exp3A_36 : vector<1250x128xf32>
    %get3A_38 = arith.constant 3 : index
    %get3A_39 = memref.load %arg0[%get3A_38] : memref<6xf32, #tpu.memory_space<smem>>
    %sub3A_40 = vector.broadcast %get3A_39 : f32 to vector<1250x128xf32>
    %sub3A_41 = arith.subf %get3A_4, %sub3A_40 : vector<1250x128xf32>
    %cos3A_42 = math.cos %sub3A_41 : vector<1250x128xf32>
    %mul3A_43 = vector.broadcast %get3A_8 : f32 to vector<1250x128xf32>
    %mul3A_44 = arith.mulf %mul3A_43, %cos3A_42 : vector<1250x128xf32>
    %exp3A_45 = math.exp %mul3A_44 : vector<1250x128xf32>
    %add3A_46 = arith.addf %add3A_37, %exp3A_45 : vector<1250x128xf32>
    %mul3A_47 = arith.mulf %add3A_27, %add3A_46 : vector<1250x128xf32>
    %add3A_48 = arith.constant 9.99999971E-10 : f32
    %add3A_49 = vector.broadcast %add3A_48 : f32 to vector<1250x128xf32>
    %add3A_50 = arith.addf %mul3A_47, %add3A_49 : vector<1250x128xf32>
    %div3A_51 = arith.divf %mul3A_47, %add3A_50 : vector<1250x128xf32>
    %swap3A = arith.constant 0 : index
    %swap3A_52 = arith.constant 0 : index
    %swap3A_53 = vector.load %arg3[%swap3A, %swap3A_52] : memref<1250x128xf32, #tpu.memory_space<vmem>>, vector<1250x128xf32>
    tpu.vector_store %arg3[%swap3A, %swap3A_52], %div3A_51 {strides = array<i32>} : memref<1250x128xf32, #tpu.memory_space<vmem>>, vector<1250x128xf32>,
    return
  }
}

module attributes {stable_mosaic.version = 14 : i64} {
  func.func @_combine_body(%arg0: memref<20480x128xf32, #tpu.memory_space<vmem>>, %arg1: memref<20480x16xf32, #tpu.memory_space<vmem>>, %arg2: memref<10000x128xf32, #tpu.memory_space<vmem>>) attributes {dimension_semantics = [], scalar_prefetch = 0 : i64, scratch_operands = 0 : i64, tpu.core_type = #tpu.core_type<tc>} {
    %get3A = arith.constant 0 : index
    %get3A_0 = arith.constant 0 : index
    %get3A_1 = vector.load %arg0[%get3A, %get3A_0] : memref<20480x128xf32, #tpu.memory_space<vmem>>, vector<10000x128xf32>
    %get3A_2 = arith.constant 10240 : index
    %get3A_3 = arith.constant 0 : index
    %get3A_4 = vector.load %arg0[%get3A_2, %get3A_3] : memref<20480x128xf32, #tpu.memory_space<vmem>>, vector<10000x128xf32>
    %add3A = arith.addf %get3A_1, %get3A_4 : vector<10000x128xf32>
    %get3A_5 = arith.constant 0 : index
    %get3A_6 = arith.constant 0 : index
    %get3A_7 = vector.load %arg1[%get3A_5, %get3A_6] : memref<20480x16xf32, #tpu.memory_space<vmem>>, vector<10000x1xf32>
    %get3A_8 = arith.constant 10240 : index
    %get3A_9 = arith.constant 0 : index
    %get3A_10 = vector.load %arg1[%get3A_8, %get3A_9] : memref<20480x16xf32, #tpu.memory_space<vmem>>, vector<10000x1xf32>
    %add3A_11 = arith.addf %get3A_7, %get3A_10 : vector<10000x1xf32>
    %add3A_12 = arith.constant 9.99999971E-10 : f32
    %add3A_13 = vector.broadcast %add3A_12 : f32 to vector<10000x1xf32>
    %add3A_14 = arith.addf %add3A_11, %add3A_13 : vector<10000x1xf32>
    %mul3A = arith.constant 4.000000e+00 : f32
    %mul3A_15 = vector.broadcast %mul3A : f32 to vector<10000x1xf32>
    %mul3A_16 = arith.mulf %mul3A_15, %add3A_14 : vector<10000x1xf32>
    %div3A = vector.broadcast %mul3A_16 : vector<10000x1xf32> to vector<10000x128xf32>
    %div3A_17 = arith.divf %add3A, %div3A : vector<10000x128xf32>
    %swap3A = arith.constant 0 : index
    %swap3A_18 = arith.constant 0 : index
    %swap3A_19 = vector.load %arg2[%swap3A, %swap3A_18] : memref<10000x128xf32, #tpu.memory_space<vmem>>, vector<10000x128xf32>
    tpu.vector_store %arg2[%swap3A, %swap3A_18], %div3A_17 {strides = array<i32>} : memref<10000x128xf32, #tpu.memory_space<vmem>>, vector<10000x128xf32>,
    return
  }
}

</mosaic_0001>

<sc_bundles>
// kernel: kernel.5.cloned.1.call-start
scs
__scs_entry_jumppad:
0x0: {  	(pc) =	sbr.rel $0x88, $3  }
0x1: {  	(tag) =	ssettag $0x0;
	lr =	simm.s32 $0x1  }
0x2: {  	[smem:$0x3F99] =	sst lr;
	_ =	strace $0xD0000000  }
0x3: {  	_ = 	snop  }
0x4: {  	_ = 	snop  }
0x5: {  	_ = 	snop  }
0x6: {  	_ = 	snop  }
0x7: {  	_ = 	snop  }
__scs_overlays_trampoline_lowered:
0x8: {  	[smem:$0x3FA8] =	sst s0  }
0x9: {  	[smem:$0x3FA9] =	sst s1  }
0xa: {  	[smem:$0x3FAA] =	sst s2  }
0xb: {  	[smem:$0x3FAB] =	sst s3  }
0xc: {  	[smem:$0x3FAC] =	sst s4  }
0xd: {  	[smem:$0x3FAD] =	sst s5  }
0xe: {  	[smem:$0x3FAE] =	sst s6  }
0xf: {  	[smem:$0x3FAF] =	sst s7  }
0x10: {  	[smem:$0x3FB0] =	sst s8  }
0x11: {  	[smem:$0x3FB1] =	sst s9;
	s0 =	simm.s32 @!p0 $0x0  }
0x12: {  	s1 =	sld [smem:$0x3F97];
	s0 =	simm.s32 @p0 $0x1  }
0x13: {  	[smem:$0x3FB2] =	sst s0;
	s0 =	simm.s32 @!p1 $0x0  }
0x14: {  	s2 =	sld [smem:$0x3F96];
	s0 =	simm.s32 @p1 $0x1  }
0x15: {  	[smem:$0x3FB3] =	sst s0;
	s0 =	simm.s32 @!p2 $0x0  }
0x16: {  	s3 =	sld [smem:$0x3FDB];
	s0 =	simm.s32 @p2 $0x1  }
0x17: {  	s4 =	simm.s32 $0x1BF5;
	[smem:$0x3FB5] =	sst s0  }
0x18: {  	s0 =	sld [smem:$0x3F98];
	_ =	swait.ge [sflag:s4], $0x0  }
0x19: {  	s7 =	sld [smem:$0x3F99]  }
0x1a: {  	s8 =	sadd.s32 $0xFFFFE003, lr  }
0x1b: {  	s9 =	sadd.s32 $0xFFFFFEF7, lr;
	s5 =	simm.s32 $0xFFFFFFFF;
	p2 =	slt.u32 s8, $0xFFFFF086  }
0x1c: {  	p1 =	slt.u32 s9, $0xF7A;
	s5 =	simm.s32 @!p2 $0x0  }
0x1d: {  	s5 =	simm.s32 @p1 $0x1;
	p0 =	seq.s32 s7, s2  }
0x1e: {  	s7 =	smul.u32 @!p0 $0xF7A, s2;
	p2 =	seq.s32 @!p0 s5, $0x0  }
0x1f: {  	s9 =	smul.u32 $0xF7A, s1;
	s8 =	simm.s32 @!p0 $0x1BF5;
	p2 =	por !p2, p0  }
0x20: {  	[sflag:s8] =	ssyncset.s32 @!p0 $0xFFFFF086;
	s6 =	sadd.s32 @!p0 s3, s7;
	s7 =	simm.s32 @!p0 $0x108  }
0x21: {  	s3 =	sadd.s32 s3, s9;
	s6 =	sadd.s32 @!p0 $0x88, s6;
	s7 =	simm.s32 @p2 $0x1082  }
0x22: {  	[simem:s7], [sflag:s8] =	dma.local @!p0 [hbm:s6], $0xF7A  }
0x23: {  	s9 =	sor.u32 $0xD0000000, s2;
	s6 =	simm.s32 $0x108;
	_ =	swait.ge @!p0 [sflag:s8], $0x0  }
0x24: {  	s3 =	sadd.s32 $0x88, s3;
	s6 =	simm.s32 @!p1 $0x1082;
	[sflag:s4] =	ssyncset.s32 $0xFFFFF086  }
0x25: {  	[simem:s6], [sflag:s4] =	dma.local [hbm:s3], $0xF7A  }
0x26: {  	[smem:$0x3F99] =	sst s1;
	(tag) =	ssettag s2;
	_ =	strace s9  }
0x27: {  	s1 =	sld [smem:$0x3FA9]  }
0x28: {  	s2 =	sld [smem:$0x3FAA]  }
0x29: {  	s4 =	sld [smem:$0x3FAC]  }
0x2a: {  	p0 =	seq.s32 s5, $0x0;
	s5 =	sld [smem:$0x3FAD]  }
0x2b: {  	s6 =	sld [smem:$0x3FAE]  }
0x2c: {  	s7 =	sld [smem:$0x3FAF]  }
0x2d: {  	s3 =	simm.s32 $0x108;
	s8 =	sld [smem:$0x3FB0]  }
0x2e: {  	s3 =	simm.s32 @!p0 $0x1082;
	s9 =	sld [smem:$0x3FB1]  }
0x2f: {  	lr =	sadd.s32 s0, s3;
	s0 =	sld [smem:$0x3FA8]  }
0x30: {  	s3 =	sld [smem:$0x3FAB]  }
0x31: {  	[smem:$0x3FB4] =	sst s10  }
0x32: {  	s10 =	sld [smem:$0x3FB2];
	_ =	sdelay $0x3  }
0x33: {  	p0 =	seq.s32 s10, $0x1;
	s10 =	sld [smem:$0x3FB4];
	_ =	sdelay $0x3  }
0x34: {  	[smem:$0x3FB4] =	sst s10  }
0x35: {  	s10 =	sld [smem:$0x3FB3];
	_ =	sdelay $0x3  }
0x36: {  	p1 =	seq.s32 s10, $0x1;
	s10 =	sld [smem:$0x3FB4];
	_ =	sdelay $0x3  }
0x37: {  	[smem:$0x3FB4] =	sst s10  }
0x38: {  	s10 =	sld [smem:$0x3FB5]  }
0x39: {  	_ = 	snop;
	(pc) =	sbr.ind lr, $3  }
0x3a: {  	_ = 	snop  }
0x3b: {  	_ = 	snop  }
0x3c: {  	p2 =	seq.s32 s10, $0x1;
	s10 =	sld [smem:$0x3FB4]  }
0x3d: {  	_ =	shalt  }
0x3e: {  	_ =	shalt  }
0x3f: {  	_ =	shalt  }
0x40: {  	_ =	shalt  }
0x41: {  	_ =	shalt  }
0x42: {  	_ =	shalt  }
0x43: {  	_ =	shalt  }
0x44: {  	_ =	shalt  }
0x45: {  	_ =	shalt  }
0x46: {  	_ =	shalt  }
0x47: {  	_ =	shalt  }
0x48: {  	_ =	shalt  }
0x49: {  	_ =	shalt  }
0x4a: {  	_ =	shalt  }
0x4b: {  	_ =	shalt  }
0x4c: {  	_ =	shalt  }
0x4d: {  	_ =	shalt  }
0x4e: {  	_ =	shalt  }
0x4f: {  	_ =	shalt  }
0x50: {  	_ =	shalt  }
0x51: {  	_ =	shalt  }
0x52: {  	_ =	shalt  }
0x53: {  	_ =	shalt  }
0x54: {  	_ =	shalt  }
0x55: {  	_ =	shalt  }
0x56: {  	_ =	shalt  }
0x57: {  	_ =	shalt  }
0x58: {  	_ =	shalt  }
0x59: {  	_ =	shalt  }
0x5a: {  	_ =	shalt  }
0x5b: {  	_ =	shalt  }
0x5c: {  	_ =	shalt  }
0x5d: {  	_ =	shalt  }
0x5e: {  	_ =	shalt  }
0x5f: {  	_ =	shalt  }
0x60: {  	_ =	shalt  }
0x61: {  	_ =	shalt  }
0x62: {  	_ =	shalt  }
0x63: {  	_ =	shalt  }
0x64: {  	_ =	shalt  }
0x65: {  	_ =	shalt  }
0x66: {  	_ =	shalt  }
0x67: {  	_ =	shalt  }
0x68: {  	_ =	shalt  }
0x69: {  	_ =	shalt  }
0x6a: {  	_ =	shalt  }
0x6b: {  	_ =	shalt  }
0x6c: {  	_ =	shalt  }
0x6d: {  	_ =	shalt  }
0x6e: {  	_ =	shalt  }
0x6f: {  	_ =	shalt  }
0x70: {  	_ =	shalt  }
0x71: {  	_ =	shalt  }
0x72: {  	_ =	shalt  }
0x73: {  	_ =	shalt  }
0x74: {  	_ =	shalt  }
0x75: {  	_ =	shalt  }
0x76: {  	_ =	shalt  }
0x77: {  	_ =	shalt  }
0x78: {  	_ =	shalt  }
0x79: {  	_ =	shalt  }
0x7a: {  	_ =	shalt  }
0x7b: {  	_ =	shalt  }
0x7c: {  	_ =	shalt  }
0x7d: {  	_ =	shalt  }
0x7e: {  	_ =	shalt  }
0x7f: {  	_ =	shalt  }
0x80: {  	_ =	shalt  }
0x81: {  	_ =	shalt  }
0x82: {  	_ =	shalt  }
0x83: {  	_ =	shalt  }
0x84: {  	_ =	shalt  }
0x85: {  	_ =	shalt  }
0x86: {  	_ =	shalt  }
0x87: {  	_ =	shalt  }
.Lfunc_end0:
.L_simem_size_0:
called_computation_lowered:
.L_overlay_start_0:
0x88: {  	s2 =	sld [smem:$0x3FD9]  }
0x89: {  	s3 =	sld [smem:$0x3FFE];
	_ =	sdelay $0x1  }
0x8a: {  	s1 =	srdreg.scid  }
0x8b: {  	s0 =	sand.u32 $0x1, s1  }
0x8c: {  	s17 =	sshll.u32 s0, $0xA;
	s2 =	sadd.s32 s3, s2  }
0x8d: {  	s2 =	sadd.s32 s2, s17  }
0x8e: {  	[smem:$0x3FC0] =	sst s2  }
0x8f: {  	_ = 	snop  }
0x90: {  	s2 =	sld [smem:$0x3FD0];
	(tm) =	ssettm $0x1  }
0x91: {  	s18 =	sld [smem:$0x3FFB];
	_ =	sdelay $0x3  }
0x92: {  	_ =	strace s18  }
0x93: {  	s3 =	sld [smem:$0x3FFC];
	_ =	sdelay $0x3  }
0x94: {  	_ =	strace s3  }
0x95: {  	s3 =	sld [smem:$0x3FFD];
	_ =	sdelay $0x3  }
0x96: {  	_ =	strace s3  }
0x97: {  	_ =	strace $0x8FFFFFFF  }
0x98: {  	s19 =	sld [smem:$0x3FDB];
	_ =	sdelay $0x1  }
0x99: {  	s4 =	simm.s32 $_scs_section_size  }
0x9a: {  	s5 =	simm.s32 $_size__tile_overlayer_lowered;
	s6 =	simm.s32 $_tile_overlayer_lowered  }
0x9b: {  	s22 =	simm.s32 $0x1BFF;
	s21 =	sshll.u32 s6, $0x1;
	s3 =	sadd.s32 s4, s19  }
0x9c: {  	s7 =	simm.s32 $0x0;
	s20 =	sshll.u32 s5, $0x1;
	s5 =	sadd.s32 s21, s3  }
0x9d: {  	[timem:s7], [sflag:s22] =	dma.local [hbm:s5], s20  }
0x9e: {  	_ =	swait.ge [sflag:s22], s20  }
0x9f: {  	s4 =	ssub.s32 $0x0, s20;
	[sflag:s22] =	ssyncset.done $0x0  }
0xa0: {  	[sflag:s22] =	ssyncadd.s32 s4;
	_ =	sdelay $0x1  }
0xa1: {  	s23 =	simm.s32 $0x1B8B  }
0xa2: {  	_ =	swait.ge [sflag:s23], $0x1  }
0xa3: {  	[sflag:s23] =	ssyncset.done $0x0  }
0xa4: {  	s25 =	simm.s32 $0x1B8E;
	s24 =	sld [smem:$0x3FFE];
	[sflag:s23] =	ssyncadd.s32 $0xFFFFFFFF  }
0xa5: {  	s26 =	simm.s32 $execute0_lowered;
	[smem:$0x3FD2] =	sst s25  }
0xa6: {  	s5 =	sshll.u32 s26, $0x1;
	_ =	strace $0x80000046;
	[dreg:$0x1] =	wrdreg $0xFFFFFFFF  }
0xa7: {  	s28 =	simm.s32 $_size_execute0_lowered;
	s3 =	sadd.s32 s3, s5;
	[dreg:$0x0] =	wrdreg $0x0  }
0xa8: {  	s5 =	sshll.u32 s28, $0x1;
	[dreg:$0x2] =	wrdreg s3  }
0xa9: {  	[dreg:$0x3] =	wrdreg s5  }
0xaa: {  	[dreg:$0x4] =	wrdreg $0xC0  }
0xab: {  	_ =	task [dreg:s7], $0x5FFFF  }
0xac: {  	[dreg:$0x1] =	wrdreg $0xFFFFFFFF  }
0xad: {  	[dreg:$0x0] =	wrdreg $0x60  }
0xae: {  	[dreg:$0x2] =	wrdreg s24  }
0xaf: {  	[dreg:$0x3] =	wrdreg s2  }
0xb0: {  	[dreg:$0x4] =	wrdreg $0x95000  }
0xb1: {  	[dreg:$0x5] =	wrdreg $0x1D5000  }
0xb2: {  	[dreg:$0x6] =	wrdreg $0x9  }
0xb3: {  	_ =	task.clear_ibuf [dreg:s7], $0x7FFFF;
	_ =	strace $0x90000046  }
0xb4: {  	s29 =	simm.s32 $0x9;
	_ =	strace $0x80000048  }
0xb5: {  	_ =	swait.ge [sflag:s29], $0x1  }
0xb6: {  	[sflag:s29] =	ssyncadd.s32 $0xFFFFFFFF  }
0xb7: {  	_ =	strace $0x90000048  }
0xb8: {  	_ =	sfence  }
0xb9: {  	s30 =	sld [smem:$0x0];
	_ =	sdelay $0x2  }
0xba: {  	s31 =	sshll.u32 s1, $0xD;
	s1 =	sshrl.u32 s1, $0x2  }
0xbb: {  	s3 =	sand.u32 $0x4000, s31;
	s1 =	sadd.s32 s1, s30  }
0xbc: {  	s0 =	sor.u32 s3, s0;
	s1 =	sshll.u32 s1, $0x11  }
0xbd: {  	s0 =	sor.u32 s1, s0  }
0xbe: {  	s0 =	sadd.s32 $0x8F2B, s0  }
0xbf: {  	[sflag:s0] =	ssyncadd.remote.s32 $0x1  }
0xc0: {  	_ =	sfence.sel $0xFFFF  }
0xc1: {  	[dreg:$0x0] =	wrdreg $0xFFFFFFFF;
	(pc) =	sbr.abs _section_cstart, $3  }
0xc2: {  	[dreg:$0x1] =	wrdreg $0xFFFFFFFF  }
0xc3: {  	_ =	task.clear_ibuf [dreg:s7], $0x2FFFF;
	_ =	strace $0x9FFFFFFF  }
0xc4: {  	(tm) =	ssettm $0x7FFFFFFF  }
0xc5: {  	_ =	shalt  }
tec
execute0_lowered:
.L_overlay_start_1:
0x0: {  	(tag) =	ssettag $0x1  }
0x1: {  	s0 =	rddreg [dreg:$0x0]  }
0x2: {  	s1 =	rddreg [dreg:$0x1]  }
0x3: {  	s3 =	rddreg [dreg:$0x2]  }
0x4: {  	s4 =	rddreg [dreg:$0x3]  }
0x5: {  	s2 =	srdreg.scid;
	s15 =	stileid.u32  }
0x6: {  	s5 =	simm.s32 $0x0;
	s28 =	simm.s32 $0x4C00;
	s29 =	simm.s32 $0x6  }
0x7: {  	s30 =	simm.s32 $0x8D00;
	s31 =	simm.s32 $0x80;
	s9 =	smul.u32 $0x280, s15  }
0x8: {  	s2 =	sand.u32 $0x1, s2;
	[smem:$0x7FF] =	sst s5;
	s12 =	smul.u32 $0x50000, s15  }
0x9: {  	s6 =	sadd.s32 $0xAA00, s0;
	s7 =	sadd.s32 $0x5A00, s0;
	s14 =	smul.u32 $0xA000, s15  }
0xa: {  	s8 =	smul.u32 $0x2800, s2;
	_ =	strace $0x80000047;
	s13 =	ssub.s32 $0x2, s2  }
0xb: {  	s2 =	sshll.u32 s2, $0x4;
	s21 =	sshrl.u32 s13, $0x1;
	s12 =	sshrl.u32 s12, $0x2  }
0xc: {  	s22 =	sshrl.u32 s14, $0x2;
	s23 =	sadd.s32 $0x80, s9;
	s25 =	sadd.s32 $0x100, s9  }
0xd: {  	s14 =	sadd.s32 $0x180, s9;
	s2 =	sor.u32 s15, s2;
	s15 =	simm.s32 $0x1  }
0xe: {  	s10 =	sadd.s32 s9, s8;
	s8 =	sadd.s32 $0xA00, s0;
	s17 =	sadd.s32 s12, s3  }
0xf: {  	s24 =	sshll.u32 s23, $0x7;
	s12 =	sshll.u32 s23, $0x4;
	s26 =	sshll.u32 s25, $0x7  }
0x10: {  	s16 =	sshll.u32 s14, $0x7;
	s18 =	sshll.u32 s14, $0x4;
	s19 =	smul.u32 $0x280, s2  }
0x11: {  	s9 =	sadd.s32 $0x200, s9;
	s2 =	smul.u32 $0x1400, s2;
	s11 =	sshll.u32 s10, $0x4  }
0x12: {  	s10 =	sshll.u32 s10, $0x1;
	s12 =	sadd.s32 s12, s4;
	s20 =	sshll.u32 s9, $0x7  }
0x13: {  	[dreg:$0x5] =	wrdreg s17;
	s11 =	sadd.s32 s11, s0;
	s0 =	sadd.s32 s10, s0  }
0x14: {  	s10 =	ssub.s32 s13, s21;
	s13 =	sadd.s32 s24, s3;
	[dreg:$0x8] =	wrdreg s12  }
0x15: {  	s9 =	sshll.u32 s9, $0x4;
	s12 =	sadd.s32 s26, s3;
	[dreg:$0x7] =	wrdreg s13  }
0x16: {  	s14 =	simm.s32 $0x2C00;
	s9 =	sadd.s32 s9, s4;
	[dreg:$0x9] =	wrdreg s12  }
0x17: {  	s21 =	sadd.s32 s22, s4;
	s22 =	sadd.s32 s6, s19;
	[dreg:$0xe] =	wrdreg s9  }
0x18: {  	s23 =	sadd.s32 s7, s19;
	s24 =	sadd.s32 s8, s19;
	[dreg:$0xf] =	wrdreg s22  }
0x19: {  	s19 =	simm.s32 $0x3;
	s13 =	sshll.u32 s25, $0x4;
	[dreg:$0x10] =	wrdreg s23  }
0x1a: {  	[dreg:$0x11] =	wrdreg s24;
	s22 =	sor.u32 $0x200, s2;
	s23 =	sadd.s32 $0x400, s2  }
0x1b: {  	s25 =	sadd.s32 $0x19A00, s11;
	s0 =	sadd.s32 $0xFA00, s0;
	[dreg:$0x6] =	wrdreg s21  }
0x1c: {  	s26 =	smax.u32 s10, $0x1;
	s2 =	simm.s32 $0xC00;
	[dreg:$0x12] =	wrdreg s25  }
0x1d: {  	s11 =	simm.s32 $0x200;
	s24 =	simm.s32 $0x5;
	[dreg:$0x13] =	wrdreg s0  }
0x1e: {  	s10 =	simm.s32 $0x0;
	s12 =	sadd.s32 s13, s4;
	[dreg:$0x14] =	wrdreg s26  }
0x1f: {  	s13 =	sadd.s32 s20, s3;
	s0 =	simm.s32 $0x800;
	[dreg:$0xa] =	wrdreg s12  }
0x20: {  	s20 =	simm.s32 $0x8C80;
	s12 =	sadd.s32 s16, s3;
	[dreg:$0xd] =	wrdreg s13  }
0x21: {  	s13 =	simm.s32 $0xA00;
	[dreg:$0xb] =	wrdreg s12;
	s12 =	sadd.s32 s18, s4  }
0x22: {  	v0 =	vimm.f32 $0.0e+00;
	v1 =	vimm.f32 $1.000000000e+00;
	s16 =	simm.s32 $0x8C00;
	s18 =	simm.s32 $0x2;
	[dreg:$0xc] =	wrdreg s12  }
.LBB2_1:
0x23: {  	s9 =	simm.s32 $0x4C40  }
0x24: {  	[tilespmem:s9+$0xFFFFFFD0] =	vst v0  }
0x25: {  	[tilespmem:s9+$0xFFFFFFE0] =	vst v0  }
0x26: {  	[tilespmem:s9+$0xFFFFFFF0] =	vst v0  }
0x27: {  	[tilespmem:s9+$0x0] =	vst v0  }
0x28: {  	[tilespmem:s9+$0x10] =	vst v0  }
0x29: {  	[tilespmem:s9+$0x20] =	vst v0  }
0x2a: {  	[tilespmem:s9+$0x30] =	vst v0  }
0x2b: {  	[dreg:$0x15] =	wrdreg s10;
	s12 =	simm.s32 $0x0;
	s10 =	simm.s32 $0x40;
	[tilespmem:s9+$0xFFFFFFC0] =	vst v0  }
.LBB2_2:
0x2c: {  	p0 =	sne.s32 s10, $0x1FC0;
	[tilespmem:s12+$0x8D00] =	vst v0;
	s9 =	sadd.s32 $0x80, s9  }
0x2d: {  	[tilespmem:s9+$0xFFFFFFD0] =	vst v0  }
0x2e: {  	[tilespmem:s9+$0xFFFFFFE0] =	vst v0  }
0x2f: {  	[tilespmem:s9+$0xFFFFFFF0] =	vst v0  }
.Ltmp0:
0x30: {  	[tilespmem:s9+$0x0] =	vst v0;
	(pc) =	sbr.rel @p0 .LBB2_2-.Ltmp0, $4  }
0x31: {  	[tilespmem:s9+$0x10] =	vst v0  }
0x32: {  	[tilespmem:s9+$0x20] =	vst v0  }
0x33: {  	[tilespmem:s9+$0x30] =	vst v0  }
0x34: {  	s12 =	sshra.s32 s10, $0x2;
	s10 =	sadd.s32 $0x40, s10;
	[tilespmem:s9+$0xFFFFFFC0] =	vst v0  }
0x35: {  	[tilespmem:s12+$0x8D00] =	vst v0  }
0x36: {  	[spmem:s17] =	stream.linear.scatter [tilespmem:s28], [sflag:$0x6], $0x4000, $0x38;
	[tilespmem:$0x1FD00] =	vst v63  }
0x37: {  	_ =	swait.ge [sflag:s29], $0x4000  }
0x38: {  	[sflag:s29] =	ssyncset.done $0x0  }
0x39: {  	[sflag:s29] =	ssyncadd.s32 $0xFFFFC000  }
0x3a: {  	[spmem:s21] =	stream.linear.scatter [tilespmem:s30], [sflag:$0x6], $0x800, $0x38;
	[tilespmem:$0x1FD00] =	vst v63  }
0x3b: {  	_ =	swait.ge [sflag:s29], $0x800  }
0x3c: {  	[sflag:s29] =	ssyncset.done $0x0  }
0x3d: {  	s9 =	rddreg [dreg:$0x7];
	[sflag:s29] =	ssyncadd.s32 $0xFFFFF800  }
0x3e: {  	[spmem:s9] =	stream.linear.scatter [tilespmem:s28], [sflag:$0x6], $0x4000, $0x38;
	[tilespmem:$0x1FD00] =	vst v63  }
0x3f: {  	_ =	swait.ge [sflag:s29], $0x4000  }
0x40: {  	[sflag:s29] =	ssyncset.done $0x0  }
0x41: {  	s26 =	rddreg [dreg:$0x8];
	[sflag:s29] =	ssyncadd.s32 $0xFFFFC000  }
0x42: {  	[spmem:s26] =	stream.linear.scatter [tilespmem:s30], [sflag:$0x6], $0x800, $0x38;
	[tilespmem:$0x1FD00] =	vst v63  }
0x43: {  	_ =	swait.ge [sflag:s29], $0x800  }
0x44: {  	[sflag:s29] =	ssyncset.done $0x0  }
0x45: {  	s10 =	rddreg [dreg:$0x9];
	[sflag:s29] =	ssyncadd.s32 $0xFFFFF800  }
0x46: {  	[spmem:s10] =	stream.linear.scatter [tilespmem:s28], [sflag:$0x6], $0x4000, $0x38;
	[tilespmem:$0x1FD00] =	vst v63  }
0x47: {  	_ =	swait.ge [sflag:s29], $0x4000  }
0x48: {  	[sflag:s29] =	ssyncset.done $0x0  }
0x49: {  	s12 =	rddreg [dreg:$0xa];
	[sflag:s29] =	ssyncadd.s32 $0xFFFFC000  }
0x4a: {  	[spmem:s12] =	stream.linear.scatter [tilespmem:s30], [sflag:$0x6], $0x800, $0x38;
	[tilespmem:$0x1FD00] =	vst v63  }
0x4b: {  	_ =	swait.ge [sflag:s29], $0x800  }
0x4c: {  	[sflag:s29] =	ssyncset.done $0x0  }
0x4d: {  	s17 =	rddreg [dreg:$0xb];
	[sflag:s29] =	ssyncadd.s32 $0xFFFFF800  }
0x4e: {  	[spmem:s17] =	stream.linear.scatter [tilespmem:s28], [sflag:$0x6], $0x4000, $0x38;
	[tilespmem:$0x1FD00] =	vst v63  }
0x4f: {  	_ =	swait.ge [sflag:s29], $0x4000  }
0x50: {  	[sflag:s29] =	ssyncset.done $0x0  }
0x51: {  	s21 =	rddreg [dreg:$0xc];
	[sflag:s29] =	ssyncadd.s32 $0xFFFFC000  }
0x52: {  	[spmem:s21] =	stream.linear.scatter [tilespmem:s30], [sflag:$0x6], $0x800, $0x38;
	[tilespmem:$0x1FD00] =	vst v63  }
0x53: {  	_ =	swait.ge [sflag:s29], $0x800  }
0x54: {  	[sflag:s29] =	ssyncset.done $0x0  }
0x55: {  	s25 =	rddreg [dreg:$0xd];
	[sflag:s29] =	ssyncadd.s32 $0xFFFFF800  }
0x56: {  	[spmem:s25] =	stream.linear.scatter [tilespmem:s28], [sflag:$0x6], $0x4000, $0x38;
	[tilespmem:$0x1FD00] =	vst v63  }
0x57: {  	_ =	swait.ge [sflag:s29], $0x4000  }
0x58: {  	[sflag:s29] =	ssyncset.done $0x0  }
0x59: {  	s26 =	rddreg [dreg:$0xe];
	[sflag:s29] =	ssyncadd.s32 $0xFFFFC000  }
0x5a: {  	[spmem:s26] =	stream.linear.scatter [tilespmem:s30], [sflag:$0x6], $0x800, $0x38;
	[tilespmem:$0x1FD00] =	vst v63  }
0x5b: {  	_ =	swait.ge [sflag:s29], $0x800  }
0x5c: {  	[sflag:s29] =	ssyncset.done $0x0  }
0x5d: {  	s9 =	simm.s32 $0x40;
	s10 =	simm.s32 $0x0;
	[sflag:s29] =	ssyncadd.s32 $0xFFFFF800  }
.LBB2_4:
0x5e: {  	p0 =	sne.s32 s9, $0x1FC0;
	[tilespmem:s10+$0x8D00] =	vst v1;
	s10 =	smov.u32 s9;
	s9 =	sadd.s32 $0x40, s9  }
.Ltmp1:
0x5f: {  	(pc) =	sbr.rel @p0 .LBB2_4-.Ltmp1, $2  }
0x60: {  	_ =	sdelay $0x2  }
0x61: {  	s10 =	sshra.s32 s10, $0x2  }
0x62: {  	[tilespmem:s10+$0x8D00] =	vst v1;
	s12 =	simm.s32 $0x0;
	s9 =	rddreg [dreg:$0xf]  }
0x63: {  	[tilespmem:s12], [sflag:$0x6] =	stream.linear.gather [hbm4b:s9+s12], $0x200, $0x38;
	[tilespmem:$0x1FD00] =	vst v63  }
0x64: {  	_ =	swait.ge [sflag:s29], $0x200  }
0x65: {  	[sflag:s29] =	ssyncset.done $0x0  }
0x66: {  	s25 =	simm.s32 $0x400;
	s21 =	rddreg [dreg:$0x10];
	[sflag:s29] =	ssyncadd.s32 $0xFFFFFE00  }
0x67: {  	[tilespmem:s25], [sflag:$0x6] =	stream.linear.gather [hbm4b:s21+s12], $0x200, $0x38;
	[tilespmem:$0x1FD00] =	vst v63  }
0x68: {  	_ =	swait.ge [sflag:s29], $0x200  }
0x69: {  	[sflag:s29] =	ssyncset.done $0x0  }
0x6a: {  	s26 =	rddreg [dreg:$0x11];
	[sflag:s29] =	ssyncadd.s32 $0xFFFFFE00  }
0x6b: {  	[tilespmem:s0], [sflag:$0x6] =	stream.linear.gather [hbm4b:s26+s12], $0x200, $0x38;
	[tilespmem:$0x1FD00] =	vst v63  }
0x6c: {  	_ =	swait.ge [sflag:s29], $0x200  }
0x6d: {  	[sflag:s29] =	ssyncset.done $0x0  }
0x6e: {  	[sflag:s29] =	ssyncadd.s32 $0xFFFFFE00  }
0x6f: {  	[bflag:$0x0] =	sbarrier.arrive $0xFFFF  }
0x70: {  	[tilespmem:s2], [sflag:$0x1] =	stream.indirect.gather [hbm4b:s1+s31], $0x40, s12, s31, $0xb8;
	[tilespmem:$0x1FD00] =	vst v63  }
0x71: {  	s12 =	simm.s32 $0x0  }
.LBB2_6:
0x72: {  	s17 =	sshll.u32 s12, $0xA  }
0x73: {  	s9 =	sadd.s32 s17, s22  }
0x74: {  	s9 =	sshrl.u32 s9, $0x3  }
0x75: {  	s10 =	sadd.s32 s6, s9  }
0x76: {  	[tilespmem:s11], [sflag:$0x5] =	stream.linear.gather [hbm4b:s10+s5], $0x200, $0x38;
	[tilespmem:$0x1FD00] =	vst v63  }
0x77: {  	s21 =	simm.s32 $0x600;
	s26 =	sadd.s32 s7, s9  }
0x78: {  	[tilespmem:s21], [sflag:$0x5] =	stream.linear.gather [hbm4b:s26+s5], $0x200, $0x38;
	[tilespmem:$0x1FD00] =	vst v63  }
0x79: {  	s9 =	sadd.s32 s8, s9  }
0x7a: {  	[tilespmem:s13], [sflag:$0x5] =	stream.linear.gather [hbm4b:s9+s5], $0x200, $0x38;
	[tilespmem:$0x1FD00] =	vst v63  }
0x7b: {  	_ = 	snop  }
0x7c: {  	[tilespmem:s14], [sflag:$0x2] =	stream.indirect.gather [hbm4b:s1+s31], $0x40, s31, s31, $0xb8;
	[tilespmem:$0x1FD00] =	vst v63  }
0x7d: {  	_ =	swait.ge [sflag:s15], $0x2000  }
0x7e: {  	p0 =	seq.s32 s12, $0x0;
	[sflag:s15] =	ssyncset.done $0x0  }
0x7f: {  	s9 =	simm.s32 @!p0 $0x3;
	[sflag:s15] =	ssyncadd.s32 $0xFFFFE000  }
0x80: {  	_ =	swait.ge @!p0 [sflag:s9], $0x4000  }
0x81: {  	[sflag:s9] =	ssyncset.done @!p0 $0x0  }
0x82: {  	[sflag:s9] =	ssyncadd.s32 @!p0 $0xFFFFC000  }
0x83: {  	_ =	swait.ge @!p0 [sflag:s9], $0x800  }
0x84: {  	[sflag:s9] =	ssyncset.done @!p0 $0x0  }
0x85: {  	[sflag:s9] =	ssyncadd.s32 @!p0 $0xFFFFF800  }
0x86: {  	v2 =	vld [tilespmem:$0x400]  }
0x87: {  	v3 =	vld [tilespmem:$0x410]  }
0x88: {  	v4 =	vld [tilespmem:$0x420]  }
0x89: {  	v5 =	vld [tilespmem:$0x430]  }
0x8a: {  	v6 =	vld [tilespmem:$0x440]  }
0x8b: {  	s25 =	simm.s32 $0x0;
	v54 =	vld [tilespmem:$0x470];
	[tilespmem:$0x8C00] =	vst v2  }
0x8c: {  	v7 =	vmov s25;
	v2 =	vld [tilespmem:$0x450];
	[tilespmem:$0x8C10] =	vst v3  }
0x8d: {  	v7 =	vand.u32 $0xFFFFFFFE, v7;
	v3 =	vld [tilespmem:$0x460];
	[tilespmem:$0x8C20] =	vst v4  }
0x8e: {  	v55 =	vbroadcast v7, $0x0;
	[tilespmem:$0x8C30] =	vst v5  }
0x8f: {  	[tilespmem:$0x8C40] =	vst v6  }
0x90: {  	[tilespmem:$0x8C70] =	vst v54  }
0x91: {  	[tilespmem:$0x8C50] =	vst v2  }
0x92: {  	s21 =	simm.s32 $0xC40;
	[tilespmem:$0x8C60] =	vst v3  }
0x93: {  	v2 =	vld [tilespmem:s21+$0xFFFFFFC0]  }
0x94: {  	v3 =	vld.idx.msk [tilespmem:v55+s0+$0x0], $0xffff;
	_ =	sdelay $0x3  }
0x95: {  	v56 =	vunpack.i.l.bf16.f32 v2  }
0x96: {  	v2 =	vunpack.i.u.bf16.f32 v2;
	v4 =	vmul.f32 v56, v3  }
0x97: {  	s25 =	simm.s32 $0x4C80;
	v2 =	vmul.f32 v2, v3  }
0x98: {  	[tilespmem:s25+$0xFFFFFF80] =	vst v4  }
0x99: {  	[tilespmem:s25+$0xFFFFFF90] =	vst v2  }
0x9a: {  	v2 =	vld [tilespmem:s21+$0xFFFFFFD0];
	_ =	sdelay $0x4  }
0x9b: {  	v57 =	vunpack.i.l.bf16.f32 v2  }
0x9c: {  	v2 =	vunpack.i.u.bf16.f32 v2;
	v4 =	vmul.f32 v57, v3  }
0x9d: {  	v2 =	vmul.f32 v2, v3  }
0x9e: {  	[tilespmem:s25+$0xFFFFFFA0] =	vst v4  }
0x9f: {  	[tilespmem:s25+$0xFFFFFFB0] =	vst v2  }
0xa0: {  	v2 =	vld [tilespmem:s21+$0xFFFFFFE0];
	_ =	sdelay $0x4  }
0xa1: {  	v58 =	vunpack.i.l.bf16.f32 v2  }
0xa2: {  	v2 =	vunpack.i.u.bf16.f32 v2;
	v4 =	vmul.f32 v58, v3  }
0xa3: {  	v2 =	vmul.f32 v2, v3  }
0xa4: {  	[tilespmem:s25+$0xFFFFFFC0] =	vst v4  }
0xa5: {  	[tilespmem:s25+$0xFFFFFFD0] =	vst v2  }
0xa6: {  	v2 =	vld [tilespmem:s21+$0xFFFFFFF0];
	_ =	sdelay $0x4  }
0xa7: {  	s26 =	simm.s32 $0x1;
	v59 =	vunpack.i.l.bf16.f32 v2  }
0xa8: {  	v60 =	vmov s26;
	v2 =	vunpack.i.u.bf16.f32 v2;
	v4 =	vmul.f32 v59, v3  }
0xa9: {  	v2 =	vmul.f32 v2, v3  }
0xaa: {  	[tilespmem:s25+$0xFFFFFFE0] =	vst v4  }
0xab: {  	[tilespmem:s25+$0xFFFFFFF0] =	vst v2  }
0xac: {  	v3 =	vld [tilespmem:s21+$0x0]  }
0xad: {  	v2 =	vld.idx.msk [tilespmem:v60+s0+$0x0], $0xffff;
	_ =	sdelay $0x3  }
0xae: {  	v61 =	vunpack.i.l.bf16.f32 v3  }
0xaf: {  	v3 =	vunpack.i.u.bf16.f32 v3;
	v4 =	vmul.f32 v61, v2  }
0xb0: {  	v3 =	vmul.f32 v3, v2  }
0xb1: {  	[tilespmem:s25+$0x0] =	vst v4  }
0xb2: {  	[tilespmem:s25+$0x10] =	vst v3  }
0xb3: {  	v3 =	vld [tilespmem:s21+$0x10];
	_ =	sdelay $0x4  }
0xb4: {  	v62 =	vunpack.i.l.bf16.f32 v3  }
0xb5: {  	v3 =	vunpack.i.u.bf16.f32 v3;
	v4 =	vmul.f32 v62, v2  }
0xb6: {  	v3 =	vmul.f32 v3, v2  }
0xb7: {  	[tilespmem:s25+$0x20] =	vst v4  }
0xb8: {  	[tilespmem:s25+$0x30] =	vst v3  }
0xb9: {  	v3 =	vld [tilespmem:s21+$0x20];
	_ =	sdelay $0x4  }
0xba: {  	v63 =	vunpack.i.l.bf16.f32 v3  }
0xbb: {  	v3 =	vunpack.i.u.bf16.f32 v3;
	v4 =	vmul.f32 v63, v2  }
0xbc: {  	v3 =	vmul.f32 v3, v2  }
0xbd: {  	[tilespmem:s25+$0x40] =	vst v4  }
0xbe: {  	s26 =	simm.s32 $0x4C80;
	s9 =	simm.s32 $0x2;
	[tilespmem:s25+$0x50] =	vst v3  }
.LBB2_7:
0xbf: {  	p0 =	sne.s32 s9, $0x7E;
	v3 =	vld [tilespmem:s21+$0x30];
	s21 =	sadd.s32 $0x80, s21;
	s25 =	sadd.s32 $0x100, s25  }
0xc0: {  	s10 =	smov.u32 s9;
	s9 =	sadd.s32 $0x2, s9;
	_ =	sdelay $0x1  }
0xc1: {  	v4 =	vmov s10  }
0xc2: {  	v4 =	vand.u32 $0xFFFFFFFE, v4  }
0xc3: {  	v4 =	vbroadcast v4, $0x0;
	v5 =	vunpack.i.u.bf16.f32 v3;
	v3 =	vunpack.i.l.bf16.f32 v3  }
0xc4: {  	v3 =	vmul.f32 v3, v2;
	v2 =	vmul.f32 v5, v2;
	_ =	sdelay $0x1  }
0xc5: {  	[tilespmem:s26+$0x60] =	vst v3  }
0xc6: {  	[tilespmem:s26+$0x70] =	vst v2;
	s26 =	smov.u32 s25  }
0xc7: {  	v2 =	vld [tilespmem:s21+$0xFFFFFFC0]  }
0xc8: {  	v3 =	vld.idx.msk [tilespmem:v4+s0+$0x0], $0xffff;
	_ =	sdelay $0x4  }
0xc9: {  	v4 =	vunpack.i.u.bf16.f32 v2;
	v2 =	vunpack.i.l.bf16.f32 v2  }
0xca: {  	v2 =	vmul.f32 v2, v3;
	v4 =	vmul.f32 v4, v3;
	_ =	sdelay $0x1  }
0xcb: {  	[tilespmem:s25+$0xFFFFFF80] =	vst v2  }
0xcc: {  	[tilespmem:s25+$0xFFFFFF90] =	vst v4  }
0xcd: {  	v2 =	vld [tilespmem:s21+$0xFFFFFFD0];
	_ =	sdelay $0x4  }
0xce: {  	v4 =	vunpack.i.u.bf16.f32 v2;
	v2 =	vunpack.i.l.bf16.f32 v2  }
0xcf: {  	v2 =	vmul.f32 v2, v3;
	v4 =	vmul.f32 v4, v3;
	_ =	sdelay $0x1  }
0xd0: {  	[tilespmem:s25+$0xFFFFFFA0] =	vst v2  }
0xd1: {  	[tilespmem:s25+$0xFFFFFFB0] =	vst v4  }
0xd2: {  	v2 =	vld [tilespmem:s21+$0xFFFFFFE0];
	_ =	sdelay $0x4  }
0xd3: {  	v4 =	vunpack.i.u.bf16.f32 v2;
	v2 =	vunpack.i.l.bf16.f32 v2  }
0xd4: {  	v2 =	vmul.f32 v2, v3;
	v4 =	vmul.f32 v4, v3;
	_ =	sdelay $0x1  }
0xd5: {  	[tilespmem:s25+$0xFFFFFFC0] =	vst v2  }
0xd6: {  	[tilespmem:s25+$0xFFFFFFD0] =	vst v4  }
0xd7: {  	v2 =	vld [tilespmem:s21+$0xFFFFFFF0];
	_ =	sdelay $0x3  }
0xd8: {  	s10 =	sadd.s32 $0x1, s10  }
0xd9: {  	v5 =	vmov s10;
	v4 =	vunpack.i.u.bf16.f32 v2;
	v2 =	vunpack.i.l.bf16.f32 v2  }
0xda: {  	v2 =	vmul.f32 v2, v3;
	v3 =	vmul.f32 v4, v3;
	_ =	sdelay $0x1  }
0xdb: {  	[tilespmem:s25+$0xFFFFFFE0] =	vst v2  }
0xdc: {  	[tilespmem:s25+$0xFFFFFFF0] =	vst v3  }
0xdd: {  	v2 =	vld.idx.msk [tilespmem:v5+s0+$0x0], $0xffff  }
0xde: {  	v3 =	vld [tilespmem:s21+$0x0];
	_ =	sdelay $0x4  }
0xdf: {  	v4 =	vunpack.i.u.bf16.f32 v3;
	v3 =	vunpack.i.l.bf16.f32 v3  }
0xe0: {  	v3 =	vmul.f32 v3, v2;
	v4 =	vmul.f32 v4, v2;
	_ =	sdelay $0x1  }
0xe1: {  	[tilespmem:s25+$0x0] =	vst v3  }
0xe2: {  	[tilespmem:s25+$0x10] =	vst v4  }
0xe3: {  	v3 =	vld [tilespmem:s21+$0x10];
	_ =	sdelay $0x4  }
0xe4: {  	v4 =	vunpack.i.u.bf16.f32 v3;
	v3 =	vunpack.i.l.bf16.f32 v3  }
0xe5: {  	v3 =	vmul.f32 v3, v2;
	v4 =	vmul.f32 v4, v2;
	_ =	sdelay $0x1  }
0xe6: {  	[tilespmem:s25+$0x20] =	vst v3  }
0xe7: {  	[tilespmem:s25+$0x30] =	vst v4  }
0xe8: {  	v3 =	vld [tilespmem:s21+$0x20];
	_ =	sdelay $0x4  }
.Ltmp2:
0xe9: {  	v4 =	vunpack.i.u.bf16.f32 v3;
	v3 =	vunpack.i.l.bf16.f32 v3;
	(pc) =	sbr.rel @p0 .LBB2_7-.Ltmp2, $3  }
0xea: {  	v3 =	vmul.f32 v3, v2;
	v4 =	vmul.f32 v4, v2;
	_ =	sdelay $0x1  }
0xeb: {  	[tilespmem:s25+$0x40] =	vst v3  }
0xec: {  	[tilespmem:s25+$0x50] =	vst v4  }
0xed: {  	v3 =	vld [tilespmem:s21+$0x30];
	_ =	sdelay $0x4  }
0xee: {  	v4 =	vunpack.i.l.bf16.f32 v3  }
0xef: {  	v3 =	vunpack.i.u.bf16.f32 v3;
	v4 =	vmul.f32 v4, v2  }
0xf0: {  	v2 =	vmul.f32 v3, v2  }
0xf1: {  	[tilespmem:s26+$0x60] =	vst v4  }
0xf2: {  	[tilespmem:s26+$0x70] =	vst v2  }
0xf3: {  	[spmem:s3] =	stream.indirect.scatter.add.f32 [tilespmem:s28], [sflag:$0x3], $0x80, s16, s31, $0xb8;
	[tilespmem:$0x1FD00] =	vst v63  }
0xf4: {  	_ = 	snop  }
0xf5: {  	[spmem:s4] =	stream.indirect.scatter.add.f32 [tilespmem:s30], [sflag:$0x3], $0x10, s16, s31, $0xb8;
	[tilespmem:$0x1FD00] =	vst v63  }
0xf6: {  	s9 =	simm.s32 $0x100  }
0xf7: {  	[tilespmem:s2], [sflag:$0x1] =	stream.indirect.gather [hbm4b:s1+s31], $0x40, s9, s31, $0xb8;
	[tilespmem:$0x1FD00] =	vst v63  }
0xf8: {  	_ =	swait.ge [sflag:s18], $0x2000  }
0xf9: {  	[sflag:s18] =	ssyncset.done $0x0  }
0xfa: {  	[sflag:s18] =	ssyncadd.s32 $0xFFFFE000  }
0xfb: {  	_ =	swait.ge [sflag:s19], $0x4000  }
0xfc: {  	[sflag:s19] =	ssyncset.done $0x0  }
0xfd: {  	[sflag:s19] =	ssyncadd.s32 $0xFFFFC000  }
0xfe: {  	_ =	swait.ge [sflag:s19], $0x800  }
0xff: {  	[sflag:s19] =	ssyncset.done $0x0  }
0x100: {  	[sflag:s19] =	ssyncadd.s32 $0xFFFFF800  }
0x101: {  	v2 =	vld [tilespmem:$0x480]  }
0x102: {  	v3 =	vld [tilespmem:$0x490]  }
0x103: {  	v53 =	vld [tilespmem:$0x4A0]  }
0x104: {  	v5 =	vld [tilespmem:$0x4B0]  }
0x105: {  	s25 =	simm.s32 $0x0;
	v6 =	vld [tilespmem:$0x4C0]  }
0x106: {  	v7 =	vmov s25;
	v54 =	vld [tilespmem:$0x4F0];
	[tilespmem:$0x8C80] =	vst v2  }
0x107: {  	v7 =	vand.u32 $0x7E, v7;
	v2 =	vld [tilespmem:$0x4D0];
	[tilespmem:$0x8C90] =	vst v3  }
0x108: {  	v7 =	vor.u32 $0x80, v7;
	v3 =	vld [tilespmem:$0x4E0];
	[tilespmem:$0x8CA0] =	vst v53  }
0x109: {  	v55 =	vbroadcast v7, $0x0;
	[tilespmem:$0x8CB0] =	vst v5  }
0x10a: {  	[tilespmem:$0x8CC0] =	vst v6  }
0x10b: {  	[tilespmem:$0x8CF0] =	vst v54  }
0x10c: {  	[tilespmem:$0x8CD0] =	vst v2  }
0x10d: {  	s21 =	simm.s32 $0x2C40;
	[tilespmem:$0x8CE0] =	vst v3  }
0x10e: {  	v2 =	vld [tilespmem:s21+$0xFFFFFFC0]  }
0x10f: {  	v3 =	vld.idx.msk [tilespmem:v55+s0+$0x0], $0xffff;
	_ =	sdelay $0x3  }
0x110: {  	v56 =	vunpack.i.l.bf16.f32 v2  }
0x111: {  	v2 =	vunpack.i.u.bf16.f32 v2;
	v4 =	vmul.f32 v56, v3  }
0x112: {  	s25 =	simm.s32 $0x4C80;
	v2 =	vmul.f32 v2, v3  }
0x113: {  	[tilespmem:s25+$0xFFFFFF80] =	vst v4  }
0x114: {  	[tilespmem:s25+$0xFFFFFF90] =	vst v2  }
0x115: {  	v2 =	vld [tilespmem:s21+$0xFFFFFFD0];
	_ =	sdelay $0x4  }
0x116: {  	v57 =	vunpack.i.l.bf16.f32 v2  }
0x117: {  	v2 =	vunpack.i.u.bf16.f32 v2;
	v4 =	vmul.f32 v57, v3  }
0x118: {  	v2 =	vmul.f32 v2, v3  }
0x119: {  	[tilespmem:s25+$0xFFFFFFA0] =	vst v4  }
0x11a: {  	[tilespmem:s25+$0xFFFFFFB0] =	vst v2  }
0x11b: {  	v2 =	vld [tilespmem:s21+$0xFFFFFFE0];
	_ =	sdelay $0x4  }
0x11c: {  	v58 =	vunpack.i.l.bf16.f32 v2  }
0x11d: {  	v2 =	vunpack.i.u.bf16.f32 v2;
	v4 =	vmul.f32 v58, v3  }
0x11e: {  	v2 =	vmul.f32 v2, v3  }
0x11f: {  	[tilespmem:s25+$0xFFFFFFC0] =	vst v4  }
0x120: {  	[tilespmem:s25+$0xFFFFFFD0] =	vst v2  }
0x121: {  	v2 =	vld [tilespmem:s21+$0xFFFFFFF0]  }
0x122: {  	s26 =	simm.s32 $0x1  }
0x123: {  	v59 =	vmov s26  }
0x124: {  	v4 =	vand.u32 $0x7F, v59  }
0x125: {  	v4 =	vor.u32 $0x80, v4  }
0x126: {  	v4 =	vbroadcast v4, $0x0;
	v60 =	vunpack.i.l.bf16.f32 v2  }
0x127: {  	v2 =	vunpack.i.u.bf16.f32 v2;
	v5 =	vmul.f32 v60, v3  }
0x128: {  	v2 =	vmul.f32 v2, v3  }
0x129: {  	[tilespmem:s25+$0xFFFFFFE0] =	vst v5  }
0x12a: {  	[tilespmem:s25+$0xFFFFFFF0] =	vst v2  }
0x12b: {  	v3 =	vld [tilespmem:s21+$0x0]  }
0x12c: {  	v2 =	vld.idx.msk [tilespmem:v4+s0+$0x0], $0xffff;
	_ =	sdelay $0x3  }
0x12d: {  	v61 =	vunpack.i.l.bf16.f32 v3  }
0x12e: {  	v3 =	vunpack.i.u.bf16.f32 v3;
	v4 =	vmul.f32 v61, v2  }
0x12f: {  	v3 =	vmul.f32 v3, v2  }
0x130: {  	[tilespmem:s25+$0x0] =	vst v4  }
0x131: {  	[tilespmem:s25+$0x10] =	vst v3  }
0x132: {  	v3 =	vld [tilespmem:s21+$0x10];
	_ =	sdelay $0x4  }
0x133: {  	v62 =	vunpack.i.l.bf16.f32 v3  }
0x134: {  	v3 =	vunpack.i.u.bf16.f32 v3;
	v4 =	vmul.f32 v62, v2  }
0x135: {  	v3 =	vmul.f32 v3, v2  }
0x136: {  	[tilespmem:s25+$0x20] =	vst v4  }
0x137: {  	[tilespmem:s25+$0x30] =	vst v3  }
0x138: {  	v3 =	vld [tilespmem:s21+$0x20];
	_ =	sdelay $0x4  }
0x139: {  	v63 =	vunpack.i.l.bf16.f32 v3  }
0x13a: {  	v3 =	vunpack.i.u.bf16.f32 v3;
	v4 =	vmul.f32 v63, v2  }
0x13b: {  	v3 =	vmul.f32 v3, v2  }
0x13c: {  	[tilespmem:s25+$0x40] =	vst v4  }
0x13d: {  	s26 =	simm.s32 $0x4C80;
	s9 =	simm.s32 $0x2;
	[tilespmem:s25+$0x50] =	vst v3  }
.LBB2_9:
0x13e: {  	p0 =	sne.s32 s9, $0x7E;
	v3 =	vld [tilespmem:s21+$0x30];
	s21 =	sadd.s32 $0x80, s21;
	s25 =	sadd.s32 $0x100, s25  }
0x13f: {  	s10 =	smov.u32 s9;
	s9 =	sadd.s32 $0x2, s9  }
0x140: {  	v4 =	vmov s10  }
0x141: {  	v4 =	vand.u32 $0x7E, v4  }
0x142: {  	v4 =	vor.u32 $0x80, v4  }
0x143: {  	v4 =	vbroadcast v4, $0x0;
	v5 =	vunpack.i.u.bf16.f32 v3;
	v3 =	vunpack.i.l.bf16.f32 v3  }
0x144: {  	v3 =	vmul.f32 v3, v2;
	v2 =	vmul.f32 v5, v2;
	_ =	sdelay $0x1  }
0x145: {  	[tilespmem:s26+$0x60] =	vst v3  }
0x146: {  	[tilespmem:s26+$0x70] =	vst v2;
	s26 =	smov.u32 s25  }
0x147: {  	v2 =	vld [tilespmem:s21+$0xFFFFFFC0]  }
0x148: {  	v3 =	vld.idx.msk [tilespmem:v4+s0+$0x0], $0xffff;
	_ =	sdelay $0x4  }
0x149: {  	v4 =	vunpack.i.u.bf16.f32 v2;
	v2 =	vunpack.i.l.bf16.f32 v2  }
0x14a: {  	v2 =	vmul.f32 v2, v3;
	v4 =	vmul.f32 v4, v3;
	_ =	sdelay $0x1  }
0x14b: {  	[tilespmem:s25+$0xFFFFFF80] =	vst v2  }
0x14c: {  	[tilespmem:s25+$0xFFFFFF90] =	vst v4  }
0x14d: {  	v2 =	vld [tilespmem:s21+$0xFFFFFFD0];
	_ =	sdelay $0x4  }
0x14e: {  	v4 =	vunpack.i.u.bf16.f32 v2;
	v2 =	vunpack.i.l.bf16.f32 v2  }
0x14f: {  	v2 =	vmul.f32 v2, v3;
	v4 =	vmul.f32 v4, v3;
	_ =	sdelay $0x1  }
0x150: {  	[tilespmem:s25+$0xFFFFFFA0] =	vst v2  }
0x151: {  	[tilespmem:s25+$0xFFFFFFB0] =	vst v4  }
0x152: {  	v2 =	vld [tilespmem:s21+$0xFFFFFFE0];
	_ =	sdelay $0x4  }
0x153: {  	v4 =	vunpack.i.u.bf16.f32 v2;
	v2 =	vunpack.i.l.bf16.f32 v2  }
0x154: {  	v2 =	vmul.f32 v2, v3;
	v4 =	vmul.f32 v4, v3;
	_ =	sdelay $0x1  }
0x155: {  	[tilespmem:s25+$0xFFFFFFC0] =	vst v2  }
0x156: {  	[tilespmem:s25+$0xFFFFFFD0] =	vst v4  }
0x157: {  	s10 =	sadd.s32 $0x1, s10;
	v2 =	vld [tilespmem:s21+$0xFFFFFFF0]  }
0x158: {  	v4 =	vmov s10  }
0x159: {  	v4 =	vand.u32 $0x7F, v4  }
0x15a: {  	v4 =	vor.u32 $0x80, v4  }
0x15b: {  	v4 =	vbroadcast v4, $0x0  }
0x15c: {  	v5 =	vunpack.i.u.bf16.f32 v2;
	v2 =	vunpack.i.l.bf16.f32 v2  }
0x15d: {  	v2 =	vmul.f32 v2, v3;
	v3 =	vmul.f32 v5, v3;
	_ =	sdelay $0x1  }
0x15e: {  	[tilespmem:s25+$0xFFFFFFE0] =	vst v2  }
0x15f: {  	[tilespmem:s25+$0xFFFFFFF0] =	vst v3  }
0x160: {  	v2 =	vld.idx.msk [tilespmem:v4+s0+$0x0], $0xffff  }
0x161: {  	v3 =	vld [tilespmem:s21+$0x0];
	_ =	sdelay $0x4  }
0x162: {  	v4 =	vunpack.i.u.bf16.f32 v3;
	v3 =	vunpack.i.l.bf16.f32 v3  }
0x163: {  	v3 =	vmul.f32 v3, v2;
	v4 =	vmul.f32 v4, v2;
	_ =	sdelay $0x1  }
0x164: {  	[tilespmem:s25+$0x0] =	vst v3  }
0x165: {  	[tilespmem:s25+$0x10] =	vst v4  }
0x166: {  	v3 =	vld [tilespmem:s21+$0x10];
	_ =	sdelay $0x4  }
0x167: {  	v4 =	vunpack.i.u.bf16.f32 v3;
	v3 =	vunpack.i.l.bf16.f32 v3  }
0x168: {  	v3 =	vmul.f32 v3, v2;
	v4 =	vmul.f32 v4, v2;
	_ =	sdelay $0x1  }
0x169: {  	[tilespmem:s25+$0x20] =	vst v3  }
0x16a: {  	[tilespmem:s25+$0x30] =	vst v4  }
0x16b: {  	v3 =	vld [tilespmem:s21+$0x20];
	_ =	sdelay $0x4  }
.Ltmp3:
0x16c: {  	v4 =	vunpack.i.u.bf16.f32 v3;
	v3 =	vunpack.i.l.bf16.f32 v3;
	(pc) =	sbr.rel @p0 .LBB2_9-.Ltmp3, $3  }
0x16d: {  	v3 =	vmul.f32 v3, v2;
	v4 =	vmul.f32 v4, v2;
	_ =	sdelay $0x1  }
0x16e: {  	[tilespmem:s25+$0x40] =	vst v3  }
0x16f: {  	[tilespmem:s25+$0x50] =	vst v4  }
0x170: {  	v3 =	vld [tilespmem:s21+$0x30];
	_ =	sdelay $0x4  }
0x171: {  	v4 =	vunpack.i.l.bf16.f32 v3  }
0x172: {  	v3 =	vunpack.i.u.bf16.f32 v3;
	v4 =	vmul.f32 v4, v2  }
0x173: {  	v2 =	vmul.f32 v3, v2  }
0x174: {  	[tilespmem:s26+$0x60] =	vst v4  }
0x175: {  	[tilespmem:s26+$0x70] =	vst v2  }
0x176: {  	[spmem:s3] =	stream.indirect.scatter.add.f32 [tilespmem:s28], [sflag:$0x3], $0x80, s20, s31, $0xb8;
	[tilespmem:$0x1FD00] =	vst v63  }
0x177: {  	_ = 	snop  }
0x178: {  	[spmem:s4] =	stream.indirect.scatter.add.f32 [tilespmem:s30], [sflag:$0x3], $0x10, s20, s31, $0xb8;
	[tilespmem:$0x1FD00] =	vst v63  }
0x179: {  	s9 =	simm.s32 $0x180  }
0x17a: {  	[tilespmem:s14], [sflag:$0x2] =	stream.indirect.gather [hbm4b:s1+s31], $0x40, s9, s31, $0xb8;
	[tilespmem:$0x1FD00] =	vst v63  }
0x17b: {  	_ =	swait.ge [sflag:s15], $0x2000  }
0x17c: {  	[sflag:s15] =	ssyncset.done $0x0  }
0x17d: {  	[sflag:s15] =	ssyncadd.s32 $0xFFFFE000  }
0x17e: {  	_ =	swait.ge [sflag:s19], $0x4000  }
0x17f: {  	[sflag:s19] =	ssyncset.done $0x0  }
0x180: {  	[sflag:s19] =	ssyncadd.s32 $0xFFFFC000  }
0x181: {  	_ =	swait.ge [sflag:s19], $0x800  }
0x182: {  	[sflag:s19] =	ssyncset.done $0x0  }
0x183: {  	[sflag:s19] =	ssyncadd.s32 $0xFFFFF800  }
0x184: {  	v2 =	vld [tilespmem:$0x500]  }
0x185: {  	v3 =	vld [tilespmem:$0x510]  }
0x186: {  	v53 =	vld [tilespmem:$0x520]  }
0x187: {  	v5 =	vld [tilespmem:$0x530]  }
0x188: {  	s25 =	simm.s32 $0x0;
	v6 =	vld [tilespmem:$0x540]  }
0x189: {  	v7 =	vmov s25;
	v54 =	vld [tilespmem:$0x570];
	[tilespmem:$0x8C00] =	vst v2  }
0x18a: {  	v7 =	vand.u32 $0x7E, v7;
	v2 =	vld [tilespmem:$0x550];
	[tilespmem:$0x8C10] =	vst v3  }
0x18b: {  	v7 =	vor.u32 $0x100, v7;
	v3 =	vld [tilespmem:$0x560];
	[tilespmem:$0x8C20] =	vst v53  }
0x18c: {  	v55 =	vbroadcast v7, $0x0;
	[tilespmem:$0x8C30] =	vst v5  }
0x18d: {  	[tilespmem:$0x8C40] =	vst v6  }
0x18e: {  	[tilespmem:$0x8C70] =	vst v54  }
0x18f: {  	[tilespmem:$0x8C50] =	vst v2  }
0x190: {  	s21 =	simm.s32 $0xC40;
	[tilespmem:$0x8C60] =	vst v3  }
0x191: {  	v2 =	vld [tilespmem:s21+$0xFFFFFFC0]  }
0x192: {  	v3 =	vld.idx.msk [tilespmem:v55+s0+$0x0], $0xffff;
	_ =	sdelay $0x3  }
0x193: {  	v56 =	vunpack.i.l.bf16.f32 v2  }
0x194: {  	v2 =	vunpack.i.u.bf16.f32 v2;
	v4 =	vmul.f32 v56, v3  }
0x195: {  	s25 =	simm.s32 $0x4C80;
	v2 =	vmul.f32 v2, v3  }
0x196: {  	[tilespmem:s25+$0xFFFFFF80] =	vst v4  }
0x197: {  	[tilespmem:s25+$0xFFFFFF90] =	vst v2  }
0x198: {  	v2 =	vld [tilespmem:s21+$0xFFFFFFD0];
	_ =	sdelay $0x4  }
0x199: {  	v57 =	vunpack.i.l.bf16.f32 v2  }
0x19a: {  	v2 =	vunpack.i.u.bf16.f32 v2;
	v4 =	vmul.f32 v57, v3  }
0x19b: {  	v2 =	vmul.f32 v2, v3  }
0x19c: {  	[tilespmem:s25+$0xFFFFFFA0] =	vst v4  }
0x19d: {  	[tilespmem:s25+$0xFFFFFFB0] =	vst v2  }
0x19e: {  	v2 =	vld [tilespmem:s21+$0xFFFFFFE0];
	_ =	sdelay $0x4  }
0x19f: {  	v58 =	vunpack.i.l.bf16.f32 v2  }
0x1a0: {  	v2 =	vunpack.i.u.bf16.f32 v2;
	v4 =	vmul.f32 v58, v3  }
0x1a1: {  	v2 =	vmul.f32 v2, v3  }
0x1a2: {  	[tilespmem:s25+$0xFFFFFFC0] =	vst v4  }
0x1a3: {  	[tilespmem:s25+$0xFFFFFFD0] =	vst v2  }
0x1a4: {  	v2 =	vld [tilespmem:s21+$0xFFFFFFF0]  }
0x1a5: {  	s26 =	simm.s32 $0x1  }
0x1a6: {  	v59 =	vmov s26  }
0x1a7: {  	v4 =	vand.u32 $0x7F, v59  }
0x1a8: {  	v4 =	vor.u32 $0x100, v4  }
0x1a9: {  	v4 =	vbroadcast v4, $0x0;
	v60 =	vunpack.i.l.bf16.f32 v2  }
0x1aa: {  	v2 =	vunpack.i.u.bf16.f32 v2;
	v5 =	vmul.f32 v60, v3  }
0x1ab: {  	v2 =	vmul.f32 v2, v3  }
0x1ac: {  	[tilespmem:s25+$0xFFFFFFE0] =	vst v5  }
0x1ad: {  	[tilespmem:s25+$0xFFFFFFF0] =	vst v2  }
0x1ae: {  	v3 =	vld [tilespmem:s21+$0x0]  }
0x1af: {  	v2 =	vld.idx.msk [tilespmem:v4+s0+$0x0], $0xffff;
	_ =	sdelay $0x3  }
0x1b0: {  	v61 =	vunpack.i.l.bf16.f32 v3  }
0x1b1: {  	v3 =	vunpack.i.u.bf16.f32 v3;
	v4 =	vmul.f32 v61, v2  }
0x1b2: {  	v3 =	vmul.f32 v3, v2  }
0x1b3: {  	[tilespmem:s25+$0x0] =	vst v4  }
0x1b4: {  	[tilespmem:s25+$0x10] =	vst v3  }
0x1b5: {  	v3 =	vld [tilespmem:s21+$0x10];
	_ =	sdelay $0x4  }
0x1b6: {  	v62 =	vunpack.i.l.bf16.f32 v3  }
0x1b7: {  	v3 =	vunpack.i.u.bf16.f32 v3;
	v4 =	vmul.f32 v62, v2  }
0x1b8: {  	v3 =	vmul.f32 v3, v2  }
0x1b9: {  	[tilespmem:s25+$0x20] =	vst v4  }
0x1ba: {  	[tilespmem:s25+$0x30] =	vst v3  }
0x1bb: {  	v3 =	vld [tilespmem:s21+$0x20];
	_ =	sdelay $0x4  }
0x1bc: {  	v63 =	vunpack.i.l.bf16.f32 v3  }
0x1bd: {  	v3 =	vunpack.i.u.bf16.f32 v3;
	v4 =	vmul.f32 v63, v2  }
0x1be: {  	v3 =	vmul.f32 v3, v2  }
0x1bf: {  	[tilespmem:s25+$0x40] =	vst v4  }
0x1c0: {  	s26 =	simm.s32 $0x4C80;
	s9 =	simm.s32 $0x2;
	[tilespmem:s25+$0x50] =	vst v3  }
.LBB2_11:
0x1c1: {  	p0 =	sne.s32 s9, $0x7E;
	v3 =	vld [tilespmem:s21+$0x30];
	s21 =	sadd.s32 $0x80, s21;
	s25 =	sadd.s32 $0x100, s25  }
0x1c2: {  	s10 =	smov.u32 s9;
	s9 =	sadd.s32 $0x2, s9  }
0x1c3: {  	v4 =	vmov s10  }
0x1c4: {  	v4 =	vand.u32 $0x7E, v4  }
0x1c5: {  	v4 =	vor.u32 $0x100, v4  }
0x1c6: {  	v4 =	vbroadcast v4, $0x0;
	v5 =	vunpack.i.u.bf16.f32 v3;
	v3 =	vunpack.i.l.bf16.f32 v3  }
0x1c7: {  	v3 =	vmul.f32 v3, v2;
	v2 =	vmul.f32 v5, v2;
	_ =	sdelay $0x1  }
0x1c8: {  	[tilespmem:s26+$0x60] =	vst v3  }
0x1c9: {  	[tilespmem:s26+$0x70] =	vst v2;
	s26 =	smov.u32 s25  }
0x1ca: {  	v2 =	vld [tilespmem:s21+$0xFFFFFFC0]  }
0x1cb: {  	v3 =	vld.idx.msk [tilespmem:v4+s0+$0x0], $0xffff;
	_ =	sdelay $0x4  }
0x1cc: {  	v4 =	vunpack.i.u.bf16.f32 v2;
	v2 =	vunpack.i.l.bf16.f32 v2  }
0x1cd: {  	v2 =	vmul.f32 v2, v3;
	v4 =	vmul.f32 v4, v3;
	_ =	sdelay $0x1  }
0x1ce: {  	[tilespmem:s25+$0xFFFFFF80] =	vst v2  }
0x1cf: {  	[tilespmem:s25+$0xFFFFFF90] =	vst v4  }
0x1d0: {  	v2 =	vld [tilespmem:s21+$0xFFFFFFD0];
	_ =	sdelay $0x4  }
0x1d1: {  	v4 =	vunpack.i.u.bf16.f32 v2;
	v2 =	vunpack.i.l.bf16.f32 v2  }
0x1d2: {  	v2 =	vmul.f32 v2, v3;
	v4 =	vmul.f32 v4, v3;
	_ =	sdelay $0x1  }
0x1d3: {  	[tilespmem:s25+$0xFFFFFFA0] =	vst v2  }
0x1d4: {  	[tilespmem:s25+$0xFFFFFFB0] =	vst v4  }
0x1d5: {  	v2 =	vld [tilespmem:s21+$0xFFFFFFE0];
	_ =	sdelay $0x4  }
0x1d6: {  	v4 =	vunpack.i.u.bf16.f32 v2;
	v2 =	vunpack.i.l.bf16.f32 v2  }
0x1d7: {  	v2 =	vmul.f32 v2, v3;
	v4 =	vmul.f32 v4, v3;
	_ =	sdelay $0x1  }
0x1d8: {  	[tilespmem:s25+$0xFFFFFFC0] =	vst v2  }
0x1d9: {  	[tilespmem:s25+$0xFFFFFFD0] =	vst v4  }
0x1da: {  	s10 =	sadd.s32 $0x1, s10;
	v2 =	vld [tilespmem:s21+$0xFFFFFFF0]  }
0x1db: {  	v4 =	vmov s10  }
0x1dc: {  	v4 =	vand.u32 $0x7F, v4  }
0x1dd: {  	v4 =	vor.u32 $0x100, v4  }
0x1de: {  	v4 =	vbroadcast v4, $0x0  }
0x1df: {  	v5 =	vunpack.i.u.bf16.f32 v2;
	v2 =	vunpack.i.l.bf16.f32 v2  }
0x1e0: {  	v2 =	vmul.f32 v2, v3;
	v3 =	vmul.f32 v5, v3;
	_ =	sdelay $0x1  }
0x1e1: {  	[tilespmem:s25+$0xFFFFFFE0] =	vst v2  }
0x1e2: {  	[tilespmem:s25+$0xFFFFFFF0] =	vst v3  }
0x1e3: {  	v2 =	vld.idx.msk [tilespmem:v4+s0+$0x0], $0xffff  }
0x1e4: {  	v3 =	vld [tilespmem:s21+$0x0];
	_ =	sdelay $0x4  }
0x1e5: {  	v4 =	vunpack.i.u.bf16.f32 v3;
	v3 =	vunpack.i.l.bf16.f32 v3  }
0x1e6: {  	v3 =	vmul.f32 v3, v2;
	v4 =	vmul.f32 v4, v2;
	_ =	sdelay $0x1  }
0x1e7: {  	[tilespmem:s25+$0x0] =	vst v3  }
0x1e8: {  	[tilespmem:s25+$0x10] =	vst v4  }
0x1e9: {  	v3 =	vld [tilespmem:s21+$0x10];
	_ =	sdelay $0x4  }
0x1ea: {  	v4 =	vunpack.i.u.bf16.f32 v3;
	v3 =	vunpack.i.l.bf16.f32 v3  }
0x1eb: {  	v3 =	vmul.f32 v3, v2;
	v4 =	vmul.f32 v4, v2;
	_ =	sdelay $0x1  }
0x1ec: {  	[tilespmem:s25+$0x20] =	vst v3  }
0x1ed: {  	[tilespmem:s25+$0x30] =	vst v4  }
0x1ee: {  	v3 =	vld [tilespmem:s21+$0x20];
	_ =	sdelay $0x4  }
.Ltmp4:
0x1ef: {  	v4 =	vunpack.i.u.bf16.f32 v3;
	v3 =	vunpack.i.l.bf16.f32 v3;
	(pc) =	sbr.rel @p0 .LBB2_11-.Ltmp4, $3  }
0x1f0: {  	v3 =	vmul.f32 v3, v2;
	v4 =	vmul.f32 v4, v2;
	_ =	sdelay $0x1  }
0x1f1: {  	[tilespmem:s25+$0x40] =	vst v3  }
0x1f2: {  	[tilespmem:s25+$0x50] =	vst v4  }
0x1f3: {  	v3 =	vld [tilespmem:s21+$0x30];
	_ =	sdelay $0x4  }
0x1f4: {  	v4 =	vunpack.i.l.bf16.f32 v3  }
0x1f5: {  	v3 =	vunpack.i.u.bf16.f32 v3;
	v4 =	vmul.f32 v4, v2  }
0x1f6: {  	v2 =	vmul.f32 v3, v2  }
0x1f7: {  	[tilespmem:s26+$0x60] =	vst v4  }
0x1f8: {  	[tilespmem:s26+$0x70] =	vst v2  }
0x1f9: {  	[spmem:s3] =	stream.indirect.scatter.add.f32 [tilespmem:s28], [sflag:$0x3], $0x80, s16, s31, $0xb8;
	[tilespmem:$0x1FD00] =	vst v63  }
0x1fa: {  	_ = 	snop  }
0x1fb: {  	[spmem:s4] =	stream.indirect.scatter.add.f32 [tilespmem:s30], [sflag:$0x3], $0x10, s16, s31, $0xb8;
	[tilespmem:$0x1FD00] =	vst v63  }
0x1fc: {  	_ =	swait.ge [sflag:s24], $0x200  }
0x1fd: {  	[sflag:s24] =	ssyncset.done $0x0  }
0x1fe: {  	[sflag:s24] =	ssyncadd.s32 $0xFFFFFE00  }
0x1ff: {  	_ =	swait.ge [sflag:s24], $0x200  }
0x200: {  	[sflag:s24] =	ssyncset.done $0x0  }
0x201: {  	[sflag:s24] =	ssyncadd.s32 $0xFFFFFE00  }
0x202: {  	_ =	swait.ge [sflag:s24], $0x200  }
0x203: {  	[sflag:s24] =	ssyncset.done $0x0  }
0x204: {  	[sflag:s24] =	ssyncadd.s32 $0xFFFFFE00  }
0x205: {  	[tilespmem:s2], [sflag:$0x1] =	stream.indirect.gather [hbm4b:s1+s31], $0x40, s11, s31, $0xb8;
	[tilespmem:$0x1FD00] =	vst v63  }
0x206: {  	_ =	swait.ge [sflag:s18], $0x2000  }
0x207: {  	[sflag:s18] =	ssyncset.done $0x0  }
0x208: {  	[sflag:s18] =	ssyncadd.s32 $0xFFFFE000  }
0x209: {  	_ =	swait.ge [sflag:s19], $0x4000  }
0x20a: {  	[sflag:s19] =	ssyncset.done $0x0  }
0x20b: {  	[sflag:s19] =	ssyncadd.s32 $0xFFFFC000  }
0x20c: {  	_ =	swait.ge [sflag:s19], $0x800  }
0x20d: {  	[sflag:s19] =	ssyncset.done $0x0  }
0x20e: {  	[sflag:s19] =	ssyncadd.s32 $0xFFFFF800  }
0x20f: {  	v2 =	vld [tilespmem:$0x580]  }
0x210: {  	v3 =	vld [tilespmem:$0x590]  }
0x211: {  	v53 =	vld [tilespmem:$0x5A0]  }
0x212: {  	v5 =	vld [tilespmem:$0x5B0]  }
0x213: {  	s9 =	simm.s32 $0x0;
	v6 =	vld [tilespmem:$0x5C0]  }
0x214: {  	v7 =	vmov s9;
	v54 =	vld [tilespmem:$0x5F0];
	[tilespmem:$0x8C80] =	vst v2  }
0x215: {  	v7 =	vand.u32 $0x7E, v7;
	v2 =	vld [tilespmem:$0x5D0];
	[tilespmem:$0x8C90] =	vst v3  }
0x216: {  	v7 =	vor.u32 $0x180, v7;
	v3 =	vld [tilespmem:$0x5E0];
	[tilespmem:$0x8CA0] =	vst v53  }
0x217: {  	v55 =	vbroadcast v7, $0x0;
	[tilespmem:$0x8CB0] =	vst v5  }
0x218: {  	[tilespmem:$0x8CC0] =	vst v6  }
0x219: {  	[tilespmem:$0x8CF0] =	vst v54  }
0x21a: {  	[tilespmem:$0x8CD0] =	vst v2  }
0x21b: {  	s21 =	simm.s32 $0x2C40;
	[tilespmem:$0x8CE0] =	vst v3  }
0x21c: {  	v2 =	vld [tilespmem:s21+$0xFFFFFFC0]  }
0x21d: {  	v3 =	vld.idx.msk [tilespmem:v55+s0+$0x0], $0xffff;
	_ =	sdelay $0x3  }
0x21e: {  	v56 =	vunpack.i.l.bf16.f32 v2  }
0x21f: {  	v2 =	vunpack.i.u.bf16.f32 v2;
	v4 =	vmul.f32 v56, v3  }
0x220: {  	s25 =	simm.s32 $0x4C80;
	v2 =	vmul.f32 v2, v3  }
0x221: {  	[tilespmem:s25+$0xFFFFFF80] =	vst v4  }
0x222: {  	[tilespmem:s25+$0xFFFFFF90] =	vst v2  }
0x223: {  	v2 =	vld [tilespmem:s21+$0xFFFFFFD0];
	_ =	sdelay $0x4  }
0x224: {  	v57 =	vunpack.i.l.bf16.f32 v2  }
0x225: {  	v2 =	vunpack.i.u.bf16.f32 v2;
	v4 =	vmul.f32 v57, v3  }
0x226: {  	v2 =	vmul.f32 v2, v3  }
0x227: {  	[tilespmem:s25+$0xFFFFFFA0] =	vst v4  }
0x228: {  	[tilespmem:s25+$0xFFFFFFB0] =	vst v2  }
0x229: {  	v2 =	vld [tilespmem:s21+$0xFFFFFFE0];
	_ =	sdelay $0x4  }
0x22a: {  	v58 =	vunpack.i.l.bf16.f32 v2  }
0x22b: {  	v2 =	vunpack.i.u.bf16.f32 v2;
	v4 =	vmul.f32 v58, v3  }
0x22c: {  	v2 =	vmul.f32 v2, v3  }
0x22d: {  	[tilespmem:s25+$0xFFFFFFC0] =	vst v4  }
0x22e: {  	[tilespmem:s25+$0xFFFFFFD0] =	vst v2  }
0x22f: {  	v2 =	vld [tilespmem:s21+$0xFFFFFFF0]  }
0x230: {  	s26 =	simm.s32 $0x1  }
0x231: {  	v59 =	vmov s26  }
0x232: {  	v4 =	vand.u32 $0x7F, v59  }
0x233: {  	v4 =	vor.u32 $0x180, v4  }
0x234: {  	v4 =	vbroadcast v4, $0x0;
	v60 =	vunpack.i.l.bf16.f32 v2  }
0x235: {  	v2 =	vunpack.i.u.bf16.f32 v2;
	v5 =	vmul.f32 v60, v3  }
0x236: {  	v2 =	vmul.f32 v2, v3  }
0x237: {  	[tilespmem:s25+$0xFFFFFFE0] =	vst v5  }
0x238: {  	[tilespmem:s25+$0xFFFFFFF0] =	vst v2  }
0x239: {  	v3 =	vld [tilespmem:s21+$0x0]  }
0x23a: {  	v2 =	vld.idx.msk [tilespmem:v4+s0+$0x0], $0xffff;
	_ =	sdelay $0x3  }
0x23b: {  	v61 =	vunpack.i.l.bf16.f32 v3  }
0x23c: {  	v3 =	vunpack.i.u.bf16.f32 v3;
	v4 =	vmul.f32 v61, v2  }
0x23d: {  	v3 =	vmul.f32 v3, v2  }
0x23e: {  	[tilespmem:s25+$0x0] =	vst v4  }
0x23f: {  	[tilespmem:s25+$0x10] =	vst v3  }
0x240: {  	v3 =	vld [tilespmem:s21+$0x10];
	_ =	sdelay $0x4  }
0x241: {  	v62 =	vunpack.i.l.bf16.f32 v3  }
0x242: {  	v3 =	vunpack.i.u.bf16.f32 v3;
	v4 =	vmul.f32 v62, v2  }
0x243: {  	v3 =	vmul.f32 v3, v2  }
0x244: {  	[tilespmem:s25+$0x20] =	vst v4  }
0x245: {  	[tilespmem:s25+$0x30] =	vst v3  }
0x246: {  	v3 =	vld [tilespmem:s21+$0x20];
	_ =	sdelay $0x4  }
0x247: {  	v63 =	vunpack.i.l.bf16.f32 v3  }
0x248: {  	v3 =	vunpack.i.u.bf16.f32 v3;
	v4 =	vmul.f32 v63, v2  }
0x249: {  	v3 =	vmul.f32 v3, v2  }
0x24a: {  	[tilespmem:s25+$0x40] =	vst v4  }
0x24b: {  	s9 =	simm.s32 $0x2;
	s26 =	simm.s32 $0x4C80;
	[tilespmem:s25+$0x50] =	vst v3  }
.LBB2_13:
0x24c: {  	p0 =	sne.s32 s9, $0x7E;
	v3 =	vld [tilespmem:s21+$0x30];
	s21 =	sadd.s32 $0x80, s21;
	s25 =	sadd.s32 $0x100, s25  }
0x24d: {  	s10 =	smov.u32 s9;
	s9 =	sadd.s32 $0x2, s9  }
0x24e: {  	v4 =	vmov s10  }
0x24f: {  	v4 =	vand.u32 $0x7E, v4  }
0x250: {  	v4 =	vor.u32 $0x180, v4  }
0x251: {  	v4 =	vbroadcast v4, $0x0;
	v5 =	vunpack.i.u.bf16.f32 v3;
	v3 =	vunpack.i.l.bf16.f32 v3  }
0x252: {  	v3 =	vmul.f32 v3, v2;
	v2 =	vmul.f32 v5, v2;
	_ =	sdelay $0x1  }
0x253: {  	[tilespmem:s26+$0x60] =	vst v3  }
0x254: {  	[tilespmem:s26+$0x70] =	vst v2;
	s26 =	smov.u32 s25  }
0x255: {  	v2 =	vld [tilespmem:s21+$0xFFFFFFC0]  }
0x256: {  	v3 =	vld.idx.msk [tilespmem:v4+s0+$0x0], $0xffff;
	_ =	sdelay $0x4  }
0x257: {  	v4 =	vunpack.i.u.bf16.f32 v2;
	v2 =	vunpack.i.l.bf16.f32 v2  }
0x258: {  	v2 =	vmul.f32 v2, v3;
	v4 =	vmul.f32 v4, v3;
	_ =	sdelay $0x1  }
0x259: {  	[tilespmem:s25+$0xFFFFFF80] =	vst v2  }
0x25a: {  	[tilespmem:s25+$0xFFFFFF90] =	vst v4  }
0x25b: {  	v2 =	vld [tilespmem:s21+$0xFFFFFFD0];
	_ =	sdelay $0x4  }
0x25c: {  	v4 =	vunpack.i.u.bf16.f32 v2;
	v2 =	vunpack.i.l.bf16.f32 v2  }
0x25d: {  	v2 =	vmul.f32 v2, v3;
	v4 =	vmul.f32 v4, v3;
	_ =	sdelay $0x1  }
0x25e: {  	[tilespmem:s25+$0xFFFFFFA0] =	vst v2  }
0x25f: {  	[tilespmem:s25+$0xFFFFFFB0] =	vst v4  }
0x260: {  	v2 =	vld [tilespmem:s21+$0xFFFFFFE0];
	_ =	sdelay $0x4  }
0x261: {  	v4 =	vunpack.i.u.bf16.f32 v2;
	v2 =	vunpack.i.l.bf16.f32 v2  }
0x262: {  	v2 =	vmul.f32 v2, v3;
	v4 =	vmul.f32 v4, v3;
	_ =	sdelay $0x1  }
0x263: {  	[tilespmem:s25+$0xFFFFFFC0] =	vst v2  }
0x264: {  	[tilespmem:s25+$0xFFFFFFD0] =	vst v4  }
0x265: {  	s10 =	sadd.s32 $0x1, s10;
	v2 =	vld [tilespmem:s21+$0xFFFFFFF0]  }
0x266: {  	v4 =	vmov s10  }
0x267: {  	v4 =	vand.u32 $0x7F, v4  }
0x268: {  	v4 =	vor.u32 $0x180, v4  }
0x269: {  	v4 =	vbroadcast v4, $0x0  }
0x26a: {  	v5 =	vunpack.i.u.bf16.f32 v2;
	v2 =	vunpack.i.l.bf16.f32 v2  }
0x26b: {  	v2 =	vmul.f32 v2, v3;
	v3 =	vmul.f32 v5, v3;
	_ =	sdelay $0x1  }
0x26c: {  	[tilespmem:s25+$0xFFFFFFE0] =	vst v2  }
0x26d: {  	[tilespmem:s25+$0xFFFFFFF0] =	vst v3  }
0x26e: {  	v2 =	vld.idx.msk [tilespmem:v4+s0+$0x0], $0xffff  }
0x26f: {  	v3 =	vld [tilespmem:s21+$0x0];
	_ =	sdelay $0x4  }
0x270: {  	v4 =	vunpack.i.u.bf16.f32 v3;
	v3 =	vunpack.i.l.bf16.f32 v3  }
0x271: {  	v3 =	vmul.f32 v3, v2;
	v4 =	vmul.f32 v4, v2;
	_ =	sdelay $0x1  }
0x272: {  	[tilespmem:s25+$0x0] =	vst v3  }
0x273: {  	[tilespmem:s25+$0x10] =	vst v4  }
0x274: {  	v3 =	vld [tilespmem:s21+$0x10];
	_ =	sdelay $0x4  }
0x275: {  	v4 =	vunpack.i.u.bf16.f32 v3;
	v3 =	vunpack.i.l.bf16.f32 v3  }
0x276: {  	v3 =	vmul.f32 v3, v2;
	v4 =	vmul.f32 v4, v2;
	_ =	sdelay $0x1  }
0x277: {  	[tilespmem:s25+$0x20] =	vst v3  }
0x278: {  	[tilespmem:s25+$0x30] =	vst v4  }
0x279: {  	v3 =	vld [tilespmem:s21+$0x20];
	_ =	sdelay $0x4  }
.Ltmp5:
0x27a: {  	v4 =	vunpack.i.u.bf16.f32 v3;
	v3 =	vunpack.i.l.bf16.f32 v3;
	(pc) =	sbr.rel @p0 .LBB2_13-.Ltmp5, $3  }
0x27b: {  	v3 =	vmul.f32 v3, v2;
	v4 =	vmul.f32 v4, v2;
	_ =	sdelay $0x1  }
0x27c: {  	[tilespmem:s25+$0x40] =	vst v3  }
0x27d: {  	[tilespmem:s25+$0x50] =	vst v4  }
0x27e: {  	v3 =	vld [tilespmem:s21+$0x30];
	_ =	sdelay $0x4  }
0x27f: {  	v4 =	vunpack.i.l.bf16.f32 v3  }
0x280: {  	v3 =	vunpack.i.u.bf16.f32 v3;
	v4 =	vmul.f32 v4, v2  }
0x281: {  	v2 =	vmul.f32 v3, v2  }
0x282: {  	p0 =	seq.s32 s12, $0x4;
	[tilespmem:s26+$0x60] =	vst v4  }
0x283: {  	s9 =	sadd.s32 @!p0 s17, s23;
	[tilespmem:s26+$0x70] =	vst v2  }
0x284: {  	[spmem:s3] =	stream.indirect.scatter.add.f32 [tilespmem:s28], [sflag:$0x3], $0x80, s20, s31, $0xb8;
	[tilespmem:$0x1FD00] =	vst v63  }
0x285: {  	s9 =	sshrl.u32 @!p0 s9, $0x3  }
0x286: {  	[spmem:s4] =	stream.indirect.scatter.add.f32 [tilespmem:s30], [sflag:$0x3], $0x10, s20, s31, $0xb8;
	[tilespmem:$0x1FD00] =	vst v63  }
0x287: {  	s17 =	simm.s32 @!p0 $0x0;
	s10 =	sadd.s32 @!p0 s6, s9  }
0x288: {  	[tilespmem:s17], [sflag:$0x4] =	stream.linear.gather @!p0 [hbm4b:s10+s17], $0x200, $0x38;
	[tilespmem:$0x1FD00] =	vst v63  }
0x289: {  	s21 =	simm.s32 @!p0 $0x400;
	s10 =	sadd.s32 @!p0 s7, s9  }
0x28a: {  	[tilespmem:s21], [sflag:$0x4] =	stream.linear.gather @!p0 [hbm4b:s10+s17], $0x200, $0x38;
	[tilespmem:$0x1FD00] =	vst v63  }
0x28b: {  	s9 =	sadd.s32 @!p0 s8, s9;
	s10 =	simm.s32 @!p0 $0x800  }
0x28c: {  	[tilespmem:s10], [sflag:$0x4] =	stream.linear.gather @!p0 [hbm4b:s9+s17], $0x200, $0x38;
	[tilespmem:$0x1FD00] =	vst v63  }
0x28d: {  	s21 =	simm.s32 $0x280  }
0x28e: {  	[tilespmem:s14], [sflag:$0x2] =	stream.indirect.gather [hbm4b:s1+s31], $0x40, s21, s31, $0xb8;
	[tilespmem:$0x1FD00] =	vst v63  }
0x28f: {  	_ =	swait.ge [sflag:s15], $0x2000  }
0x290: {  	[sflag:s15] =	ssyncset.done $0x0  }
0x291: {  	[sflag:s15] =	ssyncadd.s32 $0xFFFFE000  }
0x292: {  	_ =	swait.ge [sflag:s19], $0x4000  }
0x293: {  	[sflag:s19] =	ssyncset.done $0x0  }
0x294: {  	[sflag:s19] =	ssyncadd.s32 $0xFFFFC000  }
0x295: {  	_ =	swait.ge [sflag:s19], $0x800  }
0x296: {  	[sflag:s19] =	ssyncset.done $0x0  }
0x297: {  	[sflag:s19] =	ssyncadd.s32 $0xFFFFF800  }
0x298: {  	v2 =	vld [tilespmem:$0x600]  }
0x299: {  	v3 =	vld [tilespmem:$0x610]  }
0x29a: {  	v53 =	vld [tilespmem:$0x620]  }
0x29b: {  	v5 =	vld [tilespmem:$0x630]  }
0x29c: {  	v6 =	vld [tilespmem:$0x640]  }
0x29d: {  	s25 =	simm.s32 $0x0;
	v54 =	vld [tilespmem:$0x670];
	[tilespmem:$0x8C00] =	vst v2  }
0x29e: {  	v7 =	vmov s25;
	v2 =	vld [tilespmem:$0x650];
	[tilespmem:$0x8C10] =	vst v3  }
0x29f: {  	v7 =	vand.u32 $0xFFFFFFFE, v7;
	v3 =	vld [tilespmem:$0x660];
	[tilespmem:$0x8C20] =	vst v53  }
0x2a0: {  	v55 =	vbroadcast v7, $0x0;
	[tilespmem:$0x8C30] =	vst v5  }
0x2a1: {  	[tilespmem:$0x8C40] =	vst v6  }
0x2a2: {  	[tilespmem:$0x8C70] =	vst v54  }
0x2a3: {  	[tilespmem:$0x8C50] =	vst v2  }
0x2a4: {  	s17 =	simm.s32 $0xC40;
	[tilespmem:$0x8C60] =	vst v3  }
0x2a5: {  	v2 =	vld [tilespmem:s17+$0xFFFFFFC0]  }
0x2a6: {  	v3 =	vld.idx.msk [tilespmem:v55+s13+$0x0], $0xffff;
	_ =	sdelay $0x3  }
0x2a7: {  	v56 =	vunpack.i.l.bf16.f32 v2  }
0x2a8: {  	v2 =	vunpack.i.u.bf16.f32 v2;
	v4 =	vmul.f32 v56, v3  }
0x2a9: {  	s21 =	simm.s32 $0x4C80;
	v2 =	vmul.f32 v2, v3  }
0x2aa: {  	[tilespmem:s21+$0xFFFFFF80] =	vst v4  }
0x2ab: {  	[tilespmem:s21+$0xFFFFFF90] =	vst v2  }
0x2ac: {  	v2 =	vld [tilespmem:s17+$0xFFFFFFD0];
	_ =	sdelay $0x4  }
0x2ad: {  	v57 =	vunpack.i.l.bf16.f32 v2  }
0x2ae: {  	v2 =	vunpack.i.u.bf16.f32 v2;
	v4 =	vmul.f32 v57, v3  }
0x2af: {  	v2 =	vmul.f32 v2, v3  }
0x2b0: {  	[tilespmem:s21+$0xFFFFFFA0] =	vst v4  }
0x2b1: {  	[tilespmem:s21+$0xFFFFFFB0] =	vst v2  }
0x2b2: {  	v2 =	vld [tilespmem:s17+$0xFFFFFFE0];
	_ =	sdelay $0x4  }
0x2b3: {  	v58 =	vunpack.i.l.bf16.f32 v2  }
0x2b4: {  	v2 =	vunpack.i.u.bf16.f32 v2;
	v4 =	vmul.f32 v58, v3  }
0x2b5: {  	v2 =	vmul.f32 v2, v3  }
0x2b6: {  	[tilespmem:s21+$0xFFFFFFC0] =	vst v4  }
0x2b7: {  	[tilespmem:s21+$0xFFFFFFD0] =	vst v2  }
0x2b8: {  	v2 =	vld [tilespmem:s17+$0xFFFFFFF0];
	_ =	sdelay $0x4  }
0x2b9: {  	s26 =	simm.s32 $0x1;
	v59 =	vunpack.i.l.bf16.f32 v2  }
0x2ba: {  	v60 =	vmov s26;
	v2 =	vunpack.i.u.bf16.f32 v2;
	v4 =	vmul.f32 v59, v3  }
0x2bb: {  	v2 =	vmul.f32 v2, v3  }
0x2bc: {  	[tilespmem:s21+$0xFFFFFFE0] =	vst v4  }
0x2bd: {  	[tilespmem:s21+$0xFFFFFFF0] =	vst v2  }
0x2be: {  	v3 =	vld [tilespmem:s17+$0x0]  }
0x2bf: {  	v2 =	vld.idx.msk [tilespmem:v60+s13+$0x0], $0xffff;
	_ =	sdelay $0x3  }
0x2c0: {  	v61 =	vunpack.i.l.bf16.f32 v3  }
0x2c1: {  	v3 =	vunpack.i.u.bf16.f32 v3;
	v4 =	vmul.f32 v61, v2  }
0x2c2: {  	v3 =	vmul.f32 v3, v2  }
0x2c3: {  	[tilespmem:s21+$0x0] =	vst v4  }
0x2c4: {  	[tilespmem:s21+$0x10] =	vst v3  }
0x2c5: {  	v3 =	vld [tilespmem:s17+$0x10];
	_ =	sdelay $0x4  }
0x2c6: {  	v62 =	vunpack.i.l.bf16.f32 v3  }
0x2c7: {  	v3 =	vunpack.i.u.bf16.f32 v3;
	v4 =	vmul.f32 v62, v2  }
0x2c8: {  	v3 =	vmul.f32 v3, v2  }
0x2c9: {  	[tilespmem:s21+$0x20] =	vst v4  }
0x2ca: {  	[tilespmem:s21+$0x30] =	vst v3  }
0x2cb: {  	v3 =	vld [tilespmem:s17+$0x20];
	_ =	sdelay $0x4  }
0x2cc: {  	v63 =	vunpack.i.l.bf16.f32 v3  }
0x2cd: {  	v3 =	vunpack.i.u.bf16.f32 v3;
	v4 =	vmul.f32 v63, v2  }
0x2ce: {  	v3 =	vmul.f32 v3, v2  }
0x2cf: {  	[tilespmem:s21+$0x40] =	vst v4  }
0x2d0: {  	s25 =	simm.s32 $0x4C80;
	s9 =	simm.s32 $0x2;
	[tilespmem:s21+$0x50] =	vst v3  }
.LBB2_15:
0x2d1: {  	p1 =	sne.s32 s9, $0x7E;
	v3 =	vld [tilespmem:s17+$0x30];
	s17 =	sadd.s32 $0x80, s17;
	s21 =	sadd.s32 $0x100, s21  }
0x2d2: {  	s10 =	smov.u32 s9;
	s9 =	sadd.s32 $0x2, s9;
	_ =	sdelay $0x1  }
0x2d3: {  	v4 =	vmov s10  }
0x2d4: {  	v4 =	vand.u32 $0xFFFFFFFE, v4  }
0x2d5: {  	v4 =	vbroadcast v4, $0x0;
	v5 =	vunpack.i.u.bf16.f32 v3;
	v3 =	vunpack.i.l.bf16.f32 v3  }
0x2d6: {  	v3 =	vmul.f32 v3, v2;
	v2 =	vmul.f32 v5, v2;
	_ =	sdelay $0x1  }
0x2d7: {  	[tilespmem:s25+$0x60] =	vst v3  }
0x2d8: {  	[tilespmem:s25+$0x70] =	vst v2;
	s25 =	smov.u32 s21  }
0x2d9: {  	v2 =	vld [tilespmem:s17+$0xFFFFFFC0]  }
0x2da: {  	v3 =	vld.idx.msk [tilespmem:v4+s13+$0x0], $0xffff;
	_ =	sdelay $0x4  }
0x2db: {  	v4 =	vunpack.i.u.bf16.f32 v2;
	v2 =	vunpack.i.l.bf16.f32 v2  }
0x2dc: {  	v2 =	vmul.f32 v2, v3;
	v4 =	vmul.f32 v4, v3;
	_ =	sdelay $0x1  }
0x2dd: {  	[tilespmem:s21+$0xFFFFFF80] =	vst v2  }
0x2de: {  	[tilespmem:s21+$0xFFFFFF90] =	vst v4  }
0x2df: {  	v2 =	vld [tilespmem:s17+$0xFFFFFFD0];
	_ =	sdelay $0x4  }
0x2e0: {  	v4 =	vunpack.i.u.bf16.f32 v2;
	v2 =	vunpack.i.l.bf16.f32 v2  }
0x2e1: {  	v2 =	vmul.f32 v2, v3;
	v4 =	vmul.f32 v4, v3;
	_ =	sdelay $0x1  }
0x2e2: {  	[tilespmem:s21+$0xFFFFFFA0] =	vst v2  }
0x2e3: {  	[tilespmem:s21+$0xFFFFFFB0] =	vst v4  }
0x2e4: {  	v2 =	vld [tilespmem:s17+$0xFFFFFFE0];
	_ =	sdelay $0x4  }
0x2e5: {  	v4 =	vunpack.i.u.bf16.f32 v2;
	v2 =	vunpack.i.l.bf16.f32 v2  }
0x2e6: {  	v2 =	vmul.f32 v2, v3;
	v4 =	vmul.f32 v4, v3;
	_ =	sdelay $0x1  }
0x2e7: {  	[tilespmem:s21+$0xFFFFFFC0] =	vst v2  }
0x2e8: {  	[tilespmem:s21+$0xFFFFFFD0] =	vst v4  }
0x2e9: {  	v2 =	vld [tilespmem:s17+$0xFFFFFFF0];
	_ =	sdelay $0x3  }
0x2ea: {  	s10 =	sadd.s32 $0x1, s10  }
0x2eb: {  	v5 =	vmov s10;
	v4 =	vunpack.i.u.bf16.f32 v2;
	v2 =	vunpack.i.l.bf16.f32 v2  }
0x2ec: {  	v2 =	vmul.f32 v2, v3;
	v3 =	vmul.f32 v4, v3;
	_ =	sdelay $0x1  }
0x2ed: {  	[tilespmem:s21+$0xFFFFFFE0] =	vst v2  }
0x2ee: {  	[tilespmem:s21+$0xFFFFFFF0] =	vst v3  }
0x2ef: {  	v2 =	vld.idx.msk [tilespmem:v5+s13+$0x0], $0xffff  }
0x2f0: {  	v3 =	vld [tilespmem:s17+$0x0];
	_ =	sdelay $0x4  }
0x2f1: {  	v4 =	vunpack.i.u.bf16.f32 v3;
	v3 =	vunpack.i.l.bf16.f32 v3  }
0x2f2: {  	v3 =	vmul.f32 v3, v2;
	v4 =	vmul.f32 v4, v2;
	_ =	sdelay $0x1  }
0x2f3: {  	[tilespmem:s21+$0x0] =	vst v3  }
0x2f4: {  	[tilespmem:s21+$0x10] =	vst v4  }
0x2f5: {  	v3 =	vld [tilespmem:s17+$0x10];
	_ =	sdelay $0x4  }
0x2f6: {  	v4 =	vunpack.i.u.bf16.f32 v3;
	v3 =	vunpack.i.l.bf16.f32 v3  }
0x2f7: {  	v3 =	vmul.f32 v3, v2;
	v4 =	vmul.f32 v4, v2;
	_ =	sdelay $0x1  }
0x2f8: {  	[tilespmem:s21+$0x20] =	vst v3  }
0x2f9: {  	[tilespmem:s21+$0x30] =	vst v4  }
0x2fa: {  	v3 =	vld [tilespmem:s17+$0x20];
	_ =	sdelay $0x4  }
.Ltmp6:
0x2fb: {  	v4 =	vunpack.i.u.bf16.f32 v3;
	v3 =	vunpack.i.l.bf16.f32 v3;
	(pc) =	sbr.rel @p1 .LBB2_15-.Ltmp6, $3  }
0x2fc: {  	v3 =	vmul.f32 v3, v2;
	v4 =	vmul.f32 v4, v2;
	_ =	sdelay $0x1  }
0x2fd: {  	[tilespmem:s21+$0x40] =	vst v3  }
0x2fe: {  	[tilespmem:s21+$0x50] =	vst v4  }
0x2ff: {  	v3 =	vld [tilespmem:s17+$0x30];
	_ =	sdelay $0x4  }
0x300: {  	v4 =	vunpack.i.l.bf16.f32 v3  }
0x301: {  	v3 =	vunpack.i.u.bf16.f32 v3;
	v4 =	vmul.f32 v4, v2  }
0x302: {  	v2 =	vmul.f32 v3, v2  }
0x303: {  	[tilespmem:s25+$0x60] =	vst v4  }
0x304: {  	[tilespmem:s25+$0x70] =	vst v2  }
0x305: {  	[spmem:s3] =	stream.indirect.scatter.add.f32 [tilespmem:s28], [sflag:$0x3], $0x80, s16, s31, $0xb8;
	[tilespmem:$0x1FD00] =	vst v63  }
0x306: {  	_ = 	snop  }
0x307: {  	[spmem:s4] =	stream.indirect.scatter.add.f32 [tilespmem:s30], [sflag:$0x3], $0x10, s16, s31, $0xb8;
	[tilespmem:$0x1FD00] =	vst v63  }
0x308: {  	s9 =	simm.s32 $0x300  }
0x309: {  	[tilespmem:s2], [sflag:$0x1] =	stream.indirect.gather [hbm4b:s1+s31], $0x40, s9, s31, $0xb8;
	[tilespmem:$0x1FD00] =	vst v63  }
0x30a: {  	_ =	swait.ge [sflag:s18], $0x2000  }
0x30b: {  	[sflag:s18] =	ssyncset.done $0x0  }
0x30c: {  	[sflag:s18] =	ssyncadd.s32 $0xFFFFE000  }
0x30d: {  	_ =	swait.ge [sflag:s19], $0x4000  }
0x30e: {  	[sflag:s19] =	ssyncset.done $0x0  }
0x30f: {  	[sflag:s19] =	ssyncadd.s32 $0xFFFFC000  }
0x310: {  	_ =	swait.ge [sflag:s19], $0x800  }
0x311: {  	[sflag:s19] =	ssyncset.done $0x0  }
0x312: {  	[sflag:s19] =	ssyncadd.s32 $0xFFFFF800  }
0x313: {  	v2 =	vld [tilespmem:$0x680]  }
0x314: {  	v3 =	vld [tilespmem:$0x690]  }
0x315: {  	v53 =	vld [tilespmem:$0x6A0]  }
0x316: {  	v5 =	vld [tilespmem:$0x6B0]  }
0x317: {  	s25 =	simm.s32 $0x0;
	v6 =	vld [tilespmem:$0x6C0]  }
0x318: {  	v7 =	vmov s25;
	v54 =	vld [tilespmem:$0x6F0];
	[tilespmem:$0x8C80] =	vst v2  }
0x319: {  	v7 =	vand.u32 $0x7E, v7;
	v2 =	vld [tilespmem:$0x6D0];
	[tilespmem:$0x8C90] =	vst v3  }
0x31a: {  	v7 =	vor.u32 $0x80, v7;
	v3 =	vld [tilespmem:$0x6E0];
	[tilespmem:$0x8CA0] =	vst v53  }
0x31b: {  	v55 =	vbroadcast v7, $0x0;
	[tilespmem:$0x8CB0] =	vst v5  }
0x31c: {  	[tilespmem:$0x8CC0] =	vst v6  }
0x31d: {  	[tilespmem:$0x8CF0] =	vst v54  }
0x31e: {  	[tilespmem:$0x8CD0] =	vst v2  }
0x31f: {  	s17 =	simm.s32 $0x2C40;
	[tilespmem:$0x8CE0] =	vst v3  }
0x320: {  	v2 =	vld [tilespmem:s17+$0xFFFFFFC0]  }
0x321: {  	v3 =	vld.idx.msk [tilespmem:v55+s13+$0x0], $0xffff;
	_ =	sdelay $0x3  }
0x322: {  	v56 =	vunpack.i.l.bf16.f32 v2  }
0x323: {  	v2 =	vunpack.i.u.bf16.f32 v2;
	v4 =	vmul.f32 v56, v3  }
0x324: {  	s21 =	simm.s32 $0x4C80;
	v2 =	vmul.f32 v2, v3  }
0x325: {  	[tilespmem:s21+$0xFFFFFF80] =	vst v4  }
0x326: {  	[tilespmem:s21+$0xFFFFFF90] =	vst v2  }
0x327: {  	v2 =	vld [tilespmem:s17+$0xFFFFFFD0];
	_ =	sdelay $0x4  }
0x328: {  	v57 =	vunpack.i.l.bf16.f32 v2  }
0x329: {  	v2 =	vunpack.i.u.bf16.f32 v2;
	v4 =	vmul.f32 v57, v3  }
0x32a: {  	v2 =	vmul.f32 v2, v3  }
0x32b: {  	[tilespmem:s21+$0xFFFFFFA0] =	vst v4  }
0x32c: {  	[tilespmem:s21+$0xFFFFFFB0] =	vst v2  }
0x32d: {  	v2 =	vld [tilespmem:s17+$0xFFFFFFE0];
	_ =	sdelay $0x4  }
0x32e: {  	v58 =	vunpack.i.l.bf16.f32 v2  }
0x32f: {  	v2 =	vunpack.i.u.bf16.f32 v2;
	v4 =	vmul.f32 v58, v3  }
0x330: {  	v2 =	vmul.f32 v2, v3  }
0x331: {  	[tilespmem:s21+$0xFFFFFFC0] =	vst v4  }
0x332: {  	[tilespmem:s21+$0xFFFFFFD0] =	vst v2  }
0x333: {  	v2 =	vld [tilespmem:s17+$0xFFFFFFF0]  }
0x334: {  	s26 =	simm.s32 $0x1  }
0x335: {  	v59 =	vmov s26  }
0x336: {  	v4 =	vand.u32 $0x7F, v59  }
0x337: {  	v4 =	vor.u32 $0x80, v4  }
0x338: {  	v4 =	vbroadcast v4, $0x0;
	v60 =	vunpack.i.l.bf16.f32 v2  }
0x339: {  	v2 =	vunpack.i.u.bf16.f32 v2;
	v5 =	vmul.f32 v60, v3  }
0x33a: {  	v2 =	vmul.f32 v2, v3  }
0x33b: {  	[tilespmem:s21+$0xFFFFFFE0] =	vst v5  }
0x33c: {  	[tilespmem:s21+$0xFFFFFFF0] =	vst v2  }
0x33d: {  	v3 =	vld [tilespmem:s17+$0x0]  }
0x33e: {  	v2 =	vld.idx.msk [tilespmem:v4+s13+$0x0], $0xffff;
	_ =	sdelay $0x3  }
0x33f: {  	v61 =	vunpack.i.l.bf16.f32 v3  }
0x340: {  	v3 =	vunpack.i.u.bf16.f32 v3;
	v4 =	vmul.f32 v61, v2  }
0x341: {  	v3 =	vmul.f32 v3, v2  }
0x342: {  	[tilespmem:s21+$0x0] =	vst v4  }
0x343: {  	[tilespmem:s21+$0x10] =	vst v3  }
0x344: {  	v3 =	vld [tilespmem:s17+$0x10];
	_ =	sdelay $0x4  }
0x345: {  	v62 =	vunpack.i.l.bf16.f32 v3  }
0x346: {  	v3 =	vunpack.i.u.bf16.f32 v3;
	v4 =	vmul.f32 v62, v2  }
0x347: {  	v3 =	vmul.f32 v3, v2  }
0x348: {  	[tilespmem:s21+$0x20] =	vst v4  }
0x349: {  	[tilespmem:s21+$0x30] =	vst v3  }
0x34a: {  	v3 =	vld [tilespmem:s17+$0x20];
	_ =	sdelay $0x4  }
0x34b: {  	v63 =	vunpack.i.l.bf16.f32 v3  }
0x34c: {  	v3 =	vunpack.i.u.bf16.f32 v3;
	v4 =	vmul.f32 v63, v2  }
0x34d: {  	v3 =	vmul.f32 v3, v2  }
0x34e: {  	[tilespmem:s21+$0x40] =	vst v4  }
0x34f: {  	s25 =	simm.s32 $0x4C80;
	s9 =	simm.s32 $0x2;
	[tilespmem:s21+$0x50] =	vst v3  }
.LBB2_17:
0x350: {  	p1 =	sne.s32 s9, $0x7E;
	v3 =	vld [tilespmem:s17+$0x30];
	s17 =	sadd.s32 $0x80, s17;
	s21 =	sadd.s32 $0x100, s21  }
0x351: {  	s10 =	smov.u32 s9;
	s9 =	sadd.s32 $0x2, s9  }
0x352: {  	v4 =	vmov s10  }
0x353: {  	v4 =	vand.u32 $0x7E, v4  }
0x354: {  	v4 =	vor.u32 $0x80, v4  }
0x355: {  	v4 =	vbroadcast v4, $0x0;
	v5 =	vunpack.i.u.bf16.f32 v3;
	v3 =	vunpack.i.l.bf16.f32 v3  }
0x356: {  	v3 =	vmul.f32 v3, v2;
	v2 =	vmul.f32 v5, v2;
	_ =	sdelay $0x1  }
0x357: {  	[tilespmem:s25+$0x60] =	vst v3  }
0x358: {  	[tilespmem:s25+$0x70] =	vst v2;
	s25 =	smov.u32 s21  }
0x359: {  	v2 =	vld [tilespmem:s17+$0xFFFFFFC0]  }
0x35a: {  	v3 =	vld.idx.msk [tilespmem:v4+s13+$0x0], $0xffff;
	_ =	sdelay $0x4  }
0x35b: {  	v4 =	vunpack.i.u.bf16.f32 v2;
	v2 =	vunpack.i.l.bf16.f32 v2  }
0x35c: {  	v2 =	vmul.f32 v2, v3;
	v4 =	vmul.f32 v4, v3;
	_ =	sdelay $0x1  }
0x35d: {  	[tilespmem:s21+$0xFFFFFF80] =	vst v2  }
0x35e: {  	[tilespmem:s21+$0xFFFFFF90] =	vst v4  }
0x35f: {  	v2 =	vld [tilespmem:s17+$0xFFFFFFD0];
	_ =	sdelay $0x4  }
0x360: {  	v4 =	vunpack.i.u.bf16.f32 v2;
	v2 =	vunpack.i.l.bf16.f32 v2  }
0x361: {  	v2 =	vmul.f32 v2, v3;
	v4 =	vmul.f32 v4, v3;
	_ =	sdelay $0x1  }
0x362: {  	[tilespmem:s21+$0xFFFFFFA0] =	vst v2  }
0x363: {  	[tilespmem:s21+$0xFFFFFFB0] =	vst v4  }
0x364: {  	v2 =	vld [tilespmem:s17+$0xFFFFFFE0];
	_ =	sdelay $0x4  }
0x365: {  	v4 =	vunpack.i.u.bf16.f32 v2;
	v2 =	vunpack.i.l.bf16.f32 v2  }
0x366: {  	v2 =	vmul.f32 v2, v3;
	v4 =	vmul.f32 v4, v3;
	_ =	sdelay $0x1  }
0x367: {  	[tilespmem:s21+$0xFFFFFFC0] =	vst v2  }
0x368: {  	[tilespmem:s21+$0xFFFFFFD0] =	vst v4  }
0x369: {  	s10 =	sadd.s32 $0x1, s10;
	v2 =	vld [tilespmem:s17+$0xFFFFFFF0]  }
0x36a: {  	v4 =	vmov s10  }
0x36b: {  	v4 =	vand.u32 $0x7F, v4  }
0x36c: {  	v4 =	vor.u32 $0x80, v4  }
0x36d: {  	v4 =	vbroadcast v4, $0x0  }
0x36e: {  	v5 =	vunpack.i.u.bf16.f32 v2;
	v2 =	vunpack.i.l.bf16.f32 v2  }
0x36f: {  	v2 =	vmul.f32 v2, v3;
	v3 =	vmul.f32 v5, v3;
	_ =	sdelay $0x1  }
0x370: {  	[tilespmem:s21+$0xFFFFFFE0] =	vst v2  }
0x371: {  	[tilespmem:s21+$0xFFFFFFF0] =	vst v3  }
0x372: {  	v2 =	vld.idx.msk [tilespmem:v4+s13+$0x0], $0xffff  }
0x373: {  	v3 =	vld [tilespmem:s17+$0x0];
	_ =	sdelay $0x4  }
0x374: {  	v4 =	vunpack.i.u.bf16.f32 v3;
	v3 =	vunpack.i.l.bf16.f32 v3  }
0x375: {  	v3 =	vmul.f32 v3, v2;
	v4 =	vmul.f32 v4, v2;
	_ =	sdelay $0x1  }
0x376: {  	[tilespmem:s21+$0x0] =	vst v3  }
0x377: {  	[tilespmem:s21+$0x10] =	vst v4  }
0x378: {  	v3 =	vld [tilespmem:s17+$0x10];
	_ =	sdelay $0x4  }
0x379: {  	v4 =	vunpack.i.u.bf16.f32 v3;
	v3 =	vunpack.i.l.bf16.f32 v3  }
0x37a: {  	v3 =	vmul.f32 v3, v2;
	v4 =	vmul.f32 v4, v2;
	_ =	sdelay $0x1  }
0x37b: {  	[tilespmem:s21+$0x20] =	vst v3  }
0x37c: {  	[tilespmem:s21+$0x30] =	vst v4  }
0x37d: {  	v3 =	vld [tilespmem:s17+$0x20];
	_ =	sdelay $0x4  }
.Ltmp7:
0x37e: {  	v4 =	vunpack.i.u.bf16.f32 v3;
	v3 =	vunpack.i.l.bf16.f32 v3;
	(pc) =	sbr.rel @p1 .LBB2_17-.Ltmp7, $3  }
0x37f: {  	v3 =	vmul.f32 v3, v2;
	v4 =	vmul.f32 v4, v2;
	_ =	sdelay $0x1  }
0x380: {  	[tilespmem:s21+$0x40] =	vst v3  }
0x381: {  	[tilespmem:s21+$0x50] =	vst v4  }
0x382: {  	v3 =	vld [tilespmem:s17+$0x30];
	_ =	sdelay $0x4  }
0x383: {  	v4 =	vunpack.i.l.bf16.f32 v3  }
0x384: {  	v3 =	vunpack.i.u.bf16.f32 v3;
	v4 =	vmul.f32 v4, v2  }
0x385: {  	v2 =	vmul.f32 v3, v2  }
0x386: {  	[tilespmem:s25+$0x60] =	vst v4  }
0x387: {  	[tilespmem:s25+$0x70] =	vst v2  }
0x388: {  	[spmem:s3] =	stream.indirect.scatter.add.f32 [tilespmem:s28], [sflag:$0x3], $0x80, s20, s31, $0xb8;
	[tilespmem:$0x1FD00] =	vst v63  }
0x389: {  	_ = 	snop  }
0x38a: {  	[spmem:s4] =	stream.indirect.scatter.add.f32 [tilespmem:s30], [sflag:$0x3], $0x10, s20, s31, $0xb8;
	[tilespmem:$0x1FD00] =	vst v63  }
0x38b: {  	s9 =	simm.s32 $0x380  }
0x38c: {  	[tilespmem:s14], [sflag:$0x2] =	stream.indirect.gather [hbm4b:s1+s31], $0x40, s9, s31, $0xb8;
	[tilespmem:$0x1FD00] =	vst v63  }
0x38d: {  	_ =	swait.ge [sflag:s15], $0x2000  }
0x38e: {  	[sflag:s15] =	ssyncset.done $0x0  }
0x38f: {  	[sflag:s15] =	ssyncadd.s32 $0xFFFFE000  }
0x390: {  	_ =	swait.ge [sflag:s19], $0x4000  }
0x391: {  	[sflag:s19] =	ssyncset.done $0x0  }
0x392: {  	[sflag:s19] =	ssyncadd.s32 $0xFFFFC000  }
0x393: {  	_ =	swait.ge [sflag:s19], $0x800  }
0x394: {  	[sflag:s19] =	ssyncset.done $0x0  }
0x395: {  	[sflag:s19] =	ssyncadd.s32 $0xFFFFF800  }
0x396: {  	v2 =	vld [tilespmem:$0x700]  }
0x397: {  	v3 =	vld [tilespmem:$0x710]  }
0x398: {  	v53 =	vld [tilespmem:$0x720]  }
0x399: {  	v5 =	vld [tilespmem:$0x730]  }
0x39a: {  	s25 =	simm.s32 $0x0;
	v6 =	vld [tilespmem:$0x740]  }
0x39b: {  	v7 =	vmov s25;
	v54 =	vld [tilespmem:$0x770];
	[tilespmem:$0x8C00] =	vst v2  }
0x39c: {  	v7 =	vand.u32 $0x7E, v7;
	v2 =	vld [tilespmem:$0x750];
	[tilespmem:$0x8C10] =	vst v3  }
0x39d: {  	v7 =	vor.u32 $0x100, v7;
	v3 =	vld [tilespmem:$0x760];
	[tilespmem:$0x8C20] =	vst v53  }
0x39e: {  	v55 =	vbroadcast v7, $0x0;
	[tilespmem:$0x8C30] =	vst v5  }
0x39f: {  	[tilespmem:$0x8C40] =	vst v6  }
0x3a0: {  	[tilespmem:$0x8C70] =	vst v54  }
0x3a1: {  	[tilespmem:$0x8C50] =	vst v2  }
0x3a2: {  	s17 =	simm.s32 $0xC40;
	[tilespmem:$0x8C60] =	vst v3  }
0x3a3: {  	v2 =	vld [tilespmem:s17+$0xFFFFFFC0]  }
0x3a4: {  	v3 =	vld.idx.msk [tilespmem:v55+s13+$0x0], $0xffff;
	_ =	sdelay $0x3  }
0x3a5: {  	v56 =	vunpack.i.l.bf16.f32 v2  }
0x3a6: {  	v2 =	vunpack.i.u.bf16.f32 v2;
	v4 =	vmul.f32 v56, v3  }
0x3a7: {  	s21 =	simm.s32 $0x4C80;
	v2 =	vmul.f32 v2, v3  }
0x3a8: {  	[tilespmem:s21+$0xFFFFFF80] =	vst v4  }
0x3a9: {  	[tilespmem:s21+$0xFFFFFF90] =	vst v2  }
0x3aa: {  	v2 =	vld [tilespmem:s17+$0xFFFFFFD0];
	_ =	sdelay $0x4  }
0x3ab: {  	v57 =	vunpack.i.l.bf16.f32 v2  }
0x3ac: {  	v2 =	vunpack.i.u.bf16.f32 v2;
	v4 =	vmul.f32 v57, v3  }
0x3ad: {  	v2 =	vmul.f32 v2, v3  }
0x3ae: {  	[tilespmem:s21+$0xFFFFFFA0] =	vst v4  }
0x3af: {  	[tilespmem:s21+$0xFFFFFFB0] =	vst v2  }
0x3b0: {  	v2 =	vld [tilespmem:s17+$0xFFFFFFE0];
	_ =	sdelay $0x4  }
0x3b1: {  	v58 =	vunpack.i.l.bf16.f32 v2  }
0x3b2: {  	v2 =	vunpack.i.u.bf16.f32 v2;
	v4 =	vmul.f32 v58, v3  }
0x3b3: {  	v2 =	vmul.f32 v2, v3  }
0x3b4: {  	[tilespmem:s21+$0xFFFFFFC0] =	vst v4  }
0x3b5: {  	[tilespmem:s21+$0xFFFFFFD0] =	vst v2  }
0x3b6: {  	v2 =	vld [tilespmem:s17+$0xFFFFFFF0]  }
0x3b7: {  	s26 =	simm.s32 $0x1  }
0x3b8: {  	v59 =	vmov s26  }
0x3b9: {  	v4 =	vand.u32 $0x7F, v59  }
0x3ba: {  	v4 =	vor.u32 $0x100, v4  }
0x3bb: {  	v4 =	vbroadcast v4, $0x0;
	v60 =	vunpack.i.l.bf16.f32 v2  }
0x3bc: {  	v2 =	vunpack.i.u.bf16.f32 v2;
	v5 =	vmul.f32 v60, v3  }
0x3bd: {  	v2 =	vmul.f32 v2, v3  }
0x3be: {  	[tilespmem:s21+$0xFFFFFFE0] =	vst v5  }
0x3bf: {  	[tilespmem:s21+$0xFFFFFFF0] =	vst v2  }
0x3c0: {  	v3 =	vld [tilespmem:s17+$0x0]  }
0x3c1: {  	v2 =	vld.idx.msk [tilespmem:v4+s13+$0x0], $0xffff;
	_ =	sdelay $0x3  }
0x3c2: {  	v61 =	vunpack.i.l.bf16.f32 v3  }
0x3c3: {  	v3 =	vunpack.i.u.bf16.f32 v3;
	v4 =	vmul.f32 v61, v2  }
0x3c4: {  	v3 =	vmul.f32 v3, v2  }
0x3c5: {  	[tilespmem:s21+$0x0] =	vst v4  }
0x3c6: {  	[tilespmem:s21+$0x10] =	vst v3  }
0x3c7: {  	v3 =	vld [tilespmem:s17+$0x10];
	_ =	sdelay $0x4  }
0x3c8: {  	v62 =	vunpack.i.l.bf16.f32 v3  }
0x3c9: {  	v3 =	vunpack.i.u.bf16.f32 v3;
	v4 =	vmul.f32 v62, v2  }
0x3ca: {  	v3 =	vmul.f32 v3, v2  }
0x3cb: {  	[tilespmem:s21+$0x20] =	vst v4  }
0x3cc: {  	[tilespmem:s21+$0x30] =	vst v3  }
0x3cd: {  	v3 =	vld [tilespmem:s17+$0x20];
	_ =	sdelay $0x4  }
0x3ce: {  	v63 =	vunpack.i.l.bf16.f32 v3  }
0x3cf: {  	v3 =	vunpack.i.u.bf16.f32 v3;
	v4 =	vmul.f32 v63, v2  }
0x3d0: {  	v3 =	vmul.f32 v3, v2  }
0x3d1: {  	[tilespmem:s21+$0x40] =	vst v4  }
0x3d2: {  	s25 =	simm.s32 $0x4C80;
	s9 =	simm.s32 $0x2;
	[tilespmem:s21+$0x50] =	vst v3  }
.LBB2_19:
0x3d3: {  	p1 =	sne.s32 s9, $0x7E;
	v3 =	vld [tilespmem:s17+$0x30];
	s17 =	sadd.s32 $0x80, s17;
	s21 =	sadd.s32 $0x100, s21  }
0x3d4: {  	s10 =	smov.u32 s9;
	s9 =	sadd.s32 $0x2, s9  }
0x3d5: {  	v4 =	vmov s10  }
0x3d6: {  	v4 =	vand.u32 $0x7E, v4  }
0x3d7: {  	v4 =	vor.u32 $0x100, v4  }
0x3d8: {  	v4 =	vbroadcast v4, $0x0;
	v5 =	vunpack.i.u.bf16.f32 v3;
	v3 =	vunpack.i.l.bf16.f32 v3  }
0x3d9: {  	v3 =	vmul.f32 v3, v2;
	v2 =	vmul.f32 v5, v2;
	_ =	sdelay $0x1  }
0x3da: {  	[tilespmem:s25+$0x60] =	vst v3  }
0x3db: {  	[tilespmem:s25+$0x70] =	vst v2;
	s25 =	smov.u32 s21  }
0x3dc: {  	v2 =	vld [tilespmem:s17+$0xFFFFFFC0]  }
0x3dd: {  	v3 =	vld.idx.msk [tilespmem:v4+s13+$0x0], $0xffff;
	_ =	sdelay $0x4  }
0x3de: {  	v4 =	vunpack.i.u.bf16.f32 v2;
	v2 =	vunpack.i.l.bf16.f32 v2  }
0x3df: {  	v2 =	vmul.f32 v2, v3;
	v4 =	vmul.f32 v4, v3;
	_ =	sdelay $0x1  }
0x3e0: {  	[tilespmem:s21+$0xFFFFFF80] =	vst v2  }
0x3e1: {  	[tilespmem:s21+$0xFFFFFF90] =	vst v4  }
0x3e2: {  	v2 =	vld [tilespmem:s17+$0xFFFFFFD0];
	_ =	sdelay $0x4  }
0x3e3: {  	v4 =	vunpack.i.u.bf16.f32 v2;
	v2 =	vunpack.i.l.bf16.f32 v2  }
0x3e4: {  	v2 =	vmul.f32 v2, v3;
	v4 =	vmul.f32 v4, v3;
	_ =	sdelay $0x1  }
0x3e5: {  	[tilespmem:s21+$0xFFFFFFA0] =	vst v2  }
0x3e6: {  	[tilespmem:s21+$0xFFFFFFB0] =	vst v4  }
0x3e7: {  	v2 =	vld [tilespmem:s17+$0xFFFFFFE0];
	_ =	sdelay $0x4  }
0x3e8: {  	v4 =	vunpack.i.u.bf16.f32 v2;
	v2 =	vunpack.i.l.bf16.f32 v2  }
0x3e9: {  	v2 =	vmul.f32 v2, v3;
	v4 =	vmul.f32 v4, v3;
	_ =	sdelay $0x1  }
0x3ea: {  	[tilespmem:s21+$0xFFFFFFC0] =	vst v2  }
0x3eb: {  	[tilespmem:s21+$0xFFFFFFD0] =	vst v4  }
0x3ec: {  	s10 =	sadd.s32 $0x1, s10;
	v2 =	vld [tilespmem:s17+$0xFFFFFFF0]  }
0x3ed: {  	v4 =	vmov s10  }
0x3ee: {  	v4 =	vand.u32 $0x7F, v4  }
0x3ef: {  	v4 =	vor.u32 $0x100, v4  }
0x3f0: {  	v4 =	vbroadcast v4, $0x0  }
0x3f1: {  	v5 =	vunpack.i.u.bf16.f32 v2;
	v2 =	vunpack.i.l.bf16.f32 v2  }
0x3f2: {  	v2 =	vmul.f32 v2, v3;
	v3 =	vmul.f32 v5, v3;
	_ =	sdelay $0x1  }
0x3f3: {  	[tilespmem:s21+$0xFFFFFFE0] =	vst v2  }
0x3f4: {  	[tilespmem:s21+$0xFFFFFFF0] =	vst v3  }
0x3f5: {  	v2 =	vld.idx.msk [tilespmem:v4+s13+$0x0], $0xffff  }
0x3f6: {  	v3 =	vld [tilespmem:s17+$0x0];
	_ =	sdelay $0x4  }
0x3f7: {  	v4 =	vunpack.i.u.bf16.f32 v3;
	v3 =	vunpack.i.l.bf16.f32 v3  }
0x3f8: {  	v3 =	vmul.f32 v3, v2;
	v4 =	vmul.f32 v4, v2;
	_ =	sdelay $0x1  }
0x3f9: {  	[tilespmem:s21+$0x0] =	vst v3  }
0x3fa: {  	[tilespmem:s21+$0x10] =	vst v4  }
0x3fb: {  	v3 =	vld [tilespmem:s17+$0x10];
	_ =	sdelay $0x4  }
0x3fc: {  	v4 =	vunpack.i.u.bf16.f32 v3;
	v3 =	vunpack.i.l.bf16.f32 v3  }
0x3fd: {  	v3 =	vmul.f32 v3, v2;
	v4 =	vmul.f32 v4, v2;
	_ =	sdelay $0x1  }
0x3fe: {  	[tilespmem:s21+$0x20] =	vst v3  }
0x3ff: {  	[tilespmem:s21+$0x30] =	vst v4  }
0x400: {  	v3 =	vld [tilespmem:s17+$0x20];
	_ =	sdelay $0x4  }
.Ltmp8:
0x401: {  	v4 =	vunpack.i.u.bf16.f32 v3;
	v3 =	vunpack.i.l.bf16.f32 v3;
	(pc) =	sbr.rel @p1 .LBB2_19-.Ltmp8, $3  }
0x402: {  	v3 =	vmul.f32 v3, v2;
	v4 =	vmul.f32 v4, v2;
	_ =	sdelay $0x1  }
0x403: {  	[tilespmem:s21+$0x40] =	vst v3  }
0x404: {  	[tilespmem:s21+$0x50] =	vst v4  }
0x405: {  	v3 =	vld [tilespmem:s17+$0x30];
	_ =	sdelay $0x4  }
0x406: {  	v4 =	vunpack.i.l.bf16.f32 v3  }
0x407: {  	v3 =	vunpack.i.u.bf16.f32 v3;
	v4 =	vmul.f32 v4, v2  }
0x408: {  	v2 =	vmul.f32 v3, v2  }
0x409: {  	[tilespmem:s25+$0x60] =	vst v4  }
0x40a: {  	[tilespmem:s25+$0x70] =	vst v2  }
0x40b: {  	[spmem:s3] =	stream.indirect.scatter.add.f32 [tilespmem:s28], [sflag:$0x3], $0x80, s16, s31, $0xb8;
	[tilespmem:$0x1FD00] =	vst v63  }
0x40c: {  	s9 =	simm.s32 @!p0 $0x4  }
0x40d: {  	[spmem:s4] =	stream.indirect.scatter.add.f32 [tilespmem:s30], [sflag:$0x3], $0x10, s16, s31, $0xb8;
	[tilespmem:$0x1FD00] =	vst v63  }
0x40e: {  	_ =	swait.ge @!p0 [sflag:s9], $0x200  }
0x40f: {  	[sflag:s9] =	ssyncset.done @!p0 $0x0  }
0x410: {  	[sflag:s9] =	ssyncadd.s32 @!p0 $0xFFFFFE00  }
0x411: {  	_ =	swait.ge @!p0 [sflag:s9], $0x200  }
0x412: {  	[sflag:s9] =	ssyncset.done @!p0 $0x0  }
0x413: {  	[sflag:s9] =	ssyncadd.s32 @!p0 $0xFFFFFE00  }
0x414: {  	_ =	swait.ge @!p0 [sflag:s9], $0x200  }
0x415: {  	s10 =	simm.s32 @!p0 $0x0;
	[sflag:s9] =	ssyncset.done @!p0 $0x0  }
0x416: {  	s17 =	simm.s32 @!p0 $0xC00;
	[sflag:s9] =	ssyncadd.s32 @!p0 $0xFFFFFE00;
	s9 =	simm.s32 @!p0 $0x80  }
0x417: {  	[tilespmem:s17], [sflag:$0x1] =	stream.indirect.gather @!p0 [hbm4b:s1+s9], $0x40, s10, s9, $0xb8;
	[tilespmem:$0x1FD00] =	vst v63  }
0x418: {  	_ =	swait.ge [sflag:s18], $0x2000  }
0x419: {  	[sflag:s18] =	ssyncset.done $0x0  }
0x41a: {  	[sflag:s18] =	ssyncadd.s32 $0xFFFFE000  }
0x41b: {  	_ =	swait.ge [sflag:s19], $0x4000  }
0x41c: {  	[sflag:s19] =	ssyncset.done $0x0  }
0x41d: {  	[sflag:s19] =	ssyncadd.s32 $0xFFFFC000  }
0x41e: {  	_ =	swait.ge [sflag:s19], $0x800  }
0x41f: {  	[sflag:s19] =	ssyncset.done $0x0  }
0x420: {  	[sflag:s19] =	ssyncadd.s32 $0xFFFFF800  }
0x421: {  	v2 =	vld [tilespmem:$0x780]  }
0x422: {  	v3 =	vld [tilespmem:$0x790]  }
0x423: {  	v53 =	vld [tilespmem:$0x7A0]  }
0x424: {  	v5 =	vld [tilespmem:$0x7B0]  }
0x425: {  	s25 =	simm.s32 $0x0;
	v6 =	vld [tilespmem:$0x7C0]  }
0x426: {  	v7 =	vmov s25;
	v54 =	vld [tilespmem:$0x7F0];
	[tilespmem:$0x8C80] =	vst v2  }
0x427: {  	v7 =	vand.u32 $0x7E, v7;
	v2 =	vld [tilespmem:$0x7D0];
	[tilespmem:$0x8C90] =	vst v3  }
0x428: {  	v7 =	vor.u32 $0x180, v7;
	v3 =	vld [tilespmem:$0x7E0];
	[tilespmem:$0x8CA0] =	vst v53  }
0x429: {  	v55 =	vbroadcast v7, $0x0;
	[tilespmem:$0x8CB0] =	vst v5  }
0x42a: {  	[tilespmem:$0x8CC0] =	vst v6  }
0x42b: {  	[tilespmem:$0x8CF0] =	vst v54  }
0x42c: {  	[tilespmem:$0x8CD0] =	vst v2  }
0x42d: {  	s17 =	simm.s32 $0x2C40;
	[tilespmem:$0x8CE0] =	vst v3  }
0x42e: {  	v2 =	vld [tilespmem:s17+$0xFFFFFFC0]  }
0x42f: {  	v3 =	vld.idx.msk [tilespmem:v55+s13+$0x0], $0xffff;
	_ =	sdelay $0x3  }
0x430: {  	v56 =	vunpack.i.l.bf16.f32 v2  }
0x431: {  	v2 =	vunpack.i.u.bf16.f32 v2;
	v4 =	vmul.f32 v56, v3  }
0x432: {  	s21 =	simm.s32 $0x4C80;
	v2 =	vmul.f32 v2, v3  }
0x433: {  	[tilespmem:s21+$0xFFFFFF80] =	vst v4  }
0x434: {  	[tilespmem:s21+$0xFFFFFF90] =	vst v2  }
0x435: {  	v2 =	vld [tilespmem:s17+$0xFFFFFFD0];
	_ =	sdelay $0x4  }
0x436: {  	v57 =	vunpack.i.l.bf16.f32 v2  }
0x437: {  	v2 =	vunpack.i.u.bf16.f32 v2;
	v4 =	vmul.f32 v57, v3  }
0x438: {  	v2 =	vmul.f32 v2, v3  }
0x439: {  	[tilespmem:s21+$0xFFFFFFA0] =	vst v4  }
0x43a: {  	[tilespmem:s21+$0xFFFFFFB0] =	vst v2  }
0x43b: {  	v2 =	vld [tilespmem:s17+$0xFFFFFFE0];
	_ =	sdelay $0x4  }
0x43c: {  	v58 =	vunpack.i.l.bf16.f32 v2  }
0x43d: {  	v2 =	vunpack.i.u.bf16.f32 v2;
	v4 =	vmul.f32 v58, v3  }
0x43e: {  	v2 =	vmul.f32 v2, v3  }
0x43f: {  	[tilespmem:s21+$0xFFFFFFC0] =	vst v4  }
0x440: {  	[tilespmem:s21+$0xFFFFFFD0] =	vst v2  }
0x441: {  	v2 =	vld [tilespmem:s17+$0xFFFFFFF0]  }
0x442: {  	s26 =	simm.s32 $0x1  }
0x443: {  	v59 =	vmov s26  }
0x444: {  	v4 =	vand.u32 $0x7F, v59  }
0x445: {  	v4 =	vor.u32 $0x180, v4  }
0x446: {  	v4 =	vbroadcast v4, $0x0;
	v60 =	vunpack.i.l.bf16.f32 v2  }
0x447: {  	v2 =	vunpack.i.u.bf16.f32 v2;
	v5 =	vmul.f32 v60, v3  }
0x448: {  	v2 =	vmul.f32 v2, v3  }
0x449: {  	[tilespmem:s21+$0xFFFFFFE0] =	vst v5  }
0x44a: {  	[tilespmem:s21+$0xFFFFFFF0] =	vst v2  }
0x44b: {  	v3 =	vld [tilespmem:s17+$0x0]  }
0x44c: {  	v2 =	vld.idx.msk [tilespmem:v4+s13+$0x0], $0xffff;
	_ =	sdelay $0x3  }
0x44d: {  	v61 =	vunpack.i.l.bf16.f32 v3  }
0x44e: {  	v3 =	vunpack.i.u.bf16.f32 v3;
	v4 =	vmul.f32 v61, v2  }
0x44f: {  	v3 =	vmul.f32 v3, v2  }
0x450: {  	[tilespmem:s21+$0x0] =	vst v4  }
0x451: {  	[tilespmem:s21+$0x10] =	vst v3  }
0x452: {  	v3 =	vld [tilespmem:s17+$0x10];
	_ =	sdelay $0x4  }
0x453: {  	v62 =	vunpack.i.l.bf16.f32 v3  }
0x454: {  	v3 =	vunpack.i.u.bf16.f32 v3;
	v4 =	vmul.f32 v62, v2  }
0x455: {  	v3 =	vmul.f32 v3, v2  }
0x456: {  	[tilespmem:s21+$0x20] =	vst v4  }
0x457: {  	[tilespmem:s21+$0x30] =	vst v3  }
0x458: {  	v3 =	vld [tilespmem:s17+$0x20];
	_ =	sdelay $0x4  }
0x459: {  	v63 =	vunpack.i.l.bf16.f32 v3  }
0x45a: {  	v3 =	vunpack.i.u.bf16.f32 v3;
	v4 =	vmul.f32 v63, v2  }
0x45b: {  	v3 =	vmul.f32 v3, v2  }
0x45c: {  	[tilespmem:s21+$0x40] =	vst v4  }
0x45d: {  	s25 =	simm.s32 $0x4C80;
	s9 =	simm.s32 $0x2;
	[tilespmem:s21+$0x50] =	vst v3  }
.LBB2_21:
0x45e: {  	p0 =	sne.s32 s9, $0x7E;
	v3 =	vld [tilespmem:s17+$0x30];
	s17 =	sadd.s32 $0x80, s17;
	s21 =	sadd.s32 $0x100, s21  }
0x45f: {  	s10 =	smov.u32 s9;
	s9 =	sadd.s32 $0x2, s9  }
0x460: {  	v4 =	vmov s10  }
0x461: {  	v4 =	vand.u32 $0x7E, v4  }
0x462: {  	v4 =	vor.u32 $0x180, v4  }
0x463: {  	v4 =	vbroadcast v4, $0x0;
	v5 =	vunpack.i.u.bf16.f32 v3;
	v3 =	vunpack.i.l.bf16.f32 v3  }
0x464: {  	v3 =	vmul.f32 v3, v2;
	v2 =	vmul.f32 v5, v2;
	_ =	sdelay $0x1  }
0x465: {  	[tilespmem:s25+$0x60] =	vst v3  }
0x466: {  	[tilespmem:s25+$0x70] =	vst v2;
	s25 =	smov.u32 s21  }
0x467: {  	v2 =	vld [tilespmem:s17+$0xFFFFFFC0]  }
0x468: {  	v3 =	vld.idx.msk [tilespmem:v4+s13+$0x0], $0xffff;
	_ =	sdelay $0x4  }
0x469: {  	v4 =	vunpack.i.u.bf16.f32 v2;
	v2 =	vunpack.i.l.bf16.f32 v2  }
0x46a: {  	v2 =	vmul.f32 v2, v3;
	v4 =	vmul.f32 v4, v3;
	_ =	sdelay $0x1  }
0x46b: {  	[tilespmem:s21+$0xFFFFFF80] =	vst v2  }
0x46c: {  	[tilespmem:s21+$0xFFFFFF90] =	vst v4  }
0x46d: {  	v2 =	vld [tilespmem:s17+$0xFFFFFFD0];
	_ =	sdelay $0x4  }
0x46e: {  	v4 =	vunpack.i.u.bf16.f32 v2;
	v2 =	vunpack.i.l.bf16.f32 v2  }
0x46f: {  	v2 =	vmul.f32 v2, v3;
	v4 =	vmul.f32 v4, v3;
	_ =	sdelay $0x1  }
0x470: {  	[tilespmem:s21+$0xFFFFFFA0] =	vst v2  }
0x471: {  	[tilespmem:s21+$0xFFFFFFB0] =	vst v4  }
0x472: {  	v2 =	vld [tilespmem:s17+$0xFFFFFFE0];
	_ =	sdelay $0x4  }
0x473: {  	v4 =	vunpack.i.u.bf16.f32 v2;
	v2 =	vunpack.i.l.bf16.f32 v2  }
0x474: {  	v2 =	vmul.f32 v2, v3;
	v4 =	vmul.f32 v4, v3;
	_ =	sdelay $0x1  }
0x475: {  	[tilespmem:s21+$0xFFFFFFC0] =	vst v2  }
0x476: {  	[tilespmem:s21+$0xFFFFFFD0] =	vst v4  }
0x477: {  	s10 =	sadd.s32 $0x1, s10;
	v2 =	vld [tilespmem:s17+$0xFFFFFFF0]  }
0x478: {  	v4 =	vmov s10  }
0x479: {  	v4 =	vand.u32 $0x7F, v4  }
0x47a: {  	v4 =	vor.u32 $0x180, v4  }
0x47b: {  	v4 =	vbroadcast v4, $0x0  }
0x47c: {  	v5 =	vunpack.i.u.bf16.f32 v2;
	v2 =	vunpack.i.l.bf16.f32 v2  }
0x47d: {  	v2 =	vmul.f32 v2, v3;
	v3 =	vmul.f32 v5, v3;
	_ =	sdelay $0x1  }
0x47e: {  	[tilespmem:s21+$0xFFFFFFE0] =	vst v2  }
0x47f: {  	[tilespmem:s21+$0xFFFFFFF0] =	vst v3  }
0x480: {  	v2 =	vld.idx.msk [tilespmem:v4+s13+$0x0], $0xffff  }
0x481: {  	v3 =	vld [tilespmem:s17+$0x0];
	_ =	sdelay $0x4  }
0x482: {  	v4 =	vunpack.i.u.bf16.f32 v3;
	v3 =	vunpack.i.l.bf16.f32 v3  }
0x483: {  	v3 =	vmul.f32 v3, v2;
	v4 =	vmul.f32 v4, v2;
	_ =	sdelay $0x1  }
0x484: {  	[tilespmem:s21+$0x0] =	vst v3  }
0x485: {  	[tilespmem:s21+$0x10] =	vst v4  }
0x486: {  	v3 =	vld [tilespmem:s17+$0x10];
	_ =	sdelay $0x4  }
0x487: {  	v4 =	vunpack.i.u.bf16.f32 v3;
	v3 =	vunpack.i.l.bf16.f32 v3  }
0x488: {  	v3 =	vmul.f32 v3, v2;
	v4 =	vmul.f32 v4, v2;
	_ =	sdelay $0x1  }
0x489: {  	[tilespmem:s21+$0x20] =	vst v3  }
0x48a: {  	[tilespmem:s21+$0x30] =	vst v4  }
0x48b: {  	v3 =	vld [tilespmem:s17+$0x20];
	_ =	sdelay $0x4  }
.Ltmp9:
0x48c: {  	v4 =	vunpack.i.u.bf16.f32 v3;
	v3 =	vunpack.i.l.bf16.f32 v3;
	(pc) =	sbr.rel @p0 .LBB2_21-.Ltmp9, $3  }
0x48d: {  	v3 =	vmul.f32 v3, v2;
	v4 =	vmul.f32 v4, v2;
	_ =	sdelay $0x1  }
0x48e: {  	[tilespmem:s21+$0x40] =	vst v3  }
0x48f: {  	[tilespmem:s21+$0x50] =	vst v4  }
0x490: {  	v3 =	vld [tilespmem:s17+$0x30];
	_ =	sdelay $0x4  }
0x491: {  	v4 =	vunpack.i.l.bf16.f32 v3  }
0x492: {  	s12 =	sadd.s32 $0x1, s12;
	v3 =	vunpack.i.u.bf16.f32 v3;
	v4 =	vmul.f32 v4, v2  }
0x493: {  	p0 =	sne.s32 s12, $0x5;
	v2 =	vmul.f32 v3, v2  }
.Ltmp10:
0x494: {  	[tilespmem:s25+$0x60] =	vst v4;
	(pc) =	sbr.rel @p0 .LBB2_6-.Ltmp10, $4  }
0x495: {  	[tilespmem:s25+$0x70] =	vst v2  }
0x496: {  	[spmem:s3] =	stream.indirect.scatter.add.f32 [tilespmem:s28], [sflag:$0x3], $0x80, s20, s31, $0xb8;
	[tilespmem:$0x1FD00] =	vst v63  }
0x497: {  	_ = 	snop  }
0x498: {  	[spmem:s4] =	stream.indirect.scatter.add.f32 [tilespmem:s30], [sflag:$0x3], $0x10, s20, s31, $0xb8;
	[tilespmem:$0x1FD00] =	vst v63  }
0x499: {  	_ =	swait.ge [sflag:s19], $0x4000  }
0x49a: {  	[sflag:s19] =	ssyncset.done $0x0  }
0x49b: {  	[sflag:s19] =	ssyncadd.s32 $0xFFFFC000  }
0x49c: {  	_ =	swait.ge [sflag:s19], $0x800  }
0x49d: {  	[sflag:s19] =	ssyncset.done $0x0  }
0x49e: {  	[sflag:s19] =	ssyncadd.s32 $0xFFFFF800  }
0x49f: {  	s9 =	stileid.u32;
	[bflag:$0x0] =	sbarrier.arrive $0xFFFF  }
0x4a0: {  	s9 =	sshll.u32 s9, $0x6;
	s17 =	rddreg [dreg:$0x5]  }
0x4a1: {  	s9 =	sor.u32 $0x1C06, s9;
	s12 =	rddreg [dreg:$0x12];
	s10 =	sshrl.u32 s17, $0x3  }
0x4a2: {  	[hbm:s12], [sflag:s9] =	dma.local [spmem:s10], $0x2800  }
0x4a3: {  	_ =	swait.ge [sflag:s29], $0x2800  }
0x4a4: {  	[sflag:s29] =	ssyncset.done $0x0;
	s21 =	rddreg [dreg:$0x6]  }
0x4a5: {  	s26 =	rddreg [dreg:$0x13];
	[sflag:s29] =	ssyncadd.s32 $0xFFFFD800;
	s25 =	sshrl.u32 s21, $0x3  }
0x4a6: {  	[hbm:s26], [sflag:s9] =	dma.local [spmem:s25], $0x500  }
0x4a7: {  	_ =	swait.ge [sflag:s29], $0x500  }
0x4a8: {  	s25 =	rddreg [dreg:$0x15]  }
0x4a9: {  	s26 =	rddreg [dreg:$0x14];
	s10 =	sadd.s32 $0x1, s25  }
0x4aa: {  	p0 =	sne.s32 s10, s26  }
.Ltmp11:
0x4ab: {  	_ = 	snop;
	(pc) =	sbr.rel @p0 .LBB2_1-.Ltmp11, $3  }
0x4ac: {  	_ =	sdelay $0x1  }
0x4ad: {  	[sflag:s29] =	ssyncset.done $0x0  }
0x4ae: {  	[sflag:s29] =	ssyncadd.s32 $0xFFFFFB00  }
0x4af: {  	_ =	sfence.sel $0x180000  }
0x4b0: {  	[bflag:$0x0] =	sbarrier.arrive $0xFFFF  }
0x4b1: {  	_ =	strace $0x90000047  }
0x4b2: {  	s0 =	stileid.u32;
	[bflag:$0x2] =	sbarrier.arrive $0xFFFF  }
0x4b3: {  	p0 =	sne.s32 s0, $0x0;
	s0 =	rddreg [dreg:$0x4]  }
0x4b4: {  	s0 =	sadd.s32 @!p0 $0x100000, s0  }
0x4b5: {  	[sflag:s0] =	ssyncadd.tile.s32 @!p0 $0x1;
	_ =	shalt  }
.Lfunc_end2:
_tile_overlayer_lowered:
.L_overlay_start_2:
0x4b6: {  	(tag) =	ssettag $0x2  }
0x4b7: {  	s0 =	rddreg [dreg:$0x0];
	s2 =	stileid.u32  }
0x4b8: {  	s1 =	rddreg [dreg:$0x1];
	p0 =	sne.s32 s2, $0x0  }
0x4b9: {  	s3 =	rddreg [dreg:$0x2];
	[bflag:$0x3] =	sbarrier.arrive $0xFFFF;
	s2 =	simm.s32 @!p0 $0x1C06  }
0x4ba: {  	[timem:s3], [sflag:s2] =	dma.local @!p0 [hbm:s0], s1  }
0x4bb: {  	s0 =	simm.s32 @!p0 $0x6  }
0x4bc: {  	_ =	swait.ge @!p0 [sflag:s0], s1  }
0x4bd: {  	s1 =	ssub.s32 @!p0 $0x0, s1;
	[sflag:s0] =	ssyncset.done @!p0 $0x0  }
0x4be: {  	[sflag:s0] =	ssyncadd.s32 @!p0 s1  }
0x4bf: {  	[bflag:$0x3] =	sbarrier.arrive $0xFFFF  }
0x4c0: {  	_ =	shalt  }

</sc_bundles>
